<compile_context>
chip_gen: v7x
topology: tpu7x:2x2x1
jax: 0.10.2.dev20260603
libtpu: 0.0.44.dev20260713+nightly
codegen_flags: <defaults>
</compile_context>

<pallas_src>
import functools

import jax
import jax.numpy as jnp
from jax import lax
from jax.experimental import pallas as pl
from jax.experimental.pallas import tpu as pltpu
from jax.experimental.pallas import tpu_sc as plsc

L = 16
NC = 2
NS = 16
NW = NC * NS
K = 1024
CHUNKC = 4000
NEGINF = float("-inf")


def _stage1_body(B, V, ROWS, logits_hbm, temps_hbm, tops_hbm,
                 stat_hbm,
                 x_ref, hist_ref, t_ref, p_ref, statv_ref):
    lane = lax.iota(jnp.int32, L)
    wid = lax.axis_index("s") * NC + lax.axis_index("c")

    pltpu.sync_copy(temps_hbm, t_ref)
    pltpu.sync_copy(tops_hbm, p_ref)

    def vmem_scalar(ref, i):
        base = lax.bitwise_and(i, -L)
        v = ref[pl.ds(base, L)]
        return jnp.max(jnp.where(lane == i - base, v, NEGINF))

    def row_body(r, stage_stat):
        row = wid * ROWS + r

        t_raw = vmem_scalar(t_ref, row)
        top_p = jnp.clip(vmem_scalar(p_ref, row), 0.0, 1.0)
        safe_t = jnp.where(t_raw == 0.0, jnp.float32(1.0), t_raw)
        tv = jnp.full((L,), safe_t, jnp.float32)

        pltpu.sync_copy(logits_hbm.at[pl.ds(row * V, V)], x_ref)

        UA = 10
        @plsc.parallel_loop(0, V, step=L * UA, unroll=2,
                            carry=(jnp.full((L,), NEGINF, jnp.float32),
                                   jnp.full((L,), jnp.inf, jnp.float32)))
        def passA(b0, c):
            vmax, vmin = c
            vs = [x_ref[pl.ds(b0 + u * L, L)] / tv for u in range(UA)]
            for u in range(UA):
                x_ref[pl.ds(b0 + u * L, L)] = vs[u]
            mxs, mns = list(vs), list(vs)
            while len(mxs) > 1:
                mxs = [jnp.maximum(a, b) for a, b in zip(mxs[::2], mxs[1::2])] \
                    + ([mxs[-1]] if len(mxs) % 2 else [])
                mns = [jnp.minimum(a, b) for a, b in zip(mns[::2], mns[1::2])] \
                    + ([mns[-1]] if len(mns) % 2 else [])
            return jnp.maximum(vmax, mxs[0]), jnp.minimum(vmin, mns[0])
        vmax, vmin = passA
        m = jnp.max(vmax)
        lo = jnp.min(vmin)
        mv = jnp.full((L,), m, jnp.float32)
        lov = jnp.full((L,), lo, jnp.float32)

        kv = jnp.full((L,), jnp.float32(K), jnp.float32)
        w1v = jnp.maximum(mv - lov, jnp.full((L,), jnp.float32(1e-30)))
        s1v = kv / w1v
        kcap = jnp.full((L,), jnp.float32(K - 1), jnp.float32)
        zero16 = jnp.zeros((L,), jnp.float32)

        def clear_hist(tag):
            @plsc.parallel_loop(0, K * L, step=8 * L, unroll=2)
            def zl(b0):
                for u in range(8):
                    hist_ref[pl.ds(b0 + u * L, L)] = zero16

        clear_hist(0)
        laneoff = lane * K

        def bin1(v):
            return jnp.minimum((jnp.maximum(v - lov, zero16)) * s1v, kcap
                               ).astype(jnp.int32)

        UB = 10
        @plsc.parallel_loop(0, V, step=L * UB, unroll=2, carry=zero16)
        def passB1(b0, esum):
            vs = [x_ref[pl.ds(b0 + u * L, L)] for u in range(UB)]
            es = [jnp.exp(v - mv) for v in vs]
            bs = [bin1(v) for v in vs]
            for u in range(UB):
                plsc.addupdate_scatter(hist_ref, [laneoff + bs[u]], es[u])
            ts = list(es)
            while len(ts) > 1:
                ts = [a + b for a, b in zip(ts[::2], ts[1::2])] \
                    + ([ts[-1]] if len(ts) % 2 else [])
            return esum + ts[0]
        esum = passB1
        Z = jnp.sum(esum)
        P = top_p * Z

        NCH = K // L

        def suffix_scan(base):
            def chunk_mass(c):
                b0 = c * L
                ts = [hist_ref[pl.ds(l * K + b0, L)] for l in range(L)]
                while len(ts) > 1:
                    ts = [a + b for a, b in zip(ts[::2], ts[1::2])]
                return ts[0]

            def outer(cc, carry):
                c = NCH - 1 - cc
                above, k0, abase = carry
                massv = chunk_mass(c)
                sloc = lax.rev(plsc.cumsum(lax.rev(massv, (0,))), (0,))
                sg = sloc + jnp.full((L,), above + base, jnp.float32)
                cond = sg <= P
                cnt = jnp.sum(jnp.where(cond, 1, 0).astype(jnp.int32))
                j0 = L - cnt
                k0n = c * L + j0
                abn = jnp.max(jnp.where(cond, sg, NEGINF))
                hit = cnt > 0
                k0 = jnp.where(hit, k0n, k0)
                abase = jnp.where(hit, abn, abase)
                above = above + jnp.max(sloc)
                return above, k0, abase
            above, k0, abase = lax.fori_loop(
                0, NCH, outer,
                (jnp.float32(0.0), jnp.int32(K), base))
            return k0, abase

        k0, abase1 = suffix_scan(jnp.float32(0.0))
        bb1 = k0 - 1

        w2v = w1v / kv
        bb1v = jnp.full((L,), bb1, jnp.int32)
        lo2v = lov + bb1v.astype(jnp.float32) * w2v
        s2v = kv / w2v

        clear_hist(1)

        escale = jnp.exp(lo2v - mv)
        lo2m1 = lo2v - jnp.full((L,), jnp.float32(1.0))

        @plsc.parallel_loop(0, V, step=L * UB, unroll=2)
        def passB2(b0):
            vs = [x_ref[pl.ds(b0 + u * L, L)] for u in range(UB)]
            for u in range(UB):
                v = vs[u]
                msk = bin1(v) == bb1v
                e = (v - lo2m1) * escale
                b2 = jnp.minimum(jnp.maximum((v - lo2v) * s2v, zero16), kcap
                                 ).astype(jnp.int32)
                plsc.addupdate_scatter(hist_ref, [laneoff + b2], e,
                                       mask=msk)

        k02, s_kept = suffix_scan(abase1)
        forced = s_kept <= jnp.float32(0.0)
        k02 = jnp.where(forced, jnp.int32(K - 1), k02)

        cstarv = lo2v + jnp.full((L,), k02, jnp.int32).astype(jnp.float32) * (
            w2v / kv)
        cv = jnp.where(bb1v < 0, jnp.full((L,), NEGINF, jnp.float32), cstarv)
        cstar = jnp.max(cv)

        rl = jnp.full((L,), r, jnp.int32)
        stage_stat = jnp.where(lane == rl, jnp.full((L,), cstar, jnp.float32),
                               stage_stat)
        stage_stat = jnp.where(lane == rl + ROWS,
                               jnp.full((L,), m, jnp.float32), stage_stat)
        stage_stat = jnp.where(lane == rl + 2 * ROWS,
                               jnp.full((L,), s_kept, jnp.float32), stage_stat)

        return stage_stat

    stage_stat = lax.fori_loop(0, ROWS, row_body, jnp.zeros((L,), jnp.float32))
    statv_ref[...] = stage_stat
    pltpu.sync_copy(statv_ref, stat_hbm.at[wid])


def _stage2_body(B, V, ROWS, logits_hbm, g_hbm, stat_hbm, temps_hbm,
                 tok_hbm, xsel_hbm,
                 xbuf_ref, gbuf_ref, statv_ref, tokv_ref, xselv_ref, t_ref,
                 x_sem, g_sem):
    lane = lax.iota(jnp.int32, L)
    wid = lax.axis_index("s") * NC + lax.axis_index("c")

    pltpu.sync_copy(stat_hbm.at[wid], statv_ref)
    pltpu.sync_copy(temps_hbm, t_ref)
    stats = statv_ref[...]

    def vmem_scalar(ref, i):
        base = lax.bitwise_and(i, -L)
        v = ref[pl.ds(base, L)]
        return jnp.max(jnp.where(lane == i - base, v, NEGINF))

    def row_body(r, stages):
        stage_tok, stage_xsel = stages
        row = wid * ROWS + r
        cstar = jnp.max(jnp.where(lane == r, stats, NEGINF))
        cv = jnp.full((L,), cstar, jnp.float32)
        t_raw = vmem_scalar(t_ref, row)
        safe_t = jnp.where(t_raw == 0.0, jnp.float32(1.0), t_raw)
        tv = jnp.full((L,), safe_t, jnp.float32)

        NCHK = V // CHUNKC
        UC = 5
        pltpu.async_copy(logits_hbm.at[pl.ds(row * V, CHUNKC)],
                         xbuf_ref.at[pl.ds(0, CHUNKC)], x_sem)
        pltpu.async_copy(g_hbm.at[pl.ds(row * V, CHUNKC)],
                         gbuf_ref.at[pl.ds(0, CHUNKC)], g_sem)

        def chunkC(c, carry):
            bestv, besti, bestx = carry
            pbase = (c & 1) * CHUNKC
            pltpu.make_async_copy(
                logits_hbm.at[pl.ds(row * V + c * CHUNKC, CHUNKC)],
                xbuf_ref.at[pl.ds(pbase, CHUNKC)], x_sem).wait()
            pltpu.make_async_copy(
                g_hbm.at[pl.ds(row * V + c * CHUNKC, CHUNKC)],
                gbuf_ref.at[pl.ds(pbase, CHUNKC)], g_sem).wait()

            @pl.when(c + 1 < NCHK)
            def _():
                nbase = ((c + 1) & 1) * CHUNKC
                nxt = row * V + (c + 1) * CHUNKC
                pltpu.async_copy(logits_hbm.at[pl.ds(nxt, CHUNKC)],
                                 xbuf_ref.at[pl.ds(nbase, CHUNKC)], x_sem)
                pltpu.async_copy(g_hbm.at[pl.ds(nxt, CHUNKC)],
                                 gbuf_ref.at[pl.ds(nbase, CHUNKC)], g_sem)

            @plsc.parallel_loop(0, CHUNKC, step=L * UC, unroll=2,
                                carry=(bestv, besti, bestx))
            def inner(b0, cr):
                xs = [xbuf_ref[pl.ds(pbase + b0 + u * L, L)] / tv
                      for u in range(UC)]
                gs = [gbuf_ref[pl.ds(pbase + b0 + u * L, L)]
                      for u in range(UC)]
                cand = []
                for u in range(UC):
                    xv = xs[u]
                    y = jnp.where(xv >= cv, xv + gs[u], NEGINF)
                    idx = jnp.full((L,), c * CHUNKC + b0 + u * L,
                                   jnp.int32) + lane
                    cand.append((y, idx, xv))

                def comb(a, b):
                    upd = b[0] > a[0]
                    return (jnp.where(upd, b[0], a[0]),
                            jnp.where(upd, b[1], a[1]),
                            jnp.where(upd, b[2], a[2]))
                while len(cand) > 1:
                    cand = [comb(a, b) for a, b in zip(cand[::2], cand[1::2])] \
                        + ([cand[-1]] if len(cand) % 2 else [])
                return comb(cr, cand[0])
            return inner
        bestv, besti, bestx = lax.fori_loop(
            0, NCHK, chunkC,
            (jnp.full((L,), NEGINF, jnp.float32), jnp.zeros((L,), jnp.int32),
             jnp.full((L,), NEGINF, jnp.float32)))

        M = jnp.max(bestv)
        eq = bestv == jnp.full((L,), M, jnp.float32)
        tok = jnp.min(jnp.where(eq, besti,
                                jnp.full((L,), jnp.int32(2**31 - 1))))
        lanewin = eq & (besti == jnp.full((L,), tok, jnp.int32))
        x_sel = jnp.max(jnp.where(lanewin, bestx, NEGINF))

        rl = jnp.full((L,), r, jnp.int32)
        stage_tok = jnp.where(lane == rl, jnp.full((L,), tok, jnp.int32),
                              stage_tok)
        stage_xsel = jnp.where(lane == rl, jnp.full((L,), x_sel, jnp.float32),
                               stage_xsel)
        return stage_tok, stage_xsel

    stage_tok, stage_xsel = lax.fori_loop(
        0, ROWS, row_body,
        (jnp.zeros((L,), jnp.int32), jnp.zeros((L,), jnp.float32)))
    tokv_ref[...] = stage_tok
    xselv_ref[...] = stage_xsel
    pltpu.sync_copy(tokv_ref, tok_hbm.at[wid])
    pltpu.sync_copy(xselv_ref, xsel_hbm.at[wid])


def kernel(logits, temperatures, top_ps, key):
    B, V = logits.shape
    ROWS = B // NW
    g = jax.random.gumbel(key, (B * V,), jnp.float32)

    mesh = plsc.VectorSubcoreMesh(core_axis_name="c", subcore_axis_name="s",
                                  num_cores=NC, num_subcores=NS)
    params = pltpu.CompilerParams(use_tc_tiling_on_sc=False,
                                  needs_layout_passes=False)
    stage1 = pl.kernel(
        functools.partial(_stage1_body, B, V, ROWS),
        out_type=jax.ShapeDtypeStruct((NW, L), jnp.float32),
        mesh=mesh,
        compiler_params=params,
        scratch_types=[
            pltpu.VMEM((V,), jnp.float32),
            pltpu.VMEM((L * K,), jnp.float32),
            pltpu.VMEM((B,), jnp.float32),
            pltpu.VMEM((B,), jnp.float32),
            pltpu.VMEM((L,), jnp.float32),
        ],
    )
    stage2 = pl.kernel(
        functools.partial(_stage2_body, B, V, ROWS),
        out_type=(jax.ShapeDtypeStruct((NW, L), jnp.int32),
                  jax.ShapeDtypeStruct((NW, L), jnp.float32)),
        mesh=mesh,
        compiler_params=params,
        scratch_types=[
            pltpu.VMEM((2 * CHUNKC,), jnp.float32),
            pltpu.VMEM((2 * CHUNKC,), jnp.float32),
            pltpu.VMEM((L,), jnp.float32),
            pltpu.VMEM((L,), jnp.int32),
            pltpu.VMEM((L,), jnp.float32),
            pltpu.VMEM((B,), jnp.float32),
            pltpu.SemaphoreType.DMA,
            pltpu.SemaphoreType.DMA,
        ],
    )

    logits1d = logits.astype(jnp.float32).reshape(B * V)
    temps = temperatures.astype(jnp.float32)
    stat2d = stage1(logits1d, temps, top_ps.astype(jnp.float32))
    tok2, xsel2 = stage2(logits1d, g, stat2d, temps)

    tok = tok2[:, :ROWS].reshape(B)
    x_sel = xsel2[:, :ROWS].reshape(B)
    m = stat2d[:, ROWS:2 * ROWS].reshape(B)
    s = stat2d[:, 2 * ROWS:3 * ROWS].reshape(B)
    log_prob = x_sel - (m + jnp.log(s))
    return tok, log_prob

# --- scband reference (transcript-rebuilt; emitter-appended) ---
"""Pipeline reference for scband-sampler-36043365548486 (READ-ONLY COPY).

The authoritative reference and input builder live on the scoring server;
editing this copy changes nothing except your own understanding.
"""

import jax, jax.numpy as jnp
import numpy as np

B = 128
V = 100000


def setup_inputs(seed: int = 0) -> dict:
    key = jax.random.key(seed)
    k1, k2, k3, k4 = jax.random.split(key, 4)
    logits = jax.random.normal(k1, (B, V), dtype=jnp.float32)
    # temperatures kept strictly positive and O(1) for realistic sampling
    temperatures = jax.random.uniform(k2, (B,), minval=0.5, maxval=1.5, dtype=jnp.float32)
    top_ps = jax.random.uniform(k3, (B,), minval=0.8, maxval=1.0, dtype=jnp.float32)
    return {"logits": logits, "temperatures": temperatures, "top_ps": top_ps, "key": k4}


def _apply_top_p(scaled_logits, top_ps):
    # nucleus filtering along the last (vocab) axis
    sorted_indices = jnp.argsort(scaled_logits, axis=-1)[..., ::-1]
    sorted_logits = jnp.take_along_axis(scaled_logits, sorted_indices, axis=-1)
    sorted_probs = jax.nn.softmax(sorted_logits, axis=-1)
    cumulative_probs = jnp.cumsum(sorted_probs, axis=-1)
    threshold = jnp.clip(top_ps.astype(jnp.float32), 0.0, 1.0)[..., None]
    keep_sorted = cumulative_probs <= threshold
    keep_sorted = jnp.concatenate(
        [jnp.ones_like(keep_sorted[..., :1], dtype=bool), keep_sorted[..., 1:]], axis=-1
    )
    filtered_sorted_logits = jnp.where(keep_sorted, sorted_logits, -jnp.inf)
    inverse_permutation = jnp.argsort(sorted_indices, axis=-1)
    filtered_logits = jnp.take_along_axis(filtered_sorted_logits, inverse_permutation, axis=-1)
    return filtered_logits


def reference(logits, temperatures, top_ps, key):
    logits_f32 = logits.astype(jnp.float32)
    greedy = jnp.argmax(logits_f32, axis=-1)
    safe_t = jnp.where(temperatures == 0, 1.0, temperatures).astype(jnp.float32)
    scaled_logits = logits_f32 / safe_t[..., None]
    sampling_logits = _apply_top_p(scaled_logits, top_ps)
    samples = jax.random.categorical(key, sampling_logits, axis=-1)
    tokens = jnp.where(temperatures == 0, greedy, samples)
    selected_logits = jnp.take_along_axis(
        sampling_logits, tokens[..., None].astype(jnp.int32), axis=-1
    ).squeeze(-1)
    log_z = jax.nn.logsumexp(sampling_logits, axis=-1)
    log_prob_tokens = selected_logits - log_z
    return tokens, log_prob_tokens

if __name__ == "__main__":
    import jax
    _d = setup_inputs()
    print(jax.jit(kernel)(*tuple(_d.values())))

</pallas_src>

<mosaic_0001>
#map = affine_map<(d0, d1) -> (0)>
#map1 = affine_map<(d0, d1) -> (0, 0)>
module attributes {stable_mosaic.version = 14 : i64} {
  func.func @_stage1_body(%arg0: i32, %arg1: i32, %arg2: memref<12800000xf32, #tpu.memory_space<hbm>>, %arg3: memref<128xf32, #tpu.memory_space<hbm>>, %arg4: memref<128xf32, #tpu.memory_space<hbm>>, %arg5: memref<32x16xf32, #tpu.memory_space<hbm>>, %arg6: memref<100000xf32, #tpu.memory_space<vmem>>, %arg7: memref<16384xf32, #tpu.memory_space<vmem>>, %arg8: memref<128xf32, #tpu.memory_space<vmem>>, %arg9: memref<128xf32, #tpu.memory_space<vmem>>, %arg10: memref<16xf32, #tpu.memory_space<vmem>>) attributes {dimension_semantics = [#tpu.dimension_semantics<core_parallel>, #tpu.dimension_semantics<subcore_parallel>], iteration_bounds = array<i64: 2, 16>, scalar_prefetch = 0 : i64, scratch_operands = 5 : i64, tpu.core_type = #tpu.core_type<sc_vector_subcore>, window_params = [{transform_indices = #map}, {transform_indices = #map}, {transform_indices = #map}, {transform_indices = #map1}]} {
    %iota3A = tpu.iota {dimensions = array<i32: 0>} : vector<16xi32>
    %mul3A = arith.constant 2 : i32
    %mul3A_0 = arith.muli %arg1, %mul3A : i32
    %add3A = arith.addi %mul3A_0, %arg0 : i32
    "tpu.region"() ({
      %run_scoped3A = tpu.sem_alloc : memref<!tpu.dma_semaphore, #tpu.memory_space<semaphore_mem>>
      tpu.enqueue_dma source(%arg3 : memref<128xf32, #tpu.memory_space<hbm>>) target(%arg8 : memref<128xf32, #tpu.memory_space<vmem>>) target_semaphore(%run_scoped3A : memref<!tpu.dma_semaphore, #tpu.memory_space<semaphore_mem>>)
      tpu.wait_dma2 semaphore(%run_scoped3A : memref<!tpu.dma_semaphore, #tpu.memory_space<semaphore_mem>>) src(%arg3 : memref<128xf32, #tpu.memory_space<hbm>>) dst(%arg8 : memref<128xf32, #tpu.memory_space<vmem>>)
      tpu.yield
    }) : () -> ()
    "tpu.region"() ({
      %run_scoped3A = tpu.sem_alloc : memref<!tpu.dma_semaphore, #tpu.memory_space<semaphore_mem>>
      tpu.enqueue_dma source(%arg4 : memref<128xf32, #tpu.memory_space<hbm>>) target(%arg9 : memref<128xf32, #tpu.memory_space<vmem>>) target_semaphore(%run_scoped3A : memref<!tpu.dma_semaphore, #tpu.memory_space<semaphore_mem>>)
      tpu.wait_dma2 semaphore(%run_scoped3A : memref<!tpu.dma_semaphore, #tpu.memory_space<semaphore_mem>>) src(%arg4 : memref<128xf32, #tpu.memory_space<hbm>>) dst(%arg9 : memref<128xf32, #tpu.memory_space<vmem>>)
      tpu.yield
    }) : () -> ()
    %broadcast_in_dim3A = arith.constant 0.000000e+00 : f32
    %broadcast_in_dim3A_1 = vector.broadcast %broadcast_in_dim3A : f32 to vector<16xf32>
    %scan3A = arith.constant 0 : i32
    %scan3A_2 = arith.constant 4 : i32
    %scan3A_3 = arith.addi %scan3A, %scan3A_2 : i32
    %scan3A_4 = arith.constant 1 : i32
    %scan3A_5 = scf.for %scan3A_8 = %scan3A to %scan3A_3 step %scan3A_4 iter_args(%scan3A_9 = %broadcast_in_dim3A_1) -> (vector<16xf32>)  : i32 {
      %mul3A_10 = arith.constant 4 : i32
      %mul3A_11 = arith.muli %add3A, %mul3A_10 : i32
      %add3A_12 = arith.addi %mul3A_11, %scan3A_8 : i32
      %and3A = arith.constant -16 : i32
      %and3A_13 = arith.andi %add3A_12, %and3A : i32
      %get3A = arith.index_cast %and3A_13 : i32 to index
      %get3A_14 = tpu.vector_load %arg8[%get3A] {strides = array<i32>} : memref<128xf32, #tpu.memory_space<vmem>>, vector<16xf32>,
      %sub3A = arith.subi %add3A_12, %and3A_13 : i32
      %eq3A = vector.broadcast %sub3A : i32 to vector<16xi32>
      %eq3A_15 = arith.cmpi eq, %iota3A, %eq3A : vector<16xi32>
      %jit3A = arith.constant 0xFF800000 : f32
      %broadcast_in_dim3A_16 = vector.broadcast %jit3A : f32 to vector<16xf32>
      %select_n3A = arith.select %eq3A_15, %get3A_14, %broadcast_in_dim3A_16 : vector<16xi1>, vector<16xf32>
      %reduce_max3A = arith.constant true
      %reduce_max3A_17 = vector.broadcast %reduce_max3A : i1 to vector<16xi1>
      %reduce_max3A_18 = tpu.scan <max>, %select_n3A masked %reduce_max3A_17 : vector<16xf32>, vector<16xi1> -> vector<16xf32>
      %reduce_max3A_19 = vector.extract %reduce_max3A_18[15] : f32 from vector<16xf32>
      %and3A_20 = arith.constant -16 : i32
      %and3A_21 = arith.andi %add3A_12, %and3A_20 : i32
      %get3A_22 = arith.index_cast %and3A_21 : i32 to index
      %get3A_23 = tpu.vector_load %arg9[%get3A_22] {strides = array<i32>} : memref<128xf32, #tpu.memory_space<vmem>>, vector<16xf32>,
      %sub3A_24 = arith.subi %add3A_12, %and3A_21 : i32
      %eq3A_25 = vector.broadcast %sub3A_24 : i32 to vector<16xi32>
      %eq3A_26 = arith.cmpi eq, %iota3A, %eq3A_25 : vector<16xi32>
      %jit3A_27 = arith.constant 0xFF800000 : f32
      %broadcast_in_dim3A_28 = vector.broadcast %jit3A_27 : f32 to vector<16xf32>
      %select_n3A_29 = arith.select %eq3A_26, %get3A_23, %broadcast_in_dim3A_28 : vector<16xi1>, vector<16xf32>
      %reduce_max3A_30 = arith.constant true
      %reduce_max3A_31 = vector.broadcast %reduce_max3A_30 : i1 to vector<16xi1>
      %reduce_max3A_32 = tpu.scan <max>, %select_n3A_29 masked %reduce_max3A_31 : vector<16xf32>, vector<16xi1> -> vector<16xf32>
      %reduce_max3A_33 = vector.extract %reduce_max3A_32[15] : f32 from vector<16xf32>
      %jit3A_34 = arith.constant 0.000000e+00 : f32
      %jit3A_35 = arith.constant 1.000000e+00 : f32
      %max3A = arith.maximumf %jit3A_34, %reduce_max3A_33 : f32
      %min3A = arith.minimumf %jit3A_35, %max3A : f32
      %eq3A_36 = arith.constant 0.000000e+00 : f32
      %eq3A_37 = arith.cmpf oeq, %reduce_max3A_19, %eq3A_36 : f32
      %jit3A_38 = arith.constant 1.000000e+00 : f32
      %select_n3A_39 = arith.select %eq3A_37, %jit3A_38, %reduce_max3A_19 : f32
      %broadcast_in_dim3A_40 = vector.broadcast %select_n3A_39 : f32 to vector<16xf32>
      %mul3A_41 = arith.constant 100000 : i32
      %mul3A_42 = arith.muli %add3A_12, %mul3A_41 : i32
      "tpu.region"() ({
        %run_scoped3A = tpu.sem_alloc : memref<!tpu.dma_semaphore, #tpu.memory_space<semaphore_mem>>
        %dma_start3A = tpu.memref_slice %arg2[%mul3A_42] : memref<12800000xf32, #tpu.memory_space<hbm>> -> memref<100000xf32, #tpu.memory_space<hbm>>
        %dma_start3A_151 = tpu.memref_slice %arg2[%mul3A_42] : memref<12800000xf32, #tpu.memory_space<hbm>> -> memref<100000xf32, #tpu.memory_space<hbm>>
        tpu.enqueue_dma source(%dma_start3A_151 : memref<100000xf32, #tpu.memory_space<hbm>>) target(%arg6 : memref<100000xf32, #tpu.memory_space<vmem>>) target_semaphore(%run_scoped3A : memref<!tpu.dma_semaphore, #tpu.memory_space<semaphore_mem>>)
        %dma_wait3A = tpu.memref_slice %arg2[%mul3A_42] : memref<12800000xf32, #tpu.memory_space<hbm>> -> memref<100000xf32, #tpu.memory_space<hbm>>
        %dma_wait3A_152 = tpu.memref_slice %arg2[%mul3A_42] : memref<12800000xf32, #tpu.memory_space<hbm>> -> memref<100000xf32, #tpu.memory_space<hbm>>
        tpu.wait_dma2 semaphore(%run_scoped3A : memref<!tpu.dma_semaphore, #tpu.memory_space<semaphore_mem>>) src(%dma_wait3A_152 : memref<100000xf32, #tpu.memory_space<hbm>>) dst(%arg6 : memref<100000xf32, #tpu.memory_space<vmem>>)
        tpu.yield
      }) : () -> ()
      %broadcast_in_dim3A_43 = arith.constant 0xFF800000 : f32
      %broadcast_in_dim3A_44 = vector.broadcast %broadcast_in_dim3A_43 : f32 to vector<16xf32>
      %broadcast_in_dim3A_45 = arith.constant 0x7F800000 : f32
      %broadcast_in_dim3A_46 = vector.broadcast %broadcast_in_dim3A_45 : f32 to vector<16xf32>
      %parallel_loop3A = arith.constant 0 : i32
      %parallel_loop3A_47 = arith.constant 100000 : i32
      %parallel_loop3A_48 = arith.constant 160 : i32
      %parallel_loop3A_49:2 = scf.for %parallel_loop3A_151 = %parallel_loop3A to %parallel_loop3A_47 step %parallel_loop3A_48 iter_args(%parallel_loop3A_152 = %broadcast_in_dim3A_44, %parallel_loop3A_153 = %broadcast_in_dim3A_46) -> (vector<16xf32>, vector<16xf32>)  : i32 {
        %parallel_loop3A_154 = arith.constant 0 : i32
        %parallel_loop3A_155 = arith.addi %parallel_loop3A_151, %parallel_loop3A_154 : i32
        %parallel_loop3A_156 = arith.index_cast %parallel_loop3A_155 : i32 to index
        %parallel_loop3A_157 = tpu.vector_load %arg6[%parallel_loop3A_156] {strides = array<i32>} : memref<100000xf32, #tpu.memory_space<vmem>>, vector<16xf32>,
        %parallel_loop3A_158 = arith.divf %parallel_loop3A_157, %broadcast_in_dim3A_40 : vector<16xf32>
        %parallel_loop3A_159 = arith.constant 16 : i32
        %parallel_loop3A_160 = arith.addi %parallel_loop3A_151, %parallel_loop3A_159 : i32
        %parallel_loop3A_161 = arith.index_cast %parallel_loop3A_160 : i32 to index
        %parallel_loop3A_162 = tpu.vector_load %arg6[%parallel_loop3A_161] {strides = array<i32>} : memref<100000xf32, #tpu.memory_space<vmem>>, vector<16xf32>,
        %parallel_loop3A_163 = arith.divf %parallel_loop3A_162, %broadcast_in_dim3A_40 : vector<16xf32>
        %parallel_loop3A_164 = arith.constant 32 : i32
        %parallel_loop3A_165 = arith.addi %parallel_loop3A_151, %parallel_loop3A_164 : i32
        %parallel_loop3A_166 = arith.index_cast %parallel_loop3A_165 : i32 to index
        %parallel_loop3A_167 = tpu.vector_load %arg6[%parallel_loop3A_166] {strides = array<i32>} : memref<100000xf32, #tpu.memory_space<vmem>>, vector<16xf32>,
        %parallel_loop3A_168 = arith.divf %parallel_loop3A_167, %broadcast_in_dim3A_40 : vector<16xf32>
        %parallel_loop3A_169 = arith.constant 48 : i32
        %parallel_loop3A_170 = arith.addi %parallel_loop3A_151, %parallel_loop3A_169 : i32
        %parallel_loop3A_171 = arith.index_cast %parallel_loop3A_170 : i32 to index
        %parallel_loop3A_172 = tpu.vector_load %arg6[%parallel_loop3A_171] {strides = array<i32>} : memref<100000xf32, #tpu.memory_space<vmem>>, vector<16xf32>,
        %parallel_loop3A_173 = arith.divf %parallel_loop3A_172, %broadcast_in_dim3A_40 : vector<16xf32>
        %parallel_loop3A_174 = arith.constant 64 : i32
        %parallel_loop3A_175 = arith.addi %parallel_loop3A_151, %parallel_loop3A_174 : i32
        %parallel_loop3A_176 = arith.index_cast %parallel_loop3A_175 : i32 to index
        %parallel_loop3A_177 = tpu.vector_load %arg6[%parallel_loop3A_176] {strides = array<i32>} : memref<100000xf32, #tpu.memory_space<vmem>>, vector<16xf32>,
        %parallel_loop3A_178 = arith.divf %parallel_loop3A_177, %broadcast_in_dim3A_40 : vector<16xf32>
        %parallel_loop3A_179 = arith.constant 80 : i32
        %parallel_loop3A_180 = arith.addi %parallel_loop3A_151, %parallel_loop3A_179 : i32
        %parallel_loop3A_181 = arith.index_cast %parallel_loop3A_180 : i32 to index
        %parallel_loop3A_182 = tpu.vector_load %arg6[%parallel_loop3A_181] {strides = array<i32>} : memref<100000xf32, #tpu.memory_space<vmem>>, vector<16xf32>,
        %parallel_loop3A_183 = arith.divf %parallel_loop3A_182, %broadcast_in_dim3A_40 : vector<16xf32>
        %parallel_loop3A_184 = arith.constant 96 : i32
        %parallel_loop3A_185 = arith.addi %parallel_loop3A_151, %parallel_loop3A_184 : i32
        %parallel_loop3A_186 = arith.index_cast %parallel_loop3A_185 : i32 to index
        %parallel_loop3A_187 = tpu.vector_load %arg6[%parallel_loop3A_186] {strides = array<i32>} : memref<100000xf32, #tpu.memory_space<vmem>>, vector<16xf32>,
        %parallel_loop3A_188 = arith.divf %parallel_loop3A_187, %broadcast_in_dim3A_40 : vector<16xf32>
        %parallel_loop3A_189 = arith.constant 112 : i32
        %parallel_loop3A_190 = arith.addi %parallel_loop3A_151, %parallel_loop3A_189 : i32
        %parallel_loop3A_191 = arith.index_cast %parallel_loop3A_190 : i32 to index
        %parallel_loop3A_192 = tpu.vector_load %arg6[%parallel_loop3A_191] {strides = array<i32>} : memref<100000xf32, #tpu.memory_space<vmem>>, vector<16xf32>,
        %parallel_loop3A_193 = arith.divf %parallel_loop3A_192, %broadcast_in_dim3A_40 : vector<16xf32>
        %parallel_loop3A_194 = arith.constant 128 : i32
        %parallel_loop3A_195 = arith.addi %parallel_loop3A_151, %parallel_loop3A_194 : i32
        %parallel_loop3A_196 = arith.index_cast %parallel_loop3A_195 : i32 to index
        %parallel_loop3A_197 = tpu.vector_load %arg6[%parallel_loop3A_196] {strides = array<i32>} : memref<100000xf32, #tpu.memory_space<vmem>>, vector<16xf32>,
        %parallel_loop3A_198 = arith.divf %parallel_loop3A_197, %broadcast_in_dim3A_40 : vector<16xf32>
        %parallel_loop3A_199 = arith.constant 144 : i32
        %parallel_loop3A_200 = arith.addi %parallel_loop3A_151, %parallel_loop3A_199 : i32
        %parallel_loop3A_201 = arith.index_cast %parallel_loop3A_200 : i32 to index
        %parallel_loop3A_202 = tpu.vector_load %arg6[%parallel_loop3A_201] {strides = array<i32>} : memref<100000xf32, #tpu.memory_space<vmem>>, vector<16xf32>,
        %parallel_loop3A_203 = arith.divf %parallel_loop3A_202, %broadcast_in_dim3A_40 : vector<16xf32>
        %parallel_loop3A_204 = arith.constant 0 : i32
        %parallel_loop3A_205 = arith.addi %parallel_loop3A_151, %parallel_loop3A_204 : i32
        %parallel_loop3A_206 = arith.index_cast %parallel_loop3A_205 : i32 to index
        %parallel_loop3A_207 = tpu.vector_load %arg6[%parallel_loop3A_206] {strides = array<i32>} : memref<100000xf32, #tpu.memory_space<vmem>>, vector<16xf32>,
        tpu.vector_store %arg6[%parallel_loop3A_206], %parallel_loop3A_158 {strides = array<i32>} : memref<100000xf32, #tpu.memory_space<vmem>>, vector<16xf32>,
        %parallel_loop3A_208 = arith.constant 16 : i32
        %parallel_loop3A_209 = arith.addi %parallel_loop3A_151, %parallel_loop3A_208 : i32
        %parallel_loop3A_210 = arith.index_cast %parallel_loop3A_209 : i32 to index
        %parallel_loop3A_211 = tpu.vector_load %arg6[%parallel_loop3A_210] {strides = array<i32>} : memref<100000xf32, #tpu.memory_space<vmem>>, vector<16xf32>,
        tpu.vector_store %arg6[%parallel_loop3A_210], %parallel_loop3A_163 {strides = array<i32>} : memref<100000xf32, #tpu.memory_space<vmem>>, vector<16xf32>,
        %parallel_loop3A_212 = arith.constant 32 : i32
        %parallel_loop3A_213 = arith.addi %parallel_loop3A_151, %parallel_loop3A_212 : i32
        %parallel_loop3A_214 = arith.index_cast %parallel_loop3A_213 : i32 to index
        %parallel_loop3A_215 = tpu.vector_load %arg6[%parallel_loop3A_214] {strides = array<i32>} : memref<100000xf32, #tpu.memory_space<vmem>>, vector<16xf32>,
        tpu.vector_store %arg6[%parallel_loop3A_214], %parallel_loop3A_168 {strides = array<i32>} : memref<100000xf32, #tpu.memory_space<vmem>>, vector<16xf32>,
        %parallel_loop3A_216 = arith.constant 48 : i32
        %parallel_loop3A_217 = arith.addi %parallel_loop3A_151, %parallel_loop3A_216 : i32
        %parallel_loop3A_218 = arith.index_cast %parallel_loop3A_217 : i32 to index
        %parallel_loop3A_219 = tpu.vector_load %arg6[%parallel_loop3A_218] {strides = array<i32>} : memref<100000xf32, #tpu.memory_space<vmem>>, vector<16xf32>,
        tpu.vector_store %arg6[%parallel_loop3A_218], %parallel_loop3A_173 {strides = array<i32>} : memref<100000xf32, #tpu.memory_space<vmem>>, vector<16xf32>,
        %parallel_loop3A_220 = arith.constant 64 : i32
        %parallel_loop3A_221 = arith.addi %parallel_loop3A_151, %parallel_loop3A_220 : i32
        %parallel_loop3A_222 = arith.index_cast %parallel_loop3A_221 : i32 to index
        %parallel_loop3A_223 = tpu.vector_load %arg6[%parallel_loop3A_222] {strides = array<i32>} : memref<100000xf32, #tpu.memory_space<vmem>>, vector<16xf32>,
        tpu.vector_store %arg6[%parallel_loop3A_222], %parallel_loop3A_178 {strides = array<i32>} : memref<100000xf32, #tpu.memory_space<vmem>>, vector<16xf32>,
        %parallel_loop3A_224 = arith.constant 80 : i32
        %parallel_loop3A_225 = arith.addi %parallel_loop3A_151, %parallel_loop3A_224 : i32
        %parallel_loop3A_226 = arith.index_cast %parallel_loop3A_225 : i32 to index
        %parallel_loop3A_227 = tpu.vector_load %arg6[%parallel_loop3A_226] {strides = array<i32>} : memref<100000xf32, #tpu.memory_space<vmem>>, vector<16xf32>,
        tpu.vector_store %arg6[%parallel_loop3A_226], %parallel_loop3A_183 {strides = array<i32>} : memref<100000xf32, #tpu.memory_space<vmem>>, vector<16xf32>,
        %parallel_loop3A_228 = arith.constant 96 : i32
        %parallel_loop3A_229 = arith.addi %parallel_loop3A_151, %parallel_loop3A_228 : i32
        %parallel_loop3A_230 = arith.index_cast %parallel_loop3A_229 : i32 to index
        %parallel_loop3A_231 = tpu.vector_load %arg6[%parallel_loop3A_230] {strides = array<i32>} : memref<100000xf32, #tpu.memory_space<vmem>>, vector<16xf32>,
        tpu.vector_store %arg6[%parallel_loop3A_230], %parallel_loop3A_188 {strides = array<i32>} : memref<100000xf32, #tpu.memory_space<vmem>>, vector<16xf32>,
        %parallel_loop3A_232 = arith.constant 112 : i32
        %parallel_loop3A_233 = arith.addi %parallel_loop3A_151, %parallel_loop3A_232 : i32
        %parallel_loop3A_234 = arith.index_cast %parallel_loop3A_233 : i32 to index
        %parallel_loop3A_235 = tpu.vector_load %arg6[%parallel_loop3A_234] {strides = array<i32>} : memref<100000xf32, #tpu.memory_space<vmem>>, vector<16xf32>,
        tpu.vector_store %arg6[%parallel_loop3A_234], %parallel_loop3A_193 {strides = array<i32>} : memref<100000xf32, #tpu.memory_space<vmem>>, vector<16xf32>,
        %parallel_loop3A_236 = arith.constant 128 : i32
        %parallel_loop3A_237 = arith.addi %parallel_loop3A_151, %parallel_loop3A_236 : i32
        %parallel_loop3A_238 = arith.index_cast %parallel_loop3A_237 : i32 to index
        %parallel_loop3A_239 = tpu.vector_load %arg6[%parallel_loop3A_238] {strides = array<i32>} : memref<100000xf32, #tpu.memory_space<vmem>>, vector<16xf32>,
        tpu.vector_store %arg6[%parallel_loop3A_238], %parallel_loop3A_198 {strides = array<i32>} : memref<100000xf32, #tpu.memory_space<vmem>>, vector<16xf32>,
        %parallel_loop3A_240 = arith.constant 144 : i32
        %parallel_loop3A_241 = arith.addi %parallel_loop3A_151, %parallel_loop3A_240 : i32
        %parallel_loop3A_242 = arith.index_cast %parallel_loop3A_241 : i32 to index
        %parallel_loop3A_243 = tpu.vector_load %arg6[%parallel_loop3A_242] {strides = array<i32>} : memref<100000xf32, #tpu.memory_space<vmem>>, vector<16xf32>,
        tpu.vector_store %arg6[%parallel_loop3A_242], %parallel_loop3A_203 {strides = array<i32>} : memref<100000xf32, #tpu.memory_space<vmem>>, vector<16xf32>,
        %parallel_loop3A_244 = arith.maximumf %parallel_loop3A_158, %parallel_loop3A_163 : vector<16xf32>
        %parallel_loop3A_245 = arith.maximumf %parallel_loop3A_168, %parallel_loop3A_173 : vector<16xf32>
        %parallel_loop3A_246 = arith.maximumf %parallel_loop3A_178, %parallel_loop3A_183 : vector<16xf32>
        %parallel_loop3A_247 = arith.maximumf %parallel_loop3A_188, %parallel_loop3A_193 : vector<16xf32>
        %parallel_loop3A_248 = arith.maximumf %parallel_loop3A_198, %parallel_loop3A_203 : vector<16xf32>
        %parallel_loop3A_249 = arith.minimumf %parallel_loop3A_158, %parallel_loop3A_163 : vector<16xf32>
        %parallel_loop3A_250 = arith.minimumf %parallel_loop3A_168, %parallel_loop3A_173 : vector<16xf32>
        %parallel_loop3A_251 = arith.minimumf %parallel_loop3A_178, %parallel_loop3A_183 : vector<16xf32>
        %parallel_loop3A_252 = arith.minimumf %parallel_loop3A_188, %parallel_loop3A_193 : vector<16xf32>
        %parallel_loop3A_253 = arith.minimumf %parallel_loop3A_198, %parallel_loop3A_203 : vector<16xf32>
        %parallel_loop3A_254 = arith.maximumf %parallel_loop3A_244, %parallel_loop3A_245 : vector<16xf32>
        %parallel_loop3A_255 = arith.maximumf %parallel_loop3A_246, %parallel_loop3A_247 : vector<16xf32>
        %parallel_loop3A_256 = arith.minimumf %parallel_loop3A_249, %parallel_loop3A_250 : vector<16xf32>
        %parallel_loop3A_257 = arith.minimumf %parallel_loop3A_251, %parallel_loop3A_252 : vector<16xf32>
        %parallel_loop3A_258 = arith.maximumf %parallel_loop3A_254, %parallel_loop3A_255 : vector<16xf32>
        %parallel_loop3A_259 = arith.minimumf %parallel_loop3A_256, %parallel_loop3A_257 : vector<16xf32>
        %parallel_loop3A_260 = arith.maximumf %parallel_loop3A_258, %parallel_loop3A_248 : vector<16xf32>
        %parallel_loop3A_261 = arith.minimumf %parallel_loop3A_259, %parallel_loop3A_253 : vector<16xf32>
        %parallel_loop3A_262 = arith.maximumf %parallel_loop3A_152, %parallel_loop3A_260 : vector<16xf32>
        %parallel_loop3A_263 = arith.minimumf %parallel_loop3A_153, %parallel_loop3A_261 : vector<16xf32>
        scf.yield %parallel_loop3A_262, %parallel_loop3A_263 : vector<16xf32>, vector<16xf32>
      } {sc.loop_unroll_factor = 2 : i64, sc.parallel_access}
      %reduce_max3A_50 = arith.constant true
      %reduce_max3A_51 = vector.broadcast %reduce_max3A_50 : i1 to vector<16xi1>
      %reduce_max3A_52 = tpu.scan <max>, %parallel_loop3A_49#0 masked %reduce_max3A_51 : vector<16xf32>, vector<16xi1> -> vector<16xf32>
      %reduce_max3A_53 = vector.extract %reduce_max3A_52[15] : f32 from vector<16xf32>
      %reduce_min3A = arith.constant true
      %reduce_min3A_54 = vector.broadcast %reduce_min3A : i1 to vector<16xi1>
      %reduce_min3A_55 = tpu.scan <min>, %parallel_loop3A_49#1 masked %reduce_min3A_54 : vector<16xf32>, vector<16xi1> -> vector<16xf32>
      %reduce_min3A_56 = vector.extract %reduce_min3A_55[15] : f32 from vector<16xf32>
      %broadcast_in_dim3A_57 = vector.broadcast %reduce_max3A_53 : f32 to vector<16xf32>
      %broadcast_in_dim3A_58 = vector.broadcast %reduce_min3A_56 : f32 to vector<16xf32>
      %broadcast_in_dim3A_59 = arith.constant 1.024000e+03 : f32
      %broadcast_in_dim3A_60 = vector.broadcast %broadcast_in_dim3A_59 : f32 to vector<16xf32>
      %sub3A_61 = arith.subf %broadcast_in_dim3A_57, %broadcast_in_dim3A_58 : vector<16xf32>
      %broadcast_in_dim3A_62 = arith.constant 1.000000e-30 : f32
      %broadcast_in_dim3A_63 = vector.broadcast %broadcast_in_dim3A_62 : f32 to vector<16xf32>
      %max3A_64 = arith.maximumf %sub3A_61, %broadcast_in_dim3A_63 : vector<16xf32>
      %div3A = arith.divf %broadcast_in_dim3A_60, %max3A_64 : vector<16xf32>
      %broadcast_in_dim3A_65 = arith.constant 1.023000e+03 : f32
      %broadcast_in_dim3A_66 = vector.broadcast %broadcast_in_dim3A_65 : f32 to vector<16xf32>
      %broadcast_in_dim3A_67 = arith.constant 0.000000e+00 : f32
      %broadcast_in_dim3A_68 = vector.broadcast %broadcast_in_dim3A_67 : f32 to vector<16xf32>
      %parallel_loop3A_69 = arith.constant 0 : i32
      %parallel_loop3A_70 = arith.constant 16384 : i32
      %parallel_loop3A_71 = arith.constant 128 : i32
      scf.for %parallel_loop3A_151 = %parallel_loop3A_69 to %parallel_loop3A_70 step %parallel_loop3A_71  : i32 {
        %parallel_loop3A_152 = arith.constant 0 : i32
        %parallel_loop3A_153 = arith.addi %parallel_loop3A_151, %parallel_loop3A_152 : i32
        %parallel_loop3A_154 = arith.index_cast %parallel_loop3A_153 : i32 to index
        %parallel_loop3A_155 = tpu.vector_load %arg7[%parallel_loop3A_154] {strides = array<i32>} : memref<16384xf32, #tpu.memory_space<vmem>>, vector<16xf32>,
        tpu.vector_store %arg7[%parallel_loop3A_154], %broadcast_in_dim3A_68 {strides = array<i32>} : memref<16384xf32, #tpu.memory_space<vmem>>, vector<16xf32>,
        %parallel_loop3A_156 = arith.constant 16 : i32
        %parallel_loop3A_157 = arith.addi %parallel_loop3A_151, %parallel_loop3A_156 : i32
        %parallel_loop3A_158 = arith.index_cast %parallel_loop3A_157 : i32 to index
        %parallel_loop3A_159 = tpu.vector_load %arg7[%parallel_loop3A_158] {strides = array<i32>} : memref<16384xf32, #tpu.memory_space<vmem>>, vector<16xf32>,
        tpu.vector_store %arg7[%parallel_loop3A_158], %broadcast_in_dim3A_68 {strides = array<i32>} : memref<16384xf32, #tpu.memory_space<vmem>>, vector<16xf32>,
        %parallel_loop3A_160 = arith.constant 32 : i32
        %parallel_loop3A_161 = arith.addi %parallel_loop3A_151, %parallel_loop3A_160 : i32
        %parallel_loop3A_162 = arith.index_cast %parallel_loop3A_161 : i32 to index
        %parallel_loop3A_163 = tpu.vector_load %arg7[%parallel_loop3A_162] {strides = array<i32>} : memref<16384xf32, #tpu.memory_space<vmem>>, vector<16xf32>,
        tpu.vector_store %arg7[%parallel_loop3A_162], %broadcast_in_dim3A_68 {strides = array<i32>} : memref<16384xf32, #tpu.memory_space<vmem>>, vector<16xf32>,
        %parallel_loop3A_164 = arith.constant 48 : i32
        %parallel_loop3A_165 = arith.addi %parallel_loop3A_151, %parallel_loop3A_164 : i32
        %parallel_loop3A_166 = arith.index_cast %parallel_loop3A_165 : i32 to index
        %parallel_loop3A_167 = tpu.vector_load %arg7[%parallel_loop3A_166] {strides = array<i32>} : memref<16384xf32, #tpu.memory_space<vmem>>, vector<16xf32>,
        tpu.vector_store %arg7[%parallel_loop3A_166], %broadcast_in_dim3A_68 {strides = array<i32>} : memref<16384xf32, #tpu.memory_space<vmem>>, vector<16xf32>,
        %parallel_loop3A_168 = arith.constant 64 : i32
        %parallel_loop3A_169 = arith.addi %parallel_loop3A_151, %parallel_loop3A_168 : i32
        %parallel_loop3A_170 = arith.index_cast %parallel_loop3A_169 : i32 to index
        %parallel_loop3A_171 = tpu.vector_load %arg7[%parallel_loop3A_170] {strides = array<i32>} : memref<16384xf32, #tpu.memory_space<vmem>>, vector<16xf32>,
        tpu.vector_store %arg7[%parallel_loop3A_170], %broadcast_in_dim3A_68 {strides = array<i32>} : memref<16384xf32, #tpu.memory_space<vmem>>, vector<16xf32>,
        %parallel_loop3A_172 = arith.constant 80 : i32
        %parallel_loop3A_173 = arith.addi %parallel_loop3A_151, %parallel_loop3A_172 : i32
        %parallel_loop3A_174 = arith.index_cast %parallel_loop3A_173 : i32 to index
        %parallel_loop3A_175 = tpu.vector_load %arg7[%parallel_loop3A_174] {strides = array<i32>} : memref<16384xf32, #tpu.memory_space<vmem>>, vector<16xf32>,
        tpu.vector_store %arg7[%parallel_loop3A_174], %broadcast_in_dim3A_68 {strides = array<i32>} : memref<16384xf32, #tpu.memory_space<vmem>>, vector<16xf32>,
        %parallel_loop3A_176 = arith.constant 96 : i32
        %parallel_loop3A_177 = arith.addi %parallel_loop3A_151, %parallel_loop3A_176 : i32
        %parallel_loop3A_178 = arith.index_cast %parallel_loop3A_177 : i32 to index
        %parallel_loop3A_179 = tpu.vector_load %arg7[%parallel_loop3A_178] {strides = array<i32>} : memref<16384xf32, #tpu.memory_space<vmem>>, vector<16xf32>,
        tpu.vector_store %arg7[%parallel_loop3A_178], %broadcast_in_dim3A_68 {strides = array<i32>} : memref<16384xf32, #tpu.memory_space<vmem>>, vector<16xf32>,
        %parallel_loop3A_180 = arith.constant 112 : i32
        %parallel_loop3A_181 = arith.addi %parallel_loop3A_151, %parallel_loop3A_180 : i32
        %parallel_loop3A_182 = arith.index_cast %parallel_loop3A_181 : i32 to index
        %parallel_loop3A_183 = tpu.vector_load %arg7[%parallel_loop3A_182] {strides = array<i32>} : memref<16384xf32, #tpu.memory_space<vmem>>, vector<16xf32>,
        tpu.vector_store %arg7[%parallel_loop3A_182], %broadcast_in_dim3A_68 {strides = array<i32>} : memref<16384xf32, #tpu.memory_space<vmem>>, vector<16xf32>,
      } {sc.loop_unroll_factor = 2 : i64, sc.parallel_access}
      %mul3A_72 = arith.constant 1024 : i32
      %mul3A_73 = vector.broadcast %mul3A_72 : i32 to vector<16xi32>
      %mul3A_74 = arith.muli %iota3A, %mul3A_73 : vector<16xi32>
      %parallel_loop3A_75 = arith.constant 0 : i32
      %parallel_loop3A_76 = arith.constant 100000 : i32
      %parallel_loop3A_77 = arith.constant 160 : i32
      %parallel_loop3A_78 = scf.for %parallel_loop3A_151 = %parallel_loop3A_75 to %parallel_loop3A_76 step %parallel_loop3A_77 iter_args(%parallel_loop3A_152 = %broadcast_in_dim3A_68) -> (vector<16xf32>)  : i32 {
        %parallel_loop3A_153 = arith.constant 0 : i32
        %parallel_loop3A_154 = arith.addi %parallel_loop3A_151, %parallel_loop3A_153 : i32
        %parallel_loop3A_155 = arith.index_cast %parallel_loop3A_154 : i32 to index
        %parallel_loop3A_156 = tpu.vector_load %arg6[%parallel_loop3A_155] {strides = array<i32>} : memref<100000xf32, #tpu.memory_space<vmem>>, vector<16xf32>,
        %parallel_loop3A_157 = arith.constant 16 : i32
        %parallel_loop3A_158 = arith.addi %parallel_loop3A_151, %parallel_loop3A_157 : i32
        %parallel_loop3A_159 = arith.index_cast %parallel_loop3A_158 : i32 to index
        %parallel_loop3A_160 = tpu.vector_load %arg6[%parallel_loop3A_159] {strides = array<i32>} : memref<100000xf32, #tpu.memory_space<vmem>>, vector<16xf32>,
        %parallel_loop3A_161 = arith.constant 32 : i32
        %parallel_loop3A_162 = arith.addi %parallel_loop3A_151, %parallel_loop3A_161 : i32
        %parallel_loop3A_163 = arith.index_cast %parallel_loop3A_162 : i32 to index
        %parallel_loop3A_164 = tpu.vector_load %arg6[%parallel_loop3A_163] {strides = array<i32>} : memref<100000xf32, #tpu.memory_space<vmem>>, vector<16xf32>,
        %parallel_loop3A_165 = arith.constant 48 : i32
        %parallel_loop3A_166 = arith.addi %parallel_loop3A_151, %parallel_loop3A_165 : i32
        %parallel_loop3A_167 = arith.index_cast %parallel_loop3A_166 : i32 to index
        %parallel_loop3A_168 = tpu.vector_load %arg6[%parallel_loop3A_167] {strides = array<i32>} : memref<100000xf32, #tpu.memory_space<vmem>>, vector<16xf32>,
        %parallel_loop3A_169 = arith.constant 64 : i32
        %parallel_loop3A_170 = arith.addi %parallel_loop3A_151, %parallel_loop3A_169 : i32
        %parallel_loop3A_171 = arith.index_cast %parallel_loop3A_170 : i32 to index
        %parallel_loop3A_172 = tpu.vector_load %arg6[%parallel_loop3A_171] {strides = array<i32>} : memref<100000xf32, #tpu.memory_space<vmem>>, vector<16xf32>,
        %parallel_loop3A_173 = arith.constant 80 : i32
        %parallel_loop3A_174 = arith.addi %parallel_loop3A_151, %parallel_loop3A_173 : i32
        %parallel_loop3A_175 = arith.index_cast %parallel_loop3A_174 : i32 to index
        %parallel_loop3A_176 = tpu.vector_load %arg6[%parallel_loop3A_175] {strides = array<i32>} : memref<100000xf32, #tpu.memory_space<vmem>>, vector<16xf32>,
        %parallel_loop3A_177 = arith.constant 96 : i32
        %parallel_loop3A_178 = arith.addi %parallel_loop3A_151, %parallel_loop3A_177 : i32
        %parallel_loop3A_179 = arith.index_cast %parallel_loop3A_178 : i32 to index
        %parallel_loop3A_180 = tpu.vector_load %arg6[%parallel_loop3A_179] {strides = array<i32>} : memref<100000xf32, #tpu.memory_space<vmem>>, vector<16xf32>,
        %parallel_loop3A_181 = arith.constant 112 : i32
        %parallel_loop3A_182 = arith.addi %parallel_loop3A_151, %parallel_loop3A_181 : i32
        %parallel_loop3A_183 = arith.index_cast %parallel_loop3A_182 : i32 to index
        %parallel_loop3A_184 = tpu.vector_load %arg6[%parallel_loop3A_183] {strides = array<i32>} : memref<100000xf32, #tpu.memory_space<vmem>>, vector<16xf32>,
        %parallel_loop3A_185 = arith.constant 128 : i32
        %parallel_loop3A_186 = arith.addi %parallel_loop3A_151, %parallel_loop3A_185 : i32
        %parallel_loop3A_187 = arith.index_cast %parallel_loop3A_186 : i32 to index
        %parallel_loop3A_188 = tpu.vector_load %arg6[%parallel_loop3A_187] {strides = array<i32>} : memref<100000xf32, #tpu.memory_space<vmem>>, vector<16xf32>,
        %parallel_loop3A_189 = arith.constant 144 : i32
        %parallel_loop3A_190 = arith.addi %parallel_loop3A_151, %parallel_loop3A_189 : i32
        %parallel_loop3A_191 = arith.index_cast %parallel_loop3A_190 : i32 to index
        %parallel_loop3A_192 = tpu.vector_load %arg6[%parallel_loop3A_191] {strides = array<i32>} : memref<100000xf32, #tpu.memory_space<vmem>>, vector<16xf32>,
        %parallel_loop3A_193 = arith.subf %parallel_loop3A_156, %broadcast_in_dim3A_57 : vector<16xf32>
        %parallel_loop3A_194 = math.exp %parallel_loop3A_193 : vector<16xf32>
        %parallel_loop3A_195 = arith.subf %parallel_loop3A_160, %broadcast_in_dim3A_57 : vector<16xf32>
        %parallel_loop3A_196 = math.exp %parallel_loop3A_195 : vector<16xf32>
        %parallel_loop3A_197 = arith.subf %parallel_loop3A_164, %broadcast_in_dim3A_57 : vector<16xf32>
        %parallel_loop3A_198 = math.exp %parallel_loop3A_197 : vector<16xf32>
        %parallel_loop3A_199 = arith.subf %parallel_loop3A_168, %broadcast_in_dim3A_57 : vector<16xf32>
        %parallel_loop3A_200 = math.exp %parallel_loop3A_199 : vector<16xf32>
        %parallel_loop3A_201 = arith.subf %parallel_loop3A_172, %broadcast_in_dim3A_57 : vector<16xf32>
        %parallel_loop3A_202 = math.exp %parallel_loop3A_201 : vector<16xf32>
        %parallel_loop3A_203 = arith.subf %parallel_loop3A_176, %broadcast_in_dim3A_57 : vector<16xf32>
        %parallel_loop3A_204 = math.exp %parallel_loop3A_203 : vector<16xf32>
        %parallel_loop3A_205 = arith.subf %parallel_loop3A_180, %broadcast_in_dim3A_57 : vector<16xf32>
        %parallel_loop3A_206 = math.exp %parallel_loop3A_205 : vector<16xf32>
        %parallel_loop3A_207 = arith.subf %parallel_loop3A_184, %broadcast_in_dim3A_57 : vector<16xf32>
        %parallel_loop3A_208 = math.exp %parallel_loop3A_207 : vector<16xf32>
        %parallel_loop3A_209 = arith.subf %parallel_loop3A_188, %broadcast_in_dim3A_57 : vector<16xf32>
        %parallel_loop3A_210 = math.exp %parallel_loop3A_209 : vector<16xf32>
        %parallel_loop3A_211 = arith.subf %parallel_loop3A_192, %broadcast_in_dim3A_57 : vector<16xf32>
        %parallel_loop3A_212 = math.exp %parallel_loop3A_211 : vector<16xf32>
        %parallel_loop3A_213 = arith.subf %parallel_loop3A_156, %broadcast_in_dim3A_58 : vector<16xf32>
        %parallel_loop3A_214 = arith.maximumf %parallel_loop3A_213, %broadcast_in_dim3A_68 : vector<16xf32>
        %parallel_loop3A_215 = arith.mulf %parallel_loop3A_214, %div3A : vector<16xf32>
        %parallel_loop3A_216 = arith.minimumf %parallel_loop3A_215, %broadcast_in_dim3A_66 : vector<16xf32>
        %parallel_loop3A_217 = arith.fptosi %parallel_loop3A_216 : vector<16xf32> to vector<16xi32>
        %parallel_loop3A_218 = arith.subf %parallel_loop3A_160, %broadcast_in_dim3A_58 : vector<16xf32>
        %parallel_loop3A_219 = arith.maximumf %parallel_loop3A_218, %broadcast_in_dim3A_68 : vector<16xf32>
        %parallel_loop3A_220 = arith.mulf %parallel_loop3A_219, %div3A : vector<16xf32>
        %parallel_loop3A_221 = arith.minimumf %parallel_loop3A_220, %broadcast_in_dim3A_66 : vector<16xf32>
        %parallel_loop3A_222 = arith.fptosi %parallel_loop3A_221 : vector<16xf32> to vector<16xi32>
        %parallel_loop3A_223 = arith.subf %parallel_loop3A_164, %broadcast_in_dim3A_58 : vector<16xf32>
        %parallel_loop3A_224 = arith.maximumf %parallel_loop3A_223, %broadcast_in_dim3A_68 : vector<16xf32>
        %parallel_loop3A_225 = arith.mulf %parallel_loop3A_224, %div3A : vector<16xf32>
        %parallel_loop3A_226 = arith.minimumf %parallel_loop3A_225, %broadcast_in_dim3A_66 : vector<16xf32>
        %parallel_loop3A_227 = arith.fptosi %parallel_loop3A_226 : vector<16xf32> to vector<16xi32>
        %parallel_loop3A_228 = arith.subf %parallel_loop3A_168, %broadcast_in_dim3A_58 : vector<16xf32>
        %parallel_loop3A_229 = arith.maximumf %parallel_loop3A_228, %broadcast_in_dim3A_68 : vector<16xf32>
        %parallel_loop3A_230 = arith.mulf %parallel_loop3A_229, %div3A : vector<16xf32>
        %parallel_loop3A_231 = arith.minimumf %parallel_loop3A_230, %broadcast_in_dim3A_66 : vector<16xf32>
        %parallel_loop3A_232 = arith.fptosi %parallel_loop3A_231 : vector<16xf32> to vector<16xi32>
        %parallel_loop3A_233 = arith.subf %parallel_loop3A_172, %broadcast_in_dim3A_58 : vector<16xf32>
        %parallel_loop3A_234 = arith.maximumf %parallel_loop3A_233, %broadcast_in_dim3A_68 : vector<16xf32>
        %parallel_loop3A_235 = arith.mulf %parallel_loop3A_234, %div3A : vector<16xf32>
        %parallel_loop3A_236 = arith.minimumf %parallel_loop3A_235, %broadcast_in_dim3A_66 : vector<16xf32>
        %parallel_loop3A_237 = arith.fptosi %parallel_loop3A_236 : vector<16xf32> to vector<16xi32>
        %parallel_loop3A_238 = arith.subf %parallel_loop3A_176, %broadcast_in_dim3A_58 : vector<16xf32>
        %parallel_loop3A_239 = arith.maximumf %parallel_loop3A_238, %broadcast_in_dim3A_68 : vector<16xf32>
        %parallel_loop3A_240 = arith.mulf %parallel_loop3A_239, %div3A : vector<16xf32>
        %parallel_loop3A_241 = arith.minimumf %parallel_loop3A_240, %broadcast_in_dim3A_66 : vector<16xf32>
        %parallel_loop3A_242 = arith.fptosi %parallel_loop3A_241 : vector<16xf32> to vector<16xi32>
        %parallel_loop3A_243 = arith.subf %parallel_loop3A_180, %broadcast_in_dim3A_58 : vector<16xf32>
        %parallel_loop3A_244 = arith.maximumf %parallel_loop3A_243, %broadcast_in_dim3A_68 : vector<16xf32>
        %parallel_loop3A_245 = arith.mulf %parallel_loop3A_244, %div3A : vector<16xf32>
        %parallel_loop3A_246 = arith.minimumf %parallel_loop3A_245, %broadcast_in_dim3A_66 : vector<16xf32>
        %parallel_loop3A_247 = arith.fptosi %parallel_loop3A_246 : vector<16xf32> to vector<16xi32>
        %parallel_loop3A_248 = arith.subf %parallel_loop3A_184, %broadcast_in_dim3A_58 : vector<16xf32>
        %parallel_loop3A_249 = arith.maximumf %parallel_loop3A_248, %broadcast_in_dim3A_68 : vector<16xf32>
        %parallel_loop3A_250 = arith.mulf %parallel_loop3A_249, %div3A : vector<16xf32>
        %parallel_loop3A_251 = arith.minimumf %parallel_loop3A_250, %broadcast_in_dim3A_66 : vector<16xf32>
        %parallel_loop3A_252 = arith.fptosi %parallel_loop3A_251 : vector<16xf32> to vector<16xi32>
        %parallel_loop3A_253 = arith.subf %parallel_loop3A_188, %broadcast_in_dim3A_58 : vector<16xf32>
        %parallel_loop3A_254 = arith.maximumf %parallel_loop3A_253, %broadcast_in_dim3A_68 : vector<16xf32>
        %parallel_loop3A_255 = arith.mulf %parallel_loop3A_254, %div3A : vector<16xf32>
        %parallel_loop3A_256 = arith.minimumf %parallel_loop3A_255, %broadcast_in_dim3A_66 : vector<16xf32>
        %parallel_loop3A_257 = arith.fptosi %parallel_loop3A_256 : vector<16xf32> to vector<16xi32>
        %parallel_loop3A_258 = arith.subf %parallel_loop3A_192, %broadcast_in_dim3A_58 : vector<16xf32>
        %parallel_loop3A_259 = arith.maximumf %parallel_loop3A_258, %broadcast_in_dim3A_68 : vector<16xf32>
        %parallel_loop3A_260 = arith.mulf %parallel_loop3A_259, %div3A : vector<16xf32>
        %parallel_loop3A_261 = arith.minimumf %parallel_loop3A_260, %broadcast_in_dim3A_66 : vector<16xf32>
        %parallel_loop3A_262 = arith.fptosi %parallel_loop3A_261 : vector<16xf32> to vector<16xi32>
        %parallel_loop3A_263 = arith.addi %mul3A_74, %parallel_loop3A_217 : vector<16xi32>
        tpu.vector_store_idx %arg7[%parallel_loop3A_263], %parallel_loop3A_194 {add = true} : memref<16384xf32, #tpu.memory_space<vmem>>[vector<16xi32>], vector<16xf32>,
        %parallel_loop3A_264 = arith.addi %mul3A_74, %parallel_loop3A_222 : vector<16xi32>
        tpu.vector_store_idx %arg7[%parallel_loop3A_264], %parallel_loop3A_196 {add = true} : memref<16384xf32, #tpu.memory_space<vmem>>[vector<16xi32>], vector<16xf32>,
        %parallel_loop3A_265 = arith.addi %mul3A_74, %parallel_loop3A_227 : vector<16xi32>
        tpu.vector_store_idx %arg7[%parallel_loop3A_265], %parallel_loop3A_198 {add = true} : memref<16384xf32, #tpu.memory_space<vmem>>[vector<16xi32>], vector<16xf32>,
        %parallel_loop3A_266 = arith.addi %mul3A_74, %parallel_loop3A_232 : vector<16xi32>
        tpu.vector_store_idx %arg7[%parallel_loop3A_266], %parallel_loop3A_200 {add = true} : memref<16384xf32, #tpu.memory_space<vmem>>[vector<16xi32>], vector<16xf32>,
        %parallel_loop3A_267 = arith.addi %mul3A_74, %parallel_loop3A_237 : vector<16xi32>
        tpu.vector_store_idx %arg7[%parallel_loop3A_267], %parallel_loop3A_202 {add = true} : memref<16384xf32, #tpu.memory_space<vmem>>[vector<16xi32>], vector<16xf32>,
        %parallel_loop3A_268 = arith.addi %mul3A_74, %parallel_loop3A_242 : vector<16xi32>
        tpu.vector_store_idx %arg7[%parallel_loop3A_268], %parallel_loop3A_204 {add = true} : memref<16384xf32, #tpu.memory_space<vmem>>[vector<16xi32>], vector<16xf32>,
        %parallel_loop3A_269 = arith.addi %mul3A_74, %parallel_loop3A_247 : vector<16xi32>
        tpu.vector_store_idx %arg7[%parallel_loop3A_269], %parallel_loop3A_206 {add = true} : memref<16384xf32, #tpu.memory_space<vmem>>[vector<16xi32>], vector<16xf32>,
        %parallel_loop3A_270 = arith.addi %mul3A_74, %parallel_loop3A_252 : vector<16xi32>
        tpu.vector_store_idx %arg7[%parallel_loop3A_270], %parallel_loop3A_208 {add = true} : memref<16384xf32, #tpu.memory_space<vmem>>[vector<16xi32>], vector<16xf32>,
        %parallel_loop3A_271 = arith.addi %mul3A_74, %parallel_loop3A_257 : vector<16xi32>
        tpu.vector_store_idx %arg7[%parallel_loop3A_271], %parallel_loop3A_210 {add = true} : memref<16384xf32, #tpu.memory_space<vmem>>[vector<16xi32>], vector<16xf32>,
        %parallel_loop3A_272 = arith.addi %mul3A_74, %parallel_loop3A_262 : vector<16xi32>
        tpu.vector_store_idx %arg7[%parallel_loop3A_272], %parallel_loop3A_212 {add = true} : memref<16384xf32, #tpu.memory_space<vmem>>[vector<16xi32>], vector<16xf32>,
        %parallel_loop3A_273 = arith.addf %parallel_loop3A_194, %parallel_loop3A_196 : vector<16xf32>
        %parallel_loop3A_274 = arith.addf %parallel_loop3A_198, %parallel_loop3A_200 : vector<16xf32>
        %parallel_loop3A_275 = arith.addf %parallel_loop3A_202, %parallel_loop3A_204 : vector<16xf32>
        %parallel_loop3A_276 = arith.addf %parallel_loop3A_206, %parallel_loop3A_208 : vector<16xf32>
        %parallel_loop3A_277 = arith.addf %parallel_loop3A_210, %parallel_loop3A_212 : vector<16xf32>
        %parallel_loop3A_278 = arith.addf %parallel_loop3A_273, %parallel_loop3A_274 : vector<16xf32>
        %parallel_loop3A_279 = arith.addf %parallel_loop3A_275, %parallel_loop3A_276 : vector<16xf32>
        %parallel_loop3A_280 = arith.addf %parallel_loop3A_278, %parallel_loop3A_279 : vector<16xf32>
        %parallel_loop3A_281 = arith.addf %parallel_loop3A_280, %parallel_loop3A_277 : vector<16xf32>
        %parallel_loop3A_282 = arith.addf %parallel_loop3A_152, %parallel_loop3A_281 : vector<16xf32>
        scf.yield %parallel_loop3A_282 : vector<16xf32>
      } {sc.loop_unroll_factor = 2 : i64, sc.parallel_access}
      %reduce_sum3A = arith.constant true
      %reduce_sum3A_79 = vector.broadcast %reduce_sum3A : i1 to vector<16xi1>
      %reduce_sum3A_80 = tpu.scan <sum>, %parallel_loop3A_78 masked %reduce_sum3A_79 : vector<16xf32>, vector<16xi1> -> vector<16xf32>
      %reduce_sum3A_81 = vector.extract %reduce_sum3A_80[15] : f32 from vector<16xf32>
      %mul3A_82 = arith.mulf %min3A, %reduce_sum3A_81 : f32
      %scan3A_83 = arith.constant 0.000000e+00 : f32
      %scan3A_84 = arith.constant 0.000000e+00 : f32
      %scan3A_85 = arith.constant 1024 : i32
      %scan3A_86 = arith.constant 0.000000e+00 : f32
      %scan3A_87 = arith.constant 0 : i32
      %scan3A_88 = arith.constant 64 : i32
      %scan3A_89 = arith.addi %scan3A_87, %scan3A_88 : i32
      %scan3A_90 = arith.constant 1 : i32
      %scan3A_91:3 = scf.for %scan3A_151 = %scan3A_87 to %scan3A_89 step %scan3A_90 iter_args(%scan3A_152 = %scan3A_84, %scan3A_153 = %scan3A_85, %scan3A_154 = %scan3A_86) -> (f32, i32, f32)  : i32 {
        %sub3A_155 = arith.constant 63 : i32
        %sub3A_156 = arith.subi %sub3A_155, %scan3A_151 : i32
        %mul3A_157 = arith.constant 16 : i32
        %mul3A_158 = arith.muli %sub3A_156, %mul3A_157 : i32
        %add3A_159 = arith.constant 0 : i32
        %add3A_160 = arith.addi %add3A_159, %mul3A_158 : i32
        %get3A_161 = arith.index_cast %add3A_160 : i32 to index
        %get3A_162 = tpu.vector_load %arg7[%get3A_161] {strides = array<i32>} : memref<16384xf32, #tpu.memory_space<vmem>>, vector<16xf32>,
        %add3A_163 = arith.constant 1024 : i32
        %add3A_164 = arith.addi %add3A_163, %mul3A_158 : i32
        %get3A_165 = arith.index_cast %add3A_164 : i32 to index
        %get3A_166 = tpu.vector_load %arg7[%get3A_165] {strides = array<i32>} : memref<16384xf32, #tpu.memory_space<vmem>>, vector<16xf32>,
        %add3A_167 = arith.constant 2048 : i32
        %add3A_168 = arith.addi %add3A_167, %mul3A_158 : i32
        %get3A_169 = arith.index_cast %add3A_168 : i32 to index
        %get3A_170 = tpu.vector_load %arg7[%get3A_169] {strides = array<i32>} : memref<16384xf32, #tpu.memory_space<vmem>>, vector<16xf32>,
        %add3A_171 = arith.constant 3072 : i32
        %add3A_172 = arith.addi %add3A_171, %mul3A_158 : i32
        %get3A_173 = arith.index_cast %add3A_172 : i32 to index
        %get3A_174 = tpu.vector_load %arg7[%get3A_173] {strides = array<i32>} : memref<16384xf32, #tpu.memory_space<vmem>>, vector<16xf32>,
        %add3A_175 = arith.constant 4096 : i32
        %add3A_176 = arith.addi %add3A_175, %mul3A_158 : i32
        %get3A_177 = arith.index_cast %add3A_176 : i32 to index
        %get3A_178 = tpu.vector_load %arg7[%get3A_177] {strides = array<i32>} : memref<16384xf32, #tpu.memory_space<vmem>>, vector<16xf32>,
        %add3A_179 = arith.constant 5120 : i32
        %add3A_180 = arith.addi %add3A_179, %mul3A_158 : i32
        %get3A_181 = arith.index_cast %add3A_180 : i32 to index
        %get3A_182 = tpu.vector_load %arg7[%get3A_181] {strides = array<i32>} : memref<16384xf32, #tpu.memory_space<vmem>>, vector<16xf32>,
        %add3A_183 = arith.constant 6144 : i32
        %add3A_184 = arith.addi %add3A_183, %mul3A_158 : i32
        %get3A_185 = arith.index_cast %add3A_184 : i32 to index
        %get3A_186 = tpu.vector_load %arg7[%get3A_185] {strides = array<i32>} : memref<16384xf32, #tpu.memory_space<vmem>>, vector<16xf32>,
        %add3A_187 = arith.constant 7168 : i32
        %add3A_188 = arith.addi %add3A_187, %mul3A_158 : i32
        %get3A_189 = arith.index_cast %add3A_188 : i32 to index
        %get3A_190 = tpu.vector_load %arg7[%get3A_189] {strides = array<i32>} : memref<16384xf32, #tpu.memory_space<vmem>>, vector<16xf32>,
        %add3A_191 = arith.constant 8192 : i32
        %add3A_192 = arith.addi %add3A_191, %mul3A_158 : i32
        %get3A_193 = arith.index_cast %add3A_192 : i32 to index
        %get3A_194 = tpu.vector_load %arg7[%get3A_193] {strides = array<i32>} : memref<16384xf32, #tpu.memory_space<vmem>>, vector<16xf32>,
        %add3A_195 = arith.constant 9216 : i32
        %add3A_196 = arith.addi %add3A_195, %mul3A_158 : i32
        %get3A_197 = arith.index_cast %add3A_196 : i32 to index
        %get3A_198 = tpu.vector_load %arg7[%get3A_197] {strides = array<i32>} : memref<16384xf32, #tpu.memory_space<vmem>>, vector<16xf32>,
        %add3A_199 = arith.constant 10240 : i32
        %add3A_200 = arith.addi %add3A_199, %mul3A_158 : i32
        %get3A_201 = arith.index_cast %add3A_200 : i32 to index
        %get3A_202 = tpu.vector_load %arg7[%get3A_201] {strides = array<i32>} : memref<16384xf32, #tpu.memory_space<vmem>>, vector<16xf32>,
        %add3A_203 = arith.constant 11264 : i32
        %add3A_204 = arith.addi %add3A_203, %mul3A_158 : i32
        %get3A_205 = arith.index_cast %add3A_204 : i32 to index
        %get3A_206 = tpu.vector_load %arg7[%get3A_205] {strides = array<i32>} : memref<16384xf32, #tpu.memory_space<vmem>>, vector<16xf32>,
        %add3A_207 = arith.constant 12288 : i32
        %add3A_208 = arith.addi %add3A_207, %mul3A_158 : i32
        %get3A_209 = arith.index_cast %add3A_208 : i32 to index
        %get3A_210 = tpu.vector_load %arg7[%get3A_209] {strides = array<i32>} : memref<16384xf32, #tpu.memory_space<vmem>>, vector<16xf32>,
        %add3A_211 = arith.constant 13312 : i32
        %add3A_212 = arith.addi %add3A_211, %mul3A_158 : i32
        %get3A_213 = arith.index_cast %add3A_212 : i32 to index
        %get3A_214 = tpu.vector_load %arg7[%get3A_213] {strides = array<i32>} : memref<16384xf32, #tpu.memory_space<vmem>>, vector<16xf32>,
        %add3A_215 = arith.constant 14336 : i32
        %add3A_216 = arith.addi %add3A_215, %mul3A_158 : i32
        %get3A_217 = arith.index_cast %add3A_216 : i32 to index
        %get3A_218 = tpu.vector_load %arg7[%get3A_217] {strides = array<i32>} : memref<16384xf32, #tpu.memory_space<vmem>>, vector<16xf32>,
        %add3A_219 = arith.constant 15360 : i32
        %add3A_220 = arith.addi %add3A_219, %mul3A_158 : i32
        %get3A_221 = arith.index_cast %add3A_220 : i32 to index
        %get3A_222 = tpu.vector_load %arg7[%get3A_221] {strides = array<i32>} : memref<16384xf32, #tpu.memory_space<vmem>>, vector<16xf32>,
        %add3A_223 = arith.addf %get3A_162, %get3A_166 : vector<16xf32>
        %add3A_224 = arith.addf %get3A_170, %get3A_174 : vector<16xf32>
        %add3A_225 = arith.addf %get3A_178, %get3A_182 : vector<16xf32>
        %add3A_226 = arith.addf %get3A_186, %get3A_190 : vector<16xf32>
        %add3A_227 = arith.addf %get3A_194, %get3A_198 : vector<16xf32>
        %add3A_228 = arith.addf %get3A_202, %get3A_206 : vector<16xf32>
        %add3A_229 = arith.addf %get3A_210, %get3A_214 : vector<16xf32>
        %add3A_230 = arith.addf %get3A_218, %get3A_222 : vector<16xf32>
        %add3A_231 = arith.addf %add3A_223, %add3A_224 : vector<16xf32>
        %add3A_232 = arith.addf %add3A_225, %add3A_226 : vector<16xf32>
        %add3A_233 = arith.addf %add3A_227, %add3A_228 : vector<16xf32>
        %add3A_234 = arith.addf %add3A_229, %add3A_230 : vector<16xf32>
        %add3A_235 = arith.addf %add3A_231, %add3A_232 : vector<16xf32>
        %add3A_236 = arith.addf %add3A_233, %add3A_234 : vector<16xf32>
        %add3A_237 = arith.addf %add3A_235, %add3A_236 : vector<16xf32>
        %rev3A = arith.constant 15 : i32
        %rev3A_238 = vector.broadcast %rev3A : i32 to vector<16xi32>
        %rev3A_239 = tpu.iota {dimensions = array<i32: 0>} : vector<16xi32>
        %rev3A_240 = arith.subi %rev3A_238, %rev3A_239 : vector<16xi32>
        %rev3A_241 = tpu.dynamic_gather %add3A_237[%rev3A_240] in [0] : vector<16xf32>, vector<16xi32> -> vector<16xf32>
        %broadcast_in_dim3A_242 = arith.constant true
        %broadcast_in_dim3A_243 = vector.broadcast %broadcast_in_dim3A_242 : i1 to vector<16xi1>
        %masked_cumsum3A = tpu.scan <sum>, %rev3A_241 masked %broadcast_in_dim3A_243 : vector<16xf32>, vector<16xi1> -> vector<16xf32>
        %rev3A_244 = arith.constant 15 : i32
        %rev3A_245 = vector.broadcast %rev3A_244 : i32 to vector<16xi32>
        %rev3A_246 = tpu.iota {dimensions = array<i32: 0>} : vector<16xi32>
        %rev3A_247 = arith.subi %rev3A_245, %rev3A_246 : vector<16xi32>
        %rev3A_248 = tpu.dynamic_gather %masked_cumsum3A[%rev3A_247] in [0] : vector<16xf32>, vector<16xi32> -> vector<16xf32>
        %add3A_249 = arith.addf %scan3A_152, %scan3A_83 : f32
        %broadcast_in_dim3A_250 = vector.broadcast %add3A_249 : f32 to vector<16xf32>
        %add3A_251 = arith.addf %rev3A_248, %broadcast_in_dim3A_250 : vector<16xf32>
        %le3A_252 = vector.broadcast %mul3A_82 : f32 to vector<16xf32>
        %le3A_253 = arith.cmpf ole, %add3A_251, %le3A_252 : vector<16xf32>
        %jit3A_254 = arith.constant 1 : i32
        %jit3A_255 = arith.constant 0 : i32
        %broadcast_in_dim3A_256 = vector.broadcast %jit3A_254 : i32 to vector<16xi32>
        %broadcast_in_dim3A_257 = vector.broadcast %jit3A_255 : i32 to vector<16xi32>
        %select_n3A_258 = arith.select %le3A_253, %broadcast_in_dim3A_256, %broadcast_in_dim3A_257 : vector<16xi1>, vector<16xi32>
        %reduce_sum3A_259 = arith.constant true
        %reduce_sum3A_260 = vector.broadcast %reduce_sum3A_259 : i1 to vector<16xi1>
        %reduce_sum3A_261 = tpu.scan <sum>, %select_n3A_258 masked %reduce_sum3A_260 : vector<16xi32>, vector<16xi1> -> vector<16xi32>
        %reduce_sum3A_262 = vector.extract %reduce_sum3A_261[15] : i32 from vector<16xi32>
        %sub3A_263 = arith.constant 16 : i32
        %sub3A_264 = arith.subi %sub3A_263, %reduce_sum3A_262 : i32
        %mul3A_265 = arith.constant 16 : i32
        %mul3A_266 = arith.muli %sub3A_156, %mul3A_265 : i32
        %add3A_267 = arith.addi %mul3A_266, %sub3A_264 : i32
        %jit3A_268 = arith.constant 0xFF800000 : f32
        %broadcast_in_dim3A_269 = vector.broadcast %jit3A_268 : f32 to vector<16xf32>
        %select_n3A_270 = arith.select %le3A_253, %add3A_251, %broadcast_in_dim3A_269 : vector<16xi1>, vector<16xf32>
        %reduce_max3A_271 = arith.constant true
        %reduce_max3A_272 = vector.broadcast %reduce_max3A_271 : i1 to vector<16xi1>
        %reduce_max3A_273 = tpu.scan <max>, %select_n3A_270 masked %reduce_max3A_272 : vector<16xf32>, vector<16xi1> -> vector<16xf32>
        %reduce_max3A_274 = vector.extract %reduce_max3A_273[15] : f32 from vector<16xf32>
        %gt3A = arith.constant 0 : i32
        %gt3A_275 = arith.cmpi sgt, %reduce_sum3A_262, %gt3A : i32
        %select_n3A_276 = arith.select %gt3A_275, %add3A_267, %scan3A_153 : i32
        %select_n3A_277 = arith.select %gt3A_275, %reduce_max3A_274, %scan3A_154 : f32
        %reduce_max3A_278 = arith.constant true
        %reduce_max3A_279 = vector.broadcast %reduce_max3A_278 : i1 to vector<16xi1>
        %reduce_max3A_280 = tpu.scan <max>, %rev3A_248 masked %reduce_max3A_279 : vector<16xf32>, vector<16xi1> -> vector<16xf32>
        %reduce_max3A_281 = vector.extract %reduce_max3A_280[15] : f32 from vector<16xf32>
        %add3A_282 = arith.addf %scan3A_152, %reduce_max3A_281 : f32
        scf.yield %add3A_282, %select_n3A_276, %select_n3A_277 : f32, i32, f32
      }
      %scan3A_92 = arith.constant 64 : i32
      %sub3A_93 = arith.constant 1 : i32
      %sub3A_94 = arith.subi %scan3A_91#1, %sub3A_93 : i32
      %div3A_95 = arith.divf %max3A_64, %broadcast_in_dim3A_60 : vector<16xf32>
      %broadcast_in_dim3A_96 = vector.broadcast %sub3A_94 : i32 to vector<16xi32>
      %convert_element_type3A = arith.sitofp %broadcast_in_dim3A_96 : vector<16xi32> to vector<16xf32>
      %mul3A_97 = arith.mulf %convert_element_type3A, %div3A_95 : vector<16xf32>
      %add3A_98 = arith.addf %broadcast_in_dim3A_58, %mul3A_97 : vector<16xf32>
      %div3A_99 = arith.divf %broadcast_in_dim3A_60, %div3A_95 : vector<16xf32>
      %parallel_loop3A_100 = arith.constant 0 : i32
      %parallel_loop3A_101 = arith.constant 16384 : i32
      %parallel_loop3A_102 = arith.constant 128 : i32
      scf.for %parallel_loop3A_151 = %parallel_loop3A_100 to %parallel_loop3A_101 step %parallel_loop3A_102  : i32 {
        %parallel_loop3A_152 = arith.constant 0 : i32
        %parallel_loop3A_153 = arith.addi %parallel_loop3A_151, %parallel_loop3A_152 : i32
        %parallel_loop3A_154 = arith.index_cast %parallel_loop3A_153 : i32 to index
        %parallel_loop3A_155 = tpu.vector_load %arg7[%parallel_loop3A_154] {strides = array<i32>} : memref<16384xf32, #tpu.memory_space<vmem>>, vector<16xf32>,
        tpu.vector_store %arg7[%parallel_loop3A_154], %broadcast_in_dim3A_68 {strides = array<i32>} : memref<16384xf32, #tpu.memory_space<vmem>>, vector<16xf32>,
        %parallel_loop3A_156 = arith.constant 16 : i32
        %parallel_loop3A_157 = arith.addi %parallel_loop3A_151, %parallel_loop3A_156 : i32
        %parallel_loop3A_158 = arith.index_cast %parallel_loop3A_157 : i32 to index
        %parallel_loop3A_159 = tpu.vector_load %arg7[%parallel_loop3A_158] {strides = array<i32>} : memref<16384xf32, #tpu.memory_space<vmem>>, vector<16xf32>,
        tpu.vector_store %arg7[%parallel_loop3A_158], %broadcast_in_dim3A_68 {strides = array<i32>} : memref<16384xf32, #tpu.memory_space<vmem>>, vector<16xf32>,
        %parallel_loop3A_160 = arith.constant 32 : i32
        %parallel_loop3A_161 = arith.addi %parallel_loop3A_151, %parallel_loop3A_160 : i32
        %parallel_loop3A_162 = arith.index_cast %parallel_loop3A_161 : i32 to index
        %parallel_loop3A_163 = tpu.vector_load %arg7[%parallel_loop3A_162] {strides = array<i32>} : memref<16384xf32, #tpu.memory_space<vmem>>, vector<16xf32>,
        tpu.vector_store %arg7[%parallel_loop3A_162], %broadcast_in_dim3A_68 {strides = array<i32>} : memref<16384xf32, #tpu.memory_space<vmem>>, vector<16xf32>,
        %parallel_loop3A_164 = arith.constant 48 : i32
        %parallel_loop3A_165 = arith.addi %parallel_loop3A_151, %parallel_loop3A_164 : i32
        %parallel_loop3A_166 = arith.index_cast %parallel_loop3A_165 : i32 to index
        %parallel_loop3A_167 = tpu.vector_load %arg7[%parallel_loop3A_166] {strides = array<i32>} : memref<16384xf32, #tpu.memory_space<vmem>>, vector<16xf32>,
        tpu.vector_store %arg7[%parallel_loop3A_166], %broadcast_in_dim3A_68 {strides = array<i32>} : memref<16384xf32, #tpu.memory_space<vmem>>, vector<16xf32>,
        %parallel_loop3A_168 = arith.constant 64 : i32
        %parallel_loop3A_169 = arith.addi %parallel_loop3A_151, %parallel_loop3A_168 : i32
        %parallel_loop3A_170 = arith.index_cast %parallel_loop3A_169 : i32 to index
        %parallel_loop3A_171 = tpu.vector_load %arg7[%parallel_loop3A_170] {strides = array<i32>} : memref<16384xf32, #tpu.memory_space<vmem>>, vector<16xf32>,
        tpu.vector_store %arg7[%parallel_loop3A_170], %broadcast_in_dim3A_68 {strides = array<i32>} : memref<16384xf32, #tpu.memory_space<vmem>>, vector<16xf32>,
        %parallel_loop3A_172 = arith.constant 80 : i32
        %parallel_loop3A_173 = arith.addi %parallel_loop3A_151, %parallel_loop3A_172 : i32
        %parallel_loop3A_174 = arith.index_cast %parallel_loop3A_173 : i32 to index
        %parallel_loop3A_175 = tpu.vector_load %arg7[%parallel_loop3A_174] {strides = array<i32>} : memref<16384xf32, #tpu.memory_space<vmem>>, vector<16xf32>,
        tpu.vector_store %arg7[%parallel_loop3A_174], %broadcast_in_dim3A_68 {strides = array<i32>} : memref<16384xf32, #tpu.memory_space<vmem>>, vector<16xf32>,
        %parallel_loop3A_176 = arith.constant 96 : i32
        %parallel_loop3A_177 = arith.addi %parallel_loop3A_151, %parallel_loop3A_176 : i32
        %parallel_loop3A_178 = arith.index_cast %parallel_loop3A_177 : i32 to index
        %parallel_loop3A_179 = tpu.vector_load %arg7[%parallel_loop3A_178] {strides = array<i32>} : memref<16384xf32, #tpu.memory_space<vmem>>, vector<16xf32>,
        tpu.vector_store %arg7[%parallel_loop3A_178], %broadcast_in_dim3A_68 {strides = array<i32>} : memref<16384xf32, #tpu.memory_space<vmem>>, vector<16xf32>,
        %parallel_loop3A_180 = arith.constant 112 : i32
        %parallel_loop3A_181 = arith.addi %parallel_loop3A_151, %parallel_loop3A_180 : i32
        %parallel_loop3A_182 = arith.index_cast %parallel_loop3A_181 : i32 to index
        %parallel_loop3A_183 = tpu.vector_load %arg7[%parallel_loop3A_182] {strides = array<i32>} : memref<16384xf32, #tpu.memory_space<vmem>>, vector<16xf32>,
        tpu.vector_store %arg7[%parallel_loop3A_182], %broadcast_in_dim3A_68 {strides = array<i32>} : memref<16384xf32, #tpu.memory_space<vmem>>, vector<16xf32>,
      } {sc.loop_unroll_factor = 2 : i64, sc.parallel_access}
      %sub3A_103 = arith.subf %add3A_98, %broadcast_in_dim3A_57 : vector<16xf32>
      %exp3A = math.exp %sub3A_103 : vector<16xf32>
      %broadcast_in_dim3A_104 = arith.constant 1.000000e+00 : f32
      %broadcast_in_dim3A_105 = vector.broadcast %broadcast_in_dim3A_104 : f32 to vector<16xf32>
      %sub3A_106 = arith.subf %add3A_98, %broadcast_in_dim3A_105 : vector<16xf32>
      %parallel_loop3A_107 = arith.constant 0 : i32
      %parallel_loop3A_108 = arith.constant 100000 : i32
      %parallel_loop3A_109 = arith.constant 160 : i32
      scf.for %parallel_loop3A_151 = %parallel_loop3A_107 to %parallel_loop3A_108 step %parallel_loop3A_109  : i32 {
        %parallel_loop3A_152 = arith.constant 0 : i32
        %parallel_loop3A_153 = arith.addi %parallel_loop3A_151, %parallel_loop3A_152 : i32
        %parallel_loop3A_154 = arith.index_cast %parallel_loop3A_153 : i32 to index
        %parallel_loop3A_155 = tpu.vector_load %arg6[%parallel_loop3A_154] {strides = array<i32>} : memref<100000xf32, #tpu.memory_space<vmem>>, vector<16xf32>,
        %parallel_loop3A_156 = arith.constant 16 : i32
        %parallel_loop3A_157 = arith.addi %parallel_loop3A_151, %parallel_loop3A_156 : i32
        %parallel_loop3A_158 = arith.index_cast %parallel_loop3A_157 : i32 to index
        %parallel_loop3A_159 = tpu.vector_load %arg6[%parallel_loop3A_158] {strides = array<i32>} : memref<100000xf32, #tpu.memory_space<vmem>>, vector<16xf32>,
        %parallel_loop3A_160 = arith.constant 32 : i32
        %parallel_loop3A_161 = arith.addi %parallel_loop3A_151, %parallel_loop3A_160 : i32
        %parallel_loop3A_162 = arith.index_cast %parallel_loop3A_161 : i32 to index
        %parallel_loop3A_163 = tpu.vector_load %arg6[%parallel_loop3A_162] {strides = array<i32>} : memref<100000xf32, #tpu.memory_space<vmem>>, vector<16xf32>,
        %parallel_loop3A_164 = arith.constant 48 : i32
        %parallel_loop3A_165 = arith.addi %parallel_loop3A_151, %parallel_loop3A_164 : i32
        %parallel_loop3A_166 = arith.index_cast %parallel_loop3A_165 : i32 to index
        %parallel_loop3A_167 = tpu.vector_load %arg6[%parallel_loop3A_166] {strides = array<i32>} : memref<100000xf32, #tpu.memory_space<vmem>>, vector<16xf32>,
        %parallel_loop3A_168 = arith.constant 64 : i32
        %parallel_loop3A_169 = arith.addi %parallel_loop3A_151, %parallel_loop3A_168 : i32
        %parallel_loop3A_170 = arith.index_cast %parallel_loop3A_169 : i32 to index
        %parallel_loop3A_171 = tpu.vector_load %arg6[%parallel_loop3A_170] {strides = array<i32>} : memref<100000xf32, #tpu.memory_space<vmem>>, vector<16xf32>,
        %parallel_loop3A_172 = arith.constant 80 : i32
        %parallel_loop3A_173 = arith.addi %parallel_loop3A_151, %parallel_loop3A_172 : i32
        %parallel_loop3A_174 = arith.index_cast %parallel_loop3A_173 : i32 to index
        %parallel_loop3A_175 = tpu.vector_load %arg6[%parallel_loop3A_174] {strides = array<i32>} : memref<100000xf32, #tpu.memory_space<vmem>>, vector<16xf32>,
        %parallel_loop3A_176 = arith.constant 96 : i32
        %parallel_loop3A_177 = arith.addi %parallel_loop3A_151, %parallel_loop3A_176 : i32
        %parallel_loop3A_178 = arith.index_cast %parallel_loop3A_177 : i32 to index
        %parallel_loop3A_179 = tpu.vector_load %arg6[%parallel_loop3A_178] {strides = array<i32>} : memref<100000xf32, #tpu.memory_space<vmem>>, vector<16xf32>,
        %parallel_loop3A_180 = arith.constant 112 : i32
        %parallel_loop3A_181 = arith.addi %parallel_loop3A_151, %parallel_loop3A_180 : i32
        %parallel_loop3A_182 = arith.index_cast %parallel_loop3A_181 : i32 to index
        %parallel_loop3A_183 = tpu.vector_load %arg6[%parallel_loop3A_182] {strides = array<i32>} : memref<100000xf32, #tpu.memory_space<vmem>>, vector<16xf32>,
        %parallel_loop3A_184 = arith.constant 128 : i32
        %parallel_loop3A_185 = arith.addi %parallel_loop3A_151, %parallel_loop3A_184 : i32
        %parallel_loop3A_186 = arith.index_cast %parallel_loop3A_185 : i32 to index
        %parallel_loop3A_187 = tpu.vector_load %arg6[%parallel_loop3A_186] {strides = array<i32>} : memref<100000xf32, #tpu.memory_space<vmem>>, vector<16xf32>,
        %parallel_loop3A_188 = arith.constant 144 : i32
        %parallel_loop3A_189 = arith.addi %parallel_loop3A_151, %parallel_loop3A_188 : i32
        %parallel_loop3A_190 = arith.index_cast %parallel_loop3A_189 : i32 to index
        %parallel_loop3A_191 = tpu.vector_load %arg6[%parallel_loop3A_190] {strides = array<i32>} : memref<100000xf32, #tpu.memory_space<vmem>>, vector<16xf32>,
        %parallel_loop3A_192 = arith.subf %parallel_loop3A_155, %broadcast_in_dim3A_58 : vector<16xf32>
        %parallel_loop3A_193 = arith.maximumf %parallel_loop3A_192, %broadcast_in_dim3A_68 : vector<16xf32>
        %parallel_loop3A_194 = arith.mulf %parallel_loop3A_193, %div3A : vector<16xf32>
        %parallel_loop3A_195 = arith.minimumf %parallel_loop3A_194, %broadcast_in_dim3A_66 : vector<16xf32>
        %parallel_loop3A_196 = arith.fptosi %parallel_loop3A_195 : vector<16xf32> to vector<16xi32>
        %parallel_loop3A_197 = arith.cmpi eq, %parallel_loop3A_196, %broadcast_in_dim3A_96 : vector<16xi32>
        %parallel_loop3A_198 = arith.subf %parallel_loop3A_155, %sub3A_106 : vector<16xf32>
        %parallel_loop3A_199 = arith.mulf %parallel_loop3A_198, %exp3A : vector<16xf32>
        %parallel_loop3A_200 = arith.subf %parallel_loop3A_155, %add3A_98 : vector<16xf32>
        %parallel_loop3A_201 = arith.mulf %parallel_loop3A_200, %div3A_99 : vector<16xf32>
        %parallel_loop3A_202 = arith.maximumf %parallel_loop3A_201, %broadcast_in_dim3A_68 : vector<16xf32>
        %parallel_loop3A_203 = arith.minimumf %parallel_loop3A_202, %broadcast_in_dim3A_66 : vector<16xf32>
        %parallel_loop3A_204 = arith.fptosi %parallel_loop3A_203 : vector<16xf32> to vector<16xi32>
        %parallel_loop3A_205 = arith.addi %mul3A_74, %parallel_loop3A_204 : vector<16xi32>
        tpu.vector_store_idx %arg7[%parallel_loop3A_205], %parallel_loop3A_199 masked %parallel_loop3A_197 {add = true} : memref<16384xf32, #tpu.memory_space<vmem>>[vector<16xi32>], vector<16xf32>, vector<16xi1>
        %parallel_loop3A_206 = arith.subf %parallel_loop3A_159, %broadcast_in_dim3A_58 : vector<16xf32>
        %parallel_loop3A_207 = arith.maximumf %parallel_loop3A_206, %broadcast_in_dim3A_68 : vector<16xf32>
        %parallel_loop3A_208 = arith.mulf %parallel_loop3A_207, %div3A : vector<16xf32>
        %parallel_loop3A_209 = arith.minimumf %parallel_loop3A_208, %broadcast_in_dim3A_66 : vector<16xf32>
        %parallel_loop3A_210 = arith.fptosi %parallel_loop3A_209 : vector<16xf32> to vector<16xi32>
        %parallel_loop3A_211 = arith.cmpi eq, %parallel_loop3A_210, %broadcast_in_dim3A_96 : vector<16xi32>
        %parallel_loop3A_212 = arith.subf %parallel_loop3A_159, %sub3A_106 : vector<16xf32>
        %parallel_loop3A_213 = arith.mulf %parallel_loop3A_212, %exp3A : vector<16xf32>
        %parallel_loop3A_214 = arith.subf %parallel_loop3A_159, %add3A_98 : vector<16xf32>
        %parallel_loop3A_215 = arith.mulf %parallel_loop3A_214, %div3A_99 : vector<16xf32>
        %parallel_loop3A_216 = arith.maximumf %parallel_loop3A_215, %broadcast_in_dim3A_68 : vector<16xf32>
        %parallel_loop3A_217 = arith.minimumf %parallel_loop3A_216, %broadcast_in_dim3A_66 : vector<16xf32>
        %parallel_loop3A_218 = arith.fptosi %parallel_loop3A_217 : vector<16xf32> to vector<16xi32>
        %parallel_loop3A_219 = arith.addi %mul3A_74, %parallel_loop3A_218 : vector<16xi32>
        tpu.vector_store_idx %arg7[%parallel_loop3A_219], %parallel_loop3A_213 masked %parallel_loop3A_211 {add = true} : memref<16384xf32, #tpu.memory_space<vmem>>[vector<16xi32>], vector<16xf32>, vector<16xi1>
        %parallel_loop3A_220 = arith.subf %parallel_loop3A_163, %broadcast_in_dim3A_58 : vector<16xf32>
        %parallel_loop3A_221 = arith.maximumf %parallel_loop3A_220, %broadcast_in_dim3A_68 : vector<16xf32>
        %parallel_loop3A_222 = arith.mulf %parallel_loop3A_221, %div3A : vector<16xf32>
        %parallel_loop3A_223 = arith.minimumf %parallel_loop3A_222, %broadcast_in_dim3A_66 : vector<16xf32>
        %parallel_loop3A_224 = arith.fptosi %parallel_loop3A_223 : vector<16xf32> to vector<16xi32>
        %parallel_loop3A_225 = arith.cmpi eq, %parallel_loop3A_224, %broadcast_in_dim3A_96 : vector<16xi32>
        %parallel_loop3A_226 = arith.subf %parallel_loop3A_163, %sub3A_106 : vector<16xf32>
        %parallel_loop3A_227 = arith.mulf %parallel_loop3A_226, %exp3A : vector<16xf32>
        %parallel_loop3A_228 = arith.subf %parallel_loop3A_163, %add3A_98 : vector<16xf32>
        %parallel_loop3A_229 = arith.mulf %parallel_loop3A_228, %div3A_99 : vector<16xf32>
        %parallel_loop3A_230 = arith.maximumf %parallel_loop3A_229, %broadcast_in_dim3A_68 : vector<16xf32>
        %parallel_loop3A_231 = arith.minimumf %parallel_loop3A_230, %broadcast_in_dim3A_66 : vector<16xf32>
        %parallel_loop3A_232 = arith.fptosi %parallel_loop3A_231 : vector<16xf32> to vector<16xi32>
        %parallel_loop3A_233 = arith.addi %mul3A_74, %parallel_loop3A_232 : vector<16xi32>
        tpu.vector_store_idx %arg7[%parallel_loop3A_233], %parallel_loop3A_227 masked %parallel_loop3A_225 {add = true} : memref<16384xf32, #tpu.memory_space<vmem>>[vector<16xi32>], vector<16xf32>, vector<16xi1>
        %parallel_loop3A_234 = arith.subf %parallel_loop3A_167, %broadcast_in_dim3A_58 : vector<16xf32>
        %parallel_loop3A_235 = arith.maximumf %parallel_loop3A_234, %broadcast_in_dim3A_68 : vector<16xf32>
        %parallel_loop3A_236 = arith.mulf %parallel_loop3A_235, %div3A : vector<16xf32>
        %parallel_loop3A_237 = arith.minimumf %parallel_loop3A_236, %broadcast_in_dim3A_66 : vector<16xf32>
        %parallel_loop3A_238 = arith.fptosi %parallel_loop3A_237 : vector<16xf32> to vector<16xi32>
        %parallel_loop3A_239 = arith.cmpi eq, %parallel_loop3A_238, %broadcast_in_dim3A_96 : vector<16xi32>
        %parallel_loop3A_240 = arith.subf %parallel_loop3A_167, %sub3A_106 : vector<16xf32>
        %parallel_loop3A_241 = arith.mulf %parallel_loop3A_240, %exp3A : vector<16xf32>
        %parallel_loop3A_242 = arith.subf %parallel_loop3A_167, %add3A_98 : vector<16xf32>
        %parallel_loop3A_243 = arith.mulf %parallel_loop3A_242, %div3A_99 : vector<16xf32>
        %parallel_loop3A_244 = arith.maximumf %parallel_loop3A_243, %broadcast_in_dim3A_68 : vector<16xf32>
        %parallel_loop3A_245 = arith.minimumf %parallel_loop3A_244, %broadcast_in_dim3A_66 : vector<16xf32>
        %parallel_loop3A_246 = arith.fptosi %parallel_loop3A_245 : vector<16xf32> to vector<16xi32>
        %parallel_loop3A_247 = arith.addi %mul3A_74, %parallel_loop3A_246 : vector<16xi32>
        tpu.vector_store_idx %arg7[%parallel_loop3A_247], %parallel_loop3A_241 masked %parallel_loop3A_239 {add = true} : memref<16384xf32, #tpu.memory_space<vmem>>[vector<16xi32>], vector<16xf32>, vector<16xi1>
        %parallel_loop3A_248 = arith.subf %parallel_loop3A_171, %broadcast_in_dim3A_58 : vector<16xf32>
        %parallel_loop3A_249 = arith.maximumf %parallel_loop3A_248, %broadcast_in_dim3A_68 : vector<16xf32>
        %parallel_loop3A_250 = arith.mulf %parallel_loop3A_249, %div3A : vector<16xf32>
        %parallel_loop3A_251 = arith.minimumf %parallel_loop3A_250, %broadcast_in_dim3A_66 : vector<16xf32>
        %parallel_loop3A_252 = arith.fptosi %parallel_loop3A_251 : vector<16xf32> to vector<16xi32>
        %parallel_loop3A_253 = arith.cmpi eq, %parallel_loop3A_252, %broadcast_in_dim3A_96 : vector<16xi32>
        %parallel_loop3A_254 = arith.subf %parallel_loop3A_171, %sub3A_106 : vector<16xf32>
        %parallel_loop3A_255 = arith.mulf %parallel_loop3A_254, %exp3A : vector<16xf32>
        %parallel_loop3A_256 = arith.subf %parallel_loop3A_171, %add3A_98 : vector<16xf32>
        %parallel_loop3A_257 = arith.mulf %parallel_loop3A_256, %div3A_99 : vector<16xf32>
        %parallel_loop3A_258 = arith.maximumf %parallel_loop3A_257, %broadcast_in_dim3A_68 : vector<16xf32>
        %parallel_loop3A_259 = arith.minimumf %parallel_loop3A_258, %broadcast_in_dim3A_66 : vector<16xf32>
        %parallel_loop3A_260 = arith.fptosi %parallel_loop3A_259 : vector<16xf32> to vector<16xi32>
        %parallel_loop3A_261 = arith.addi %mul3A_74, %parallel_loop3A_260 : vector<16xi32>
        tpu.vector_store_idx %arg7[%parallel_loop3A_261], %parallel_loop3A_255 masked %parallel_loop3A_253 {add = true} : memref<16384xf32, #tpu.memory_space<vmem>>[vector<16xi32>], vector<16xf32>, vector<16xi1>
        %parallel_loop3A_262 = arith.subf %parallel_loop3A_175, %broadcast_in_dim3A_58 : vector<16xf32>
        %parallel_loop3A_263 = arith.maximumf %parallel_loop3A_262, %broadcast_in_dim3A_68 : vector<16xf32>
        %parallel_loop3A_264 = arith.mulf %parallel_loop3A_263, %div3A : vector<16xf32>
        %parallel_loop3A_265 = arith.minimumf %parallel_loop3A_264, %broadcast_in_dim3A_66 : vector<16xf32>
        %parallel_loop3A_266 = arith.fptosi %parallel_loop3A_265 : vector<16xf32> to vector<16xi32>
        %parallel_loop3A_267 = arith.cmpi eq, %parallel_loop3A_266, %broadcast_in_dim3A_96 : vector<16xi32>
        %parallel_loop3A_268 = arith.subf %parallel_loop3A_175, %sub3A_106 : vector<16xf32>
        %parallel_loop3A_269 = arith.mulf %parallel_loop3A_268, %exp3A : vector<16xf32>
        %parallel_loop3A_270 = arith.subf %parallel_loop3A_175, %add3A_98 : vector<16xf32>
        %parallel_loop3A_271 = arith.mulf %parallel_loop3A_270, %div3A_99 : vector<16xf32>
        %parallel_loop3A_272 = arith.maximumf %parallel_loop3A_271, %broadcast_in_dim3A_68 : vector<16xf32>
        %parallel_loop3A_273 = arith.minimumf %parallel_loop3A_272, %broadcast_in_dim3A_66 : vector<16xf32>
        %parallel_loop3A_274 = arith.fptosi %parallel_loop3A_273 : vector<16xf32> to vector<16xi32>
        %parallel_loop3A_275 = arith.addi %mul3A_74, %parallel_loop3A_274 : vector<16xi32>
        tpu.vector_store_idx %arg7[%parallel_loop3A_275], %parallel_loop3A_269 masked %parallel_loop3A_267 {add = true} : memref<16384xf32, #tpu.memory_space<vmem>>[vector<16xi32>], vector<16xf32>, vector<16xi1>
        %parallel_loop3A_276 = arith.subf %parallel_loop3A_179, %broadcast_in_dim3A_58 : vector<16xf32>
        %parallel_loop3A_277 = arith.maximumf %parallel_loop3A_276, %broadcast_in_dim3A_68 : vector<16xf32>
        %parallel_loop3A_278 = arith.mulf %parallel_loop3A_277, %div3A : vector<16xf32>
        %parallel_loop3A_279 = arith.minimumf %parallel_loop3A_278, %broadcast_in_dim3A_66 : vector<16xf32>
        %parallel_loop3A_280 = arith.fptosi %parallel_loop3A_279 : vector<16xf32> to vector<16xi32>
        %parallel_loop3A_281 = arith.cmpi eq, %parallel_loop3A_280, %broadcast_in_dim3A_96 : vector<16xi32>
        %parallel_loop3A_282 = arith.subf %parallel_loop3A_179, %sub3A_106 : vector<16xf32>
        %parallel_loop3A_283 = arith.mulf %parallel_loop3A_282, %exp3A : vector<16xf32>
        %parallel_loop3A_284 = arith.subf %parallel_loop3A_179, %add3A_98 : vector<16xf32>
        %parallel_loop3A_285 = arith.mulf %parallel_loop3A_284, %div3A_99 : vector<16xf32>
        %parallel_loop3A_286 = arith.maximumf %parallel_loop3A_285, %broadcast_in_dim3A_68 : vector<16xf32>
        %parallel_loop3A_287 = arith.minimumf %parallel_loop3A_286, %broadcast_in_dim3A_66 : vector<16xf32>
        %parallel_loop3A_288 = arith.fptosi %parallel_loop3A_287 : vector<16xf32> to vector<16xi32>
        %parallel_loop3A_289 = arith.addi %mul3A_74, %parallel_loop3A_288 : vector<16xi32>
        tpu.vector_store_idx %arg7[%parallel_loop3A_289], %parallel_loop3A_283 masked %parallel_loop3A_281 {add = true} : memref<16384xf32, #tpu.memory_space<vmem>>[vector<16xi32>], vector<16xf32>, vector<16xi1>
        %parallel_loop3A_290 = arith.subf %parallel_loop3A_183, %broadcast_in_dim3A_58 : vector<16xf32>
        %parallel_loop3A_291 = arith.maximumf %parallel_loop3A_290, %broadcast_in_dim3A_68 : vector<16xf32>
        %parallel_loop3A_292 = arith.mulf %parallel_loop3A_291, %div3A : vector<16xf32>
        %parallel_loop3A_293 = arith.minimumf %parallel_loop3A_292, %broadcast_in_dim3A_66 : vector<16xf32>
        %parallel_loop3A_294 = arith.fptosi %parallel_loop3A_293 : vector<16xf32> to vector<16xi32>
        %parallel_loop3A_295 = arith.cmpi eq, %parallel_loop3A_294, %broadcast_in_dim3A_96 : vector<16xi32>
        %parallel_loop3A_296 = arith.subf %parallel_loop3A_183, %sub3A_106 : vector<16xf32>
        %parallel_loop3A_297 = arith.mulf %parallel_loop3A_296, %exp3A : vector<16xf32>
        %parallel_loop3A_298 = arith.subf %parallel_loop3A_183, %add3A_98 : vector<16xf32>
        %parallel_loop3A_299 = arith.mulf %parallel_loop3A_298, %div3A_99 : vector<16xf32>
        %parallel_loop3A_300 = arith.maximumf %parallel_loop3A_299, %broadcast_in_dim3A_68 : vector<16xf32>
        %parallel_loop3A_301 = arith.minimumf %parallel_loop3A_300, %broadcast_in_dim3A_66 : vector<16xf32>
        %parallel_loop3A_302 = arith.fptosi %parallel_loop3A_301 : vector<16xf32> to vector<16xi32>
        %parallel_loop3A_303 = arith.addi %mul3A_74, %parallel_loop3A_302 : vector<16xi32>
        tpu.vector_store_idx %arg7[%parallel_loop3A_303], %parallel_loop3A_297 masked %parallel_loop3A_295 {add = true} : memref<16384xf32, #tpu.memory_space<vmem>>[vector<16xi32>], vector<16xf32>, vector<16xi1>
        %parallel_loop3A_304 = arith.subf %parallel_loop3A_187, %broadcast_in_dim3A_58 : vector<16xf32>
        %parallel_loop3A_305 = arith.maximumf %parallel_loop3A_304, %broadcast_in_dim3A_68 : vector<16xf32>
        %parallel_loop3A_306 = arith.mulf %parallel_loop3A_305, %div3A : vector<16xf32>
        %parallel_loop3A_307 = arith.minimumf %parallel_loop3A_306, %broadcast_in_dim3A_66 : vector<16xf32>
        %parallel_loop3A_308 = arith.fptosi %parallel_loop3A_307 : vector<16xf32> to vector<16xi32>
        %parallel_loop3A_309 = arith.cmpi eq, %parallel_loop3A_308, %broadcast_in_dim3A_96 : vector<16xi32>
        %parallel_loop3A_310 = arith.subf %parallel_loop3A_187, %sub3A_106 : vector<16xf32>
        %parallel_loop3A_311 = arith.mulf %parallel_loop3A_310, %exp3A : vector<16xf32>
        %parallel_loop3A_312 = arith.subf %parallel_loop3A_187, %add3A_98 : vector<16xf32>
        %parallel_loop3A_313 = arith.mulf %parallel_loop3A_312, %div3A_99 : vector<16xf32>
        %parallel_loop3A_314 = arith.maximumf %parallel_loop3A_313, %broadcast_in_dim3A_68 : vector<16xf32>
        %parallel_loop3A_315 = arith.minimumf %parallel_loop3A_314, %broadcast_in_dim3A_66 : vector<16xf32>
        %parallel_loop3A_316 = arith.fptosi %parallel_loop3A_315 : vector<16xf32> to vector<16xi32>
        %parallel_loop3A_317 = arith.addi %mul3A_74, %parallel_loop3A_316 : vector<16xi32>
        tpu.vector_store_idx %arg7[%parallel_loop3A_317], %parallel_loop3A_311 masked %parallel_loop3A_309 {add = true} : memref<16384xf32, #tpu.memory_space<vmem>>[vector<16xi32>], vector<16xf32>, vector<16xi1>
        %parallel_loop3A_318 = arith.subf %parallel_loop3A_191, %broadcast_in_dim3A_58 : vector<16xf32>
        %parallel_loop3A_319 = arith.maximumf %parallel_loop3A_318, %broadcast_in_dim3A_68 : vector<16xf32>
        %parallel_loop3A_320 = arith.mulf %parallel_loop3A_319, %div3A : vector<16xf32>
        %parallel_loop3A_321 = arith.minimumf %parallel_loop3A_320, %broadcast_in_dim3A_66 : vector<16xf32>
        %parallel_loop3A_322 = arith.fptosi %parallel_loop3A_321 : vector<16xf32> to vector<16xi32>
        %parallel_loop3A_323 = arith.cmpi eq, %parallel_loop3A_322, %broadcast_in_dim3A_96 : vector<16xi32>
        %parallel_loop3A_324 = arith.subf %parallel_loop3A_191, %sub3A_106 : vector<16xf32>
        %parallel_loop3A_325 = arith.mulf %parallel_loop3A_324, %exp3A : vector<16xf32>
        %parallel_loop3A_326 = arith.subf %parallel_loop3A_191, %add3A_98 : vector<16xf32>
        %parallel_loop3A_327 = arith.mulf %parallel_loop3A_326, %div3A_99 : vector<16xf32>
        %parallel_loop3A_328 = arith.maximumf %parallel_loop3A_327, %broadcast_in_dim3A_68 : vector<16xf32>
        %parallel_loop3A_329 = arith.minimumf %parallel_loop3A_328, %broadcast_in_dim3A_66 : vector<16xf32>
        %parallel_loop3A_330 = arith.fptosi %parallel_loop3A_329 : vector<16xf32> to vector<16xi32>
        %parallel_loop3A_331 = arith.addi %mul3A_74, %parallel_loop3A_330 : vector<16xi32>
        tpu.vector_store_idx %arg7[%parallel_loop3A_331], %parallel_loop3A_325 masked %parallel_loop3A_323 {add = true} : memref<16384xf32, #tpu.memory_space<vmem>>[vector<16xi32>], vector<16xf32>, vector<16xi1>
      } {sc.loop_unroll_factor = 2 : i64, sc.parallel_access}
      %scan3A_110 = arith.constant 0.000000e+00 : f32
      %scan3A_111 = arith.constant 1024 : i32
      %scan3A_112 = arith.constant 0 : i32
      %scan3A_113 = arith.constant 64 : i32
      %scan3A_114 = arith.addi %scan3A_112, %scan3A_113 : i32
      %scan3A_115 = arith.constant 1 : i32
      %scan3A_116:3 = scf.for %scan3A_151 = %scan3A_112 to %scan3A_114 step %scan3A_115 iter_args(%scan3A_152 = %scan3A_110, %scan3A_153 = %scan3A_111, %scan3A_154 = %scan3A_91#2) -> (f32, i32, f32)  : i32 {
        %sub3A_155 = arith.constant 63 : i32
        %sub3A_156 = arith.subi %sub3A_155, %scan3A_151 : i32
        %mul3A_157 = arith.constant 16 : i32
        %mul3A_158 = arith.muli %sub3A_156, %mul3A_157 : i32
        %add3A_159 = arith.constant 0 : i32
        %add3A_160 = arith.addi %add3A_159, %mul3A_158 : i32
        %get3A_161 = arith.index_cast %add3A_160 : i32 to index
        %get3A_162 = tpu.vector_load %arg7[%get3A_161] {strides = array<i32>} : memref<16384xf32, #tpu.memory_space<vmem>>, vector<16xf32>,
        %add3A_163 = arith.constant 1024 : i32
        %add3A_164 = arith.addi %add3A_163, %mul3A_158 : i32
        %get3A_165 = arith.index_cast %add3A_164 : i32 to index
        %get3A_166 = tpu.vector_load %arg7[%get3A_165] {strides = array<i32>} : memref<16384xf32, #tpu.memory_space<vmem>>, vector<16xf32>,
        %add3A_167 = arith.constant 2048 : i32
        %add3A_168 = arith.addi %add3A_167, %mul3A_158 : i32
        %get3A_169 = arith.index_cast %add3A_168 : i32 to index
        %get3A_170 = tpu.vector_load %arg7[%get3A_169] {strides = array<i32>} : memref<16384xf32, #tpu.memory_space<vmem>>, vector<16xf32>,
        %add3A_171 = arith.constant 3072 : i32
        %add3A_172 = arith.addi %add3A_171, %mul3A_158 : i32
        %get3A_173 = arith.index_cast %add3A_172 : i32 to index
        %get3A_174 = tpu.vector_load %arg7[%get3A_173] {strides = array<i32>} : memref<16384xf32, #tpu.memory_space<vmem>>, vector<16xf32>,
        %add3A_175 = arith.constant 4096 : i32
        %add3A_176 = arith.addi %add3A_175, %mul3A_158 : i32
        %get3A_177 = arith.index_cast %add3A_176 : i32 to index
        %get3A_178 = tpu.vector_load %arg7[%get3A_177] {strides = array<i32>} : memref<16384xf32, #tpu.memory_space<vmem>>, vector<16xf32>,
        %add3A_179 = arith.constant 5120 : i32
        %add3A_180 = arith.addi %add3A_179, %mul3A_158 : i32
        %get3A_181 = arith.index_cast %add3A_180 : i32 to index
        %get3A_182 = tpu.vector_load %arg7[%get3A_181] {strides = array<i32>} : memref<16384xf32, #tpu.memory_space<vmem>>, vector<16xf32>,
        %add3A_183 = arith.constant 6144 : i32
        %add3A_184 = arith.addi %add3A_183, %mul3A_158 : i32
        %get3A_185 = arith.index_cast %add3A_184 : i32 to index
        %get3A_186 = tpu.vector_load %arg7[%get3A_185] {strides = array<i32>} : memref<16384xf32, #tpu.memory_space<vmem>>, vector<16xf32>,
        %add3A_187 = arith.constant 7168 : i32
        %add3A_188 = arith.addi %add3A_187, %mul3A_158 : i32
        %get3A_189 = arith.index_cast %add3A_188 : i32 to index
        %get3A_190 = tpu.vector_load %arg7[%get3A_189] {strides = array<i32>} : memref<16384xf32, #tpu.memory_space<vmem>>, vector<16xf32>,
        %add3A_191 = arith.constant 8192 : i32
        %add3A_192 = arith.addi %add3A_191, %mul3A_158 : i32
        %get3A_193 = arith.index_cast %add3A_192 : i32 to index
        %get3A_194 = tpu.vector_load %arg7[%get3A_193] {strides = array<i32>} : memref<16384xf32, #tpu.memory_space<vmem>>, vector<16xf32>,
        %add3A_195 = arith.constant 9216 : i32
        %add3A_196 = arith.addi %add3A_195, %mul3A_158 : i32
        %get3A_197 = arith.index_cast %add3A_196 : i32 to index
        %get3A_198 = tpu.vector_load %arg7[%get3A_197] {strides = array<i32>} : memref<16384xf32, #tpu.memory_space<vmem>>, vector<16xf32>,
        %add3A_199 = arith.constant 10240 : i32
        %add3A_200 = arith.addi %add3A_199, %mul3A_158 : i32
        %get3A_201 = arith.index_cast %add3A_200 : i32 to index
        %get3A_202 = tpu.vector_load %arg7[%get3A_201] {strides = array<i32>} : memref<16384xf32, #tpu.memory_space<vmem>>, vector<16xf32>,
        %add3A_203 = arith.constant 11264 : i32
        %add3A_204 = arith.addi %add3A_203, %mul3A_158 : i32
        %get3A_205 = arith.index_cast %add3A_204 : i32 to index
        %get3A_206 = tpu.vector_load %arg7[%get3A_205] {strides = array<i32>} : memref<16384xf32, #tpu.memory_space<vmem>>, vector<16xf32>,
        %add3A_207 = arith.constant 12288 : i32
        %add3A_208 = arith.addi %add3A_207, %mul3A_158 : i32
        %get3A_209 = arith.index_cast %add3A_208 : i32 to index
        %get3A_210 = tpu.vector_load %arg7[%get3A_209] {strides = array<i32>} : memref<16384xf32, #tpu.memory_space<vmem>>, vector<16xf32>,
        %add3A_211 = arith.constant 13312 : i32
        %add3A_212 = arith.addi %add3A_211, %mul3A_158 : i32
        %get3A_213 = arith.index_cast %add3A_212 : i32 to index
        %get3A_214 = tpu.vector_load %arg7[%get3A_213] {strides = array<i32>} : memref<16384xf32, #tpu.memory_space<vmem>>, vector<16xf32>,
        %add3A_215 = arith.constant 14336 : i32
        %add3A_216 = arith.addi %add3A_215, %mul3A_158 : i32
        %get3A_217 = arith.index_cast %add3A_216 : i32 to index
        %get3A_218 = tpu.vector_load %arg7[%get3A_217] {strides = array<i32>} : memref<16384xf32, #tpu.memory_space<vmem>>, vector<16xf32>,
        %add3A_219 = arith.constant 15360 : i32
        %add3A_220 = arith.addi %add3A_219, %mul3A_158 : i32
        %get3A_221 = arith.index_cast %add3A_220 : i32 to index
        %get3A_222 = tpu.vector_load %arg7[%get3A_221] {strides = array<i32>} : memref<16384xf32, #tpu.memory_space<vmem>>, vector<16xf32>,
        %add3A_223 = arith.addf %get3A_162, %get3A_166 : vector<16xf32>
        %add3A_224 = arith.addf %get3A_170, %get3A_174 : vector<16xf32>
        %add3A_225 = arith.addf %get3A_178, %get3A_182 : vector<16xf32>
        %add3A_226 = arith.addf %get3A_186, %get3A_190 : vector<16xf32>
        %add3A_227 = arith.addf %get3A_194, %get3A_198 : vector<16xf32>
        %add3A_228 = arith.addf %get3A_202, %get3A_206 : vector<16xf32>
        %add3A_229 = arith.addf %get3A_210, %get3A_214 : vector<16xf32>
        %add3A_230 = arith.addf %get3A_218, %get3A_222 : vector<16xf32>
        %add3A_231 = arith.addf %add3A_223, %add3A_224 : vector<16xf32>
        %add3A_232 = arith.addf %add3A_225, %add3A_226 : vector<16xf32>
        %add3A_233 = arith.addf %add3A_227, %add3A_228 : vector<16xf32>
        %add3A_234 = arith.addf %add3A_229, %add3A_230 : vector<16xf32>
        %add3A_235 = arith.addf %add3A_231, %add3A_232 : vector<16xf32>
        %add3A_236 = arith.addf %add3A_233, %add3A_234 : vector<16xf32>
        %add3A_237 = arith.addf %add3A_235, %add3A_236 : vector<16xf32>
        %rev3A = arith.constant 15 : i32
        %rev3A_238 = vector.broadcast %rev3A : i32 to vector<16xi32>
        %rev3A_239 = tpu.iota {dimensions = array<i32: 0>} : vector<16xi32>
        %rev3A_240 = arith.subi %rev3A_238, %rev3A_239 : vector<16xi32>
        %rev3A_241 = tpu.dynamic_gather %add3A_237[%rev3A_240] in [0] : vector<16xf32>, vector<16xi32> -> vector<16xf32>
        %broadcast_in_dim3A_242 = arith.constant true
        %broadcast_in_dim3A_243 = vector.broadcast %broadcast_in_dim3A_242 : i1 to vector<16xi1>
        %masked_cumsum3A = tpu.scan <sum>, %rev3A_241 masked %broadcast_in_dim3A_243 : vector<16xf32>, vector<16xi1> -> vector<16xf32>
        %rev3A_244 = arith.constant 15 : i32
        %rev3A_245 = vector.broadcast %rev3A_244 : i32 to vector<16xi32>
        %rev3A_246 = tpu.iota {dimensions = array<i32: 0>} : vector<16xi32>
        %rev3A_247 = arith.subi %rev3A_245, %rev3A_246 : vector<16xi32>
        %rev3A_248 = tpu.dynamic_gather %masked_cumsum3A[%rev3A_247] in [0] : vector<16xf32>, vector<16xi32> -> vector<16xf32>
        %add3A_249 = arith.addf %scan3A_152, %scan3A_91#2 : f32
        %broadcast_in_dim3A_250 = vector.broadcast %add3A_249 : f32 to vector<16xf32>
        %add3A_251 = arith.addf %rev3A_248, %broadcast_in_dim3A_250 : vector<16xf32>
        %le3A_252 = vector.broadcast %mul3A_82 : f32 to vector<16xf32>
        %le3A_253 = arith.cmpf ole, %add3A_251, %le3A_252 : vector<16xf32>
        %jit3A_254 = arith.constant 1 : i32
        %jit3A_255 = arith.constant 0 : i32
        %broadcast_in_dim3A_256 = vector.broadcast %jit3A_254 : i32 to vector<16xi32>
        %broadcast_in_dim3A_257 = vector.broadcast %jit3A_255 : i32 to vector<16xi32>
        %select_n3A_258 = arith.select %le3A_253, %broadcast_in_dim3A_256, %broadcast_in_dim3A_257 : vector<16xi1>, vector<16xi32>
        %reduce_sum3A_259 = arith.constant true
        %reduce_sum3A_260 = vector.broadcast %reduce_sum3A_259 : i1 to vector<16xi1>
        %reduce_sum3A_261 = tpu.scan <sum>, %select_n3A_258 masked %reduce_sum3A_260 : vector<16xi32>, vector<16xi1> -> vector<16xi32>
        %reduce_sum3A_262 = vector.extract %reduce_sum3A_261[15] : i32 from vector<16xi32>
        %sub3A_263 = arith.constant 16 : i32
        %sub3A_264 = arith.subi %sub3A_263, %reduce_sum3A_262 : i32
        %mul3A_265 = arith.constant 16 : i32
        %mul3A_266 = arith.muli %sub3A_156, %mul3A_265 : i32
        %add3A_267 = arith.addi %mul3A_266, %sub3A_264 : i32
        %jit3A_268 = arith.constant 0xFF800000 : f32
        %broadcast_in_dim3A_269 = vector.broadcast %jit3A_268 : f32 to vector<16xf32>
        %select_n3A_270 = arith.select %le3A_253, %add3A_251, %broadcast_in_dim3A_269 : vector<16xi1>, vector<16xf32>
        %reduce_max3A_271 = arith.constant true
        %reduce_max3A_272 = vector.broadcast %reduce_max3A_271 : i1 to vector<16xi1>
        %reduce_max3A_273 = tpu.scan <max>, %select_n3A_270 masked %reduce_max3A_272 : vector<16xf32>, vector<16xi1> -> vector<16xf32>
        %reduce_max3A_274 = vector.extract %reduce_max3A_273[15] : f32 from vector<16xf32>
        %gt3A = arith.constant 0 : i32
        %gt3A_275 = arith.cmpi sgt, %reduce_sum3A_262, %gt3A : i32
        %select_n3A_276 = arith.select %gt3A_275, %add3A_267, %scan3A_153 : i32
        %select_n3A_277 = arith.select %gt3A_275, %reduce_max3A_274, %scan3A_154 : f32
        %reduce_max3A_278 = arith.constant true
        %reduce_max3A_279 = vector.broadcast %reduce_max3A_278 : i1 to vector<16xi1>
        %reduce_max3A_280 = tpu.scan <max>, %rev3A_248 masked %reduce_max3A_279 : vector<16xf32>, vector<16xi1> -> vector<16xf32>
        %reduce_max3A_281 = vector.extract %reduce_max3A_280[15] : f32 from vector<16xf32>
        %add3A_282 = arith.addf %scan3A_152, %reduce_max3A_281 : f32
        scf.yield %add3A_282, %select_n3A_276, %select_n3A_277 : f32, i32, f32
      }
      %scan3A_117 = arith.constant 64 : i32
      %le3A = arith.constant 0.000000e+00 : f32
      %le3A_118 = arith.cmpf ole, %scan3A_116#2, %le3A : f32
      %jit3A_119 = arith.constant 1023 : i32
      %select_n3A_120 = arith.select %le3A_118, %jit3A_119, %scan3A_116#1 : i32
      %broadcast_in_dim3A_121 = vector.broadcast %select_n3A_120 : i32 to vector<16xi32>
      %convert_element_type3A_122 = arith.sitofp %broadcast_in_dim3A_121 : vector<16xi32> to vector<16xf32>
      %div3A_123 = arith.divf %div3A_95, %broadcast_in_dim3A_60 : vector<16xf32>
      %mul3A_124 = arith.mulf %convert_element_type3A_122, %div3A_123 : vector<16xf32>
      %add3A_125 = arith.addf %add3A_98, %mul3A_124 : vector<16xf32>
      %lt3A = arith.constant 0 : i32
      %lt3A_126 = vector.broadcast %lt3A : i32 to vector<16xi32>
      %lt3A_127 = arith.cmpi slt, %broadcast_in_dim3A_96, %lt3A_126 : vector<16xi32>
      %broadcast_in_dim3A_128 = arith.constant 0xFF800000 : f32
      %broadcast_in_dim3A_129 = vector.broadcast %broadcast_in_dim3A_128 : f32 to vector<16xf32>
      %select_n3A_130 = arith.select %lt3A_127, %broadcast_in_dim3A_129, %add3A_125 : vector<16xi1>, vector<16xf32>
      %reduce_max3A_131 = arith.constant true
      %reduce_max3A_132 = vector.broadcast %reduce_max3A_131 : i1 to vector<16xi1>
      %reduce_max3A_133 = tpu.scan <max>, %select_n3A_130 masked %reduce_max3A_132 : vector<16xf32>, vector<16xi1> -> vector<16xf32>
      %reduce_max3A_134 = vector.extract %reduce_max3A_133[15] : f32 from vector<16xf32>
      %broadcast_in_dim3A_135 = vector.broadcast %scan3A_8 : i32 to vector<16xi32>
      %eq3A_136 = arith.cmpi eq, %iota3A, %broadcast_in_dim3A_135 : vector<16xi32>
      %broadcast_in_dim3A_137 = vector.broadcast %reduce_max3A_134 : f32 to vector<16xf32>
      %select_n3A_138 = arith.select %eq3A_136, %broadcast_in_dim3A_137, %scan3A_9 : vector<16xi1>, vector<16xf32>
      %add3A_139 = arith.constant 4 : i32
      %add3A_140 = vector.broadcast %add3A_139 : i32 to vector<16xi32>
      %add3A_141 = arith.addi %broadcast_in_dim3A_135, %add3A_140 : vector<16xi32>
      %eq3A_142 = arith.cmpi eq, %iota3A, %add3A_141 : vector<16xi32>
      %broadcast_in_dim3A_143 = vector.broadcast %reduce_max3A_53 : f32 to vector<16xf32>
      %select_n3A_144 = arith.select %eq3A_142, %broadcast_in_dim3A_143, %select_n3A_138 : vector<16xi1>, vector<16xf32>
      %add3A_145 = arith.constant 8 : i32
      %add3A_146 = vector.broadcast %add3A_145 : i32 to vector<16xi32>
      %add3A_147 = arith.addi %broadcast_in_dim3A_135, %add3A_146 : vector<16xi32>
      %eq3A_148 = arith.cmpi eq, %iota3A, %add3A_147 : vector<16xi32>
      %broadcast_in_dim3A_149 = vector.broadcast %scan3A_116#2 : f32 to vector<16xf32>
      %select_n3A_150 = arith.select %eq3A_148, %broadcast_in_dim3A_149, %select_n3A_144 : vector<16xi1>, vector<16xf32>
      scf.yield %select_n3A_150 : vector<16xf32>
    }
    %scan3A_6 = arith.constant 4 : i32
    %swap3A = arith.constant 0 : index
    %swap3A_7 = tpu.vector_load %arg10[%swap3A] {strides = array<i32>} : memref<16xf32, #tpu.memory_space<vmem>>, vector<16xf32>,
    tpu.vector_store %arg10[%swap3A], %scan3A_5 {strides = array<i32>} : memref<16xf32, #tpu.memory_space<vmem>>, vector<16xf32>,
    "tpu.region"() ({
      %run_scoped3A = tpu.sem_alloc : memref<!tpu.dma_semaphore, #tpu.memory_space<semaphore_mem>>
      %dma_start3A = arith.constant 0 : i32
      %dma_start3A_8 = tpu.memref_slice %arg5[%add3A, %dma_start3A] : memref<32x16xf32, #tpu.memory_space<hbm>> -> memref<1x16xf32, #tpu.memory_space<hbm>>
      %dma_start3A_9 = tpu.memref_squeeze %dma_start3A_8 : memref<1x16xf32, #tpu.memory_space<hbm>> -> memref<16xf32, #tpu.memory_space<hbm>>
      %dma_start3A_10 = arith.constant 0 : i32
      %dma_start3A_11 = tpu.memref_slice %arg5[%add3A, %dma_start3A_10] : memref<32x16xf32, #tpu.memory_space<hbm>> -> memref<1x16xf32, #tpu.memory_space<hbm>>
      %dma_start3A_12 = tpu.memref_squeeze %dma_start3A_11 : memref<1x16xf32, #tpu.memory_space<hbm>> -> memref<16xf32, #tpu.memory_space<hbm>>
      tpu.enqueue_dma source(%arg10 : memref<16xf32, #tpu.memory_space<vmem>>) target(%dma_start3A_12 : memref<16xf32, #tpu.memory_space<hbm>>) target_semaphore(%run_scoped3A : memref<!tpu.dma_semaphore, #tpu.memory_space<semaphore_mem>>)
      %dma_wait3A = arith.constant 0 : i32
      %dma_wait3A_13 = tpu.memref_slice %arg5[%add3A, %dma_wait3A] : memref<32x16xf32, #tpu.memory_space<hbm>> -> memref<1x16xf32, #tpu.memory_space<hbm>>
      %dma_wait3A_14 = tpu.memref_squeeze %dma_wait3A_13 : memref<1x16xf32, #tpu.memory_space<hbm>> -> memref<16xf32, #tpu.memory_space<hbm>>
      %dma_wait3A_15 = arith.constant 0 : i32
      %dma_wait3A_16 = tpu.memref_slice %arg5[%add3A, %dma_wait3A_15] : memref<32x16xf32, #tpu.memory_space<hbm>> -> memref<1x16xf32, #tpu.memory_space<hbm>>
      %dma_wait3A_17 = tpu.memref_squeeze %dma_wait3A_16 : memref<1x16xf32, #tpu.memory_space<hbm>> -> memref<16xf32, #tpu.memory_space<hbm>>
      tpu.wait_dma2 semaphore(%run_scoped3A : memref<!tpu.dma_semaphore, #tpu.memory_space<semaphore_mem>>) src(%arg10 : memref<16xf32, #tpu.memory_space<vmem>>) dst(%dma_wait3A_17 : memref<16xf32, #tpu.memory_space<hbm>>)
      tpu.yield
    }) : () -> ()
    return
  }
}

#map = affine_map<(d0, d1) -> (0)>
#map1 = affine_map<(d0, d1) -> (0, 0)>
module attributes {stable_mosaic.version = 14 : i64} {
  func.func @_stage2_body(%arg0: i32, %arg1: i32, %arg2: memref<12800000xf32, #tpu.memory_space<hbm>>, %arg3: memref<12800000xf32, #tpu.memory_space<hbm>>, %arg4: memref<32x16xf32, #tpu.memory_space<hbm>>, %arg5: memref<128xf32, #tpu.memory_space<hbm>>, %arg6: memref<32x16xi32, #tpu.memory_space<hbm>>, %arg7: memref<32x16xf32, #tpu.memory_space<hbm>>, %arg8: memref<8000xf32, #tpu.memory_space<vmem>>, %arg9: memref<8000xf32, #tpu.memory_space<vmem>>, %arg10: memref<16xf32, #tpu.memory_space<vmem>>, %arg11: memref<16xi32, #tpu.memory_space<vmem>>, %arg12: memref<16xf32, #tpu.memory_space<vmem>>, %arg13: memref<128xf32, #tpu.memory_space<vmem>>, %arg14: memref<!tpu.dma_semaphore, #tpu.memory_space<semaphore_mem>>, %arg15: memref<!tpu.dma_semaphore, #tpu.memory_space<semaphore_mem>>) attributes {dimension_semantics = [#tpu.dimension_semantics<core_parallel>, #tpu.dimension_semantics<subcore_parallel>], iteration_bounds = array<i64: 2, 16>, scalar_prefetch = 0 : i64, scratch_operands = 8 : i64, tpu.core_type = #tpu.core_type<sc_vector_subcore>, window_params = [{transform_indices = #map}, {transform_indices = #map}, {transform_indices = #map1}, {transform_indices = #map}, {transform_indices = #map1}, {transform_indices = #map1}]} {
    %iota3A = tpu.iota {dimensions = array<i32: 0>} : vector<16xi32>
    %mul3A = arith.constant 2 : i32
    %mul3A_0 = arith.muli %arg1, %mul3A : i32
    %add3A = arith.addi %mul3A_0, %arg0 : i32
    "tpu.region"() ({
      %run_scoped3A = tpu.sem_alloc : memref<!tpu.dma_semaphore, #tpu.memory_space<semaphore_mem>>
      %dma_start3A = arith.constant 0 : i32
      %dma_start3A_13 = tpu.memref_slice %arg4[%add3A, %dma_start3A] : memref<32x16xf32, #tpu.memory_space<hbm>> -> memref<1x16xf32, #tpu.memory_space<hbm>>
      %dma_start3A_14 = tpu.memref_squeeze %dma_start3A_13 : memref<1x16xf32, #tpu.memory_space<hbm>> -> memref<16xf32, #tpu.memory_space<hbm>>
      %dma_start3A_15 = arith.constant 0 : i32
      %dma_start3A_16 = tpu.memref_slice %arg4[%add3A, %dma_start3A_15] : memref<32x16xf32, #tpu.memory_space<hbm>> -> memref<1x16xf32, #tpu.memory_space<hbm>>
      %dma_start3A_17 = tpu.memref_squeeze %dma_start3A_16 : memref<1x16xf32, #tpu.memory_space<hbm>> -> memref<16xf32, #tpu.memory_space<hbm>>
      tpu.enqueue_dma source(%dma_start3A_17 : memref<16xf32, #tpu.memory_space<hbm>>) target(%arg10 : memref<16xf32, #tpu.memory_space<vmem>>) target_semaphore(%run_scoped3A : memref<!tpu.dma_semaphore, #tpu.memory_space<semaphore_mem>>)
      %dma_wait3A = arith.constant 0 : i32
      %dma_wait3A_18 = tpu.memref_slice %arg4[%add3A, %dma_wait3A] : memref<32x16xf32, #tpu.memory_space<hbm>> -> memref<1x16xf32, #tpu.memory_space<hbm>>
      %dma_wait3A_19 = tpu.memref_squeeze %dma_wait3A_18 : memref<1x16xf32, #tpu.memory_space<hbm>> -> memref<16xf32, #tpu.memory_space<hbm>>
      %dma_wait3A_20 = arith.constant 0 : i32
      %dma_wait3A_21 = tpu.memref_slice %arg4[%add3A, %dma_wait3A_20] : memref<32x16xf32, #tpu.memory_space<hbm>> -> memref<1x16xf32, #tpu.memory_space<hbm>>
      %dma_wait3A_22 = tpu.memref_squeeze %dma_wait3A_21 : memref<1x16xf32, #tpu.memory_space<hbm>> -> memref<16xf32, #tpu.memory_space<hbm>>
      tpu.wait_dma2 semaphore(%run_scoped3A : memref<!tpu.dma_semaphore, #tpu.memory_space<semaphore_mem>>) src(%dma_wait3A_22 : memref<16xf32, #tpu.memory_space<hbm>>) dst(%arg10 : memref<16xf32, #tpu.memory_space<vmem>>)
      tpu.yield
    }) : () -> ()
    "tpu.region"() ({
      %run_scoped3A = tpu.sem_alloc : memref<!tpu.dma_semaphore, #tpu.memory_space<semaphore_mem>>
      tpu.enqueue_dma source(%arg5 : memref<128xf32, #tpu.memory_space<hbm>>) target(%arg13 : memref<128xf32, #tpu.memory_space<vmem>>) target_semaphore(%run_scoped3A : memref<!tpu.dma_semaphore, #tpu.memory_space<semaphore_mem>>)
      tpu.wait_dma2 semaphore(%run_scoped3A : memref<!tpu.dma_semaphore, #tpu.memory_space<semaphore_mem>>) src(%arg5 : memref<128xf32, #tpu.memory_space<hbm>>) dst(%arg13 : memref<128xf32, #tpu.memory_space<vmem>>)
      tpu.yield
    }) : () -> ()
    %get3A = arith.constant 0 : index
    %get3A_1 = tpu.vector_load %arg10[%get3A] {strides = array<i32>} : memref<16xf32, #tpu.memory_space<vmem>>, vector<16xf32>,
    %broadcast_in_dim3A = arith.constant 0 : i32
    %broadcast_in_dim3A_2 = vector.broadcast %broadcast_in_dim3A : i32 to vector<16xi32>
    %broadcast_in_dim3A_3 = arith.constant 0.000000e+00 : f32
    %broadcast_in_dim3A_4 = vector.broadcast %broadcast_in_dim3A_3 : f32 to vector<16xf32>
    %scan3A = arith.constant 0 : i32
    %scan3A_5 = arith.constant 4 : i32
    %scan3A_6 = arith.addi %scan3A, %scan3A_5 : i32
    %scan3A_7 = arith.constant 1 : i32
    %scan3A_8:2 = scf.for %scan3A_13 = %scan3A to %scan3A_6 step %scan3A_7 iter_args(%scan3A_14 = %broadcast_in_dim3A_2, %scan3A_15 = %broadcast_in_dim3A_4) -> (vector<16xi32>, vector<16xf32>)  : i32 {
      %mul3A_16 = arith.constant 4 : i32
      %mul3A_17 = arith.muli %add3A, %mul3A_16 : i32
      %add3A_18 = arith.addi %mul3A_17, %scan3A_13 : i32
      %eq3A = vector.broadcast %scan3A_13 : i32 to vector<16xi32>
      %eq3A_19 = arith.cmpi eq, %iota3A, %eq3A : vector<16xi32>
      %jit3A = arith.constant 0xFF800000 : f32
      %broadcast_in_dim3A_20 = vector.broadcast %jit3A : f32 to vector<16xf32>
      %select_n3A = arith.select %eq3A_19, %get3A_1, %broadcast_in_dim3A_20 : vector<16xi1>, vector<16xf32>
      %reduce_max3A = arith.constant true
      %reduce_max3A_21 = vector.broadcast %reduce_max3A : i1 to vector<16xi1>
      %reduce_max3A_22 = tpu.scan <max>, %select_n3A masked %reduce_max3A_21 : vector<16xf32>, vector<16xi1> -> vector<16xf32>
      %reduce_max3A_23 = vector.extract %reduce_max3A_22[15] : f32 from vector<16xf32>
      %broadcast_in_dim3A_24 = vector.broadcast %reduce_max3A_23 : f32 to vector<16xf32>
      %and3A = arith.constant -16 : i32
      %and3A_25 = arith.andi %add3A_18, %and3A : i32
      %get3A_26 = arith.index_cast %and3A_25 : i32 to index
      %get3A_27 = tpu.vector_load %arg13[%get3A_26] {strides = array<i32>} : memref<128xf32, #tpu.memory_space<vmem>>, vector<16xf32>,
      %sub3A = arith.subi %add3A_18, %and3A_25 : i32
      %eq3A_28 = vector.broadcast %sub3A : i32 to vector<16xi32>
      %eq3A_29 = arith.cmpi eq, %iota3A, %eq3A_28 : vector<16xi32>
      %jit3A_30 = arith.constant 0xFF800000 : f32
      %broadcast_in_dim3A_31 = vector.broadcast %jit3A_30 : f32 to vector<16xf32>
      %select_n3A_32 = arith.select %eq3A_29, %get3A_27, %broadcast_in_dim3A_31 : vector<16xi1>, vector<16xf32>
      %reduce_max3A_33 = arith.constant true
      %reduce_max3A_34 = vector.broadcast %reduce_max3A_33 : i1 to vector<16xi1>
      %reduce_max3A_35 = tpu.scan <max>, %select_n3A_32 masked %reduce_max3A_34 : vector<16xf32>, vector<16xi1> -> vector<16xf32>
      %reduce_max3A_36 = vector.extract %reduce_max3A_35[15] : f32 from vector<16xf32>
      %eq3A_37 = arith.constant 0.000000e+00 : f32
      %eq3A_38 = arith.cmpf oeq, %reduce_max3A_36, %eq3A_37 : f32
      %jit3A_39 = arith.constant 1.000000e+00 : f32
      %select_n3A_40 = arith.select %eq3A_38, %jit3A_39, %reduce_max3A_36 : f32
      %broadcast_in_dim3A_41 = vector.broadcast %select_n3A_40 : f32 to vector<16xf32>
      %mul3A_42 = arith.constant 100000 : i32
      %mul3A_43 = arith.muli %add3A_18, %mul3A_42 : i32
      %dma_start3A = arith.constant 0 : i32
      %dma_start3A_44 = tpu.memref_slice %arg8[%dma_start3A] : memref<8000xf32, #tpu.memory_space<vmem>> -> memref<4000xf32, #tpu.memory_space<vmem>>
      %dma_start3A_45 = tpu.memref_slice %arg2[%mul3A_43] : memref<12800000xf32, #tpu.memory_space<hbm>> -> memref<4000xf32, #tpu.memory_space<hbm>>
      %dma_start3A_46 = arith.constant 0 : i32
      %dma_start3A_47 = tpu.memref_slice %arg8[%dma_start3A_46] : memref<8000xf32, #tpu.memory_space<vmem>> -> memref<4000xf32, #tpu.memory_space<vmem>>
      %dma_start3A_48 = tpu.memref_slice %arg2[%mul3A_43] : memref<12800000xf32, #tpu.memory_space<hbm>> -> memref<4000xf32, #tpu.memory_space<hbm>>
      tpu.enqueue_dma source(%dma_start3A_48 : memref<4000xf32, #tpu.memory_space<hbm>>) target(%dma_start3A_47 : memref<4000xf32, #tpu.memory_space<vmem>>) target_semaphore(%arg14 : memref<!tpu.dma_semaphore, #tpu.memory_space<semaphore_mem>>)
      %mul3A_49 = arith.constant 100000 : i32
      %mul3A_50 = arith.muli %add3A_18, %mul3A_49 : i32
      %dma_start3A_51 = arith.constant 0 : i32
      %dma_start3A_52 = tpu.memref_slice %arg9[%dma_start3A_51] : memref<8000xf32, #tpu.memory_space<vmem>> -> memref<4000xf32, #tpu.memory_space<vmem>>
      %dma_start3A_53 = tpu.memref_slice %arg3[%mul3A_50] : memref<12800000xf32, #tpu.memory_space<hbm>> -> memref<4000xf32, #tpu.memory_space<hbm>>
      %dma_start3A_54 = arith.constant 0 : i32
      %dma_start3A_55 = tpu.memref_slice %arg9[%dma_start3A_54] : memref<8000xf32, #tpu.memory_space<vmem>> -> memref<4000xf32, #tpu.memory_space<vmem>>
      %dma_start3A_56 = tpu.memref_slice %arg3[%mul3A_50] : memref<12800000xf32, #tpu.memory_space<hbm>> -> memref<4000xf32, #tpu.memory_space<hbm>>
      tpu.enqueue_dma source(%dma_start3A_56 : memref<4000xf32, #tpu.memory_space<hbm>>) target(%dma_start3A_55 : memref<4000xf32, #tpu.memory_space<vmem>>) target_semaphore(%arg15 : memref<!tpu.dma_semaphore, #tpu.memory_space<semaphore_mem>>)
      %broadcast_in_dim3A_57 = arith.constant 0xFF800000 : f32
      %broadcast_in_dim3A_58 = vector.broadcast %broadcast_in_dim3A_57 : f32 to vector<16xf32>
      %broadcast_in_dim3A_59 = arith.constant 0 : i32
      %broadcast_in_dim3A_60 = vector.broadcast %broadcast_in_dim3A_59 : i32 to vector<16xi32>
      %broadcast_in_dim3A_61 = arith.constant 0xFF800000 : f32
      %broadcast_in_dim3A_62 = vector.broadcast %broadcast_in_dim3A_61 : f32 to vector<16xf32>
      %scan3A_63 = arith.constant 0 : i32
      %scan3A_64 = arith.constant 25 : i32
      %scan3A_65 = arith.addi %scan3A_63, %scan3A_64 : i32
      %scan3A_66 = arith.constant 1 : i32
      %scan3A_67:3 = scf.for %scan3A_102 = %scan3A_63 to %scan3A_65 step %scan3A_66 iter_args(%scan3A_103 = %broadcast_in_dim3A_58, %scan3A_104 = %broadcast_in_dim3A_60, %scan3A_105 = %broadcast_in_dim3A_62) -> (vector<16xf32>, vector<16xi32>, vector<16xf32>)  : i32 {
        %and3A_106 = arith.constant 1 : i32
        %and3A_107 = arith.andi %scan3A_102, %and3A_106 : i32
        %mul3A_108 = arith.constant 4000 : i32
        %mul3A_109 = arith.muli %and3A_107, %mul3A_108 : i32
        %mul3A_110 = arith.constant 100000 : i32
        %mul3A_111 = arith.muli %add3A_18, %mul3A_110 : i32
        %mul3A_112 = arith.constant 4000 : i32
        %mul3A_113 = arith.muli %scan3A_102, %mul3A_112 : i32
        %add3A_114 = arith.addi %mul3A_111, %mul3A_113 : i32
        %dma_wait3A = tpu.memref_slice %arg8[%mul3A_109] : memref<8000xf32, #tpu.memory_space<vmem>> -> memref<4000xf32, #tpu.memory_space<vmem>>
        %dma_wait3A_115 = tpu.memref_slice %arg2[%add3A_114] : memref<12800000xf32, #tpu.memory_space<hbm>> -> memref<4000xf32, #tpu.memory_space<hbm>>
        %dma_wait3A_116 = tpu.memref_slice %arg8[%mul3A_109] : memref<8000xf32, #tpu.memory_space<vmem>> -> memref<4000xf32, #tpu.memory_space<vmem>>
        %dma_wait3A_117 = tpu.memref_slice %arg2[%add3A_114] : memref<12800000xf32, #tpu.memory_space<hbm>> -> memref<4000xf32, #tpu.memory_space<hbm>>
        tpu.wait_dma2 semaphore(%arg14 : memref<!tpu.dma_semaphore, #tpu.memory_space<semaphore_mem>>) src(%dma_wait3A_117 : memref<4000xf32, #tpu.memory_space<hbm>>) dst(%dma_wait3A_116 : memref<4000xf32, #tpu.memory_space<vmem>>)
        %mul3A_118 = arith.constant 100000 : i32
        %mul3A_119 = arith.muli %add3A_18, %mul3A_118 : i32
        %mul3A_120 = arith.constant 4000 : i32
        %mul3A_121 = arith.muli %scan3A_102, %mul3A_120 : i32
        %add3A_122 = arith.addi %mul3A_119, %mul3A_121 : i32
        %dma_wait3A_123 = tpu.memref_slice %arg9[%mul3A_109] : memref<8000xf32, #tpu.memory_space<vmem>> -> memref<4000xf32, #tpu.memory_space<vmem>>
        %dma_wait3A_124 = tpu.memref_slice %arg3[%add3A_122] : memref<12800000xf32, #tpu.memory_space<hbm>> -> memref<4000xf32, #tpu.memory_space<hbm>>
        %dma_wait3A_125 = tpu.memref_slice %arg9[%mul3A_109] : memref<8000xf32, #tpu.memory_space<vmem>> -> memref<4000xf32, #tpu.memory_space<vmem>>
        %dma_wait3A_126 = tpu.memref_slice %arg3[%add3A_122] : memref<12800000xf32, #tpu.memory_space<hbm>> -> memref<4000xf32, #tpu.memory_space<hbm>>
        tpu.wait_dma2 semaphore(%arg15 : memref<!tpu.dma_semaphore, #tpu.memory_space<semaphore_mem>>) src(%dma_wait3A_126 : memref<4000xf32, #tpu.memory_space<hbm>>) dst(%dma_wait3A_125 : memref<4000xf32, #tpu.memory_space<vmem>>)
        %add3A_127 = arith.constant 1 : i32
        %add3A_128 = arith.addi %scan3A_102, %add3A_127 : i32
        %lt3A = arith.constant 25 : i32
        %lt3A_129 = arith.cmpi slt, %add3A_128, %lt3A : i32
        %convert_element_type3A = arith.extui %lt3A_129 : i1 to i32
        %cond3A = arith.constant 0 : i32
        %cond3A_130 = arith.cmpi ne, %convert_element_type3A, %cond3A : i32
        scf.if %cond3A_130 {
          %add3A_134 = arith.constant 1 : i32
          %add3A_135 = arith.addi %scan3A_102, %add3A_134 : i32
          %and3A_136 = arith.constant 1 : i32
          %and3A_137 = arith.andi %add3A_135, %and3A_136 : i32
          %mul3A_138 = arith.constant 4000 : i32
          %mul3A_139 = arith.muli %and3A_137, %mul3A_138 : i32
          %mul3A_140 = arith.constant 100000 : i32
          %mul3A_141 = arith.muli %add3A_18, %mul3A_140 : i32
          %add3A_142 = arith.constant 1 : i32
          %add3A_143 = arith.addi %scan3A_102, %add3A_142 : i32
          %mul3A_144 = arith.constant 4000 : i32
          %mul3A_145 = arith.muli %add3A_143, %mul3A_144 : i32
          %add3A_146 = arith.addi %mul3A_141, %mul3A_145 : i32
          %dma_start3A_147 = tpu.memref_slice %arg8[%mul3A_139] : memref<8000xf32, #tpu.memory_space<vmem>> -> memref<4000xf32, #tpu.memory_space<vmem>>
          %dma_start3A_148 = tpu.memref_slice %arg2[%add3A_146] : memref<12800000xf32, #tpu.memory_space<hbm>> -> memref<4000xf32, #tpu.memory_space<hbm>>
          %dma_start3A_149 = tpu.memref_slice %arg8[%mul3A_139] : memref<8000xf32, #tpu.memory_space<vmem>> -> memref<4000xf32, #tpu.memory_space<vmem>>
          %dma_start3A_150 = tpu.memref_slice %arg2[%add3A_146] : memref<12800000xf32, #tpu.memory_space<hbm>> -> memref<4000xf32, #tpu.memory_space<hbm>>
          tpu.enqueue_dma source(%dma_start3A_150 : memref<4000xf32, #tpu.memory_space<hbm>>) target(%dma_start3A_149 : memref<4000xf32, #tpu.memory_space<vmem>>) target_semaphore(%arg14 : memref<!tpu.dma_semaphore, #tpu.memory_space<semaphore_mem>>)
          %dma_start3A_151 = tpu.memref_slice %arg9[%mul3A_139] : memref<8000xf32, #tpu.memory_space<vmem>> -> memref<4000xf32, #tpu.memory_space<vmem>>
          %dma_start3A_152 = tpu.memref_slice %arg3[%add3A_146] : memref<12800000xf32, #tpu.memory_space<hbm>> -> memref<4000xf32, #tpu.memory_space<hbm>>
          %dma_start3A_153 = tpu.memref_slice %arg9[%mul3A_139] : memref<8000xf32, #tpu.memory_space<vmem>> -> memref<4000xf32, #tpu.memory_space<vmem>>
          %dma_start3A_154 = tpu.memref_slice %arg3[%add3A_146] : memref<12800000xf32, #tpu.memory_space<hbm>> -> memref<4000xf32, #tpu.memory_space<hbm>>
          tpu.enqueue_dma source(%dma_start3A_154 : memref<4000xf32, #tpu.memory_space<hbm>>) target(%dma_start3A_153 : memref<4000xf32, #tpu.memory_space<vmem>>) target_semaphore(%arg15 : memref<!tpu.dma_semaphore, #tpu.memory_space<semaphore_mem>>)
        } else {
        }
        %parallel_loop3A = arith.constant 0 : i32
        %parallel_loop3A_131 = arith.constant 4000 : i32
        %parallel_loop3A_132 = arith.constant 80 : i32
        %parallel_loop3A_133:3 = scf.for %parallel_loop3A_134 = %parallel_loop3A to %parallel_loop3A_131 step %parallel_loop3A_132 iter_args(%parallel_loop3A_135 = %scan3A_103, %parallel_loop3A_136 = %scan3A_104, %parallel_loop3A_137 = %scan3A_105) -> (vector<16xf32>, vector<16xi32>, vector<16xf32>)  : i32 {
          %parallel_loop3A_138 = arith.addi %mul3A_109, %parallel_loop3A_134 : i32
          %parallel_loop3A_139 = arith.constant 0 : i32
          %parallel_loop3A_140 = arith.addi %parallel_loop3A_138, %parallel_loop3A_139 : i32
          %parallel_loop3A_141 = arith.index_cast %parallel_loop3A_140 : i32 to index
          %parallel_loop3A_142 = tpu.vector_load %arg8[%parallel_loop3A_141] {strides = array<i32>} : memref<8000xf32, #tpu.memory_space<vmem>>, vector<16xf32>,
          %parallel_loop3A_143 = arith.divf %parallel_loop3A_142, %broadcast_in_dim3A_41 : vector<16xf32>
          %parallel_loop3A_144 = arith.addi %mul3A_109, %parallel_loop3A_134 : i32
          %parallel_loop3A_145 = arith.constant 16 : i32
          %parallel_loop3A_146 = arith.addi %parallel_loop3A_144, %parallel_loop3A_145 : i32
          %parallel_loop3A_147 = arith.index_cast %parallel_loop3A_146 : i32 to index
          %parallel_loop3A_148 = tpu.vector_load %arg8[%parallel_loop3A_147] {strides = array<i32>} : memref<8000xf32, #tpu.memory_space<vmem>>, vector<16xf32>,
          %parallel_loop3A_149 = arith.divf %parallel_loop3A_148, %broadcast_in_dim3A_41 : vector<16xf32>
          %parallel_loop3A_150 = arith.addi %mul3A_109, %parallel_loop3A_134 : i32
          %parallel_loop3A_151 = arith.constant 32 : i32
          %parallel_loop3A_152 = arith.addi %parallel_loop3A_150, %parallel_loop3A_151 : i32
          %parallel_loop3A_153 = arith.index_cast %parallel_loop3A_152 : i32 to index
          %parallel_loop3A_154 = tpu.vector_load %arg8[%parallel_loop3A_153] {strides = array<i32>} : memref<8000xf32, #tpu.memory_space<vmem>>, vector<16xf32>,
          %parallel_loop3A_155 = arith.divf %parallel_loop3A_154, %broadcast_in_dim3A_41 : vector<16xf32>
          %parallel_loop3A_156 = arith.addi %mul3A_109, %parallel_loop3A_134 : i32
          %parallel_loop3A_157 = arith.constant 48 : i32
          %parallel_loop3A_158 = arith.addi %parallel_loop3A_156, %parallel_loop3A_157 : i32
          %parallel_loop3A_159 = arith.index_cast %parallel_loop3A_158 : i32 to index
          %parallel_loop3A_160 = tpu.vector_load %arg8[%parallel_loop3A_159] {strides = array<i32>} : memref<8000xf32, #tpu.memory_space<vmem>>, vector<16xf32>,
          %parallel_loop3A_161 = arith.divf %parallel_loop3A_160, %broadcast_in_dim3A_41 : vector<16xf32>
          %parallel_loop3A_162 = arith.addi %mul3A_109, %parallel_loop3A_134 : i32
          %parallel_loop3A_163 = arith.constant 64 : i32
          %parallel_loop3A_164 = arith.addi %parallel_loop3A_162, %parallel_loop3A_163 : i32
          %parallel_loop3A_165 = arith.index_cast %parallel_loop3A_164 : i32 to index
          %parallel_loop3A_166 = tpu.vector_load %arg8[%parallel_loop3A_165] {strides = array<i32>} : memref<8000xf32, #tpu.memory_space<vmem>>, vector<16xf32>,
          %parallel_loop3A_167 = arith.divf %parallel_loop3A_166, %broadcast_in_dim3A_41 : vector<16xf32>
          %parallel_loop3A_168 = arith.addi %mul3A_109, %parallel_loop3A_134 : i32
          %parallel_loop3A_169 = arith.constant 0 : i32
          %parallel_loop3A_170 = arith.addi %parallel_loop3A_168, %parallel_loop3A_169 : i32
          %parallel_loop3A_171 = arith.index_cast %parallel_loop3A_170 : i32 to index
          %parallel_loop3A_172 = tpu.vector_load %arg9[%parallel_loop3A_171] {strides = array<i32>} : memref<8000xf32, #tpu.memory_space<vmem>>, vector<16xf32>,
          %parallel_loop3A_173 = arith.addi %mul3A_109, %parallel_loop3A_134 : i32
          %parallel_loop3A_174 = arith.constant 16 : i32
          %parallel_loop3A_175 = arith.addi %parallel_loop3A_173, %parallel_loop3A_174 : i32
          %parallel_loop3A_176 = arith.index_cast %parallel_loop3A_175 : i32 to index
          %parallel_loop3A_177 = tpu.vector_load %arg9[%parallel_loop3A_176] {strides = array<i32>} : memref<8000xf32, #tpu.memory_space<vmem>>, vector<16xf32>,
          %parallel_loop3A_178 = arith.addi %mul3A_109, %parallel_loop3A_134 : i32
          %parallel_loop3A_179 = arith.constant 32 : i32
          %parallel_loop3A_180 = arith.addi %parallel_loop3A_178, %parallel_loop3A_179 : i32
          %parallel_loop3A_181 = arith.index_cast %parallel_loop3A_180 : i32 to index
          %parallel_loop3A_182 = tpu.vector_load %arg9[%parallel_loop3A_181] {strides = array<i32>} : memref<8000xf32, #tpu.memory_space<vmem>>, vector<16xf32>,
          %parallel_loop3A_183 = arith.addi %mul3A_109, %parallel_loop3A_134 : i32
          %parallel_loop3A_184 = arith.constant 48 : i32
          %parallel_loop3A_185 = arith.addi %parallel_loop3A_183, %parallel_loop3A_184 : i32
          %parallel_loop3A_186 = arith.index_cast %parallel_loop3A_185 : i32 to index
          %parallel_loop3A_187 = tpu.vector_load %arg9[%parallel_loop3A_186] {strides = array<i32>} : memref<8000xf32, #tpu.memory_space<vmem>>, vector<16xf32>,
          %parallel_loop3A_188 = arith.addi %mul3A_109, %parallel_loop3A_134 : i32
          %parallel_loop3A_189 = arith.constant 64 : i32
          %parallel_loop3A_190 = arith.addi %parallel_loop3A_188, %parallel_loop3A_189 : i32
          %parallel_loop3A_191 = arith.index_cast %parallel_loop3A_190 : i32 to index
          %parallel_loop3A_192 = tpu.vector_load %arg9[%parallel_loop3A_191] {strides = array<i32>} : memref<8000xf32, #tpu.memory_space<vmem>>, vector<16xf32>,
          %parallel_loop3A_193 = arith.cmpf oge, %parallel_loop3A_143, %broadcast_in_dim3A_24 : vector<16xf32>
          %parallel_loop3A_194 = arith.addf %parallel_loop3A_143, %parallel_loop3A_172 : vector<16xf32>
          %parallel_loop3A_195 = arith.constant 0xFF800000 : f32
          %parallel_loop3A_196 = vector.broadcast %parallel_loop3A_195 : f32 to vector<16xf32>
          %parallel_loop3A_197 = arith.select %parallel_loop3A_193, %parallel_loop3A_194, %parallel_loop3A_196 : vector<16xi1>, vector<16xf32>
          %parallel_loop3A_198 = arith.constant 4000 : i32
          %parallel_loop3A_199 = arith.muli %scan3A_102, %parallel_loop3A_198 : i32
          %parallel_loop3A_200 = arith.addi %parallel_loop3A_199, %parallel_loop3A_134 : i32
          %parallel_loop3A_201 = arith.constant 0 : i32
          %parallel_loop3A_202 = arith.addi %parallel_loop3A_200, %parallel_loop3A_201 : i32
          %parallel_loop3A_203 = vector.broadcast %parallel_loop3A_202 : i32 to vector<16xi32>
          %parallel_loop3A_204 = arith.addi %parallel_loop3A_203, %iota3A : vector<16xi32>
          %parallel_loop3A_205 = arith.cmpf oge, %parallel_loop3A_149, %broadcast_in_dim3A_24 : vector<16xf32>
          %parallel_loop3A_206 = arith.addf %parallel_loop3A_149, %parallel_loop3A_177 : vector<16xf32>
          %parallel_loop3A_207 = arith.constant 0xFF800000 : f32
          %parallel_loop3A_208 = vector.broadcast %parallel_loop3A_207 : f32 to vector<16xf32>
          %parallel_loop3A_209 = arith.select %parallel_loop3A_205, %parallel_loop3A_206, %parallel_loop3A_208 : vector<16xi1>, vector<16xf32>
          %parallel_loop3A_210 = arith.constant 4000 : i32
          %parallel_loop3A_211 = arith.muli %scan3A_102, %parallel_loop3A_210 : i32
          %parallel_loop3A_212 = arith.addi %parallel_loop3A_211, %parallel_loop3A_134 : i32
          %parallel_loop3A_213 = arith.constant 16 : i32
          %parallel_loop3A_214 = arith.addi %parallel_loop3A_212, %parallel_loop3A_213 : i32
          %parallel_loop3A_215 = vector.broadcast %parallel_loop3A_214 : i32 to vector<16xi32>
          %parallel_loop3A_216 = arith.addi %parallel_loop3A_215, %iota3A : vector<16xi32>
          %parallel_loop3A_217 = arith.cmpf oge, %parallel_loop3A_155, %broadcast_in_dim3A_24 : vector<16xf32>
          %parallel_loop3A_218 = arith.addf %parallel_loop3A_155, %parallel_loop3A_182 : vector<16xf32>
          %parallel_loop3A_219 = arith.constant 0xFF800000 : f32
          %parallel_loop3A_220 = vector.broadcast %parallel_loop3A_219 : f32 to vector<16xf32>
          %parallel_loop3A_221 = arith.select %parallel_loop3A_217, %parallel_loop3A_218, %parallel_loop3A_220 : vector<16xi1>, vector<16xf32>
          %parallel_loop3A_222 = arith.constant 4000 : i32
          %parallel_loop3A_223 = arith.muli %scan3A_102, %parallel_loop3A_222 : i32
          %parallel_loop3A_224 = arith.addi %parallel_loop3A_223, %parallel_loop3A_134 : i32
          %parallel_loop3A_225 = arith.constant 32 : i32
          %parallel_loop3A_226 = arith.addi %parallel_loop3A_224, %parallel_loop3A_225 : i32
          %parallel_loop3A_227 = vector.broadcast %parallel_loop3A_226 : i32 to vector<16xi32>
          %parallel_loop3A_228 = arith.addi %parallel_loop3A_227, %iota3A : vector<16xi32>
          %parallel_loop3A_229 = arith.cmpf oge, %parallel_loop3A_161, %broadcast_in_dim3A_24 : vector<16xf32>
          %parallel_loop3A_230 = arith.addf %parallel_loop3A_161, %parallel_loop3A_187 : vector<16xf32>
          %parallel_loop3A_231 = arith.constant 0xFF800000 : f32
          %parallel_loop3A_232 = vector.broadcast %parallel_loop3A_231 : f32 to vector<16xf32>
          %parallel_loop3A_233 = arith.select %parallel_loop3A_229, %parallel_loop3A_230, %parallel_loop3A_232 : vector<16xi1>, vector<16xf32>
          %parallel_loop3A_234 = arith.constant 4000 : i32
          %parallel_loop3A_235 = arith.muli %scan3A_102, %parallel_loop3A_234 : i32
          %parallel_loop3A_236 = arith.addi %parallel_loop3A_235, %parallel_loop3A_134 : i32
          %parallel_loop3A_237 = arith.constant 48 : i32
          %parallel_loop3A_238 = arith.addi %parallel_loop3A_236, %parallel_loop3A_237 : i32
          %parallel_loop3A_239 = vector.broadcast %parallel_loop3A_238 : i32 to vector<16xi32>
          %parallel_loop3A_240 = arith.addi %parallel_loop3A_239, %iota3A : vector<16xi32>
          %parallel_loop3A_241 = arith.cmpf oge, %parallel_loop3A_167, %broadcast_in_dim3A_24 : vector<16xf32>
          %parallel_loop3A_242 = arith.addf %parallel_loop3A_167, %parallel_loop3A_192 : vector<16xf32>
          %parallel_loop3A_243 = arith.constant 0xFF800000 : f32
          %parallel_loop3A_244 = vector.broadcast %parallel_loop3A_243 : f32 to vector<16xf32>
          %parallel_loop3A_245 = arith.select %parallel_loop3A_241, %parallel_loop3A_242, %parallel_loop3A_244 : vector<16xi1>, vector<16xf32>
          %parallel_loop3A_246 = arith.constant 4000 : i32
          %parallel_loop3A_247 = arith.muli %scan3A_102, %parallel_loop3A_246 : i32
          %parallel_loop3A_248 = arith.addi %parallel_loop3A_247, %parallel_loop3A_134 : i32
          %parallel_loop3A_249 = arith.constant 64 : i32
          %parallel_loop3A_250 = arith.addi %parallel_loop3A_248, %parallel_loop3A_249 : i32
          %parallel_loop3A_251 = vector.broadcast %parallel_loop3A_250 : i32 to vector<16xi32>
          %parallel_loop3A_252 = arith.addi %parallel_loop3A_251, %iota3A : vector<16xi32>
          %parallel_loop3A_253 = arith.cmpf ogt, %parallel_loop3A_209, %parallel_loop3A_197 : vector<16xf32>
          %parallel_loop3A_254 = arith.select %parallel_loop3A_253, %parallel_loop3A_209, %parallel_loop3A_197 : vector<16xi1>, vector<16xf32>
          %parallel_loop3A_255 = arith.select %parallel_loop3A_253, %parallel_loop3A_216, %parallel_loop3A_204 : vector<16xi1>, vector<16xi32>
          %parallel_loop3A_256 = arith.select %parallel_loop3A_253, %parallel_loop3A_149, %parallel_loop3A_143 : vector<16xi1>, vector<16xf32>
          %parallel_loop3A_257 = arith.cmpf ogt, %parallel_loop3A_233, %parallel_loop3A_221 : vector<16xf32>
          %parallel_loop3A_258 = arith.select %parallel_loop3A_257, %parallel_loop3A_233, %parallel_loop3A_221 : vector<16xi1>, vector<16xf32>
          %parallel_loop3A_259 = arith.select %parallel_loop3A_257, %parallel_loop3A_240, %parallel_loop3A_228 : vector<16xi1>, vector<16xi32>
          %parallel_loop3A_260 = arith.select %parallel_loop3A_257, %parallel_loop3A_161, %parallel_loop3A_155 : vector<16xi1>, vector<16xf32>
          %parallel_loop3A_261 = arith.cmpf ogt, %parallel_loop3A_258, %parallel_loop3A_254 : vector<16xf32>
          %parallel_loop3A_262 = arith.select %parallel_loop3A_261, %parallel_loop3A_258, %parallel_loop3A_254 : vector<16xi1>, vector<16xf32>
          %parallel_loop3A_263 = arith.select %parallel_loop3A_261, %parallel_loop3A_259, %parallel_loop3A_255 : vector<16xi1>, vector<16xi32>
          %parallel_loop3A_264 = arith.select %parallel_loop3A_261, %parallel_loop3A_260, %parallel_loop3A_256 : vector<16xi1>, vector<16xf32>
          %parallel_loop3A_265 = arith.cmpf ogt, %parallel_loop3A_245, %parallel_loop3A_262 : vector<16xf32>
          %parallel_loop3A_266 = arith.select %parallel_loop3A_265, %parallel_loop3A_245, %parallel_loop3A_262 : vector<16xi1>, vector<16xf32>
          %parallel_loop3A_267 = arith.select %parallel_loop3A_265, %parallel_loop3A_252, %parallel_loop3A_263 : vector<16xi1>, vector<16xi32>
          %parallel_loop3A_268 = arith.select %parallel_loop3A_265, %parallel_loop3A_167, %parallel_loop3A_264 : vector<16xi1>, vector<16xf32>
          %parallel_loop3A_269 = arith.cmpf ogt, %parallel_loop3A_266, %parallel_loop3A_135 : vector<16xf32>
          %parallel_loop3A_270 = arith.select %parallel_loop3A_269, %parallel_loop3A_266, %parallel_loop3A_135 : vector<16xi1>, vector<16xf32>
          %parallel_loop3A_271 = arith.select %parallel_loop3A_269, %parallel_loop3A_267, %parallel_loop3A_136 : vector<16xi1>, vector<16xi32>
          %parallel_loop3A_272 = arith.select %parallel_loop3A_269, %parallel_loop3A_268, %parallel_loop3A_137 : vector<16xi1>, vector<16xf32>
          scf.yield %parallel_loop3A_270, %parallel_loop3A_271, %parallel_loop3A_272 : vector<16xf32>, vector<16xi32>, vector<16xf32>
        } {sc.loop_unroll_factor = 2 : i64, sc.parallel_access}
        scf.yield %parallel_loop3A_133#0, %parallel_loop3A_133#1, %parallel_loop3A_133#2 : vector<16xf32>, vector<16xi32>, vector<16xf32>
      }
      %scan3A_68 = arith.constant 25 : i32
      %reduce_max3A_69 = arith.constant true
      %reduce_max3A_70 = vector.broadcast %reduce_max3A_69 : i1 to vector<16xi1>
      %reduce_max3A_71 = tpu.scan <max>, %scan3A_67#0 masked %reduce_max3A_70 : vector<16xf32>, vector<16xi1> -> vector<16xf32>
      %reduce_max3A_72 = vector.extract %reduce_max3A_71[15] : f32 from vector<16xf32>
      %broadcast_in_dim3A_73 = vector.broadcast %reduce_max3A_72 : f32 to vector<16xf32>
      %eq3A_74 = arith.cmpf oeq, %scan3A_67#0, %broadcast_in_dim3A_73 : vector<16xf32>
      %broadcast_in_dim3A_75 = arith.constant 2147483647 : i32
      %broadcast_in_dim3A_76 = vector.broadcast %broadcast_in_dim3A_75 : i32 to vector<16xi32>
      %select_n3A_77 = arith.select %eq3A_74, %scan3A_67#1, %broadcast_in_dim3A_76 : vector<16xi1>, vector<16xi32>
      %reduce_min3A = arith.constant true
      %reduce_min3A_78 = vector.broadcast %reduce_min3A : i1 to vector<16xi1>
      %reduce_min3A_79 = arith.constant -2147483648 : i32
      %reduce_min3A_80 = vector.broadcast %reduce_min3A_79 : i32 to vector<16xi32>
      %reduce_min3A_81 = arith.xori %select_n3A_77, %reduce_min3A_80 : vector<16xi32>
      %reduce_min3A_82 = tpu.scan <min>, %reduce_min3A_81 masked %reduce_min3A_78 : vector<16xi32>, vector<16xi1> -> vector<16xi32>
      %reduce_min3A_83 = arith.xori %reduce_min3A_82, %reduce_min3A_80 : vector<16xi32>
      %reduce_min3A_84 = vector.extract %reduce_min3A_83[15] : i32 from vector<16xi32>
      %broadcast_in_dim3A_85 = vector.broadcast %reduce_min3A_84 : i32 to vector<16xi32>
      %eq3A_86 = arith.cmpi eq, %scan3A_67#1, %broadcast_in_dim3A_85 : vector<16xi32>
      %and3A_87 = arith.andi %eq3A_74, %eq3A_86 : vector<16xi1>
      %jit3A_88 = arith.constant 0xFF800000 : f32
      %broadcast_in_dim3A_89 = vector.broadcast %jit3A_88 : f32 to vector<16xf32>
      %select_n3A_90 = arith.select %and3A_87, %scan3A_67#2, %broadcast_in_dim3A_89 : vector<16xi1>, vector<16xf32>
      %reduce_max3A_91 = arith.constant true
      %reduce_max3A_92 = vector.broadcast %reduce_max3A_91 : i1 to vector<16xi1>
      %reduce_max3A_93 = tpu.scan <max>, %select_n3A_90 masked %reduce_max3A_92 : vector<16xf32>, vector<16xi1> -> vector<16xf32>
      %reduce_max3A_94 = vector.extract %reduce_max3A_93[15] : f32 from vector<16xf32>
      %broadcast_in_dim3A_95 = vector.broadcast %scan3A_13 : i32 to vector<16xi32>
      %eq3A_96 = arith.cmpi eq, %iota3A, %broadcast_in_dim3A_95 : vector<16xi32>
      %broadcast_in_dim3A_97 = vector.broadcast %reduce_min3A_84 : i32 to vector<16xi32>
      %select_n3A_98 = arith.select %eq3A_96, %broadcast_in_dim3A_97, %scan3A_14 : vector<16xi1>, vector<16xi32>
      %eq3A_99 = arith.cmpi eq, %iota3A, %broadcast_in_dim3A_95 : vector<16xi32>
      %broadcast_in_dim3A_100 = vector.broadcast %reduce_max3A_94 : f32 to vector<16xf32>
      %select_n3A_101 = arith.select %eq3A_99, %broadcast_in_dim3A_100, %scan3A_15 : vector<16xi1>, vector<16xf32>
      scf.yield %select_n3A_98, %select_n3A_101 : vector<16xi32>, vector<16xf32>
    }
    %scan3A_9 = arith.constant 4 : i32
    %swap3A = arith.constant 0 : index
    %swap3A_10 = tpu.vector_load %arg11[%swap3A] {strides = array<i32>} : memref<16xi32, #tpu.memory_space<vmem>>, vector<16xi32>,
    tpu.vector_store %arg11[%swap3A], %scan3A_8#0 {strides = array<i32>} : memref<16xi32, #tpu.memory_space<vmem>>, vector<16xi32>,
    %swap3A_11 = arith.constant 0 : index
    %swap3A_12 = tpu.vector_load %arg12[%swap3A_11] {strides = array<i32>} : memref<16xf32, #tpu.memory_space<vmem>>, vector<16xf32>,
    tpu.vector_store %arg12[%swap3A_11], %scan3A_8#1 {strides = array<i32>} : memref<16xf32, #tpu.memory_space<vmem>>, vector<16xf32>,
    "tpu.region"() ({
      %run_scoped3A = tpu.sem_alloc : memref<!tpu.dma_semaphore, #tpu.memory_space<semaphore_mem>>
      %dma_start3A = arith.constant 0 : i32
      %dma_start3A_13 = tpu.memref_slice %arg6[%add3A, %dma_start3A] : memref<32x16xi32, #tpu.memory_space<hbm>> -> memref<1x16xi32, #tpu.memory_space<hbm>>
      %dma_start3A_14 = tpu.memref_squeeze %dma_start3A_13 : memref<1x16xi32, #tpu.memory_space<hbm>> -> memref<16xi32, #tpu.memory_space<hbm>>
      %dma_start3A_15 = arith.constant 0 : i32
      %dma_start3A_16 = tpu.memref_slice %arg6[%add3A, %dma_start3A_15] : memref<32x16xi32, #tpu.memory_space<hbm>> -> memref<1x16xi32, #tpu.memory_space<hbm>>
      %dma_start3A_17 = tpu.memref_squeeze %dma_start3A_16 : memref<1x16xi32, #tpu.memory_space<hbm>> -> memref<16xi32, #tpu.memory_space<hbm>>
      tpu.enqueue_dma source(%arg11 : memref<16xi32, #tpu.memory_space<vmem>>) target(%dma_start3A_17 : memref<16xi32, #tpu.memory_space<hbm>>) target_semaphore(%run_scoped3A : memref<!tpu.dma_semaphore, #tpu.memory_space<semaphore_mem>>)
      %dma_wait3A = arith.constant 0 : i32
      %dma_wait3A_18 = tpu.memref_slice %arg6[%add3A, %dma_wait3A] : memref<32x16xi32, #tpu.memory_space<hbm>> -> memref<1x16xi32, #tpu.memory_space<hbm>>
      %dma_wait3A_19 = tpu.memref_squeeze %dma_wait3A_18 : memref<1x16xi32, #tpu.memory_space<hbm>> -> memref<16xi32, #tpu.memory_space<hbm>>
      %dma_wait3A_20 = arith.constant 0 : i32
      %dma_wait3A_21 = tpu.memref_slice %arg6[%add3A, %dma_wait3A_20] : memref<32x16xi32, #tpu.memory_space<hbm>> -> memref<1x16xi32, #tpu.memory_space<hbm>>
      %dma_wait3A_22 = tpu.memref_squeeze %dma_wait3A_21 : memref<1x16xi32, #tpu.memory_space<hbm>> -> memref<16xi32, #tpu.memory_space<hbm>>
      tpu.wait_dma2 semaphore(%run_scoped3A : memref<!tpu.dma_semaphore, #tpu.memory_space<semaphore_mem>>) src(%arg11 : memref<16xi32, #tpu.memory_space<vmem>>) dst(%dma_wait3A_22 : memref<16xi32, #tpu.memory_space<hbm>>)
      tpu.yield
    }) : () -> ()
    "tpu.region"() ({
      %run_scoped3A = tpu.sem_alloc : memref<!tpu.dma_semaphore, #tpu.memory_space<semaphore_mem>>
      %dma_start3A = arith.constant 0 : i32
      %dma_start3A_13 = tpu.memref_slice %arg7[%add3A, %dma_start3A] : memref<32x16xf32, #tpu.memory_space<hbm>> -> memref<1x16xf32, #tpu.memory_space<hbm>>
      %dma_start3A_14 = tpu.memref_squeeze %dma_start3A_13 : memref<1x16xf32, #tpu.memory_space<hbm>> -> memref<16xf32, #tpu.memory_space<hbm>>
      %dma_start3A_15 = arith.constant 0 : i32
      %dma_start3A_16 = tpu.memref_slice %arg7[%add3A, %dma_start3A_15] : memref<32x16xf32, #tpu.memory_space<hbm>> -> memref<1x16xf32, #tpu.memory_space<hbm>>
      %dma_start3A_17 = tpu.memref_squeeze %dma_start3A_16 : memref<1x16xf32, #tpu.memory_space<hbm>> -> memref<16xf32, #tpu.memory_space<hbm>>
      tpu.enqueue_dma source(%arg12 : memref<16xf32, #tpu.memory_space<vmem>>) target(%dma_start3A_17 : memref<16xf32, #tpu.memory_space<hbm>>) target_semaphore(%run_scoped3A : memref<!tpu.dma_semaphore, #tpu.memory_space<semaphore_mem>>)
      %dma_wait3A = arith.constant 0 : i32
      %dma_wait3A_18 = tpu.memref_slice %arg7[%add3A, %dma_wait3A] : memref<32x16xf32, #tpu.memory_space<hbm>> -> memref<1x16xf32, #tpu.memory_space<hbm>>
      %dma_wait3A_19 = tpu.memref_squeeze %dma_wait3A_18 : memref<1x16xf32, #tpu.memory_space<hbm>> -> memref<16xf32, #tpu.memory_space<hbm>>
      %dma_wait3A_20 = arith.constant 0 : i32
      %dma_wait3A_21 = tpu.memref_slice %arg7[%add3A, %dma_wait3A_20] : memref<32x16xf32, #tpu.memory_space<hbm>> -> memref<1x16xf32, #tpu.memory_space<hbm>>
      %dma_wait3A_22 = tpu.memref_squeeze %dma_wait3A_21 : memref<1x16xf32, #tpu.memory_space<hbm>> -> memref<16xf32, #tpu.memory_space<hbm>>
      tpu.wait_dma2 semaphore(%run_scoped3A : memref<!tpu.dma_semaphore, #tpu.memory_space<semaphore_mem>>) src(%arg12 : memref<16xf32, #tpu.memory_space<vmem>>) dst(%dma_wait3A_22 : memref<16xf32, #tpu.memory_space<hbm>>)
      tpu.yield
    }) : () -> ()
    return
  }
}

</mosaic_0001>

<sc_bundles>
// kernel: kernel.4.cloned.1.call-start
scs
__scs_entry_jumppad:
0x0: {  	(pc) =	sbr.rel $0x88, $3  }
0x1: {  	(tag) =	ssettag $0x0;
	lr =	simm.s32 $0x1  }
0x2: {  	[smem:$0x3F9D] =	sst lr;
	_ =	strace $0xD0000000  }
0x3: {  	_ = 	snop  }
0x4: {  	_ = 	snop  }
0x5: {  	_ = 	snop  }
0x6: {  	_ = 	snop  }
0x7: {  	_ = 	snop  }
__scs_overlays_trampoline_lowered:
0x8: {  	[smem:$0x3FAC] =	sst s0  }
0x9: {  	[smem:$0x3FAD] =	sst s1  }
0xa: {  	[smem:$0x3FAE] =	sst s2  }
0xb: {  	[smem:$0x3FAF] =	sst s3  }
0xc: {  	[smem:$0x3FB0] =	sst s4  }
0xd: {  	[smem:$0x3FB1] =	sst s5  }
0xe: {  	[smem:$0x3FB2] =	sst s6  }
0xf: {  	[smem:$0x3FB3] =	sst s7  }
0x10: {  	[smem:$0x3FB4] =	sst s8  }
0x11: {  	[smem:$0x3FB5] =	sst s9;
	s0 =	simm.s32 @!p0 $0x0  }
0x12: {  	s1 =	sld [smem:$0x3F9B];
	s0 =	simm.s32 @p0 $0x1  }
0x13: {  	[smem:$0x3FB6] =	sst s0;
	s0 =	simm.s32 @!p1 $0x0  }
0x14: {  	s2 =	sld [smem:$0x3F9A];
	s0 =	simm.s32 @p1 $0x1  }
0x15: {  	[smem:$0x3FB7] =	sst s0;
	s0 =	simm.s32 @!p2 $0x0  }
0x16: {  	s3 =	sld [smem:$0x3FDB];
	s0 =	simm.s32 @p2 $0x1  }
0x17: {  	s4 =	simm.s32 $0x1BF5;
	[smem:$0x3FB9] =	sst s0  }
0x18: {  	s0 =	sld [smem:$0x3F9C];
	_ =	swait.ge [sflag:s4], $0x0  }
0x19: {  	s7 =	sld [smem:$0x3F9D]  }
0x1a: {  	s8 =	sadd.s32 $0xFFFFE003, lr  }
0x1b: {  	s9 =	sadd.s32 $0xFFFFFEF7, lr;
	s5 =	simm.s32 $0xFFFFFFFF;
	p2 =	slt.u32 s8, $0xFFFFF086  }
0x1c: {  	p1 =	slt.u32 s9, $0xF7A;
	s5 =	simm.s32 @!p2 $0x0  }
0x1d: {  	s5 =	simm.s32 @p1 $0x1;
	p0 =	seq.s32 s7, s2  }
0x1e: {  	s7 =	smul.u32 @!p0 $0xF7A, s2;
	p2 =	seq.s32 @!p0 s5, $0x0  }
0x1f: {  	s9 =	smul.u32 $0xF7A, s1;
	s8 =	simm.s32 @!p0 $0x1BF5;
	p2 =	por !p2, p0  }
0x20: {  	[sflag:s8] =	ssyncset.s32 @!p0 $0xFFFFF086;
	s6 =	sadd.s32 @!p0 s3, s7;
	s7 =	simm.s32 @!p0 $0x108  }
0x21: {  	s3 =	sadd.s32 s3, s9;
	s6 =	sadd.s32 @!p0 $0x88, s6;
	s7 =	simm.s32 @p2 $0x1082  }
0x22: {  	[simem:s7], [sflag:s8] =	dma.local @!p0 [hbm:s6], $0xF7A  }
0x23: {  	s9 =	sor.u32 $0xD0000000, s2;
	s6 =	simm.s32 $0x108;
	_ =	swait.ge @!p0 [sflag:s8], $0x0  }
0x24: {  	s3 =	sadd.s32 $0x88, s3;
	s6 =	simm.s32 @!p1 $0x1082;
	[sflag:s4] =	ssyncset.s32 $0xFFFFF086  }
0x25: {  	[simem:s6], [sflag:s4] =	dma.local [hbm:s3], $0xF7A  }
0x26: {  	[smem:$0x3F9D] =	sst s1;
	(tag) =	ssettag s2;
	_ =	strace s9  }
0x27: {  	s1 =	sld [smem:$0x3FAD]  }
0x28: {  	s2 =	sld [smem:$0x3FAE]  }
0x29: {  	s4 =	sld [smem:$0x3FB0]  }
0x2a: {  	p0 =	seq.s32 s5, $0x0;
	s5 =	sld [smem:$0x3FB1]  }
0x2b: {  	s6 =	sld [smem:$0x3FB2]  }
0x2c: {  	s7 =	sld [smem:$0x3FB3]  }
0x2d: {  	s3 =	simm.s32 $0x108;
	s8 =	sld [smem:$0x3FB4]  }
0x2e: {  	s3 =	simm.s32 @!p0 $0x1082;
	s9 =	sld [smem:$0x3FB5]  }
0x2f: {  	lr =	sadd.s32 s0, s3;
	s0 =	sld [smem:$0x3FAC]  }
0x30: {  	s3 =	sld [smem:$0x3FAF]  }
0x31: {  	[smem:$0x3FB8] =	sst s10  }
0x32: {  	s10 =	sld [smem:$0x3FB6];
	_ =	sdelay $0x3  }
0x33: {  	p0 =	seq.s32 s10, $0x1;
	s10 =	sld [smem:$0x3FB8];
	_ =	sdelay $0x3  }
0x34: {  	[smem:$0x3FB8] =	sst s10  }
0x35: {  	s10 =	sld [smem:$0x3FB7];
	_ =	sdelay $0x3  }
0x36: {  	p1 =	seq.s32 s10, $0x1;
	s10 =	sld [smem:$0x3FB8];
	_ =	sdelay $0x3  }
0x37: {  	[smem:$0x3FB8] =	sst s10  }
0x38: {  	s10 =	sld [smem:$0x3FB9]  }
0x39: {  	_ = 	snop;
	(pc) =	sbr.ind lr, $3  }
0x3a: {  	_ = 	snop  }
0x3b: {  	_ = 	snop  }
0x3c: {  	p2 =	seq.s32 s10, $0x1;
	s10 =	sld [smem:$0x3FB8]  }
0x3d: {  	_ =	shalt  }
0x3e: {  	_ =	shalt  }
0x3f: {  	_ =	shalt  }
0x40: {  	_ =	shalt  }
0x41: {  	_ =	shalt  }
0x42: {  	_ =	shalt  }
0x43: {  	_ =	shalt  }
0x44: {  	_ =	shalt  }
0x45: {  	_ =	shalt  }
0x46: {  	_ =	shalt  }
0x47: {  	_ =	shalt  }
0x48: {  	_ =	shalt  }
0x49: {  	_ =	shalt  }
0x4a: {  	_ =	shalt  }
0x4b: {  	_ =	shalt  }
0x4c: {  	_ =	shalt  }
0x4d: {  	_ =	shalt  }
0x4e: {  	_ =	shalt  }
0x4f: {  	_ =	shalt  }
0x50: {  	_ =	shalt  }
0x51: {  	_ =	shalt  }
0x52: {  	_ =	shalt  }
0x53: {  	_ =	shalt  }
0x54: {  	_ =	shalt  }
0x55: {  	_ =	shalt  }
0x56: {  	_ =	shalt  }
0x57: {  	_ =	shalt  }
0x58: {  	_ =	shalt  }
0x59: {  	_ =	shalt  }
0x5a: {  	_ =	shalt  }
0x5b: {  	_ =	shalt  }
0x5c: {  	_ =	shalt  }
0x5d: {  	_ =	shalt  }
0x5e: {  	_ =	shalt  }
0x5f: {  	_ =	shalt  }
0x60: {  	_ =	shalt  }
0x61: {  	_ =	shalt  }
0x62: {  	_ =	shalt  }
0x63: {  	_ =	shalt  }
0x64: {  	_ =	shalt  }
0x65: {  	_ =	shalt  }
0x66: {  	_ =	shalt  }
0x67: {  	_ =	shalt  }
0x68: {  	_ =	shalt  }
0x69: {  	_ =	shalt  }
0x6a: {  	_ =	shalt  }
0x6b: {  	_ =	shalt  }
0x6c: {  	_ =	shalt  }
0x6d: {  	_ =	shalt  }
0x6e: {  	_ =	shalt  }
0x6f: {  	_ =	shalt  }
0x70: {  	_ =	shalt  }
0x71: {  	_ =	shalt  }
0x72: {  	_ =	shalt  }
0x73: {  	_ =	shalt  }
0x74: {  	_ =	shalt  }
0x75: {  	_ =	shalt  }
0x76: {  	_ =	shalt  }
0x77: {  	_ =	shalt  }
0x78: {  	_ =	shalt  }
0x79: {  	_ =	shalt  }
0x7a: {  	_ =	shalt  }
0x7b: {  	_ =	shalt  }
0x7c: {  	_ =	shalt  }
0x7d: {  	_ =	shalt  }
0x7e: {  	_ =	shalt  }
0x7f: {  	_ =	shalt  }
0x80: {  	_ =	shalt  }
0x81: {  	_ =	shalt  }
0x82: {  	_ =	shalt  }
0x83: {  	_ =	shalt  }
0x84: {  	_ =	shalt  }
0x85: {  	_ =	shalt  }
0x86: {  	_ =	shalt  }
0x87: {  	_ =	shalt  }
.Lfunc_end0:
.L_simem_size_0:
called_computation_lowered:
.L_overlay_start_0:
0x88: {  	s2 =	sld [smem:$0x3FD9]  }
0x89: {  	s3 =	sld [smem:$0x3FFE];
	_ =	sdelay $0x1  }
0x8a: {  	s1 =	srdreg.scid  }
0x8b: {  	s0 =	sand.u32 $0x1, s1  }
0x8c: {  	s17 =	sshll.u32 s0, $0xA;
	s2 =	sadd.s32 s3, s2  }
0x8d: {  	s2 =	sadd.s32 s2, s17  }
0x8e: {  	[smem:$0x3FC4] =	sst s2  }
0x8f: {  	_ = 	snop  }
0x90: {  	s2 =	sld [smem:$0x3FC8]  }
0x91: {  	s18 =	sld [smem:$0x3FC7];
	(tm) =	ssettm $0x1  }
0x92: {  	s4 =	sld [smem:$0x3FFB];
	_ =	sdelay $0x3  }
0x93: {  	_ =	strace s4  }
0x94: {  	s4 =	sld [smem:$0x3FFC];
	_ =	sdelay $0x3  }
0x95: {  	_ =	strace s4  }
0x96: {  	s4 =	sld [smem:$0x3FFD];
	_ =	sdelay $0x3  }
0x97: {  	_ =	strace s4  }
0x98: {  	_ =	strace $0x8FFFFFFF  }
0x99: {  	s19 =	sld [smem:$0x3FDB];
	_ =	sdelay $0x1  }
0x9a: {  	s5 =	simm.s32 $_scs_section_size  }
0x9b: {  	s6 =	simm.s32 $_size__tile_overlayer_lowered;
	s7 =	simm.s32 $_tile_overlayer_lowered  }
0x9c: {  	s22 =	simm.s32 $0x1BFF;
	s21 =	sshll.u32 s7, $0x1;
	s4 =	sadd.s32 s5, s19  }
0x9d: {  	s8 =	simm.s32 $0x0;
	s20 =	sshll.u32 s6, $0x1;
	s6 =	sadd.s32 s21, s4  }
0x9e: {  	[timem:s8], [sflag:s22] =	dma.local [hbm:s6], s20  }
0x9f: {  	_ =	swait.ge [sflag:s22], s20  }
0xa0: {  	s5 =	ssub.s32 $0x0, s20;
	[sflag:s22] =	ssyncset.done $0x0  }
0xa1: {  	[sflag:s22] =	ssyncadd.s32 s5;
	_ =	sdelay $0x1  }
0xa2: {  	s23 =	simm.s32 $0x1B8B  }
0xa3: {  	_ =	swait.ge [sflag:s23], $0x1  }
0xa4: {  	[sflag:s23] =	ssyncset.done $0x0  }
0xa5: {  	s25 =	simm.s32 $0x1B8E;
	s24 =	sld [smem:$0x3FFE];
	[sflag:s23] =	ssyncadd.s32 $0xFFFFFFFF  }
0xa6: {  	s26 =	simm.s32 $execute0_lowered;
	[smem:$0x3FD2] =	sst s25  }
0xa7: {  	s6 =	sshll.u32 s26, $0x1;
	_ =	strace $0x80000046;
	[dreg:$0x1] =	wrdreg $0xFFFFFFFF  }
0xa8: {  	s28 =	simm.s32 $_size_execute0_lowered;
	s4 =	sadd.s32 s4, s6;
	[dreg:$0x0] =	wrdreg $0x0  }
0xa9: {  	s6 =	sshll.u32 s28, $0x1;
	[dreg:$0x2] =	wrdreg s4  }
0xaa: {  	[dreg:$0x3] =	wrdreg s6  }
0xab: {  	[dreg:$0x4] =	wrdreg $0xC0  }
0xac: {  	_ =	task [dreg:s8], $0x5FFFF  }
0xad: {  	[dreg:$0x1] =	wrdreg $0xFFFFFFFF  }
0xae: {  	[dreg:$0x0] =	wrdreg $0x60  }
0xaf: {  	[dreg:$0x2] =	wrdreg s24  }
0xb0: {  	[dreg:$0x3] =	wrdreg s2  }
0xb1: {  	[dreg:$0x4] =	wrdreg s18  }
0xb2: {  	[dreg:$0x5] =	wrdreg $0x9  }
0xb3: {  	_ =	task.clear_ibuf [dreg:s8], $0x6FFFF;
	_ =	strace $0x90000046  }
0xb4: {  	s29 =	simm.s32 $0x9;
	_ =	strace $0x80000048  }
0xb5: {  	_ =	swait.ge [sflag:s29], $0x1  }
0xb6: {  	[sflag:s29] =	ssyncadd.s32 $0xFFFFFFFF  }
0xb7: {  	_ =	strace $0x90000048  }
0xb8: {  	_ =	sfence  }
0xb9: {  	s30 =	sld [smem:$0x0];
	_ =	sdelay $0x2  }
0xba: {  	s31 =	sshll.u32 s1, $0xD;
	s1 =	sshrl.u32 s1, $0x2  }
0xbb: {  	s3 =	sand.u32 $0x4000, s31;
	s1 =	sadd.s32 s1, s30  }
0xbc: {  	s0 =	sor.u32 s3, s0;
	s1 =	sshll.u32 s1, $0x11  }
0xbd: {  	s0 =	sor.u32 s1, s0  }
0xbe: {  	s0 =	sadd.s32 $0x8F2B, s0  }
0xbf: {  	[sflag:s0] =	ssyncadd.remote.s32 $0x1  }
0xc0: {  	_ =	sfence.sel $0xFFFF  }
0xc1: {  	[dreg:$0x0] =	wrdreg $0xFFFFFFFF;
	(pc) =	sbr.abs _section_cstart, $3  }
0xc2: {  	[dreg:$0x1] =	wrdreg $0xFFFFFFFF  }
0xc3: {  	_ =	task.clear_ibuf [dreg:s8], $0x2FFFF;
	_ =	strace $0x9FFFFFFF  }
0xc4: {  	(tm) =	ssettm $0x7FFFFFFF  }
0xc5: {  	_ =	shalt  }
tec
execute0_lowered:
.L_overlay_start_1:
0x0: {  	(tag) =	ssettag $0x1  }
0x1: {  	s6 =	rddreg [dreg:$0x0]  }
0x2: {  	s1 =	rddreg [dreg:$0x1];
	s3 =	simm.s32 $0x0  }
0x3: {  	[smem:$0x7FF] =	sst s3  }
0x4: {  	s2 =	rddreg [dreg:$0x2];
	v0 =	vimm.f32 $1.024000000e+03;
	_ =	strace $0x80000047  }
0x5: {  	(erf) = vrcp.f32 v0;
	_ =	sdelay $0x3  }
0x6: {  	s5 =	srdreg.scid;
	s4 =	stileid.u32;
	s11 =	simm.s32 $0x1  }
0x7: {  	s12 =	simm.s32 $0x1C720;
	s5 =	sand.u32 $0x1, s5;
	s7 =	sshll.u32 s4, $0x1  }
0x8: {  	v5 =	vlaneseq.u32;
	s13 =	simm.s32 $0x186A0;
	s14 =	simm.s32 $0x1C7A0;
	s7 =	sor.u32 s5, s7  }
0x9: {  	v58 =	vmul.u32 $0x400, v5;
	s8 =	ssub.s32 $0x2, s5;
	s5 =	sadd.s32 $0x188200, s6;
	s9 =	sshll.u32 s7, $0x1  }
0xa: {  	s10 =	sshrl.u32 s8, $0x1;
	s9 =	sadd.s32 s9, s6;
	s6 =	sshll.u32 s7, $0x2  }
0xb: {  	s15 =	simm.s32 $0x0;
	[tilespmem:$0x1FFF0] =	vst v58;
	s10 =	ssub.s32 s8, s10;
	s7 =	sand.u32 $0x70, s6;
	v0 =	vpop (erf)  }
0xc: {  	v2 =	vimm.f32 $0.0e+00;
	s8 =	sadd.s32 $0x1200, s9;
	s9 =	smax.u32 s10, $0x1;
	s10 =	simm.s32 $0x1C6A0;
	[tilespmem:$0x1FFE0] =	vst v0  }
.LBB2_1:
0xd: {  	[tilespmem:s10], [sflag:$0x1] =	stream.linear.gather [hbm4b:s1+s3], $0x80, $0x38;
	[tilespmem:$0x1C7B0] =	vst v63  }
0xe: {  	_ =	swait.ge [sflag:s11], $0x80  }
0xf: {  	[sflag:s11] =	ssyncset.done $0x0  }
0x10: {  	[sflag:s11] =	ssyncadd.s32 $0xFFFFFF80  }
0x11: {  	[tilespmem:s12], [sflag:$0x1] =	stream.linear.gather [hbm4b:s2+s3], $0x80, $0x38;
	[tilespmem:$0x1C7B0] =	vst v63  }
0x12: {  	_ =	swait.ge [sflag:s11], $0x80  }
0x13: {  	[sflag:s11] =	ssyncset.done $0x0  }
0x14: {  	v0 =	vimm.f32 $0.0e+00;
	s16 =	simm.s32 $0x0;
	[sflag:s11] =	ssyncadd.s32 $0xFFFFFF80  }
.LBB2_2:
0x15: {  	[tilespmem:$0x1FFC0] =	vst v0;
	v0 =	vld [tilespmem:s7+$0x1C6A0]  }
0x16: {  	s17 =	sor.u32 s6, s16  }
0x17: {  	s18 =	sand.u32 $0xF, s17  }
0x18: {  	v1 =	vmov s18  }
0x19: {  	vm0 =	veq.s32 v1, v5  }
0x1a: {  	v0 =	vnsel vm0, $0xFF800000, v0  }
0x1b: {  	(xrf0) =	vmax.scan.msk.f32 $0xffff, v0;
	_ =	sdelay $0x5  }
0x1c: {  	v0, _, _ =	vpop (xrf0)  }
0x1d: {  	(v2sf) =	vpush v0, $0xF;
	_ =	sdelay $0xa  }
0x1e: {  	s17 =	smul.u32 $0x30D4, s17  }
0x1f: {  	v0 =	vld [tilespmem:s7+$0x1C720]  }
0x20: {  	s17 =	sadd.s32 s5, s17  }
0x21: {  	[tilespmem:s3], [sflag:$0x1] =	stream.linear.gather [hbm4b:s17+s3], $0x186A0, $0x38;
	[tilespmem:$0x1C7B0] =	vst v63  }
0x22: {  	s18 =	spop (v2sf)  }
0x23: {  	p0 =	seq.f32 s18, $0.0e+00  }
0x24: {  	[tilespmem:$0x1FFD0] =	vst v0  }
0x25: {  	_ =	swait.ge [sflag:s11], $0x186A0;
	s18 =	simm.s32 @p0 $0x3F800000  }
0x26: {  	[sflag:s11] =	ssyncset.done $0x0;
	v0 =	vmov s18  }
0x27: {  	s17 =	simm.s32 $0xA0;
	[sflag:s11] =	ssyncadd.s32 $0xFFFE7960;
	(erf) = vrcp.f32 v0  }
0x28: {  	v1 =	vld [tilespmem:s17+$0x90]  }
0x29: {  	v5 =	vld [tilespmem:s17+$0x80]  }
0x2a: {  	v6 =	vld [tilespmem:s17+$0x70]  }
0x2b: {  	v11 =	vld [tilespmem:s17+$0x0]  }
0x2c: {  	v7 =	vld [tilespmem:s17+$0xFFFFFF70]  }
0x2d: {  	v8 =	vld [tilespmem:s17+$0xFFFFFF80]  }
0x2e: {  	v0 =	vld [tilespmem:s17+$0x10]  }
0x2f: {  	v18 =	vld [tilespmem:s17+$0xFFFFFFC0]  }
0x30: {  	v14 =	vld [tilespmem:s17+$0xFFFFFF90];
	v10 =	vpop (erf)  }
0x31: {  	v17 =	vld [tilespmem:s17+$0xFFFFFFA0];
	v12 =	vmul.f32 v1, v10  }
0x32: {  	v1 =	vld [tilespmem:s17+$0xFFFFFF60];
	v6 =	vmul.f32 v6, v10  }
0x33: {  	v23 =	vmul.f32 v0, v10;
	v0 =	vld [tilespmem:s17+$0x30];
	[tilespmem:s17+$0x90] =	vst v12  }
0x34: {  	v27 =	vld [tilespmem:s17+$0xFFFFFFB0];
	v13 =	vmul.f32 v8, v10;
	[tilespmem:s17+$0x70] =	vst v6  }
0x35: {  	v28 =	vld [tilespmem:s17+$0xFFFFFFD0];
	v16 =	vmul.f32 v5, v10;
	v5 =	vmul.f32 v7, v10;
	[tilespmem:s17+$0x10] =	vst v23  }
0x36: {  	v29 =	vld [tilespmem:s17+$0x20];
	v8 =	vimm.f32 $-Inf;
	v20 =	vmul.f32 v14, v10;
	v7 =	vimm.f32 $+Inf;
	[tilespmem:s17+$0xFFFFFF80] =	vst v13  }
0x37: {  	v19 =	vld [tilespmem:s17+$0x60];
	v30 =	vmul.f32 v11, v10;
	v17 =	vmul.f32 v17, v10;
	v11 =	vmax.f32 v16, v12;
	[tilespmem:s17+$0xFFFFFF70] =	vst v5  }
0x38: {  	v21 =	vld [tilespmem:s17+$0x40];
	[tilespmem:s17+$0xFFFFFF90] =	vst v20;
	v31 =	vmax.f32 v13, v20;
	v15 =	vmul.f32 v1, v10;
	v14 =	vmul.f32 v0, v10  }
0x39: {  	v25 =	vld [tilespmem:s17+$0x50];
	[tilespmem:s17+$0x0] =	vst v30;
	v12 =	vmin.f32 v16, v12;
	v0 =	vmul.f32 v27, v10;
	v1 =	vmul.f32 v18, v10  }
0x3a: {  	v26 =	vld [tilespmem:s17+$0xFFFFFFF0];
	[tilespmem:s17+$0xFFFFFFA0] =	vst v17;
	v18 =	vmax.f32 v30, v23;
	v24 =	vmax.f32 v15, v5;
	v22 =	vmin.f32 v15, v5  }
0x3b: {  	s19 =	simm.s32 $0x1E0;
	s18 =	simm.s32 $0x0;
	v5 =	vmin.f32 v30, v23;
	v30 =	vmul.f32 v28, v10;
	v23 =	vld [tilespmem:s17+$0xFFFFFFE0];
	v28 =	vmul.f32 v29, v10;
	[tilespmem:s17+$0x30] =	vst v14  }
.LBB2_3:
0x3c: {  	v27 =	vld [tilespmem:s19+$0x10];
	s18 =	sadd.s32 $0x140, s18;
	v13 =	vmin.f32 v13, v20;
	v20 =	vmax.f32 v24, v31;
	v19 =	vmul.f32 v19, v10;
	[tilespmem:s17+$0x80] =	vst v16  }
0x3d: {  	v24 =	vmin.f32 v17, v0;
	v16 =	vld [tilespmem:s19+$0x90];
	p0 =	slt.u32 s18, $0x184C0;
	[tilespmem:s17+$0xFFFFFFD0] =	vst v30;
	v13 =	vmin.f32 v22, v13;
	v21 =	vmul.f32 v21, v10  }
0x3e: {  	v17 =	vmax.f32 v17, v0;
	v29 =	vmax.f32 v1, v30;
	v22 =	vld [tilespmem:s19+$0x80];
	v25 =	vmul.f32 v25, v10;
	[tilespmem:s17+$0x20] =	vst v28  }
0x3f: {  	v30 =	vmin.f32 v1, v30;
	v32 =	vmax.f32 v28, v14;
	v31 =	vld [tilespmem:s19+$0x70];
	v26 =	vmul.f32 v26, v10;
	[tilespmem:s17+$0x40] =	vst v21  }
0x40: {  	v14 =	vmin.f32 v28, v14;
	v35 =	vmax.f32 v19, v6;
	v33 =	vld [tilespmem:s19+$0x0];
	[tilespmem:s17+$0x60] =	vst v19;
	v34 =	vmax.f32 v21, v25  }
0x41: {  	v23 =	vmul.f32 v23, v10;
	v28 =	vld [tilespmem:s19+$0xFFFFFF70];
	[tilespmem:s17+$0xFFFFFF60] =	vst v15;
	v15 =	vmax.f32 v18, v32;
	v18 =	vmax.f32 v34, v35  }
0x42: {  	v5 =	vmin.f32 v5, v14;
	v21 =	vmin.f32 v21, v25;
	v32 =	vld [tilespmem:s19+$0xFFFFFF80];
	v34 =	vmul.f32 v16, v10;
	[tilespmem:s17+$0xFFFFFFF0] =	vst v26  }
0x43: {  	v17 =	vmax.f32 v17, v29;
	v19 =	vmin.f32 v19, v6;
	v14 =	vld [tilespmem:s19+$0xFFFFFF60];
	v16 =	vmul.f32 v22, v10;
	[tilespmem:s17+$0x50] =	vst v25  }
0x44: {  	v19 =	vmin.f32 v21, v19;
	v22 =	vmin.f32 v24, v30;
	v29 =	vld [tilespmem:s19+$0xFFFFFFC0];
	v6 =	vmul.f32 v31, v10;
	[tilespmem:s19+$0x90] =	vst v34  }
0x45: {  	v15 =	vmax.f32 v15, v18;
	v24 =	vmax.f32 v23, v26;
	v21 =	vld [tilespmem:s19+$0xFFFFFF90];
	[tilespmem:s17+$0xFFFFFFE0] =	vst v23;
	v23 =	vmin.f32 v23, v26  }
0x46: {  	v17 =	vmax.f32 v20, v17;
	v27 =	vmul.f32 v27, v10;
	v20 =	vmin.f32 v13, v22;
	v18 =	vld [tilespmem:s19+$0xFFFFFFA0];
	[tilespmem:s19+$0x70] =	vst v6  }
0x47: {  	v5 =	vmin.f32 v5, v19;
	v26 =	vmax.f32 v15, v11;
	v25 =	vld [tilespmem:s19+$0x30];
	[tilespmem:s17+$0xFFFFFFC0] =	vst v1;
	v1 =	vmax.f32 v17, v24  }
0x48: {  	v5 =	vmin.f32 v5, v12;
	v13 =	vmul.f32 v32, v10;
	v15 =	vmul.f32 v14, v10;
	v30 =	vld [tilespmem:s19+$0xFFFFFFB0];
	[tilespmem:s19+$0x10] =	vst v27  }
0x49: {  	v12 =	vmul.f32 v28, v10;
	v1 =	vmax.f32 v8, v1;
	v28 =	vld [tilespmem:s19+$0x20];
	[tilespmem:s17+$0xFFFFFFB0] =	vst v0;
	v0 =	vmin.f32 v20, v23;
	s17 =	smov.u32 s19  }
0x4a: {  	v11 =	vmax.f32 v16, v34;
	v32 =	vmul.f32 v33, v10;
	v23 =	vld [tilespmem:s19+$0xFFFFFFD0];
	[tilespmem:s19+$0xFFFFFF80] =	vst v13;
	v0 =	vmin.f32 v7, v0  }
.Ltmp0:
0x4b: {  	v20 =	vmul.f32 v21, v10;
	v24 =	vmax.f32 v15, v12;
	[tilespmem:s19+$0xFFFFFF70] =	vst v12;
	v19 =	vld [tilespmem:s19+$0x60];
	v7 =	vmin.f32 v0, v5;
	(pc) =	sbr.rel @p0 .LBB2_3-.Ltmp0, $4  }
0x4c: {  	v8 =	vmax.f32 v1, v26;
	v22 =	vmin.f32 v15, v12;
	v17 =	vmul.f32 v18, v10;
	v21 =	vld [tilespmem:s19+$0x40];
	[tilespmem:s19+$0x0] =	vst v32  }
0x4d: {  	v5 =	vmin.f32 v32, v27;
	v31 =	vmax.f32 v13, v20;
	v14 =	vmul.f32 v25, v10;
	[tilespmem:s19+$0xFFFFFF90] =	vst v20;
	v25 =	vld [tilespmem:s19+$0x50]  }
0x4e: {  	v1 =	vmul.f32 v29, v10;
	v18 =	vmax.f32 v32, v27;
	v0 =	vmul.f32 v30, v10;
	v26 =	vld [tilespmem:s19+$0xFFFFFFF0];
	[tilespmem:s19+$0xFFFFFFA0] =	vst v17  }
0x4f: {  	v12 =	vmin.f32 v16, v34;
	v28 =	vmul.f32 v28, v10;
	s19 =	sadd.s32 $0x140, s19;
	v30 =	vmul.f32 v23, v10;
	v23 =	vld [tilespmem:s17+$0xFFFFFFE0];
	[tilespmem:s17+$0x30] =	vst v14  }
0x50: {  	[tilespmem:s17+$0x80] =	vst v16  }
0x51: {  	[tilespmem:s17+$0xFFFFFF60] =	vst v15  }
0x52: {  	[tilespmem:s17+$0xFFFFFFC0] =	vst v1  }
0x53: {  	[tilespmem:s17+$0xFFFFFFB0] =	vst v0  }
0x54: {  	v33 =	vmul.f32 v19, v10;
	[tilespmem:s17+$0xFFFFFFD0] =	vst v30  }
0x55: {  	v32 =	vmul.f32 v21, v10;
	[tilespmem:s17+$0x20] =	vst v28  }
0x56: {  	[tilespmem:s17+$0x60] =	vst v33;
	v35 =	vmul.f32 v25, v10  }
0x57: {  	[tilespmem:s17+$0x40] =	vst v32;
	v34 =	vmul.f32 v26, v10  }
0x58: {  	v36 =	vmul.f32 v23, v10;
	[tilespmem:s17+$0x50] =	vst v35  }
0x59: {  	[tilespmem:s17+$0xFFFFFFF0] =	vst v34  }
0x5a: {  	[tilespmem:s17+$0xFFFFFFE0] =	vst v36  }
0x5b: {  	v15 =	vld [tilespmem:$0x18600]  }
0x5c: {  	v16 =	vld [tilespmem:$0x18610]  }
0x5d: {  	v19 =	vld [tilespmem:$0x18620]  }
0x5e: {  	v21 =	vld [tilespmem:$0x18630]  }
0x5f: {  	v23 =	vld [tilespmem:$0x18640]  }
0x60: {  	v25 =	vld [tilespmem:$0x18650];
	v15 =	vmul.f32 v15, v10  }
0x61: {  	v27 =	vld [tilespmem:$0x18660];
	v16 =	vmul.f32 v16, v10  }
0x62: {  	v29 =	vld [tilespmem:$0x18670];
	v19 =	vmul.f32 v19, v10;
	[tilespmem:$0x18600] =	vst v15  }
0x63: {  	v37 =	vld [tilespmem:$0x18680];
	v21 =	vmul.f32 v21, v10;
	[tilespmem:$0x18610] =	vst v16  }
0x64: {  	v38 =	vld [tilespmem:$0x18690];
	v23 =	vmul.f32 v23, v10;
	[tilespmem:$0x18620] =	vst v19  }
0x65: {  	v26 =	vmul.f32 v25, v10;
	[tilespmem:$0x18630] =	vst v21  }
0x66: {  	v27 =	vmul.f32 v27, v10;
	[tilespmem:$0x18640] =	vst v23  }
0x67: {  	v29 =	vmul.f32 v29, v10;
	[tilespmem:$0x18650] =	vst v26  }
0x68: {  	v25 =	vmul.f32 v37, v10;
	[tilespmem:$0x18660] =	vst v27  }
0x69: {  	v10 =	vmul.f32 v38, v10;
	[tilespmem:$0x18670] =	vst v29  }
0x6a: {  	[tilespmem:$0x18680] =	vst v25  }
0x6b: {  	s17 =	simm.s32 $0x18720;
	[tilespmem:$0x18690] =	vst v10  }
0x6c: {  	[tilespmem:s17+$0xFFFFFF80] =	vst v2  }
0x6d: {  	[tilespmem:s17+$0x70] =	vst v2  }
0x6e: {  	[tilespmem:s17+$0x60] =	vst v2  }
0x6f: {  	v13 =	vmin.f32 v13, v20;
	[tilespmem:s17+$0x50] =	vst v2  }
0x70: {  	v20 =	vmax.f32 v24, v31;
	v24 =	vmin.f32 v17, v0;
	v0 =	vmax.f32 v17, v0;
	[tilespmem:s17+$0x40] =	vst v2  }
0x71: {  	v13 =	vmin.f32 v22, v13;
	v17 =	vmax.f32 v1, v30;
	v1 =	vmin.f32 v1, v30;
	[tilespmem:s17+$0x30] =	vst v2  }
0x72: {  	v22 =	vmax.f32 v28, v14;
	v14 =	vmin.f32 v28, v14;
	v31 =	vmax.f32 v33, v6;
	[tilespmem:s17+$0x20] =	vst v2  }
0x73: {  	v18 =	vmax.f32 v18, v22;
	v5 =	vmin.f32 v5, v14;
	v0 =	vmax.f32 v0, v17;
	[tilespmem:s17+$0x10] =	vst v2  }
0x74: {  	v62 =	vmin.f32 v33, v6;
	v1 =	vmin.f32 v24, v1;
	v0 =	vmax.f32 v20, v0;
	[tilespmem:s17+$0x0] =	vst v2  }
0x75: {  	v1 =	vmin.f32 v13, v1;
	v30 =	vmax.f32 v32, v35;
	v28 =	vmin.f32 v32, v35;
	[tilespmem:s17+$0xFFFFFFF0] =	vst v2  }
0x76: {  	v22 =	vmax.f32 v30, v31;
	v6 =	vmin.f32 v28, v62;
	v14 =	vmax.f32 v36, v34;
	[tilespmem:s17+$0xFFFFFFE0] =	vst v2  }
0x77: {  	v17 =	vmin.f32 v36, v34;
	v18 =	vmax.f32 v18, v22;
	v5 =	vmin.f32 v5, v6;
	[tilespmem:s17+$0xFFFFFFD0] =	vst v2  }
0x78: {  	v0 =	vmax.f32 v0, v14;
	v63 =	vmax.f32 v18, v11;
	v1 =	vmin.f32 v1, v17;
	[tilespmem:s17+$0xFFFFFFC0] =	vst v2  }
0x79: {  	v5 =	vmin.f32 v5, v12;
	v8 =	vmax.f32 v8, v0;
	v0 =	vmin.f32 v7, v1;
	[tilespmem:s17+$0xFFFFFFB0] =	vst v2  }
0x7a: {  	s18 =	simm.s32 $0x0;
	v0 =	vmin.f32 v0, v5;
	v1 =	vmax.f32 v8, v63;
	[tilespmem:s17+$0xFFFFFFA0] =	vst v2  }
.LBB2_5:
0x7b: {  	s18 =	sadd.s32 $0x100, s18;
	[tilespmem:s17+$0xFFFFFF90] =	vst v2;
	s17 =	sadd.s32 $0x100, s17  }
0x7c: {  	[tilespmem:s17+$0xFFFFFF80] =	vst v2;
	p0 =	slt.u32 s18, $0x3F00  }
0x7d: {  	[tilespmem:s17+$0x70] =	vst v2  }
0x7e: {  	[tilespmem:s17+$0x60] =	vst v2  }
0x7f: {  	[tilespmem:s17+$0x50] =	vst v2  }
0x80: {  	[tilespmem:s17+$0x40] =	vst v2  }
0x81: {  	[tilespmem:s17+$0x30] =	vst v2  }
0x82: {  	[tilespmem:s17+$0x20] =	vst v2  }
0x83: {  	[tilespmem:s17+$0x10] =	vst v2  }
0x84: {  	[tilespmem:s17+$0x0] =	vst v2  }
0x85: {  	[tilespmem:s17+$0xFFFFFFF0] =	vst v2  }
.Ltmp1:
0x86: {  	[tilespmem:s17+$0xFFFFFFE0] =	vst v2;
	(pc) =	sbr.rel @p0 .LBB2_5-.Ltmp1, $4  }
0x87: {  	[tilespmem:s17+$0xFFFFFFD0] =	vst v2  }
0x88: {  	[tilespmem:s17+$0xFFFFFFC0] =	vst v2  }
0x89: {  	[tilespmem:s17+$0xFFFFFFB0] =	vst v2  }
0x8a: {  	[tilespmem:s17+$0xFFFFFFA0] =	vst v2  }
0x8b: {  	v5 =	vmax.f32 v15, v16;
	v6 =	vmax.f32 v19, v21  }
0x8c: {  	v7 =	vmax.f32 v23, v26;
	v8 =	vmax.f32 v27, v29;
	v11 =	vmax.f32 v25, v10  }
0x8d: {  	v12 =	vmin.f32 v15, v16;
	v13 =	vmin.f32 v19, v21;
	v14 =	vmin.f32 v23, v26  }
0x8e: {  	v15 =	vmin.f32 v27, v29;
	v5 =	vmax.f32 v5, v6;
	v6 =	vmax.f32 v7, v8  }
0x8f: {  	v7 =	vmin.f32 v12, v13;
	v8 =	vmin.f32 v14, v15;
	v5 =	vmax.f32 v5, v6  }
0x90: {  	v6 =	vmin.f32 v25, v10;
	v7 =	vmin.f32 v7, v8;
	v5 =	vmax.f32 v5, v11  }
0x91: {  	v6 =	vmin.f32 v7, v6;
	v1 =	vmax.f32 v1, v5  }
0x92: {  	v0 =	vmin.f32 v0, v6;
	(xrf0) =	vmax.scan.msk.f32 $0xffff, v1  }
0x93: {  	(xrf0) =	vmin.scan.msk.f32 $0xffff, v0;
	_ =	sdelay $0x4  }
0x94: {  	v0, _, _ =	vpop (xrf0)  }
0x95: {  	v1, _, _ =	vpop (xrf0)  }
0x96: {  	v3 =	vbroadcast v0, $0xF;
	v7 =	vbroadcast v1, $0xF;
	_ =	sdelay $0x1  }
0x97: {  	v0 =	vsub.f32 v3, v7;
	_ =	sdelay $0x1  }
0x98: {  	v0 =	vmax.f32 v0, $1.000000000e-30  }
0x99: {  	[tilespmem:$0x1FFB0] =	vst v0  }
0x9a: {  	s31 =	simm.s32 $0xA0;
	[tilespmem:s17+$0xFFFFFF90] =	vst v2  }
0x9b: {  	v1 =	vld [tilespmem:s31+$0x0]  }
0x9c: {  	v11 =	vld [tilespmem:s31+$0x10]  }
0x9d: {  	v13 =	vld [tilespmem:s31+$0x20]  }
0x9e: {  	v17 =	vld [tilespmem:s31+$0x30]  }
0x9f: {  	v5 =	vld [tilespmem:s31+$0x40]  }
0xa0: {  	v26 =	vld [tilespmem:s31+$0xFFFFFFB0]  }
0xa1: {  	v27 =	vld [tilespmem:s31+$0xFFFFFFC0]  }
0xa2: {  	v28 =	vld [tilespmem:s31+$0xFFFFFFD0]  }
0xa3: {  	v34 =	vld [tilespmem:s31+$0x70]  }
0xa4: {  	v29 =	vld [tilespmem:s31+$0xFFFFFFE0];
	v14 =	vsub.f32 v1, v3  }
0xa5: {  	v24 =	vld [tilespmem:s31+$0xFFFFFF90];
	v10 =	vsub.f32 v1, v7;
	v15 =	vsub.f32 v11, v3  }
0xa6: {  	v25 =	vld [tilespmem:s31+$0xFFFFFFA0];
	v32 =	vsub.f32 v11, v7;
	v33 =	vsub.f32 v13, v7  }
0xa7: {  	v16 =	vsub.f32 v5, v3;
	v18 =	vsub.f32 v26, v3  }
0xa8: {  	v30 =	vld [tilespmem:s31+$0xFFFFFFF0];
	v22 =	vsub.f32 v27, v3;
	v23 =	vsub.f32 v28, v3  }
0xa9: {  	v31 =	vsub.f32 v34, v3;
	v37 =	vsub.f32 v29, v3  }
0xaa: {  	(erf) = vrcp.f32 v0;
	v38 =	vsub.f32 v17, v7;
	v55 =	vsub.f32 v24, v7  }
0xab: {  	v56 =	vsub.f32 v25, v7;
	v40 =	vsub.f32 v26, v7  }
0xac: {  	v41 =	vsub.f32 v27, v7;
	v42 =	vsub.f32 v28, v7  }
0xad: {  	v43 =	vimm.f32 $0.0e+00;
	v44 =	vsub.f32 v29, v7;
	v45 =	vsub.f32 v30, v7  }
0xae: {  	v5 =	vsub.f32 v5, v7;
	v34 =	vsub.f32 v34, v7;
	v11 =	vmul.f32 $1.442695020e+00, v14  }
0xaf: {  	v14 =	vsub.f32 v13, v3;
	v13 =	vmul.f32 $1.442695020e+00, v15;
	v18 =	vmul.f32 $1.442695020e+00, v18  }
0xb0: {  	v15 =	vsub.f32 v17, v3;
	v22 =	vmul.f32 $1.442695020e+00, v22;
	v23 =	vmul.f32 $1.442695020e+00, v23  }
0xb1: {  	v31 =	vmul.f32 $1.442695020e+00, v31;
	v37 =	vmul.f32 $1.442695020e+00, v37;
	v40 =	vmax.f32 v40, $0.0e+00  }
0xb2: {  	v41 =	vmax.f32 v41, $0.0e+00;
	v42 =	vmax.f32 v42, $0.0e+00;
	v44 =	vmax.f32 v44, $0.0e+00  }
0xb3: {  	v0 =	vld [tilespmem:s31+$0x50];
	v8 =	vpop (erf);
	v45 =	vmax.f32 v45, $0.0e+00;
	v10 =	vmax.f32 v10, $0.0e+00;
	v32 =	vmax.f32 v32, $0.0e+00  }
0xb4: {  	v33 =	vmax.f32 v33, $0.0e+00;
	v8 =	vmul.f32 $1.024000000e+03, v8;
	v14 =	vmul.f32 $1.442695020e+00, v14  }
0xb5: {  	v1 =	vld [tilespmem:s31+$0x60];
	v38 =	vmax.f32 v38, $0.0e+00;
	(erf) = vpow2.f32 v11;
	v11 =	vmul.f32 $1.442695020e+00, v15  }
0xb6: {  	v5 =	vmax.f32 v5, $0.0e+00;
	(erf) = vpow2.f32 v13;
	v13 =	vmul.f32 $1.442695020e+00, v16  }
0xb7: {  	v19 =	vld [tilespmem:s31+$0xFFFFFF60];
	v34 =	vmax.f32 v34, $0.0e+00;
	v40 =	vmul.f32 v40, v8;
	v41 =	vmul.f32 v41, v8  }
0xb8: {  	v15 =	vsub.f32 v0, v3;
	v42 =	vmul.f32 v42, v8;
	v44 =	vmul.f32 v44, v8  }
0xb9: {  	v20 =	vld [tilespmem:s31+$0xFFFFFF70];
	v0 =	vsub.f32 v0, v7;
	v45 =	vmul.f32 v45, v8;
	v10 =	vmul.f32 v10, v8  }
0xba: {  	v16 =	vsub.f32 v1, v3;
	v32 =	vmul.f32 v32, v8;
	v33 =	vmul.f32 v33, v8  }
0xbb: {  	v1 =	vsub.f32 v1, v7;
	v38 =	vmul.f32 v38, v8;
	v5 =	vmul.f32 v5, v8  }
0xbc: {  	v34 =	vmul.f32 v34, v8;
	(erf) = vpow2.f32 v14;
	v14 =	vsub.f32 v19, v3  }
0xbd: {  	v21 =	vld [tilespmem:s31+$0xFFFFFF80];
	v15 =	vmul.f32 $1.442695020e+00, v15;
	v19 =	vsub.f32 v19, v7;
	v0 =	vmax.f32 v0, $0.0e+00  }
0xbe: {  	(erf) = vpow2.f32 v11;
	v11 =	vsub.f32 v20, v3;
	v16 =	vmul.f32 $1.442695020e+00, v16  }
0xbf: {  	v20 =	vsub.f32 v20, v7;
	v1 =	vmax.f32 v1, $0.0e+00;
	v40 =	vmin.f32 v40, $1.023000000e+03  }
0xc0: {  	v41 =	vmin.f32 v41, $1.023000000e+03;
	v0 =	vmul.f32 v0, v8;
	v42 =	vmin.f32 v42, $1.023000000e+03  }
0xc1: {  	v44 =	vmin.f32 v44, $1.023000000e+03;
	v45 =	vmin.f32 v45, $1.023000000e+03;
	(erf) = vpow2.f32 v13  }
0xc2: {  	v13 =	vmul.f32 $1.442695020e+00, v14;
	v14 =	vsub.f32 v21, v3;
	(erf) = vpow2.f32 v15  }
0xc3: {  	v11 =	vmul.f32 $1.442695020e+00, v11;
	v15 =	vsub.f32 v24, v3;
	(erf) = vpow2.f32 v16  }
0xc4: {  	v14 =	vmul.f32 $1.442695020e+00, v14;
	v16 =	vsub.f32 v25, v3;
	(erf) = vpow2.f32 v13  }
0xc5: {  	v10 =	vmin.f32 v10, $1.023000000e+03;
	v15 =	vmul.f32 $1.442695020e+00, v15;
	(erf) = vpow2.f32 v11  }
0xc6: {  	v35 =	vld [tilespmem:s31+$0x80];
	v32 =	vmin.f32 v32, $1.023000000e+03;
	v16 =	vmul.f32 $1.442695020e+00, v16;
	(erf) = vpow2.f32 v14  }
0xc7: {  	v33 =	vmin.f32 v33, $1.023000000e+03;
	v5 =	vmin.f32 v5, $1.023000000e+03;
	v61 =	vpop (erf);
	(erf) = vpow2.f32 v15  }
0xc8: {  	v21 =	vsub.f32 v21, v7;
	v1 =	vmul.f32 v1, v8;
	v60 =	vpop (erf);
	(erf) = vpow2.f32 v16  }
0xc9: {  	v46 =	vmax.f32 v19, $0.0e+00;
	v45 =	vtrunc.f32 v45;
	v62 =	vpop (erf);
	(erf) = vpow2.f32 v18  }
0xca: {  	v49 =	vmax.f32 v20, $0.0e+00;
	v46 =	vmul.f32 v46, v8;
	v63 =	vpop (erf);
	(erf) = vpow2.f32 v22  }
0xcb: {  	v36 =	vld [tilespmem:s31+$0x90];
	v18 =	vsub.f32 v30, v3;
	v2 =	vpop (erf);
	(erf) = vpow2.f32 v23;
	v23 =	vsub.f32 v35, v3  }
0xcc: {  	v0 =	vmin.f32 v0, $1.023000000e+03;
	v45 =	vcvt.f32.s32 v45;
	v17 =	vmov v2;
	v2 =	vpop (erf)  }
0xcd: {  	v50 =	vmax.f32 v21, $0.0e+00;
	v39 =	vmul.f32 $1.442695020e+00, v18;
	v12 =	vpop (erf);
	(erf) = vpow2.f32 v31  }
0xce: {  	v1 =	vmin.f32 v1, $1.023000000e+03;
	v47 =	vadd.f32 v60, v61;
	v22 =	vpop (erf);
	(erf) = vpow2.f32 v37  }
0xcf: {  	v48 =	vadd.f32 v63, v62;
	v54 =	vmul.f32 $1.442695020e+00, v23;
	(erf) = vpow2.f32 v39;
	v23 =	vpop (erf)  }
0xd0: {  	v46 =	vmin.f32 v46, $1.023000000e+03;
	v35 =	vsub.f32 v35, v7;
	v31 =	vsub.f32 v36, v3;
	v24 =	vpop (erf)  }
0xd1: {  	v46 =	vtrunc.f32 v46;
	v52 =	vadd.f32 v2, v17;
	v47 =	vadd.f32 v48, v47;
	v25 =	vpop (erf)  }
0xd2: {  	v36 =	vsub.f32 v36, v7;
	v37 =	vmax.f32 v56, $0.0e+00;
	v31 =	vmul.f32 $1.442695020e+00, v31;
	v26 =	vpop (erf)  }
0xd3: {  	v35 =	vmax.f32 v35, $0.0e+00;
	v56 =	vmul.f32 v49, v8;
	(erf) = vpow2.f32 v54;
	v27 =	vpop (erf)  }
0xd4: {  	v39 =	vmax.f32 v55, $0.0e+00;
	(erf) = vpow2.f32 v31;
	v31 =	vadd.f32 v25, v24;
	v28 =	vpop (erf)  }
0xd5: {  	v36 =	vmax.f32 v36, $0.0e+00;
	v37 =	vmul.f32 v37, v8;
	v20 =	vadd.f32 v23, v22;
	v29 =	vpop (erf)  }
0xd6: {  	v35 =	vmul.f32 v35, v8;
	v21 =	vadd.f32 v27, v26;
	v51 =	vadd.f32 v29, v28;
	v16 =	vpop (erf)  }
0xd7: {  	v55 =	vtrunc.f32 v41;
	v39 =	vmul.f32 v39, v8;
	v30 =	vpop (erf);
	v57 =	vadd.f32 v16, v12  }
0xd8: {  	v37 =	vmin.f32 v37, $1.023000000e+03;
	v53 =	vadd.f32 v31, v20;
	v21 =	vadd.f32 v51, v21;
	v31 =	vpop (erf)  }
0xd9: {  	v39 =	vmin.f32 v39, $1.023000000e+03;
	v54 =	vadd.f32 v31, v30;
	v51 =	vadd.f32 v57, v52  }
0xda: {  	v57 =	vmul.f32 v50, v8;
	v50 =	vmul.f32 v36, v8;
	v36 =	vmin.f32 v38, $1.023000000e+03  }
0xdb: {  	v38 =	vtrunc.f32 v5;
	v59 =	vadd.f32 v21, v53;
	v53 =	vtrunc.f32 v37  }
0xdc: {  	v37 =	vtrunc.f32 v33;
	v36 =	vtrunc.f32 v36;
	v47 =	vadd.f32 v51, v47  }
0xdd: {  	v49 =	vmin.f32 v57, $1.023000000e+03;
	v51 =	vtrunc.f32 v39;
	v57 =	vtrunc.f32 v44  }
0xde: {  	v39 =	vtrunc.f32 v32;
	v48 =	vadd.f32 v54, v59;
	v49 =	vtrunc.f32 v49  }
0xdf: {  	v54 =	vtrunc.f32 v40;
	v40 =	vtrunc.f32 v10;
	v10 =	vmin.f32 v34, $1.023000000e+03  }
0xe0: {  	v14 =	vpop (erf);
	v59 =	vmin.f32 v35, $1.023000000e+03;
	v35 =	vtrunc.f32 v0;
	v41 =	vcvt.f32.s32 v51  }
0xe1: {  	v13 =	vpop (erf);
	v0 =	vmin.f32 v50, $1.023000000e+03;
	v34 =	vtrunc.f32 v10;
	v33 =	vtrunc.f32 v59  }
0xe2: {  	v52 =	vadd.f32 v13, v14;
	v5 =	vtrunc.f32 v0;
	v0 =	vcvt.f32.s32 v46  }
0xe3: {  	v46 =	vcvt.f32.s32 v57;
	v43 =	vadd.f32 v48, v43;
	v48 =	vmin.f32 v56, $1.023000000e+03  }
0xe4: {  	v56 =	vtrunc.f32 v42;
	v42 =	vtrunc.f32 v1;
	v1 =	vadd.f32 v52, v47  }
0xe5: {  	v47 =	vcvt.f32.s32 v54;
	v48 =	vtrunc.f32 v48  }
0xe6: {  	v52 =	vcvt.f32.s32 v48;
	v59 =	vadd.f32 v1, v43;
	v1 =	vcvt.f32.s32 v49  }
0xe7: {  	v32 =	vcvt.f32.s32 v56;
	v49 =	vcvt.f32.s32 v53;
	v43 =	vadd.s32 v58, v0  }
0xe8: {  	s18 =	simm.s32 $0x1E0;
	s17 =	simm.s32 $0x0;
	v19 =	vmovc v2;
	v48 =	vcvt.f32.s32 v55;
	v44 =	vadd.s32 v58, v52;
	v1 =	vadd.s32 v58, v1  }
.LBB2_7:
0xe9: {  	v0 =	vld [tilespmem:$0x1FFF0];
	_ =	sdelay $0x4  }
0xea: {  	v57 =	vadd.s32 v58, v41;
	v58 =	vadd.s32 v0, v49;
	v0 =	vld [tilespmem:$0x1FFF0];
	_ =	sdelay $0x1  }
0xeb: {  	v2 =	vcvt.f32.s32 v33;
	_ =	sdelay $0x1  }
0xec: {  	v50 =	vld [tilespmem:s18+$0x0];
	[tilespmem:$0x1FF50] =	vst v2;
	v2 =	vcvt.f32.s32 v5  }
0xed: {  	[tilespmem:$0x1FF70] =	vst v19;
	v19 =	vmov v59;
	v59 =	vadd.s32 v0, v47;
	v0 =	vld [tilespmem:$0x1FFF0]  }
0xee: {  	[tilespmem:$0x1FF60] =	vst v2;
	v2 =	vld [tilespmem:$0x1FFF0]  }
0xef: {  	v52 =	vld [tilespmem:s18+$0x10]  }
0xf0: {  	v41 =	vcvt.f32.s32 v40;
	v40 =	vcvt.f32.s32 v37;
	v53 =	vld [tilespmem:s18+$0x20]  }
0xf1: {  	[tilespmem:$0x1FF80] =	vst v12;
	v37 =	vcvt.f32.s32 v36;
	v36 =	vcvt.f32.s32 v35;
	v12 =	vld [tilespmem:s18+$0xFFFFFF90];
	v5 =	vsub.f32 v50, v3  }
0xf2: {  	v35 =	vmovc v60;
	v51 =	vsub.f32 v50, v7;
	v50 =	vld [tilespmem:s18+$0x60];
	v60 =	vadd.s32 v0, v48;
	v0 =	vcvt.f32.s32 v42  }
0xf3: {  	v20 =	vmov v61;
	v61 =	vadd.s32 v2, v46;
	v2 =	vld [tilespmem:$0x1FFF0]  }
0xf4: {  	[tilespmem:$0x1FF30] =	vst v0;
	v0 =	vld [tilespmem:$0x1FFF0]  }
0xf5: {  	v39 =	vcvt.f32.s32 v39;
	v47 =	vld [tilespmem:s18+$0x30]  }
0xf6: {  	v38 =	vcvt.f32.s32 v38;
	v49 =	vld [tilespmem:s18+$0x40];
	v5 =	vmul.f32 $1.442695020e+00, v5  }
0xf7: {  	v34 =	vcvt.f32.s32 v34;
	v18 =	vsub.f32 v12, v3;
	v12 =	vsub.f32 v12, v7;
	v48 =	vld [tilespmem:s18+$0x50]  }
0xf8: {  	v9 =	vld [tilespmem:s18+$0xFFFFFF80];
	(erf) = vpow2.f32 v5;
	v56 =	vsub.f32 v50, v3;
	v42 =	vsub.f32 v52, v3  }
0xf9: {  	v33 =	vmovc v62;
	v62 =	vld [tilespmem:s18+$0xFFFFFF60];
	v55 =	vadd.s32 v2, v45;
	v0 =	vadd.s32 v0, v32;
	v32 =	vsub.f32 v53, v3  }
0xfa: {  	[tilespmem:$0x1FF40] =	vst v63;
	v63 =	vld [tilespmem:s18+$0xFFFFFF70];
	v46 =	vsub.f32 v47, v3;
	v54 =	vsub.f32 v47, v7;
	v42 =	vmul.f32 $1.442695020e+00, v42  }
0xfb: {  	v4 =	vld [tilespmem:s18+$0xFFFFFFA0];
	v47 =	vmul.f32 $1.442695020e+00, v56;
	v45 =	vmul.f32 $1.442695020e+00, v32;
	v32 =	vsub.f32 v49, v3  }
0xfc: {  	v2 =	vld [tilespmem:s18+$0xFFFFFFB0];
	v5 =	vmul.f32 $1.442695020e+00, v46;
	(erf) = vpow2.f32 v42;
	v46 =	vsub.f32 v48, v3  }
0xfd: {  	v56 =	vsub.f32 v9, v3;
	v42 =	vmul.f32 $1.442695020e+00, v32;
	(erf) = vpow2.f32 v45  }
0xfe: {  	v46 =	vmul.f32 $1.442695020e+00, v46;
	v32 =	vsub.f32 v62, v3;
	(erf) = vpow2.f32 v5  }
0xff: {  	v10 =	vld [tilespmem:s18+$0xFFFFFFC0];
	v45 =	vmul.f32 $1.442695020e+00, v56;
	v5 =	vsub.f32 v63, v3;
	(erf) = vpow2.f32 v42  }
0x100: {  	v6 =	vld [tilespmem:s18+$0xFFFFFFD0];
	v56 =	vsub.f32 v4, v3;
	v42 =	vmul.f32 $1.442695020e+00, v32;
	(erf) = vpow2.f32 v46  }
0x101: {  	[tilespmem:$0x1FF90] =	vst v14;
	v11 =	vld [tilespmem:s18+$0xFFFFFFE0];
	v14 =	vsub.f32 v2, v3;
	v32 =	vmul.f32 $1.442695020e+00, v5;
	(erf) = vpow2.f32 v47  }
0x102: {  	v12 =	vmax.f32 v12, $0.0e+00;
	v5 =	vld [tilespmem:s18+$0x70];
	(erf) = vpow2.f32 v42;
	v42 =	vmul.f32 $1.442695020e+00, v18  }
0x103: {  	v15 =	vld [tilespmem:s18+$0x80];
	v21 =	vmovc v17;
	v51 =	vmax.f32 v51, $0.0e+00;
	v14 =	vmul.f32 $1.442695020e+00, v14;
	(erf) = vpow2.f32 v32  }
0x104: {  	[tilespmem:$0x1FFA0] =	vst v13;
	v13 =	vld [tilespmem:s18+$0xFFFFFFF0];
	v46 =	vmul.f32 $1.442695020e+00, v56;
	v47 =	vsub.f32 v10, v3;
	v56 =	vpop (erf);
	(erf) = vpow2.f32 v45  }
0x105: {  	v17 =	vld [tilespmem:s18+$0x90];
	v32 =	vmov v16;
	v16 =	vsub.f32 v6, v3;
	v45 =	vpop (erf);
	(erf) = vpow2.f32 v42  }
0x106: {  	[tilespmem:v43+s13+$0x0] =	vst.idx.add.f32.msk $0xffff, v22;
	v22 =	vsub.f32 v11, v3;
	v47 =	vmul.f32 $1.442695020e+00, v47;
	(erf) = vpow2.f32 v46;
	v42 =	vpop (erf)  }
0x107: {  	[tilespmem:v44+s13+$0x0] =	vst.idx.add.f32.msk $0xffff, v23;
	v18 =	vsub.f32 v5, v3;
	v16 =	vmul.f32 $1.442695020e+00, v16;
	(erf) = vpow2.f32 v14;
	v43 =	vpop (erf)  }
0x108: {  	v12 =	vmul.f32 v12, v8;
	[tilespmem:v1+s13+$0x0] =	vst.idx.add.f32.msk $0xffff, v24;
	v24 =	vsub.f32 v15, v3;
	(erf) = vpow2.f32 v47;
	v44 =	vpop (erf)  }
0x109: {  	[tilespmem:v57+s13+$0x0] =	vst.idx.add.f32.msk $0xffff, v25;
	v14 =	vsub.f32 v13, v3;
	v18 =	vmul.f32 $1.442695020e+00, v18;
	(erf) = vpow2.f32 v16;
	v46 =	vpop (erf)  }
0x10a: {  	v50 =	vsub.f32 v50, v7;
	v1 =	vmul.f32 $1.442695020e+00, v22;
	[tilespmem:v58+s13+$0x0] =	vst.idx.add.f32.msk $0xffff, v26;
	v26 =	vmul.f32 $1.442695020e+00, v24;
	v47 =	vpop (erf)  }
0x10b: {  	v12 =	vmin.f32 v12, $1.023000000e+03;
	v14 =	vmul.f32 $1.442695020e+00, v14;
	(erf) = vpow2.f32 v18;
	v22 =	vpop (erf)  }
0x10c: {  	v11 =	vsub.f32 v11, v7;
	v16 =	vsub.f32 v17, v3;
	(erf) = vpow2.f32 v1;
	v23 =	vpop (erf)  }
0x10d: {  	v12 =	vtrunc.f32 v12;
	v9 =	vsub.f32 v9, v7;
	(erf) = vpow2.f32 v14;
	v24 =	vpop (erf)  }
0x10e: {  	v52 =	vsub.f32 v52, v7;
	v11 =	vmax.f32 v11, $0.0e+00;
	v16 =	vmul.f32 $1.442695020e+00, v16;
	v25 =	vpop (erf)  }
0x10f: {  	v15 =	vsub.f32 v15, v7;
	v9 =	vmax.f32 v9, $0.0e+00;
	[tilespmem:v59+s13+$0x0] =	vst.idx.add.f32.msk $0xffff, v27;
	(erf) = vpow2.f32 v26;
	v26 =	vpop (erf)  }
0x110: {  	v2 =	vsub.f32 v2, v7;
	[tilespmem:v60+s13+$0x0] =	vst.idx.add.f32.msk $0xffff, v28;
	v18 =	vsub.f32 v62, v7;
	(erf) = vpow2.f32 v16;
	v27 =	vpop (erf)  }
0x111: {  	v52 =	vmax.f32 v52, $0.0e+00;
	[tilespmem:v0+s13+$0x0] =	vst.idx.add.f32.msk $0xffff, v29;
	v0 =	vsub.f32 v4, v7;
	v1 =	vsub.f32 v63, v7;
	v28 =	vpop (erf)  }
0x112: {  	[tilespmem:v61+s13+$0x0] =	vst.idx.add.f32.msk $0xffff, v30;
	v4 =	vmax.f32 v18, $0.0e+00;
	v18 =	vadd.f32 v23, v22;
	v61 =	vadd.f32 v25, v24;
	v29 =	vpop (erf)  }
0x113: {  	v57 =	vmax.f32 v0, $0.0e+00;
	v0 =	vadd.f32 v27, v26;
	v58 =	vadd.f32 v29, v28  }
0x114: {  	[tilespmem:v55+s13+$0x0] =	vst.idx.add.f32.msk $0xffff, v31;
	v59 =	vadd.f32 v46, v44;
	v14 =	vmax.f32 v1, $0.0e+00;
	v1 =	vadd.f32 v45, v56;
	v55 =	vpop (erf)  }
0x115: {  	v54 =	vmax.f32 v54, $0.0e+00;
	v18 =	vadd.f32 v61, v18;
	v30 =	vpop (erf);
	v61 =	vadd.f32 v58, v0  }
0x116: {  	v11 =	vmul.f32 v11, v8;
	v16 =	vadd.f32 v43, v42;
	v60 =	vadd.f32 v55, v47;
	v31 =	vpop (erf)  }
0x117: {  	v15 =	vmax.f32 v15, $0.0e+00;
	v58 =	vadd.f32 v31, v30;
	v18 =	vadd.f32 v61, v18  }
0x118: {  	v9 =	vmul.f32 v9, v8;
	v16 =	vadd.f32 v16, v1;
	v1 =	vpop (erf);
	v59 =	vadd.f32 v60, v59  }
0x119: {  	v15 =	vmul.f32 v15, v8;
	v48 =	vsub.f32 v48, v7;
	v0 =	vpop (erf);
	v18 =	vadd.f32 v58, v18;
	v58 =	vld [tilespmem:$0x1FFF0]  }
0x11a: {  	v11 =	vmin.f32 v11, $1.023000000e+03;
	v60 =	vadd.f32 v0, v1;
	v16 =	vadd.f32 v59, v16  }
0x11b: {  	v9 =	vmin.f32 v9, $1.023000000e+03;
	v11 =	vtrunc.f32 v11;
	v5 =	vsub.f32 v5, v7  }
0x11c: {  	v2 =	vmax.f32 v2, $0.0e+00;
	v16 =	vadd.f32 v60, v16;
	v18 =	vadd.f32 v18, v19  }
0x11d: {  	v15 =	vmin.f32 v15, $1.023000000e+03;
	v9 =	vtrunc.f32 v9;
	v63 =	vmul.f32 v57, v8  }
0x11e: {  	v5 =	vmax.f32 v5, $0.0e+00;
	v59 =	vadd.f32 v16, v18;
	v41 =	vadd.s32 v58, v41  }
0x11f: {  	v16 =	vmax.f32 v48, $0.0e+00;
	v48 =	vmin.f32 v63, $1.023000000e+03;
	v63 =	vadd.s32 v58, v39  }
0x120: {  	v2 =	vmul.f32 v2, v8;
	v49 =	vsub.f32 v49, v7;
	v5 =	vmul.f32 v5, v8  }
0x121: {  	v57 =	vmul.f32 v54, v8;
	v18 =	vmax.f32 v50, $0.0e+00;
	v50 =	vmul.f32 v51, v8  }
0x122: {  	v5 =	vmin.f32 v5, $1.023000000e+03;
	v19 =	vld [tilespmem:$0x1FF30];
	v51 =	vmul.f32 v52, v8;
	v16 =	vmul.f32 v16, v8  }
0x123: {  	v61 =	vmov v56;
	v54 =	vadd.s32 v58, v40;
	v56 =	vadd.s32 v58, v37;
	[tilespmem:v41+s13+$0x0] =	vst.idx.add.f32.msk $0xffff, v20  }
0x124: {  	v50 =	vmin.f32 v50, $1.023000000e+03;
	v51 =	vmin.f32 v51, $1.023000000e+03;
	v16 =	vmin.f32 v16, $1.023000000e+03;
	[tilespmem:v63+s13+$0x0] =	vst.idx.add.f32.msk $0xffff, v35  }
0x125: {  	v35 =	vtrunc.f32 v16;
	v16 =	vadd.s32 v58, v34;
	v34 =	vtrunc.f32 v5;
	v5 =	vld [tilespmem:$0x1FF40]  }
0x126: {  	v10 =	vsub.f32 v10, v7;
	v40 =	vtrunc.f32 v50;
	v39 =	vtrunc.f32 v51  }
0x127: {  	v50 =	vadd.s32 v58, v36;
	v51 =	vadd.s32 v58, v19;
	v19 =	vld [tilespmem:$0x1FF70];
	v41 =	vmin.f32 v57, $1.023000000e+03  }
0x128: {  	v57 =	vadd.s32 v58, v38;
	v36 =	vtrunc.f32 v41;
	v41 =	vcvt.f32.s32 v12;
	v12 =	vld [tilespmem:$0x1FF80]  }
0x129: {  	v9 =	vcvt.f32.s32 v9;
	v10 =	vmax.f32 v10, $0.0e+00;
	v6 =	vsub.f32 v6, v7;
	[tilespmem:v54+s13+$0x0] =	vst.idx.add.f32.msk $0xffff, v33  }
0x12a: {  	v2 =	vmin.f32 v2, $1.023000000e+03;
	v49 =	vmax.f32 v49, $0.0e+00;
	v10 =	vmul.f32 v10, v8;
	[tilespmem:v56+s13+$0x0] =	vst.idx.add.f32.msk $0xffff, v5  }
0x12b: {  	v2 =	vtrunc.f32 v2;
	v49 =	vmul.f32 v49, v8;
	v6 =	vmax.f32 v6, $0.0e+00;
	v5 =	vld [tilespmem:$0x1FF50]  }
0x12c: {  	v10 =	vmin.f32 v10, $1.023000000e+03;
	v13 =	vsub.f32 v13, v7;
	v6 =	vmul.f32 v6, v8  }
0x12d: {  	v53 =	vsub.f32 v53, v7;
	v10 =	vtrunc.f32 v10;
	v18 =	vmul.f32 v18, v8;
	[tilespmem:v57+s13+$0x0] =	vst.idx.add.f32.msk $0xffff, v21  }
0x12e: {  	v13 =	vmax.f32 v13, $0.0e+00;
	v17 =	vsub.f32 v17, v7;
	v6 =	vmin.f32 v6, $1.023000000e+03;
	[tilespmem:v50+s13+$0x0] =	vst.idx.add.f32.msk $0xffff, v19  }
0x12f: {  	v13 =	vmul.f32 v13, v8;
	v6 =	vtrunc.f32 v6;
	v18 =	vmin.f32 v18, $1.023000000e+03;
	[tilespmem:v51+s13+$0x0] =	vst.idx.add.f32.msk $0xffff, v12  }
0x130: {  	v62 =	vmovc v42;
	v42 =	vtrunc.f32 v18;
	v12 =	vmovc v47;
	v47 =	vcvt.f32.s32 v2;
	v2 =	vld [tilespmem:$0x1FF90];
	v18 =	vadd.s32 v58, v5  }
0x131: {  	v53 =	vmax.f32 v53, $0.0e+00;
	v4 =	vmul.f32 v4, v8;
	v33 =	vtrunc.f32 v15;
	v15 =	vld [tilespmem:$0x1FF60]  }
0x132: {  	v17 =	vmax.f32 v17, $0.0e+00;
	v13 =	vmin.f32 v13, $1.023000000e+03;
	v14 =	vmul.f32 v14, v8  }
0x133: {  	v17 =	vmul.f32 v17, v8;
	v13 =	vtrunc.f32 v13;
	v4 =	vmin.f32 v4, $1.023000000e+03  }
0x134: {  	v14 =	vmin.f32 v14, $1.023000000e+03;
	v4 =	vtrunc.f32 v4;
	v52 =	vmul.f32 v53, v8;
	[tilespmem:v16+s13+$0x0] =	vst.idx.add.f32.msk $0xffff, v32  }
0x135: {  	s17 =	sadd.s32 $0x140, s17;
	v14 =	vtrunc.f32 v14;
	v4 =	vcvt.f32.s32 v4;
	[tilespmem:v18+s13+$0x0] =	vst.idx.add.f32.msk $0xffff, v2  }
0x136: {  	p0 =	slt.u32 s17, $0x184C0;
	v60 =	vmovc v45;
	v45 =	vcvt.f32.s32 v13;
	v52 =	vmin.f32 v52, $1.023000000e+03;
	v15 =	vadd.s32 v58, v15;
	v2 =	vld [tilespmem:$0x1FFA0]  }
.Ltmp2:
0x137: {  	v49 =	vmin.f32 v49, $1.023000000e+03;
	v48 =	vtrunc.f32 v48;
	v37 =	vtrunc.f32 v52;
	(pc) =	sbr.rel @p0 .LBB2_7-.Ltmp2, $4  }
0x138: {  	v17 =	vmin.f32 v17, $1.023000000e+03;
	v38 =	vtrunc.f32 v49;
	v20 =	vcvt.f32.s32 v14  }
0x139: {  	v13 =	vmovc v0;
	v49 =	vcvt.f32.s32 v48;
	v48 =	vcvt.f32.s32 v10;
	v14 =	vmovc v1;
	v1 =	vadd.s32 v58, v9  }
0x13a: {  	v63 =	vmovc v43;
	v43 =	vadd.s32 v58, v4;
	v19 =	vmovc v46;
	v46 =	vcvt.f32.s32 v11;
	v16 =	vmov v55  }
0x13b: {  	s18 =	sadd.s32 $0x140, s18;
	v32 =	vcvt.f32.s32 v6;
	v5 =	vtrunc.f32 v17;
	v17 =	vmovc v44;
	v44 =	vadd.s32 v58, v20;
	[tilespmem:v15+s13+$0x0] =	vst.idx.add.f32.msk $0xffff, v2  }
0x13c: {  	_ =	sdelay $0x2  }
0x13d: {  	v0 =	vadd.s32 v58, v41  }
0x13e: {  	v2 =	vadd.s32 v58, v49;
	[tilespmem:v43+s13+$0x0] =	vst.idx.add.f32.msk $0xffff, v22  }
0x13f: {  	v4 =	vadd.s32 v58, v47;
	[tilespmem:v44+s13+$0x0] =	vst.idx.add.f32.msk $0xffff, v23  }
0x140: {  	v6 =	vadd.s32 v58, v48;
	[tilespmem:v1+s13+$0x0] =	vst.idx.add.f32.msk $0xffff, v24;
	v1 =	vcvt.f32.s32 v40  }
0x141: {  	v9 =	vadd.s32 v58, v32  }
0x142: {  	v1 =	vadd.s32 v58, v1;
	[tilespmem:v0+s13+$0x0] =	vst.idx.add.f32.msk $0xffff, v25  }
0x143: {  	v10 =	vadd.s32 v58, v46;
	v0 =	vcvt.f32.s32 v39;
	[tilespmem:v2+s13+$0x0] =	vst.idx.add.f32.msk $0xffff, v26  }
0x144: {  	v11 =	vadd.s32 v58, v45;
	v2 =	vcvt.f32.s32 v37;
	[tilespmem:v4+s13+$0x0] =	vst.idx.add.f32.msk $0xffff, v27  }
0x145: {  	v4 =	vcvt.f32.s32 v36;
	v0 =	vadd.s32 v58, v0;
	[tilespmem:v6+s13+$0x0] =	vst.idx.add.f32.msk $0xffff, v28  }
0x146: {  	v6 =	vcvt.f32.s32 v38;
	v2 =	vadd.s32 v58, v2;
	[tilespmem:v9+s13+$0x0] =	vst.idx.add.f32.msk $0xffff, v29  }
0x147: {  	v9 =	vcvt.f32.s32 v35;
	v4 =	vadd.s32 v58, v4;
	[tilespmem:v1+s13+$0x0] =	vst.idx.add.f32.msk $0xffff, v61  }
0x148: {  	[tilespmem:v10+s13+$0x0] =	vst.idx.add.f32.msk $0xffff, v30;
	v10 =	vcvt.f32.s32 v42;
	v6 =	vadd.s32 v58, v6  }
0x149: {  	[tilespmem:v11+s13+$0x0] =	vst.idx.add.f32.msk $0xffff, v31;
	v11 =	vcvt.f32.s32 v34;
	v1 =	vadd.s32 v58, v9  }
0x14a: {  	v9 =	vcvt.f32.s32 v33;
	[tilespmem:v0+s13+$0x0] =	vst.idx.add.f32.msk $0xffff, v60;
	v0 =	vadd.s32 v58, v10  }
0x14b: {  	v5 =	vcvt.f32.s32 v5;
	[tilespmem:v2+s13+$0x0] =	vst.idx.add.f32.msk $0xffff, v62;
	v2 =	vadd.s32 v58, v11  }
0x14c: {  	[tilespmem:v4+s13+$0x0] =	vst.idx.add.f32.msk $0xffff, v63;
	v4 =	vadd.s32 v58, v9  }
0x14d: {  	v5 =	vadd.s32 v58, v5;
	[tilespmem:v6+s13+$0x0] =	vst.idx.add.f32.msk $0xffff, v17  }
0x14e: {  	[tilespmem:v1+s13+$0x0] =	vst.idx.add.f32.msk $0xffff, v19  }
0x14f: {  	[tilespmem:v0+s13+$0x0] =	vst.idx.add.f32.msk $0xffff, v12  }
0x150: {  	[tilespmem:v2+s13+$0x0] =	vst.idx.add.f32.msk $0xffff, v16  }
0x151: {  	[tilespmem:v4+s13+$0x0] =	vst.idx.add.f32.msk $0xffff, v14  }
0x152: {  	[tilespmem:v5+s13+$0x0] =	vst.idx.add.f32.msk $0xffff, v13  }
0x153: {  	v0 =	vld [tilespmem:$0x18600]  }
0x154: {  	v1 =	vld [tilespmem:$0x18610]  }
0x155: {  	v2 =	vld [tilespmem:$0x18620]  }
0x156: {  	v4 =	vld [tilespmem:$0x18630];
	_ =	sdelay $0x2  }
0x157: {  	v9 =	vsub.f32 v0, v3  }
0x158: {  	v11 =	vsub.f32 v1, v3;
	v13 =	vsub.f32 v2, v3  }
0x159: {  	v14 =	vsub.f32 v4, v3;
	v0 =	vsub.f32 v0, v7  }
0x15a: {  	v5 =	vld [tilespmem:$0x18640];
	v1 =	vsub.f32 v1, v7;
	v2 =	vsub.f32 v2, v7  }
0x15b: {  	v4 =	vsub.f32 v4, v7;
	v9 =	vmul.f32 $1.442695020e+00, v9;
	v11 =	vmul.f32 $1.442695020e+00, v11  }
0x15c: {  	v6 =	vld [tilespmem:$0x18650];
	v0 =	vmax.f32 v0, $0.0e+00;
	v1 =	vmax.f32 v1, $0.0e+00;
	v2 =	vmax.f32 v2, $0.0e+00  }
0x15d: {  	v4 =	vmax.f32 v4, $0.0e+00;
	v0 =	vmul.f32 v0, v8;
	v1 =	vmul.f32 v1, v8  }
0x15e: {  	v2 =	vmul.f32 v2, v8;
	v4 =	vmul.f32 v4, v8  }
0x15f: {  	(erf) = vpow2.f32 v9;
	v9 =	vmul.f32 $1.442695020e+00, v13;
	v13 =	vsub.f32 v5, v3  }
0x160: {  	v10 =	vld [tilespmem:$0x18660];
	v5 =	vsub.f32 v5, v7;
	(erf) = vpow2.f32 v11;
	v11 =	vmul.f32 $1.442695020e+00, v14  }
0x161: {  	v14 =	vsub.f32 v6, v3;
	v0 =	vmin.f32 v0, $1.023000000e+03;
	v1 =	vmin.f32 v1, $1.023000000e+03  }
0x162: {  	v12 =	vld [tilespmem:$0x18670];
	v2 =	vmin.f32 v2, $1.023000000e+03;
	(erf) = vpow2.f32 v9;
	v9 =	vmul.f32 $1.442695020e+00, v13  }
0x163: {  	v4 =	vmin.f32 v4, $1.023000000e+03;
	v0 =	vtrunc.f32 v0;
	v1 =	vtrunc.f32 v1  }
0x164: {  	v6 =	vsub.f32 v6, v7;
	v2 =	vtrunc.f32 v2;
	v4 =	vtrunc.f32 v4  }
0x165: {  	v15 =	vld [tilespmem:$0x18680];
	v13 =	vsub.f32 v10, v3;
	(erf) = vpow2.f32 v11;
	v11 =	vmul.f32 $1.442695020e+00, v14  }
0x166: {  	v16 =	vld [tilespmem:$0x18690];
	v5 =	vmax.f32 v5, $0.0e+00;
	v0 =	vcvt.f32.s32 v0;
	v1 =	vcvt.f32.s32 v1  }
0x167: {  	v14 =	vsub.f32 v12, v3;
	v2 =	vcvt.f32.s32 v2;
	v5 =	vmul.f32 v5, v8  }
0x168: {  	v6 =	vmax.f32 v6, $0.0e+00;
	v4 =	vcvt.f32.s32 v4;
	(erf) = vpow2.f32 v9  }
0x169: {  	v9 =	vmul.f32 $1.442695020e+00, v13;
	v6 =	vmul.f32 v6, v8  }
0x16a: {  	v13 =	vsub.f32 v15, v3;
	(erf) = vpow2.f32 v11;
	v11 =	vmul.f32 $1.442695020e+00, v14  }
0x16b: {  	v5 =	vmin.f32 v5, $1.023000000e+03;
	(erf) = vpow2.f32 v9;
	v9 =	vsub.f32 v16, v3  }
0x16c: {  	v0 =	vadd.s32 v58, v0;
	(erf) = vpow2.f32 v11;
	v11 =	vmul.f32 $1.442695020e+00, v13  }
0x16d: {  	v1 =	vadd.s32 v58, v1;
	v2 =	vadd.s32 v58, v2;
	v9 =	vmul.f32 $1.442695020e+00, v9  }
0x16e: {  	v4 =	vadd.s32 v58, v4;
	v5 =	vtrunc.f32 v5;
	(erf) = vpow2.f32 v11  }
0x16f: {  	v6 =	vmin.f32 v6, $1.023000000e+03;
	(erf) = vpow2.f32 v9;
	v9 =	vsub.f32 v10, v7  }
0x170: {  	v5 =	vcvt.f32.s32 v5;
	v6 =	vtrunc.f32 v6;
	v10 =	vsub.f32 v12, v7  }
0x171: {  	v6 =	vcvt.f32.s32 v6;
	v11 =	vsub.f32 v15, v7;
	v9 =	vmax.f32 v9, $0.0e+00  }
0x172: {  	v12 =	vsub.f32 v16, v7;
	v10 =	vmax.f32 v10, $0.0e+00;
	v9 =	vmul.f32 v9, v8  }
0x173: {  	v5 =	vadd.s32 v58, v5;
	v11 =	vmax.f32 v11, $0.0e+00;
	v10 =	vmul.f32 v10, v8  }
0x174: {  	v11 =	vmul.f32 v11, v8;
	v12 =	vmax.f32 v12, $0.0e+00;
	v9 =	vmin.f32 v9, $1.023000000e+03  }
0x175: {  	v12 =	vmul.f32 v12, v8;
	v10 =	vmin.f32 v10, $1.023000000e+03;
	v9 =	vtrunc.f32 v9  }
0x176: {  	v11 =	vmin.f32 v11, $1.023000000e+03;
	v10 =	vtrunc.f32 v10;
	v9 =	vcvt.f32.s32 v9  }
0x177: {  	v13 =	vpop (erf);
	v11 =	vtrunc.f32 v11;
	v12 =	vmin.f32 v12, $1.023000000e+03;
	v10 =	vcvt.f32.s32 v10  }
0x178: {  	v14 =	vpop (erf);
	[tilespmem:v0+s13+$0x0] =	vst.idx.add.f32.msk $0xffff, v13;
	v0 =	vadd.s32 v58, v6;
	v11 =	vcvt.f32.s32 v11;
	v12 =	vtrunc.f32 v12  }
0x179: {  	[tilespmem:v1+s13+$0x0] =	vst.idx.add.f32.msk $0xffff, v14;
	v6 =	vpop (erf);
	v12 =	vcvt.f32.s32 v12;
	v1 =	vadd.s32 v58, v9  }
0x17a: {  	[tilespmem:v2+s13+$0x0] =	vst.idx.add.f32.msk $0xffff, v6;
	v2 =	vadd.s32 v58, v10;
	v9 =	vpop (erf)  }
0x17b: {  	v10 =	vpop (erf);
	[tilespmem:v4+s13+$0x0] =	vst.idx.add.f32.msk $0xffff, v9;
	v4 =	vadd.s32 v58, v11  }
0x17c: {  	v11 =	vpop (erf);
	[tilespmem:v5+s13+$0x0] =	vst.idx.add.f32.msk $0xffff, v10;
	v5 =	vadd.s32 v58, v12  }
0x17d: {  	v12 =	vpop (erf);
	[tilespmem:v0+s13+$0x0] =	vst.idx.add.f32.msk $0xffff, v11  }
0x17e: {  	v0 =	vpop (erf);
	[tilespmem:v1+s13+$0x0] =	vst.idx.add.f32.msk $0xffff, v12  }
0x17f: {  	v1 =	vpop (erf);
	[tilespmem:v2+s13+$0x0] =	vst.idx.add.f32.msk $0xffff, v0  }
0x180: {  	v2 =	vpop (erf);
	[tilespmem:v4+s13+$0x0] =	vst.idx.add.f32.msk $0xffff, v1  }
0x181: {  	s17 =	simm.s32 $0x1AA90;
	[tilespmem:v5+s13+$0x0] =	vst.idx.add.f32.msk $0xffff, v2  }
0x182: {  	v4 =	vld [tilespmem:s17+$0x1800]  }
0x183: {  	v5 =	vld [tilespmem:s17+$0xFFFFE400]  }
0x184: {  	v15 =	vld [tilespmem:s17+$0xFFFFE000]  }
0x185: {  	v16 =	vld [tilespmem:s17+$0xFFFFE800]  }
0x186: {  	v17 =	vld [tilespmem:s17+$0xFFFFEC00]  }
0x187: {  	v18 =	vld [tilespmem:s17+$0xFFFFF000]  }
0x188: {  	v19 =	vld [tilespmem:s17+$0xFFFFF400]  }
0x189: {  	v20 =	vld [tilespmem:s17+$0xFFFFF800]  }
0x18a: {  	v21 =	vld [tilespmem:s17+$0x400]  }
0x18b: {  	v22 =	vld [tilespmem:s17+$0x0]  }
0x18c: {  	v23 =	vld [tilespmem:s17+$0xFFFFFC00]  }
0x18d: {  	v24 =	vld [tilespmem:s17+$0x800]  }
0x18e: {  	v25 =	vld [tilespmem:s17+$0xC00]  }
0x18f: {  	v26 =	vld [tilespmem:s17+$0x1000]  }
0x190: {  	v27 =	vld [tilespmem:s17+$0x1400]  }
0x191: {  	s26 =	simm.s32 $0x1AA80;
	v6 =	vadd.f32 v9, v6;
	v9 =	vld [tilespmem:s17+$0x1C00]  }
0x192: {  	v10 =	vadd.f32 v11, v10;
	v0 =	vadd.f32 v0, v12;
	v11 =	vld [tilespmem:s26+$0x1800]  }
0x193: {  	v12 =	vld [tilespmem:s26+$0xFFFFE400]  }
0x194: {  	v0 =	vadd.f32 v0, v10;
	v10 =	vld [tilespmem:s26+$0xFFFFE000]  }
0x195: {  	s28 =	simm.s32 $0x1AA70;
	v13 =	vadd.f32 v14, v13;
	v1 =	vadd.f32 v2, v1;
	v2 =	vld [tilespmem:s26+$0x0]  }
0x196: {  	v56 =	vld [tilespmem:s28+$0xFFFFEC00]  }
0x197: {  	v6 =	vadd.f32 v6, v13;
	v57 =	vld [tilespmem:s28+$0xFFFFF000]  }
0x198: {  	s18 =	simm.s32 $0x1AA60;
	v60 =	vld [tilespmem:s28+$0xFFFFF800]  }
0x199: {  	v61 =	vld [tilespmem:s18+$0x1C00];
	v0 =	vadd.f32 v0, v6  }
0x19a: {  	v6 =	vld [tilespmem:s26+$0xFFFFFC00]  }
0x19b: {  	v0 =	vadd.f32 v1, v0;
	v13 =	vadd.f32 v19, v18;
	v18 =	vld [tilespmem:s26+$0xFFFFE800]  }
0x19c: {  	v1 =	vlaneseq.u32;
	v14 =	vadd.f32 v23, v20;
	v16 =	vadd.f32 v17, v16;
	v17 =	vld [tilespmem:s26+$0xFFFFEC00]  }
0x19d: {  	v1 =	vmul.u32 $0xFFFFFFFF, v1;
	v19 =	vadd.f32 v21, v22;
	v5 =	vadd.f32 v5, v15;
	v20 =	vld [tilespmem:s26+$0xFFFFF000]  }
0x19e: {  	v15 =	vadd.f32 v25, v24;
	v21 =	vadd.f32 v27, v26;
	v22 =	vld [tilespmem:s26+$0xFFFFF400]  }
0x19f: {  	v4 =	vadd.f32 v9, v4;
	v0 =	vadd.f32 v0, v59;
	v28 =	vadd.s32 $0xF, v1;
	v1 =	vld [tilespmem:s26+$0x1000]  }
0x1a0: {  	v9 =	vadd.f32 v14, v13;
	v5 =	vadd.f32 v16, v5;
	v13 =	vld [tilespmem:s26+$0xFFFFF800]  }
0x1a1: {  	v14 =	vadd.f32 v15, v19;
	v4 =	vadd.f32 v4, v21;
	v15 =	vld [tilespmem:s26+$0x400]  }
0x1a2: {  	v5 =	vadd.f32 v9, v5;
	v9 =	vld [tilespmem:$0x1FFD0]  }
0x1a3: {  	(xrf2) =	vadd.scan.msk.f32 $0xffff, v0;
	v0 =	vld [tilespmem:s26+$0x1C00];
	v4 =	vadd.f32 v4, v14  }
0x1a4: {  	v19 =	vld [tilespmem:s28+$0xFFFFE400]  }
0x1a5: {  	v21 =	vld [tilespmem:s28+$0xFFFFE000];
	v4 =	vadd.f32 v4, v5  }
0x1a6: {  	v14 =	vld [tilespmem:s26+$0x800]  }
0x1a7: {  	v5 =	vld [tilespmem:s26+$0xC00];
	v4 =	vperm.xlane v4, v28;
	v16 =	vnsel vm0, $0xFF800000, v9  }
0x1a8: {  	(xrf0) =	vmax.scan.msk.f32 $0xffff, v16;
	v16 =	vld [tilespmem:s26+$0x1400]  }
0x1a9: {  	v23 =	vld [tilespmem:s28+$0xFFFFE800];
	v10 =	vadd.f32 v12, v10;
	v20 =	vadd.f32 v22, v20;
	(xrf2) =	vadd.scan.msk.f32 $0xffff, v4  }
0x1aa: {  	v27 =	vld [tilespmem:s28+$0xFFFFF400];
	v6 =	vadd.f32 v6, v13;
	v2 =	vadd.f32 v15, v2  }
0x1ab: {  	v13 =	vld [tilespmem:s28+$0x400];
	v15 =	vadd.f32 v17, v18;
	v0 =	vadd.f32 v0, v11  }
0x1ac: {  	v17 =	vld [tilespmem:s28+$0x0];
	v19 =	vadd.f32 v19, v21;
	v5 =	vadd.f32 v5, v14  }
0x1ad: {  	v18 =	vld [tilespmem:s18+$0xFFFFE400];
	v6 =	vadd.f32 v6, v20;
	v1 =	vadd.f32 v16, v1  }
0x1ae: {  	v21 =	vld [tilespmem:s18+$0xFFFFE800];
	v10 =	vadd.f32 v15, v10;
	v2 =	vadd.f32 v5, v2;
	v59, _, _ =	vpop (xrf0)  }
0x1af: {  	v4 =	vld [tilespmem:s28+$0x1800];
	(v2sf) =	vpush v59, $0xF;
	v0 =	vadd.f32 v0, v1  }
0x1b0: {  	v14 =	vld [tilespmem:s28+$0xFFFFFC00]  }
0x1b1: {  	v6 =	vadd.f32 v6, v10;
	v22, _, _ =	vpop (xrf2);
	v5 =	vld [tilespmem:s28+$0x1400];
	v0 =	vadd.f32 v0, v2  }
0x1b2: {  	v1 =	vld [tilespmem:s28+$0x1000];
	(v2sf) =	vpush v22, $0xF  }
0x1b3: {  	v2 =	vld [tilespmem:s28+$0x1C00];
	v12, _, _ =	vpop (xrf2);
	v0 =	vadd.f32 v0, v6  }
0x1b4: {  	v15 =	vld [tilespmem:s28+$0xC00];
	v11 =	vperm.xlane v12, v28  }
0x1b5: {  	v13 =	vadd.f32 v13, v17;
	v17 =	vadd.f32 v56, v23;
	v23 =	vld [tilespmem:s18+$0x1400];
	v0 =	vperm.xlane v0, v28  }
0x1b6: {  	v12 =	vld [tilespmem:s28+$0x800];
	(xrf0) =	vmax.scan.msk.f32 $0xffff, v11  }
0x1b7: {  	v16 =	vld [tilespmem:s18+$0x1800];
	v10 =	vadd.f32 v14, v60;
	v6 =	vadd.f32 v27, v57;
	(xrf2) =	vadd.scan.msk.f32 $0xffff, v0  }
0x1b8: {  	v14 =	vld [tilespmem:s18+$0xFFFFE000];
	v1 =	vadd.f32 v5, v1;
	v2 =	vadd.f32 v2, v4  }
0x1b9: {  	v5 =	vld [tilespmem:s18+$0xFFFFF000];
	v4 =	vadd.f32 v10, v6;
	v6 =	vadd.f32 v17, v19  }
0x1ba: {  	v1 =	vadd.f32 v2, v1;
	v2 =	vld [tilespmem:s18+$0x400]  }
0x1bb: {  	v12 =	vadd.f32 v15, v12;
	v0 =	vadd.f32 v4, v6;
	v4 =	vld [tilespmem:s18+$0x0]  }
0x1bc: {  	v6 =	vld [tilespmem:s18+$0xFFFFFC00];
	v20, _, _ =	vpop (xrf0)  }
0x1bd: {  	v10 =	vadd.f32 v12, v13;
	v12 =	vld [tilespmem:s18+$0xFFFFF800];
	(v2sf) =	vpush v20, $0xF  }
0x1be: {  	v15 =	vld [tilespmem:s18+$0xFFFFEC00];
	s29 =	spop (v2sf)  }
0x1bf: {  	v17 =	vld [tilespmem:s18+$0xFFFFF400];
	s17 =	smax.f32 s29, $0.0e+00  }
0x1c0: {  	v19 =	vld [tilespmem:s18+$0x800];
	v1 =	vadd.f32 v1, v10;
	s19 =	smin.f32 s17, $1.000000000e+00;
	s17 =	simm.f32 $0.0e+00  }
0x1c1: {  	v20 =	vld [tilespmem:s18+$0xC00];
	v2 =	vadd.f32 v2, v4;
	s20 =	spop (v2sf);
	s21 =	sadd.f32 $0.0e+00, s17;
	v62, _, _ =	vpop (xrf2)  }
0x1c2: {  	v22 =	vld [tilespmem:s18+$0x1000];
	v0 =	vadd.f32 v1, v0;
	v6 =	vadd.f32 v6, v12;
	s30 =	smul.f32 s20, s19;
	v12 =	vperm.xlane v62, v28  }
0x1c3: {  	v9 =	vimm.s32 $0x0;
	v4 =	vadd.f32 v15, v21;
	v11 =	vadd.f32 s21, v11  }
0x1c4: {  	v15 =	vadd.f32 v18, v14;
	v0 =	vperm.xlane v0, v28;
	v10 =	vmov s30;
	(xrf0) =	vmax.scan.msk.f32 $0xffff, v12  }
0x1c5: {  	v16 =	vadd.f32 v61, v16;
	v17 =	vadd.f32 v17, v5;
	vm14 =	vle.f32 v11, v10  }
0x1c6: {  	v4 =	vadd.f32 v4, v15;
	v18 =	vadd.f32 v20, v19;
	(xrf2) =	vadd.scan.msk.f32 $0xffff, v0;
	v19 =	vsel vm14, $0x1, v9  }
0x1c7: {  	s24 =	simm.s32 $0x1AA50;
	v20 =	vadd.f32 v23, v22;
	v6 =	vadd.f32 v6, v17;
	(xrf0) =	vadd.scan.msk.s32 $0xffff, v19  }
0x1c8: {  	v63 =	vld [tilespmem:s24+$0xFFFFF800];
	v2 =	vadd.f32 v18, v2;
	v11 =	vnsel vm14, $0xFF800000, v11  }
0x1c9: {  	v13 =	vld [tilespmem:s24+$0xFFFFE400];
	v4 =	vadd.f32 v6, v4;
	(xrf0) =	vmax.scan.msk.f32 $0xffff, v11;
	v11 =	vadd.f32 v16, v20  }
0x1ca: {  	v5 =	vld [tilespmem:s24+$0xFFFFE800];
	v18, _, _ =	vpop (xrf0)  }
0x1cb: {  	v14 =	vld [tilespmem:s24+$0xFFFFEC00];
	v2 =	vadd.f32 v11, v2;
	(v2sf) =	vpush v18, $0xF  }
0x1cc: {  	v1 =	vld [tilespmem:s24+$0xFFFFE000];
	s31 =	spop (v2sf)  }
0x1cd: {  	v15 =	vld [tilespmem:s24+$0x400];
	s23 =	sadd.f32 s31, s17;
	v2 =	vadd.f32 v2, v4;
	v4, _, _ =	vpop (xrf0)  }
0x1ce: {  	v22 =	vld [tilespmem:s24+$0xFFFFF000];
	(v2sf) =	vpush v4, $0xF  }
0x1cf: {  	v23 =	vld [tilespmem:s24+$0xFFFFF400];
	s18 =	sadd.f32 $0.0e+00, s23  }
0x1d0: {  	v17 =	vld [tilespmem:s24+$0x0];
	v21, _, _ =	vpop (xrf0)  }
0x1d1: {  	v0 =	vld [tilespmem:s24+$0x1800];
	v11, _, _ =	vpop (xrf2);
	(v2sf) =	vpush v21, $0xF;
	v6 =	vadd.f32 s18, v12  }
0x1d2: {  	v11 =	vperm.xlane v11, v28;
	v12 =	vld [tilespmem:s24+$0xFFFFFC00]  }
0x1d3: {  	v19 =	vld [tilespmem:s24+$0x1000];
	vm15 =	vle.f32 v6, v10  }
0x1d4: {  	v16 =	vld [tilespmem:s24+$0x800];
	(xrf0) =	vmax.scan.msk.f32 $0xffff, v11;
	v20 =	vsel vm15, $0x1, v9  }
0x1d5: {  	s22 =	simm.s32 $0x3F0;
	s25 =	simm.s32 $0x3B0;
	v18 =	vld [tilespmem:s24+$0xC00];
	v2 =	vperm.xlane v2, v28;
	v4 =	vnsel vm15, $0xFF800000, v6;
	(xrf0) =	vadd.scan.msk.s32 $0xffff, v20  }
0x1d6: {  	s26 =	simm.s32 $0x1AA40;
	s20 =	simm.s32 $0x3D0;
	s19 =	simm.s32 $0x3C0;
	v21 =	vld [tilespmem:s24+$0x1C00];
	(xrf0) =	vmax.scan.msk.f32 $0xffff, v4  }
0x1d7: {  	s21 =	simm.s32 $0x3E0;
	v22 =	vadd.f32 v23, v22;
	s18 =	simm.s32 $0x400;
	(xrf2) =	vadd.scan.msk.f32 $0xffff, v2;
	v20 =	vld [tilespmem:s24+$0x1400];
	s24 =	simm.s32 $0x400;
	v23 =	vadd.f32 v12, v63  }
.LBB2_9:
0x1d8: {  	v2 =	vld [tilespmem:s26+$0x1800];
	p0 =	sne.s32 s25, $0x10;
	v4 =	vadd.f32 v15, v17;
	s28 =	smov.u32 s25;
	s25 =	sadd.s32 $0xFFFFFFF0, s25  }
0x1d9: {  	v12 =	vadd.f32 v14, v5;
	v6 =	vld [tilespmem:s26+$0xFFFFE400];
	v15 =	vadd.f32 v23, v22  }
0x1da: {  	v13 =	vadd.f32 v13, v1;
	v1 =	vld [tilespmem:s26+$0xFFFFE000];
	v14, _, _ =	vpop (xrf0);
	s29 =	spop (v2sf)  }
0x1db: {  	v16 =	vadd.f32 v18, v16;
	v5 =	vld [tilespmem:s26+$0xFFFFE800];
	(v2sf) =	vpush v14, $0xF;
	s23 =	sadd.f32 s29, s23;
	v17, _, _ =	vpop (xrf0)  }
0x1dc: {  	v12 =	vadd.f32 v12, v13;
	v18 =	vadd.f32 v20, v19;
	v14 =	vld [tilespmem:s26+$0xFFFFEC00];
	v19, _, _ =	vpop (xrf0)  }
0x1dd: {  	v4 =	vadd.f32 v16, v4;
	v20 =	vadd.f32 v21, v0;
	v22 =	vld [tilespmem:s26+$0xFFFFF000];
	s29 =	sadd.f32 $0.0e+00, s23;
	s30 =	spop (v2sf);
	v0 =	vmov v2  }
0x1de: {  	v2 =	vld [tilespmem:s26+$0xFFFFF400];
	(v2sf) =	vpush v17, $0xF;
	s31 =	ssub.s32 s24, s30;
	p1 =	sgt.s32 s30, $0x0;
	v13 =	vmov v6;
	s24 =	smov.u32 s22  }
0x1df: {  	v12 =	vadd.f32 v15, v12;
	v16 =	vadd.f32 v20, v18;
	s22 =	smov.u32 s21;
	s21 =	smov.u32 s20;
	v6 =	vld [tilespmem:s26+$0xFFFFF800];
	s18 =	smov.u32 @p1 s31  }
0x1e0: {  	s20 =	smov.u32 s19;
	s19 =	smov.u32 s28;
	v18 =	vadd.f32 s29, v11;
	v15 =	vld [tilespmem:s26+$0x400];
	s29 =	spop (v2sf)  }
0x1e1: {  	v4 =	vadd.f32 v16, v4;
	v17 =	vld [tilespmem:s26+$0x0];
	v11, _, _ =	vpop (xrf2);
	(v2sf) =	vpush v19, $0xF;
	s17 =	smov.u32 @p1 s29  }
0x1e2: {  	vm0 =	vle.f32 v18, v10;
	v23 =	vld [tilespmem:s26+$0xFFFFFC00];
	v11 =	vperm.xlane v11, v28  }
.Ltmp3:
0x1e3: {  	v4 =	vadd.f32 v4, v12;
	v12 =	vsel vm0, $0x1, v9;
	v21 =	vnsel vm0, $0xFF800000, v18;
	v16 =	vld [tilespmem:s26+$0x800];
	(pc) =	sbr.rel @p0 .LBB2_9-.Ltmp3, $4  }
0x1e4: {  	v18 =	vld [tilespmem:s26+$0xC00];
	(xrf0) =	vmax.scan.msk.f32 $0xffff, v11  }
0x1e5: {  	v4 =	vperm.xlane v4, v28;
	v19 =	vld [tilespmem:s26+$0x1000];
	(xrf0) =	vadd.scan.msk.s32 $0xffff, v12  }
0x1e6: {  	v20 =	vld [tilespmem:s26+$0x1400];
	(xrf0) =	vmax.scan.msk.f32 $0xffff, v21  }
0x1e7: {  	v22 =	vadd.f32 v2, v22;
	v21 =	vld [tilespmem:s26+$0x1C00];
	v23 =	vadd.f32 v23, v6;
	s26 =	sadd.s32 $0xFFFFFFF0, s26;
	(xrf2) =	vadd.scan.msk.f32 $0xffff, v4  }
0x1e8: {  	_ =	sdelay $0x8  }
0x1e9: {  	v2, _, _ =	vpop (xrf2)  }
0x1ea: {  	v2 =	vperm.xlane v2, v28;
	_ =	sdelay $0x1  }
0x1eb: {  	v4 =	vadd.f32 v15, v17;
	(xrf0) =	vmax.scan.msk.f32 $0xffff, v2  }
0x1ec: {  	v5 =	vadd.f32 v14, v5;
	v1 =	vadd.f32 v13, v1  }
0x1ed: {  	v6 =	vadd.f32 v23, v22;
	v61 =	vadd.f32 v18, v16;
	v12, _, _ =	vpop (xrf0)  }
0x1ee: {  	v1 =	vadd.f32 v5, v1;
	(v2sf) =	vpush v12, $0xF  }
0x1ef: {  	v62 =	vadd.f32 v20, v19;
	v63, _, _ =	vpop (xrf0);
	v0 =	vadd.f32 v21, v0  }
0x1f0: {  	v4 =	vadd.f32 v61, v4;
	v5, _, _ =	vpop (xrf0);
	(v2sf) =	vpush v63, $0xF  }
0x1f1: {  	(v2sf) =	vpush v5, $0xF;
	v0 =	vadd.f32 v0, v62;
	v5, _, _ =	vpop (xrf0)  }
0x1f2: {  	(v2sf) =	vpush v5, $0xF  }
0x1f3: {  	v1 =	vadd.f32 v6, v1;
	v0 =	vadd.f32 v0, v4;
	_ =	sdelay $0x1  }
0x1f4: {  	v0 =	vadd.f32 v0, v1;
	_ =	sdelay $0x1  }
0x1f5: {  	v0 =	vperm.xlane v0, v28;
	_ =	sdelay $0x1  }
0x1f6: {  	(xrf2) =	vadd.scan.msk.f32 $0xffff, v0  }
0x1f7: {  	s25 =	spop (v2sf)  }
0x1f8: {  	s23 =	sadd.f32 s25, s23  }
0x1f9: {  	s0 =	spop (v2sf)  }
0x1fa: {  	s26 =	sadd.f32 $0.0e+00, s23;
	s28 =	spop (v2sf)  }
0x1fb: {  	s29 =	spop (v2sf)  }
0x1fc: {  	v0 =	vadd.f32 s26, v11;
	s23 =	sadd.f32 s29, s23;
	s26 =	spop (v2sf)  }
0x1fd: {  	s29 =	spop (v2sf)  }
0x1fe: {  	vm0 =	vle.f32 v0, v10;
	s30 =	sadd.f32 $0.0e+00, s23;
	s31 =	spop (v2sf)  }
0x1ff: {  	v1 =	vsel vm0, $0x1, v9;
	s23 =	sadd.f32 s31, s23  }
0x200: {  	(xrf0) =	vadd.scan.msk.s32 $0xffff, v1;
	v4, _, _ =	vpop (xrf2)  }
0x201: {  	v0 =	vnsel vm0, $0xFF800000, v0;
	v2 =	vadd.f32 s30, v2;
	v1 =	vperm.xlane v4, v28;
	s23 =	sadd.f32 $0.0e+00, s23  }
0x202: {  	(xrf0) =	vmax.scan.msk.f32 $0xffff, v0  }
0x203: {  	vm14 =	vle.f32 v2, v10;
	(xrf0) =	vmax.scan.msk.f32 $0xffff, v1;
	v1 =	vadd.f32 s23, v1  }
0x204: {  	v0 =	vsel vm14, $0x1, v9  }
0x205: {  	(xrf0) =	vadd.scan.msk.s32 $0xffff, v0;
	v0 =	vnsel vm14, $0xFF800000, v2;
	vm15 =	vle.f32 v1, v10  }
0x206: {  	v2, _, _ =	vpop (xrf0);
	(xrf0) =	vmax.scan.msk.f32 $0xffff, v0;
	v0 =	vsel vm15, $0x1, v9;
	_ =	sdelay $0x1  }
0x207: {  	v4, _, _ =	vpop (xrf0);
	v1 =	vnsel vm15, $0xFF800000, v1;
	(xrf0) =	vadd.scan.msk.s32 $0xffff, v0  }
0x208: {  	(v2sf) =	vpush v2, $0xF;
	v0, _, _ =	vpop (xrf0);
	(xrf0) =	vmax.scan.msk.f32 $0xffff, v1  }
0x209: {  	(v2sf) =	vpush v4, $0xF  }
0x20a: {  	(v2sf) =	vpush v0, $0xF;
	v0, _, _ =	vpop (xrf0)  }
0x20b: {  	(v2sf) =	vpush v0, $0xF  }
0x20c: {  	v0, _, _ =	vpop (xrf0)  }
0x20d: {  	(v2sf) =	vpush v0, $0xF;
	v0, _, _ =	vpop (xrf0)  }
0x20e: {  	(v2sf) =	vpush v0, $0xF;
	v1, _, _ =	vpop (xrf0)  }
0x20f: {  	[tilespmem:$0x1FF10] =	vst v28;
	(v2sf) =	vpush v1, $0xF  }
0x210: {  	[tilespmem:$0x1FF20] =	vst v10;
	s23 =	simm.s32 $0x18720;
	v1 =	vimm.f32 $0.0e+00  }
0x211: {  	[tilespmem:s23+$0xFFFFFF80] =	vst v1  }
0x212: {  	[tilespmem:s23+$0x70] =	vst v1  }
0x213: {  	[tilespmem:s23+$0x60] =	vst v1  }
0x214: {  	[tilespmem:s23+$0x50] =	vst v1  }
0x215: {  	s24 =	ssub.s32 s24, s0;
	p0 =	sgt.s32 s0, $0x0;
	[tilespmem:s23+$0x40] =	vst v1  }
0x216: {  	s18 =	smov.u32 @p0 s24;
	s17 =	smov.u32 @p0 s28;
	[tilespmem:s23+$0x30] =	vst v1  }
0x217: {  	s22 =	ssub.s32 s22, s26;
	p0 =	sgt.s32 s26, $0x0;
	s0 =	spop (v2sf);
	[tilespmem:s23+$0x20] =	vst v1  }
0x218: {  	s18 =	smov.u32 @p0 s22;
	s17 =	smov.u32 @p0 s29;
	s25 =	spop (v2sf);
	[tilespmem:s23+$0x10] =	vst v1  }
0x219: {  	s21 =	ssub.s32 s21, s0;
	p0 =	sgt.s32 s0, $0x0;
	[tilespmem:s23+$0x0] =	vst v1;
	s28 =	spop (v2sf)  }
0x21a: {  	s18 =	smov.u32 @p0 s21;
	[tilespmem:s23+$0xFFFFFFF0] =	vst v1;
	s30 =	spop (v2sf)  }
0x21b: {  	s17 =	smov.u32 @p0 s25;
	[tilespmem:s23+$0xFFFFFFE0] =	vst v1;
	s20 =	ssub.s32 s20, s30;
	p0 =	sgt.s32 s30, $0x0  }
0x21c: {  	[tilespmem:s23+$0xFFFFFFD0] =	vst v1;
	s18 =	smov.u32 @p0 s20;
	s20 =	spop (v2sf)  }
0x21d: {  	[tilespmem:s23+$0xFFFFFFC0] =	vst v1;
	s17 =	smov.u32 @p0 s20;
	s31 =	spop (v2sf)  }
0x21e: {  	[tilespmem:s23+$0xFFFFFFB0] =	vst v1;
	s19 =	ssub.s32 s19, s31;
	p0 =	sgt.s32 s31, $0x0;
	s20 =	spop (v2sf)  }
0x21f: {  	[tilespmem:s23+$0xFFFFFFA0] =	vst v1;
	s18 =	smov.u32 @p0 s19;
	s19 =	simm.s32 $0x0;
	s17 =	smov.u32 @p0 s20  }
.LBB2_11:
0x220: {  	s19 =	sadd.s32 $0x100, s19;
	[tilespmem:s23+$0xFFFFFF90] =	vst v1;
	s23 =	sadd.s32 $0x100, s23  }
0x221: {  	[tilespmem:s23+$0xFFFFFF80] =	vst v1;
	p0 =	slt.u32 s19, $0x3F00  }
0x222: {  	[tilespmem:s23+$0x70] =	vst v1  }
0x223: {  	[tilespmem:s23+$0x60] =	vst v1  }
0x224: {  	[tilespmem:s23+$0x50] =	vst v1  }
0x225: {  	[tilespmem:s23+$0x40] =	vst v1  }
0x226: {  	[tilespmem:s23+$0x30] =	vst v1  }
0x227: {  	[tilespmem:s23+$0x20] =	vst v1  }
0x228: {  	[tilespmem:s23+$0x10] =	vst v1  }
0x229: {  	[tilespmem:s23+$0x0] =	vst v1  }
0x22a: {  	[tilespmem:s23+$0xFFFFFFF0] =	vst v1  }
.Ltmp4:
0x22b: {  	[tilespmem:s23+$0xFFFFFFE0] =	vst v1;
	(pc) =	sbr.rel @p0 .LBB2_11-.Ltmp4, $4  }
0x22c: {  	[tilespmem:s23+$0xFFFFFFD0] =	vst v1  }
0x22d: {  	[tilespmem:s23+$0xFFFFFFC0] =	vst v1  }
0x22e: {  	[tilespmem:s23+$0xFFFFFFB0] =	vst v1  }
0x22f: {  	[tilespmem:s23+$0xFFFFFFA0] =	vst v1  }
0x230: {  	v0 =	vld [tilespmem:$0x1FFE0]  }
0x231: {  	v2 =	vld [tilespmem:$0x1FFB0];
	_ =	sdelay $0x2  }
0x232: {  	s18 =	sadd.s32 $0xFFFFFFFF, s18  }
0x233: {  	v10 =	vmov s18  }
0x234: {  	[tilespmem:s23+$0xFFFFFF90] =	vst v1;
	s30 =	simm.s32 $0xA0;
	v9 =	vmul.f32 v2, v0;
	v0 =	vcvt.s32.f32 v10  }
0x235: {  	v1 =	vld [tilespmem:s30+$0x0]  }
0x236: {  	v2 =	vld [tilespmem:s30+$0x20];
	v0 =	vmul.f32 v0, v9;
	_ =	sdelay $0x1  }
0x237: {  	v11 =	vadd.f32 v0, v7;
	v0 =	vld [tilespmem:s30+$0x10];
	[tilespmem:$0x1FBA0] =	vst v3  }
0x238: {  	v5 =	vld [tilespmem:s30+$0x30]  }
0x239: {  	v6 =	vld [tilespmem:s30+$0x40];
	v4 =	vsub.f32 v11, v3;
	v48 =	vadd.f32 $-1.000000000e+00, v11  }
0x23a: {  	(erf) = vrcp.f32 v9;
	v20 =	vld [tilespmem:s30+$0x50];
	v26 =	vsub.f32 v1, v11;
	v28 =	vsub.f32 v2, v11  }
0x23b: {  	[tilespmem:$0x1FBB0] =	vst v9;
	v4 =	vmul.f32 $1.442695020e+00, v4;
	v22 =	vsub.f32 v2, v48;
	v2 =	vsub.f32 v2, v7  }
0x23c: {  	v19 =	vld [tilespmem:s30+$0x60];
	v21 =	vsub.f32 v0, v48;
	v27 =	vsub.f32 v0, v11  }
0x23d: {  	v12 =	vld [tilespmem:s30+$0x70];
	v0 =	vsub.f32 v0, v7;
	(erf) = vpow2.f32 v4;
	v4 =	vsub.f32 v1, v48  }
0x23e: {  	v18 =	vld [tilespmem:s30+$0x80];
	v23 =	vsub.f32 v5, v48;
	v24 =	vsub.f32 v6, v48  }
0x23f: {  	v17 =	vld [tilespmem:s30+$0x90];
	v25 =	vsub.f32 v20, v48;
	v29 =	vsub.f32 v5, v11  }
0x240: {  	v30 =	vsub.f32 v6, v11;
	v31 =	vsub.f32 v20, v11  }
0x241: {  	v1 =	vsub.f32 v1, v7;
	v6 =	vsub.f32 v6, v7  }
0x242: {  	v20 =	vsub.f32 v20, v7;
	v32 =	vsub.f32 v19, v11  }
0x243: {  	v33 =	vsub.f32 v12, v11;
	v34 =	vsub.f32 v18, v11  }
0x244: {  	v2 =	vmax.f32 v2, $0.0e+00;
	v15 =	vpop (erf);
	v35 =	vsub.f32 v17, v11;
	v42 =	vsub.f32 v17, v7  }
0x245: {  	v0 =	vmax.f32 v0, $0.0e+00;
	v2 =	vmul.f32 v2, v8;
	v16 =	vmul.f32 $1.024000000e+03, v15  }
0x246: {  	v1 =	vmax.f32 v1, $0.0e+00;
	v6 =	vmax.f32 v6, $0.0e+00;
	v0 =	vmul.f32 v0, v8  }
0x247: {  	v20 =	vmax.f32 v20, $0.0e+00;
	v1 =	vmul.f32 v1, v8;
	v6 =	vmul.f32 v6, v8  }
0x248: {  	v20 =	vmul.f32 v20, v8;
	v2 =	vmin.f32 v2, $1.023000000e+03;
	v40 =	vmul.f32 v34, v16  }
0x249: {  	v43 =	vmul.f32 v35, v16;
	v0 =	vmin.f32 v0, $1.023000000e+03;
	v2 =	vtrunc.f32 v2  }
0x24a: {  	v36 =	vmin.f32 v1, $1.023000000e+03;
	v6 =	vmin.f32 v6, $1.023000000e+03;
	v37 =	vtrunc.f32 v0  }
0x24b: {  	v20 =	vmin.f32 v20, $1.023000000e+03;
	v2 =	vcvt.f32.s32 v2;
	v36 =	vtrunc.f32 v36  }
0x24c: {  	v34 =	vmax.f32 v43, $0.0e+00;
	v6 =	vtrunc.f32 v6;
	v37 =	vcvt.f32.s32 v37  }
0x24d: {  	v36 =	vcvt.f32.s32 v36;
	vm8 =	veq.s32 v10, v2;
	v2 =	vcvt.f32.s32 v6  }
0x24e: {  	v20 =	vtrunc.f32 v20;
	v45 =	vmin.f32 v34, $1.023000000e+03;
	vm10 =	veq.s32 v10, v37;
	v15 =	vpop (erf)  }
0x24f: {  	vm9 =	veq.s32 v10, v36;
	vm2 =	veq.s32 v10, v2;
	v3 =	vmul.f32 v4, v15  }
0x250: {  	v4 =	vsub.f32 v5, v7;
	v41 =	vmul.f32 v24, v15;
	v14 =	vmul.f32 v25, v15  }
0x251: {  	v24 =	vmul.f32 v29, v16;
	v29 =	vmul.f32 v32, v16;
	v32 =	vmax.f32 v40, $0.0e+00  }
0x252: {  	v25 =	vsub.f32 v19, v7;
	v1 =	vmin.f32 v32, $1.023000000e+03;
	v32 =	vtrunc.f32 v45  }
0x253: {  	v19 =	vsub.f32 v19, v48;
	[tilespmem:$0x1FBF0] =	vst v3;
	v3 =	vmul.f32 v21, v15;
	v21 =	vmul.f32 v26, v16  }
0x254: {  	v26 =	vmul.f32 v30, v16;
	v30 =	vmul.f32 v33, v16;
	v4 =	vmax.f32 v4, $0.0e+00  }
0x255: {  	v25 =	vmax.f32 v25, $0.0e+00;
	v33 =	vmax.f32 v42, $0.0e+00;
	v24 =	vmax.f32 v24, $0.0e+00  }
0x256: {  	v29 =	vmax.f32 v29, $0.0e+00;
	v46 =	vtrunc.f32 v1;
	v4 =	vmul.f32 v4, v8  }
0x257: {  	v25 =	vmul.f32 v25, v8;
	v33 =	vmul.f32 v33, v8;
	v24 =	vmin.f32 v24, $1.023000000e+03  }
0x258: {  	v29 =	vmin.f32 v29, $1.023000000e+03;
	v34 =	vcvt.f32.s32 v46;
	[tilespmem:$0x1FC20] =	vst v3;
	v3 =	vmul.f32 v22, v15  }
0x259: {  	v22 =	vmul.f32 v27, v16;
	v27 =	vmul.f32 v31, v16;
	v31 =	vsub.f32 v18, v7  }
0x25a: {  	v21 =	vmax.f32 v21, $0.0e+00;
	v26 =	vmax.f32 v26, $0.0e+00;
	v30 =	vmax.f32 v30, $0.0e+00  }
0x25b: {  	v24 =	vtrunc.f32 v24;
	v29 =	vtrunc.f32 v29;
	v18 =	vsub.f32 v18, v48  }
0x25c: {  	v21 =	vmin.f32 v21, $1.023000000e+03;
	v26 =	vmin.f32 v26, $1.023000000e+03;
	v30 =	vmin.f32 v30, $1.023000000e+03  }
0x25d: {  	v4 =	vmin.f32 v4, $1.023000000e+03;
	v25 =	vmin.f32 v25, $1.023000000e+03;
	v24 =	vcvt.f32.s32 v24  }
0x25e: {  	v33 =	vmin.f32 v33, $1.023000000e+03;
	v29 =	vcvt.f32.s32 v29;
	[tilespmem:$0x1FC50] =	vst v3;
	v3 =	vmul.f32 v23, v15  }
0x25f: {  	v23 =	vmul.f32 v28, v16;
	v28 =	vsub.f32 v12, v7;
	v31 =	vmax.f32 v31, $0.0e+00  }
0x260: {  	v22 =	vmax.f32 v22, $0.0e+00;
	v21 =	vtrunc.f32 v21;
	v26 =	vtrunc.f32 v26  }
0x261: {  	v27 =	vmax.f32 v27, $0.0e+00;
	v30 =	vtrunc.f32 v30;
	v4 =	vtrunc.f32 v4  }
0x262: {  	v25 =	vtrunc.f32 v25;
	v33 =	vtrunc.f32 v33;
	v12 =	vsub.f32 v12, v48  }
0x263: {  	v31 =	vmul.f32 v31, v8;
	v22 =	vmin.f32 v22, $1.023000000e+03;
	v21 =	vcvt.f32.s32 v21  }
0x264: {  	v27 =	vmin.f32 v27, $1.023000000e+03;
	v26 =	vcvt.f32.s32 v26;
	v30 =	vcvt.f32.s32 v30  }
0x265: {  	v4 =	vcvt.f32.s32 v4;
	v2 =	vcvt.f32.s32 v25;
	v28 =	vmax.f32 v28, $0.0e+00  }
0x266: {  	[tilespmem:$0x1FC80] =	vst v3;
	v23 =	vmax.f32 v23, $0.0e+00;
	v22 =	vtrunc.f32 v22;
	v27 =	vtrunc.f32 v27  }
0x267: {  	v5 =	vld [tilespmem:s30+$0xFFFFFF60];
	v28 =	vmul.f32 v28, v8;
	v23 =	vmin.f32 v23, $1.023000000e+03;
	v31 =	vmin.f32 v31, $1.023000000e+03  }
0x268: {  	v38 =	vld [tilespmem:s30+$0xFFFFFF70];
	v22 =	vcvt.f32.s32 v22;
	v27 =	vcvt.f32.s32 v27;
	v9 =	vadd.s32 v58, v21  }
0x269: {  	v1 =	vld [tilespmem:s30+$0xFFFFFF80];
	vm1 =	veq.s32 v10, v4;
	v4 =	vcvt.f32.s32 v20;
	vm11 =	veq.s32 v10, v2  }
0x26a: {  	v0 =	vld [tilespmem:s30+$0xFFFFFF90];
	v23 =	vtrunc.f32 v23;
	v31 =	vtrunc.f32 v31;
	v28 =	vmin.f32 v28, $1.023000000e+03  }
0x26b: {  	[tilespmem:$0x1FC00] =	vst v9;
	v23 =	vcvt.f32.s32 v23;
	v9 =	vadd.s32 v58, v22;
	vm7 =	veq.s32 v10, v4  }
0x26c: {  	v2 =	vcvt.f32.s32 v31;
	v28 =	vtrunc.f32 v28;
	[tilespmem:$0x1FC30] =	vst v9;
	v9 =	vadd.s32 v58, v26  }
0x26d: {  	v6 =	vadd.s32 v58, v23;
	v4 =	vcvt.f32.s32 v28;
	v44 =	vsub.f32 v5, v7  }
0x26e: {  	vm13 =	veq.s32 v10, v2;
	v39 =	vsub.f32 v38, v7;
	v40 =	vsub.f32 v1, v7  }
0x26f: {  	v2 =	vcvt.f32.s32 v32;
	v3 =	vsub.f32 v0, v7;
	v31 =	vsub.f32 v1, v11  }
0x270: {  	[tilespmem:$0x1FC60] =	vst v6;
	v6 =	vadd.s32 v58, v24;
	v47 =	vsub.f32 v0, v11;
	v55 =	vsub.f32 v5, v48  }
0x271: {  	v63 =	vsub.f32 v1, v48;
	[tilespmem:$0x1FC90] =	vst v6;
	vm12 =	veq.s32 v10, v4;
	v4 =	vcvt.f32.s32 v33  }
0x272: {  	v2 =	vadd.s32 v58, v2;
	v6 =	vld [tilespmem:s30+$0xFFFFFFA0];
	[tilespmem:$0x1FCA0] =	vst v9;
	v9 =	vadd.s32 v58, v27;
	v24 =	vmax.f32 v44, $0.0e+00  }
0x273: {  	v25 =	vmax.f32 v39, $0.0e+00;
	v20 =	vld [tilespmem:s30+$0xFFFFFFB0];
	[tilespmem:$0x1FCB0] =	vst v9;
	v9 =	vadd.s32 v58, v29;
	vm14 =	veq.s32 v10, v4  }
0x274: {  	v29 =	vsub.f32 v5, v11;
	v5 =	vmul.f32 v31, v16;
	v31 =	vmul.f32 v47, v16  }
0x275: {  	v24 =	vmul.f32 v24, v8;
	v25 =	vmul.f32 v25, v8;
	v21 =	vld [tilespmem:s30+$0xFFFFFFC0];
	[tilespmem:$0x1FCC0] =	vst v9;
	v9 =	vadd.s32 v58, v30  }
0x276: {  	v30 =	vsub.f32 v38, v11;
	v38 =	vsub.f32 v38, v48;
	v22 =	vld [tilespmem:s30+$0xFFFFFFD0];
	[tilespmem:$0x1FCE0] =	vst v9;
	v9 =	vadd.s32 v58, v34  }
0x277: {  	v29 =	vmul.f32 v29, v16;
	v5 =	vmax.f32 v5, $0.0e+00;
	v31 =	vmax.f32 v31, $0.0e+00  }
0x278: {  	v24 =	vmin.f32 v24, $1.023000000e+03;
	v25 =	vmin.f32 v25, $1.023000000e+03;
	v23 =	vld [tilespmem:s30+$0xFFFFFFE0];
	[tilespmem:$0x1FD00] =	vst v9;
	v9 =	vmul.f32 v19, v15  }
0x279: {  	v30 =	vmul.f32 v30, v16;
	v5 =	vmin.f32 v5, $1.023000000e+03;
	v31 =	vmin.f32 v31, $1.023000000e+03  }
0x27a: {  	v24 =	vtrunc.f32 v24;
	v25 =	vtrunc.f32 v25;
	v4 =	vld [tilespmem:s30+$0xFFFFFFF0];
	[tilespmem:$0x1FD20] =	vst v2;
	v2 =	vmax.f32 v40, $0.0e+00  }
0x27b: {  	v19 =	vsub.f32 v6, v7;
	v49 =	vsub.f32 v6, v11;
	v29 =	vmax.f32 v29, $0.0e+00  }
0x27c: {  	v5 =	vtrunc.f32 v5;
	v31 =	vtrunc.f32 v31;
	v6 =	vsub.f32 v6, v48  }
0x27d: {  	v1 =	vcvt.f32.s32 v25;
	[tilespmem:$0x1FCD0] =	vst v9;
	v9 =	vmul.f32 v12, v15;
	v12 =	vsub.f32 v17, v48  }
0x27e: {  	v17 =	vmax.f32 v3, $0.0e+00;
	v3 =	vmul.f32 v18, v15;
	v18 =	vsub.f32 v20, v7  }
0x27f: {  	v50 =	vsub.f32 v20, v11;
	v30 =	vmax.f32 v30, $0.0e+00;
	v2 =	vmul.f32 v2, v8  }
0x280: {  	v29 =	vmin.f32 v29, $1.023000000e+03;
	v20 =	vsub.f32 v20, v48;
	v19 =	vmax.f32 v19, $0.0e+00  }
0x281: {  	v51 =	vsub.f32 v21, v11;
	v56 =	vmul.f32 v49, v16;
	v17 =	vmul.f32 v17, v8  }
0x282: {  	v30 =	vmin.f32 v30, $1.023000000e+03;
	v29 =	vtrunc.f32 v29;
	vm6 =	veq.s32 v10, v1  }
0x283: {  	[tilespmem:$0x1FD10] =	vst v3;
	v3 =	vmul.f32 v12, v15;
	v12 =	vsub.f32 v21, v7;
	v26 =	vsub.f32 v22, v7  }
0x284: {  	v18 =	vmax.f32 v18, $0.0e+00;
	v52 =	vsub.f32 v22, v11;
	v57 =	vmul.f32 v50, v16  }
0x285: {  	v19 =	vmul.f32 v19, v8;
	v2 =	vmin.f32 v2, $1.023000000e+03;
	v30 =	vtrunc.f32 v30  }
0x286: {  	v27 =	vsub.f32 v23, v7;
	v53 =	vsub.f32 v23, v11;
	v59 =	vmul.f32 v51, v16  }
0x287: {  	v32 =	vmax.f32 v56, $0.0e+00;
	v18 =	vmul.f32 v18, v8;
	v17 =	vmin.f32 v17, $1.023000000e+03  }
0x288: {  	v2 =	vtrunc.f32 v2;
	v28 =	vsub.f32 v4, v7;
	v12 =	vmax.f32 v12, $0.0e+00  }
0x289: {  	v26 =	vmax.f32 v26, $0.0e+00;
	v54 =	vsub.f32 v4, v11;
	v60 =	vmul.f32 v52, v16  }
0x28a: {  	[tilespmem:$0x1FD30] =	vst v3;
	v33 =	vmax.f32 v57, $0.0e+00;
	v17 =	vtrunc.f32 v17;
	v3 =	vsub.f32 v0, v48  }
0x28b: {  	v0 =	vcvt.f32.s32 v24;
	v12 =	vmul.f32 v12, v8;
	v18 =	vmin.f32 v18, $1.023000000e+03  }
0x28c: {  	v19 =	vmin.f32 v19, $1.023000000e+03;
	v2 =	vcvt.f32.s32 v2;
	v18 =	vtrunc.f32 v18  }
0x28d: {  	[tilespmem:$0x1FCF0] =	vst v9;
	v26 =	vmul.f32 v26, v8;
	v12 =	vmin.f32 v12, $1.023000000e+03;
	v9 =	vcvt.f32.s32 v18  }
0x28e: {  	v27 =	vmax.f32 v27, $0.0e+00;
	v61 =	vmul.f32 v53, v16;
	v12 =	vtrunc.f32 v12  }
0x28f: {  	v27 =	vmul.f32 v27, v8;
	v26 =	vmin.f32 v26, $1.023000000e+03;
	[tilespmem:$0x1FBE0] =	vst v9;
	v9 =	vcvt.f32.s32 v12  }
0x290: {  	v32 =	vmin.f32 v32, $1.023000000e+03;
	v19 =	vtrunc.f32 v19;
	v26 =	vtrunc.f32 v26  }
0x291: {  	v17 =	vcvt.f32.s32 v17;
	v27 =	vmin.f32 v27, $1.023000000e+03;
	[tilespmem:$0x1FC10] =	vst v9;
	v9 =	vcvt.f32.s32 v26  }
0x292: {  	vm5 =	veq.s32 v10, v0;
	vm0 =	veq.s32 v10, v2;
	v27 =	vtrunc.f32 v27  }
0x293: {  	v0 =	vimm.s32 $0x0;
	v36 =	vmax.f32 v61, $0.0e+00;
	[tilespmem:$0x1FC40] =	vst v9;
	v9 =	vcvt.f32.s32 v27  }
0x294: {  	v18 =	vsub.f32 v22, v48;
	v22 =	vsub.f32 v23, v48;
	v0 =	vsel vm0, $0xFFFFFFFF, v0  }
0x295: {  	s31 =	simm.s32 $0x1E0;
	vm0 =	veq.s32 v10, v17;
	v36 =	vmin.f32 v36, $1.023000000e+03;
	[tilespmem:$0x1FC70] =	vst v9;
	v9 =	vimm.s32 $0x0  }
0x296: {  	v23 =	vcvt.f32.s32 v29;
	v36 =	vtrunc.f32 v36;
	v29 =	vld [tilespmem:s31+$0x0];
	[tilespmem:$0x1FD80] =	vst v0;
	v9 =	vsel vm0, $0xFFFFFFFF, v9  }
0x297: {  	v34 =	vmax.f32 v59, $0.0e+00;
	v32 =	vtrunc.f32 v32;
	v2 =	vld [tilespmem:s31+$0x10];
	[tilespmem:$0x1FDB0] =	vst v9;
	v9 =	vcvt.f32.s32 v36  }
0x298: {  	v33 =	vmin.f32 v33, $1.023000000e+03;
	v62 =	vmul.f32 v54, v16;
	v19 =	vcvt.f32.s32 v19  }
0x299: {  	v28 =	vmax.f32 v28, $0.0e+00;
	v26 =	vcvt.f32.s32 v30;
	v30 =	vld [tilespmem:s31+$0x20];
	[tilespmem:$0x1FEC0] =	vst v9;
	v9 =	vmul.f32 v55, v15  }
0x29a: {  	v35 =	vmax.f32 v60, $0.0e+00;
	v33 =	vtrunc.f32 v33;
	v37 =	vmax.f32 v62, $0.0e+00  }
0x29b: {  	v37 =	vmin.f32 v37, $1.023000000e+03;
	vm0 =	veq.s32 v10, v19;
	[tilespmem:$0x1FD40] =	vst v9;
	v9 =	vimm.s32 $0x0  }
0x29c: {  	v3 =	vmul.f32 v3, v15;
	v24 =	vtrunc.f32 v37;
	v9 =	vsel vm0, $0xFFFFFFFF, v9  }
0x29d: {  	v34 =	vmin.f32 v34, $1.023000000e+03;
	v28 =	vmul.f32 v28, v8;
	[tilespmem:$0x1FDE0] =	vst v9;
	v9 =	vcvt.f32.s32 v24  }
0x29e: {  	v35 =	vmin.f32 v35, $1.023000000e+03;
	v34 =	vtrunc.f32 v34;
	v1 =	vcvt.f32.s32 v33  }
0x29f: {  	v35 =	vtrunc.f32 v35;
	v28 =	vmin.f32 v28, $1.023000000e+03;
	[tilespmem:$0x1FF00] =	vst v9;
	v9 =	vmul.f32 v38, v15  }
0x2a0: {  	v21 =	vsub.f32 v21, v48;
	v12 =	vcvt.f32.s32 v32;
	v28 =	vtrunc.f32 v28  }
0x2a1: {  	v25 =	vcvt.f32.s32 v28;
	v24 =	vsub.f32 v30, v11;
	[tilespmem:$0x1FD60] =	vst v9;
	v9 =	vmul.f32 v63, v15  }
0x2a2: {  	v4 =	vsub.f32 v4, v48;
	v28 =	vcvt.f32.s32 v31;
	v0 =	vcvt.f32.s32 v35  }
0x2a3: {  	v60 =	vadd.s32 v58, v12;
	v24 =	vmul.f32 v24, v16;
	[tilespmem:$0x1FD90] =	vst v9;
	v9 =	vadd.s32 v58, v23  }
0x2a4: {  	v27 =	vcvt.f32.s32 v5;
	v5 =	vcvt.f32.s32 v34;
	v0 =	vadd.s32 v58, v0;
	[tilespmem:$0x1FD50] =	vst v9  }
0x2a5: {  	vm0 =	veq.s32 v10, v25;
	v24 =	vmax.f32 v24, $0.0e+00;
	v19 =	vld [tilespmem:s31+$0x30];
	[tilespmem:$0x1FDC0] =	vst v3;
	v3 =	vmul.f32 v6, v15  }
0x2a6: {  	v63 =	vadd.s32 v58, v1;
	v24 =	vmin.f32 v24, $1.023000000e+03;
	v23 =	vsub.f32 v2, v48  }
0x2a7: {  	v24 =	vtrunc.f32 v24;
	[tilespmem:$0x1FDF0] =	vst v3;
	v3 =	vadd.s32 v58, v26;
	v26 =	vsub.f32 v29, v7  }
0x2a8: {  	v9 =	vsub.f32 v29, v48;
	[tilespmem:$0x1FD70] =	vst v3;
	v3 =	vmul.f32 v20, v15;
	v20 =	vmul.f32 v22, v15  }
0x2a9: {  	v22 =	vsub.f32 v2, v11;
	v2 =	vsub.f32 v2, v7;
	v26 =	vmax.f32 v26, $0.0e+00  }
0x2aa: {  	v6 =	vld [tilespmem:s31+$0x40];
	[tilespmem:$0x1FE00] =	vst v3;
	v3 =	vmul.f32 v21, v15;
	v31 =	vsub.f32 v19, v11;
	v36 =	vsub.f32 v19, v7  }
0x2ab: {  	v22 =	vmul.f32 v22, v16;
	v2 =	vmax.f32 v2, $0.0e+00;
	v26 =	vmul.f32 v26, v8  }
0x2ac: {  	v2 =	vmul.f32 v2, v8;
	[tilespmem:$0x1FE10] =	vst v3;
	v3 =	vmul.f32 v18, v15;
	v18 =	vsub.f32 v30, v48  }
0x2ad: {  	v32 =	vmax.f32 v36, $0.0e+00;
	v22 =	vmax.f32 v22, $0.0e+00;
	v26 =	vmin.f32 v26, $1.023000000e+03  }
0x2ae: {  	v21 =	vld [tilespmem:s31+$0x50];
	v32 =	vmul.f32 v32, v8;
	v22 =	vmin.f32 v22, $1.023000000e+03;
	[tilespmem:$0x1FE30] =	vst v3;
	v3 =	vmul.f32 v4, v15  }
0x2af: {  	v2 =	vmin.f32 v2, $1.023000000e+03;
	v26 =	vtrunc.f32 v26;
	v4 =	vsub.f32 v29, v11  }
0x2b0: {  	v22 =	vtrunc.f32 v22;
	v2 =	vtrunc.f32 v2;
	[tilespmem:$0x1FBC0] =	vst v3;
	v3 =	vadd.s32 v58, v27  }
0x2b1: {  	v29 =	vsub.f32 v6, v48;
	v4 =	vmul.f32 v4, v16;
	[tilespmem:$0x1FDA0] =	vst v3;
	v3 =	vmul.f32 v9, v15  }
0x2b2: {  	v32 =	vmin.f32 v32, $1.023000000e+03;
	v22 =	vcvt.f32.s32 v22;
	v27 =	vsub.f32 v19, v48  }
0x2b3: {  	v49 =	vtrunc.f32 v32;
	v25 =	vld [tilespmem:s31+$0x60];
	v4 =	vmax.f32 v4, $0.0e+00;
	[tilespmem:$0x1FE50] =	vst v3;
	v3 =	vmul.f32 v23, v15  }
0x2b4: {  	v56 =	vadd.s32 v58, v22;
	v23 =	vsub.f32 v30, v7;
	v4 =	vmin.f32 v4, $1.023000000e+03  }
0x2b5: {  	v30 =	vsub.f32 v21, v48;
	v9 =	vld [tilespmem:s31+$0x70];
	v4 =	vtrunc.f32 v4;
	[tilespmem:$0x1FE60] =	vst v3;
	v3 =	vmul.f32 v18, v15  }
0x2b6: {  	v23 =	vmax.f32 v23, $0.0e+00;
	v1 =	vcvt.f32.s32 v4;
	v4 =	vadd.s32 v58, v5  }
0x2b7: {  	v5 =	vcvt.f32.s32 v24;
	[tilespmem:$0x1FE70] =	vst v3;
	v3 =	vmul.f32 v27, v15;
	v27 =	vsub.f32 v6, v11  }
0x2b8: {  	v23 =	vmul.f32 v23, v8;
	v6 =	vsub.f32 v6, v7;
	v40 =	vsub.f32 v25, v7  }
0x2b9: {  	v55 =	vadd.s32 v58, v1;
	v57 =	vadd.s32 v58, v5;
	v18 =	vld [tilespmem:s31+$0x80];
	[tilespmem:$0x1FE80] =	vst v3;
	v3 =	vmul.f32 v29, v15  }
0x2ba: {  	v23 =	vmin.f32 v23, $1.023000000e+03;
	v29 =	vmul.f32 v31, v16;
	v27 =	vmul.f32 v27, v16  }
0x2bb: {  	v31 =	vsub.f32 v25, v11;
	v37 =	vsub.f32 v9, v11;
	v6 =	vmax.f32 v6, $0.0e+00  }
0x2bc: {  	v43 =	vsub.f32 v9, v7;
	v36 =	vmax.f32 v40, $0.0e+00;
	v23 =	vtrunc.f32 v23  }
0x2bd: {  	v25 =	vsub.f32 v25, v48;
	v6 =	vmul.f32 v6, v8;
	v36 =	vmul.f32 v36, v8  }
0x2be: {  	v42 =	vld [tilespmem:s31+$0x90];
	[tilespmem:$0x1FE90] =	vst v3;
	v3 =	vmul.f32 v30, v15;
	v30 =	vsub.f32 v21, v11;
	v21 =	vsub.f32 v21, v7  }
0x2bf: {  	v31 =	vmul.f32 v31, v16;
	v33 =	vmul.f32 v37, v16;
	v37 =	vmax.f32 v43, $0.0e+00  }
0x2c0: {  	v29 =	vmax.f32 v29, $0.0e+00;
	v27 =	vmax.f32 v27, $0.0e+00;
	v43 =	vcvt.f32.s32 v2  }
0x2c1: {  	v54 =	vmul.f32 v25, v15;
	v37 =	vmul.f32 v37, v8;
	v29 =	vmin.f32 v29, $1.023000000e+03  }
0x2c2: {  	v27 =	vmin.f32 v27, $1.023000000e+03;
	v6 =	vmin.f32 v6, $1.023000000e+03;
	v47 =	vmin.f32 v36, $1.023000000e+03  }
0x2c3: {  	v30 =	vmul.f32 v30, v16;
	v38 =	vsub.f32 v18, v11;
	v21 =	vmax.f32 v21, $0.0e+00  }
0x2c4: {  	[tilespmem:$0x1FEA0] =	vst v3;
	v44 =	vsub.f32 v18, v7;
	v3 =	vadd.s32 v58, v28;
	v31 =	vmax.f32 v31, $0.0e+00  }
0x2c5: {  	v33 =	vmax.f32 v33, $0.0e+00;
	v29 =	vtrunc.f32 v29;
	v27 =	vtrunc.f32 v27  }
0x2c6: {  	v6 =	vtrunc.f32 v6;
	v18 =	vsub.f32 v18, v48;
	v21 =	vmul.f32 v21, v8  }
0x2c7: {  	v31 =	vmin.f32 v31, $1.023000000e+03;
	v50 =	vmin.f32 v37, $1.023000000e+03;
	v37 =	vtrunc.f32 v47  }
0x2c8: {  	v33 =	vmin.f32 v33, $1.023000000e+03;
	v24 =	vcvt.f32.s32 v29;
	v29 =	vcvt.f32.s32 v27  }
0x2c9: {  	v47 =	vcvt.f32.s32 v23;
	v13 =	vcvt.f32.s32 v6;
	v39 =	vsub.f32 v42, v11  }
0x2ca: {  	v34 =	vmul.f32 v38, v16;
	v45 =	vsub.f32 v42, v7;
	v31 =	vtrunc.f32 v31  }
0x2cb: {  	v38 =	vmax.f32 v44, $0.0e+00;
	v33 =	vtrunc.f32 v33;
	v40 =	vtrunc.f32 v50  }
0x2cc: {  	v30 =	vmax.f32 v30, $0.0e+00;
	v50 =	vcvt.f32.s32 v37;
	v53 =	vmul.f32 v18, v15  }
0x2cd: {  	v28 =	vmul.f32 v38, v8;
	v30 =	vmin.f32 v30, $1.023000000e+03;
	v21 =	vmin.f32 v21, $1.023000000e+03  }
0x2ce: {  	[tilespmem:$0x1FE40] =	vst v0;
	v0 =	vcvt.f32.s32 v33;
	v59 =	vadd.s32 v58, v24;
	v61 =	vadd.s32 v58, v29  }
0x2cf: {  	[tilespmem:$0x1FE20] =	vst v4;
	v35 =	vmul.f32 v39, v16;
	v39 =	vmax.f32 v45, $0.0e+00;
	v30 =	vtrunc.f32 v30  }
0x2d0: {  	v2 =	vld [tilespmem:$0x1FFF0];
	[tilespmem:$0x1FDD0] =	vst v3;
	v34 =	vmax.f32 v34, $0.0e+00;
	v21 =	vtrunc.f32 v21;
	v46 =	vmul.f32 v39, v8  }
0x2d1: {  	v4 =	vld [tilespmem:s31+$0xFFFFFF60];
	v34 =	vmin.f32 v34, $1.023000000e+03;
	v28 =	vmin.f32 v28, $1.023000000e+03;
	v30 =	vcvt.f32.s32 v30  }
0x2d2: {  	v32 =	vld [tilespmem:s31+$0xFFFFFF70];
	v39 =	vcvt.f32.s32 v26;
	v26 =	vcvt.f32.s32 v31;
	v35 =	vmax.f32 v35, $0.0e+00  }
0x2d3: {  	v33 =	vld [tilespmem:s31+$0xFFFFFF80];
	v31 =	vsub.f32 v9, v48;
	v35 =	vmin.f32 v35, $1.023000000e+03;
	v1 =	vadd.s32 v58, v30  }
0x2d4: {  	v34 =	vtrunc.f32 v34;
	v3 =	vtrunc.f32 v35;
	v35 =	vld [tilespmem:s31+$0xFFFFFF90];
	[tilespmem:$0x1FEB0] =	vst v1;
	v1 =	vadd.s32 v58, v26  }
0x2d5: {  	v0 =	vadd.s32 v58, v0;
	v12 =	vtrunc.f32 v28;
	v34 =	vcvt.f32.s32 v34;
	v30 =	vld [tilespmem:s31+$0xFFFFFFA0];
	[tilespmem:$0x1FED0] =	vst v1  }
0x2d6: {  	v51 =	vmin.f32 v46, $1.023000000e+03;
	v46 =	vcvt.f32.s32 v49;
	v49 =	vcvt.f32.s32 v21;
	v36 =	vld [tilespmem:s31+$0xFFFFFFB0];
	[tilespmem:$0x1FEE0] =	vst v0  }
0x2d7: {  	v21 =	vsub.f32 v4, v7;
	v22 =	vsub.f32 v32, v7;
	v38 =	vtrunc.f32 v51;
	v37 =	vld [tilespmem:s31+$0xFFFFFFC0]  }
0x2d8: {  	v51 =	vcvt.f32.s32 v12;
	v62 =	vadd.s32 v58, v34;
	v1 =	vsub.f32 v33, v7;
	v34 =	vld [tilespmem:s31+$0xFFFFFFD0]  }
0x2d9: {  	v52 =	vcvt.f32.s32 v38;
	v38 =	vcvt.f32.s32 v3;
	v44 =	vld [tilespmem:s31+$0xFFFFFFF0];
	v0 =	vsub.f32 v35, v7  }
0x2da: {  	v28 =	vmax.f32 v21, $0.0e+00;
	v26 =	vmax.f32 v1, $0.0e+00;
	v1 =	vsub.f32 v30, v7  }
0x2db: {  	v27 =	vmax.f32 v22, $0.0e+00;
	v24 =	vmax.f32 v0, $0.0e+00;
	v0 =	vsub.f32 v36, v7  }
0x2dc: {  	v58 =	vadd.s32 v2, v38;
	v22 =	vmax.f32 v1, $0.0e+00;
	v1 =	vsub.f32 v37, v7  }
0x2dd: {  	v2 =	vsub.f32 v32, v11;
	v9 =	vmax.f32 v0, $0.0e+00;
	v0 =	vsub.f32 v34, v7  }
0x2de: {  	v45 =	vld [tilespmem:s31+$0xFFFFFFE0];
	v3 =	vsub.f32 v44, v7;
	v21 =	vmax.f32 v1, $0.0e+00;
	v1 =	vsub.f32 v4, v11  }
0x2df: {  	v5 =	vmul.f32 v2, v16;
	v23 =	vmax.f32 v0, $0.0e+00;
	v0 =	vsub.f32 v33, v11  }
0x2e0: {  	v25 =	vmax.f32 v3, $0.0e+00;
	v3 =	vsub.f32 v4, v48;
	v1 =	vmul.f32 v1, v16  }
0x2e1: {  	v4 =	vsub.f32 v35, v11;
	v6 =	vmul.f32 v0, v16;
	v0 =	vsub.f32 v30, v11  }
0x2e2: {  	v2 =	vsub.f32 v37, v11;
	v29 =	vmax.f32 v1, $0.0e+00;
	v1 =	vsub.f32 v36, v11  }
0x2e3: {  	v18 =	vmul.f32 v4, v16;
	v4 =	vsub.f32 v45, v11;
	v12 =	vmul.f32 v0, v16  }
0x2e4: {  	[tilespmem:$0x1FBD0] =	vst v11;
	v0 =	vsub.f32 v34, v11;
	v19 =	vmul.f32 v1, v16;
	v1 =	vsub.f32 v44, v11;
	v11 =	vld [tilespmem:$0x1FBE0];
	_ =	sdelay $0x1  }
0x2e5: {  	v17 =	vld [tilespmem:$0x1FC00];
	_ =	sdelay $0x2  }
0x2e6: {  	vm3 =	veq.s32 v10, v11;
	v11 =	vld [tilespmem:$0x1FBF0];
	_ =	sdelay $0x4  }
0x2e7: {  	[tilespmem:v17+s13+$0x0] =	vst.idx.add.f32.msk vm9, v11  }
0x2e8: {  	v11 =	vld [tilespmem:$0x1FC10];
	_ =	sdelay $0x1  }
0x2e9: {  	v17 =	vld [tilespmem:$0x1FC30];
	_ =	sdelay $0x2  }
0x2ea: {  	vm4 =	veq.s32 v10, v11;
	v11 =	vld [tilespmem:$0x1FC20];
	_ =	sdelay $0x4  }
0x2eb: {  	[tilespmem:v17+s13+$0x0] =	vst.idx.add.f32.msk vm10, v11  }
0x2ec: {  	v11 =	vld [tilespmem:$0x1FC40];
	_ =	sdelay $0x1  }
0x2ed: {  	v17 =	vld [tilespmem:$0x1FC60];
	_ =	sdelay $0x2  }
0x2ee: {  	vm15 =	veq.s32 v10, v11;
	v11 =	vld [tilespmem:$0x1FC50];
	_ =	sdelay $0x4  }
0x2ef: {  	[tilespmem:v17+s13+$0x0] =	vst.idx.add.f32.msk vm8, v11  }
0x2f0: {  	v11 =	vld [tilespmem:$0x1FC70];
	_ =	sdelay $0x3  }
0x2f1: {  	v17 =	vld [tilespmem:$0x1FC90]  }
0x2f2: {  	vm8 =	veq.s32 v10, v11;
	v11 =	vimm.s32 $0x0  }
0x2f3: {  	v11 =	vsel vm8, $0xFFFFFFFF, v11  }
0x2f4: {  	[tilespmem:$0x1FEF0] =	vst v11;
	v11 =	vld [tilespmem:$0x1FC80];
	_ =	sdelay $0x4  }
0x2f5: {  	[tilespmem:v17+s13+$0x0] =	vst.idx.add.f32.msk vm1, v11  }
0x2f6: {  	v11 =	vld [tilespmem:$0x1FCA0];
	_ =	sdelay $0x7  }
0x2f7: {  	[tilespmem:v11+s13+$0x0] =	vst.idx.add.f32.msk vm2, v41  }
0x2f8: {  	v11 =	vld [tilespmem:$0x1FCB0];
	_ =	sdelay $0x7  }
0x2f9: {  	[tilespmem:v11+s13+$0x0] =	vst.idx.add.f32.msk vm7, v14  }
0x2fa: {  	v11 =	vld [tilespmem:$0x1FCC0];
	_ =	sdelay $0x2  }
0x2fb: {  	v14 =	vld [tilespmem:$0x1FCD0];
	_ =	sdelay $0x4  }
0x2fc: {  	[tilespmem:v11+s13+$0x0] =	vst.idx.add.f32.msk vm11, v14  }
0x2fd: {  	v11 =	vld [tilespmem:$0x1FCE0];
	_ =	sdelay $0x2  }
0x2fe: {  	v14 =	vld [tilespmem:$0x1FCF0];
	_ =	sdelay $0x4  }
0x2ff: {  	[tilespmem:v11+s13+$0x0] =	vst.idx.add.f32.msk vm12, v14  }
0x300: {  	v11 =	vld [tilespmem:$0x1FD00];
	_ =	sdelay $0x2  }
0x301: {  	vm9 =	veq.s32 v10, v13;
	v13 =	vld [tilespmem:$0x1FD10];
	_ =	sdelay $0x4  }
0x302: {  	[tilespmem:v11+s13+$0x0] =	vst.idx.add.f32.msk vm13, v13  }
0x303: {  	v11 =	vld [tilespmem:$0x1FD20];
	_ =	sdelay $0x2  }
0x304: {  	v13 =	vld [tilespmem:$0x1FD30];
	_ =	sdelay $0x2  }
0x305: {  	v38 =	vsub.f32 v42, v48;
	v42 =	vsub.f32 v45, v7  }
0x306: {  	vm10 =	veq.s32 v10, v49  }
0x307: {  	v42 =	vmax.f32 v42, $0.0e+00;
	vm8 =	veq.s32 v10, v46;
	vm1 =	veq.s32 v10, v39;
	[tilespmem:v11+s13+$0x0] =	vst.idx.add.f32.msk vm14, v13  }
0x308: {  	vm2 =	veq.s32 v10, v43;
	vm7 =	veq.s32 v10, v47;
	vm11 =	veq.s32 v10, v50;
	v50 =	vmovc v10;
	v10 =	vld [tilespmem:$0x1FD50]  }
0x309: {  	v42 =	vmul.f32 v42, v8  }
0x30a: {  	v5 =	vmax.f32 v5, $0.0e+00  }
0x30b: {  	v39 =	vmin.f32 v42, $1.023000000e+03;
	v42 =	vmin.f32 v5, $1.023000000e+03;
	v5 =	vld [tilespmem:$0x1FD40];
	_ =	sdelay $0x4  }
0x30c: {  	[tilespmem:v10+s13+$0x0] =	vst.idx.add.f32.msk vm5, v5  }
0x30d: {  	v11 =	vld [tilespmem:$0x1FD70];
	_ =	sdelay $0x2  }
0x30e: {  	v10 =	vld [tilespmem:$0x1FD60];
	_ =	sdelay $0x4  }
0x30f: {  	[tilespmem:v11+s13+$0x0] =	vst.idx.add.f32.msk vm6, v10  }
0x310: {  	v10 =	vld [tilespmem:$0x1FD80];
	_ =	sdelay $0x2  }
0x311: {  	v11 =	vld [tilespmem:$0x1FDA0];
	_ =	sdelay $0x1  }
0x312: {  	vm5 =	vnez.u8 v10  }
0x313: {  	v10 =	vld [tilespmem:$0x1FD90];
	_ =	sdelay $0x4  }
0x314: {  	[tilespmem:v11+s13+$0x0] =	vst.idx.add.f32.msk vm5, v10  }
0x315: {  	v10 =	vld [tilespmem:$0x1FDB0];
	_ =	sdelay $0x2  }
0x316: {  	v11 =	vld [tilespmem:$0x1FDD0];
	_ =	sdelay $0x1  }
0x317: {  	vm5 =	vnez.u8 v10  }
0x318: {  	v28 =	vmul.f32 v28, v8;
	v10 =	vld [tilespmem:$0x1FDC0];
	_ =	sdelay $0x1  }
0x319: {  	v28 =	vmin.f32 v28, $1.023000000e+03  }
0x31a: {  	v5 =	vtrunc.f32 v28  }
0x31b: {  	v5 =	vcvt.f32.s32 v5  }
0x31c: {  	[tilespmem:v11+s13+$0x0] =	vst.idx.add.f32.msk vm5, v10  }
0x31d: {  	vm5 =	veq.s32 v50, v5;
	v5 =	vld [tilespmem:$0x1FDE0];
	_ =	sdelay $0x4  }
0x31e: {  	vm6 =	vnez.u8 v5  }
0x31f: {  	v5 =	vld [tilespmem:$0x1FDF0];
	_ =	sdelay $0x4  }
0x320: {  	[tilespmem:v60+s13+$0x0] =	vst.idx.add.f32.msk vm6, v5  }
0x321: {  	v10 =	vld [tilespmem:$0x1FE00];
	_ =	sdelay $0x4  }
0x322: {  	[tilespmem:v63+s13+$0x0] =	vst.idx.add.f32.msk vm3, v10  }
0x323: {  	v11 =	vld [tilespmem:$0x1FE20];
	_ =	sdelay $0x2  }
0x324: {  	v24 =	vmul.f32 v24, v8;
	v10 =	vld [tilespmem:$0x1FE10];
	_ =	sdelay $0x1  }
0x325: {  	v24 =	vmin.f32 v24, $1.023000000e+03  }
0x326: {  	v26 =	vmul.f32 v26, v8;
	v24 =	vtrunc.f32 v24  }
0x327: {  	v5 =	vcvt.f32.s32 v24  }
0x328: {  	v26 =	vmin.f32 v26, $1.023000000e+03;
	[tilespmem:v11+s13+$0x0] =	vst.idx.add.f32.msk vm4, v10  }
0x329: {  	v26 =	vtrunc.f32 v26;
	v0 =	vmul.f32 v0, v16;
	vm4 =	veq.s32 v50, v5;
	v5 =	vld [tilespmem:$0x1FE40]  }
0x32a: {  	v26 =	vcvt.f32.s32 v26  }
0x32b: {  	v0 =	vmax.f32 v0, $0.0e+00  }
0x32c: {  	vm3 =	veq.s32 v50, v26;
	v26 =	vmin.f32 v0, $1.023000000e+03;
	v0 =	vld [tilespmem:$0x1FE30];
	_ =	sdelay $0x4  }
0x32d: {  	[tilespmem:v5+s13+$0x0] =	vst.idx.add.f32.msk vm15, v0  }
0x32e: {  	v0 =	vld [tilespmem:$0x1FE50];
	_ =	sdelay $0x2  }
0x32f: {  	v1 =	vmul.f32 v1, v16;
	_ =	sdelay $0x1  }
0x330: {  	v1 =	vmax.f32 v1, $0.0e+00;
	[tilespmem:v55+s13+$0x0] =	vst.idx.add.f32.msk vm1, v0  }
0x331: {  	vm14 =	veq.s32 v50, v52;
	v52 =	vmin.f32 v1, $1.023000000e+03;
	v1 =	vld [tilespmem:$0x1FE60];
	_ =	sdelay $0x4  }
0x332: {  	[tilespmem:v56+s13+$0x0] =	vst.idx.add.f32.msk vm2, v1  }
0x333: {  	v5 =	vld [tilespmem:$0x1FE70];
	_ =	sdelay $0x4  }
0x334: {  	[tilespmem:v57+s13+$0x0] =	vst.idx.add.f32.msk vm7, v5  }
0x335: {  	v11 =	vld [tilespmem:$0x1FE80];
	_ =	sdelay $0x3  }
0x336: {  	v40 =	vcvt.f32.s32 v40;
	v6 =	vmax.f32 v6, $0.0e+00  }
0x337: {  	v6 =	vmin.f32 v6, $1.023000000e+03;
	[tilespmem:v59+s13+$0x0] =	vst.idx.add.f32.msk vm8, v11  }
0x338: {  	vm12 =	veq.s32 v50, v40;
	v40 =	vtrunc.f32 v6;
	v6 =	vld [tilespmem:$0x1FE90];
	_ =	sdelay $0x4  }
0x339: {  	[tilespmem:v61+s13+$0x0] =	vst.idx.add.f32.msk vm9, v6  }
0x33a: {  	v11 =	vld [tilespmem:$0x1FEB0];
	_ =	sdelay $0x2  }
0x33b: {  	v6 =	vld [tilespmem:$0x1FEA0];
	_ =	sdelay $0x1  }
0x33c: {  	v2 =	vmul.f32 v2, v16;
	_ =	sdelay $0x1  }
0x33d: {  	v2 =	vmax.f32 v2, $0.0e+00  }
0x33e: {  	v2 =	vmin.f32 v2, $1.023000000e+03;
	[tilespmem:v11+s13+$0x0] =	vst.idx.add.f32.msk vm10, v6  }
0x33f: {  	v1 =	vsub.f32 v33, v48;
	v33 =	vtrunc.f32 v2;
	v2 =	vld [tilespmem:$0x1FFF0]  }
0x340: {  	v6 =	vld [tilespmem:$0x1FEC0];
	_ =	sdelay $0x4  }
0x341: {  	v2 =	vadd.s32 v2, v6;
	v6 =	vld [tilespmem:$0x1FED0];
	_ =	sdelay $0x2  }
0x342: {  	v27 =	vmul.f32 v27, v8;
	_ =	sdelay $0x1  }
0x343: {  	v27 =	vmin.f32 v27, $1.023000000e+03;
	v4 =	vmul.f32 v4, v16  }
0x344: {  	v27 =	vtrunc.f32 v27  }
0x345: {  	v27 =	vcvt.f32.s32 v27;
	v4 =	vmax.f32 v4, $0.0e+00  }
0x346: {  	v4 =	vmin.f32 v4, $1.023000000e+03;
	[tilespmem:v6+s13+$0x0] =	vst.idx.add.f32.msk vm11, v54  }
0x347: {  	vm6 =	veq.s32 v50, v27;
	v27 =	vtrunc.f32 v4;
	v4 =	vld [tilespmem:$0x1FEE0];
	_ =	sdelay $0x2  }
0x348: {  	vm13 =	veq.s32 v50, v51;
	_ =	sdelay $0x2  }
0x349: {  	v31 =	vmul.f32 v31, v15;
	_ =	sdelay $0x1  }
0x34a: {  	v38 =	vmul.f32 v38, v15;
	[tilespmem:v4+s13+$0x0] =	vst.idx.add.f32.msk vm12, v31  }
0x34b: {  	[tilespmem:v62+s13+$0x0] =	vst.idx.add.f32.msk vm13, v53  }
0x34c: {  	[tilespmem:v58+s13+$0x0] =	vst.idx.add.f32.msk vm14, v38  }
0x34d: {  	v4 =	vld [tilespmem:$0x1FEF0]  }
0x34e: {  	v22 =	vmul.f32 v22, v8  }
0x34f: {  	vm0 =	vmmov vm0;
	v9 =	vmul.f32 v9, v8  }
0x350: {  	v21 =	vmul.f32 v21, v8;
	v25 =	vmul.f32 v25, v8;
	v22 =	vmin.f32 v22, $1.023000000e+03  }
0x351: {  	v23 =	vmul.f32 v23, v8;
	v9 =	vmin.f32 v9, $1.023000000e+03;
	v22 =	vtrunc.f32 v22  }
0x352: {  	v21 =	vmin.f32 v21, $1.023000000e+03;
	v25 =	vmin.f32 v25, $1.023000000e+03;
	vm1 =	vnez.u8 v4  }
0x353: {  	v9 =	vtrunc.f32 v9;
	v18 =	vmax.f32 v18, $0.0e+00;
	v29 =	vmin.f32 v29, $1.023000000e+03  }
0x354: {  	v23 =	vmin.f32 v23, $1.023000000e+03;
	v18 =	vmin.f32 v18, $1.023000000e+03;
	v29 =	vtrunc.f32 v29  }
0x355: {  	v12 =	vmax.f32 v12, $0.0e+00;
	v29 =	vcvt.f32.s32 v29;
	v19 =	vmax.f32 v19, $0.0e+00  }
0x356: {  	v19 =	vmin.f32 v19, $1.023000000e+03;
	v24 =	vmin.f32 v12, $1.023000000e+03;
	v60 =	vtrunc.f32 v23  }
0x357: {  	v12 =	vsub.f32 v30, v48;
	v30 =	vsub.f32 v36, v48;
	v36 =	vcvt.f32.s32 v9;
	v58 =	vld [tilespmem:$0x1FFF0]  }
0x358: {  	v23 =	vsub.f32 v34, v48;
	v43 =	vtrunc.f32 v24;
	v63 =	vtrunc.f32 v25;
	[tilespmem:v2+s13+$0x0] =	vst.idx.add.f32.msk vm1, v20  }
0x359: {  	v25 =	vsub.f32 v37, v48;
	v37 =	vcvt.f32.s32 v22;
	v28 =	vtrunc.f32 v26;
	v2 =	vld [tilespmem:$0x1FF00]  }
0x35a: {  	v24 =	vsub.f32 v44, v48;
	v26 =	vcvt.f32.s32 v63;
	v10 =	vtrunc.f32 v39  }
0x35b: {  	v22 =	vsub.f32 v45, v48;
	v39 =	vtrunc.f32 v42;
	v42 =	vtrunc.f32 v18  }
0x35c: {  	v18 =	vcvt.f32.s32 v60;
	v0 =	vsub.f32 v32, v48;
	v55 =	vtrunc.f32 v21  }
0x35d: {  	v21 =	vtrunc.f32 v52;
	v34 =	vcvt.f32.s32 v55;
	v5 =	vsub.f32 v35, v48  }
0x35e: {  	s19 =	simm.s32 $0x320;
	s18 =	simm.s32 $0x140;
	v35 =	vtrunc.f32 v19;
	v19 =	vcvt.f32.s32 v10;
	v32 =	vadd.s32 v58, v2  }
.LBB2_13:
0x35f: {  	v2 =	vld [tilespmem:s19+$0x0];
	v4 =	vcvt.f32.s32 v39  }
0x360: {  	v31 =	vld [tilespmem:s19+$0x10];
	v44 =	vmul.f32 v3, v15;
	v3 =	vcvt.f32.s32 v21  }
0x361: {  	v6 =	vcvt.f32.s32 v40;
	v63 =	vcvt.f32.s32 v42;
	vm10 =	veq.s32 v50, v36;
	v36 =	vld [tilespmem:s19+$0x20]  }
0x362: {  	v38 =	vcvt.f32.s32 v43;
	v42 =	vld [tilespmem:s19+$0x30];
	[tilespmem:$0x1FB80] =	vst v3;
	v3 =	vmul.f32 v22, v15  }
0x363: {  	v39 =	vcvt.f32.s32 v35;
	v40 =	vcvt.f32.s32 v33;
	v43 =	vld [tilespmem:s19+$0x40]  }
0x364: {  	v28 =	vcvt.f32.s32 v28;
	v9 =	vcvt.f32.s32 v27;
	[tilespmem:$0x1FB90] =	vst v3;
	v3 =	vld [tilespmem:$0x1FFF0]  }
0x365: {  	v45 =	vld [tilespmem:s19+$0x50];
	vm9 =	veq.s32 v50, v37;
	vm8 =	veq.s32 v50, v34;
	vm7 =	veq.s32 v50, v18  }
0x366: {  	v41 =	vld [tilespmem:$0x1FBD0];
	vm1 =	veq.s32 v50, v19;
	v0 =	vmul.f32 v0, v15;
	v1 =	vmul.f32 v1, v15  }
0x367: {  	v33 =	vld [tilespmem:s19+$0x60];
	vm2 =	veq.s32 v50, v26;
	v46 =	vadd.s32 v58, v29;
	v5 =	vmul.f32 v5, v15  }
0x368: {  	v35 =	vld [tilespmem:s19+$0x80];
	v12 =	vmul.f32 v12, v15;
	v29 =	vsub.f32 v2, v48;
	v49 =	vsub.f32 v31, v48  }
0x369: {  	v51 =	vsub.f32 v36, v48;
	v52 =	vsub.f32 v42, v48;
	v60 =	vadd.s32 v3, v63;
	v3 =	vld [tilespmem:$0x1FFF0]  }
0x36a: {  	v47 =	vmul.f32 v30, v15;
	v34 =	vld [tilespmem:s19+$0x70];
	v53 =	vsub.f32 v43, v48;
	v54 =	vsub.f32 v45, v48  }
0x36b: {  	v30 =	vld [tilespmem:s19+$0x90];
	v4 =	vadd.s32 v58, v4;
	v56 =	vsub.f32 v2, v41;
	v57 =	vsub.f32 v31, v41  }
0x36c: {  	v6 =	vadd.s32 v58, v6;
	v58 =	vsub.f32 v36, v41;
	v59 =	vsub.f32 v42, v41  }
0x36d: {  	v19 =	vmul.f32 v25, v15;
	v61 =	vsub.f32 v43, v41;
	v62 =	vsub.f32 v45, v41  }
0x36e: {  	v10 =	vsub.f32 v33, v41;
	v20 =	vsub.f32 v35, v41;
	v63 =	vadd.s32 v3, v38;
	v3 =	vld [tilespmem:$0x1FFF0]  }
0x36f: {  	v18 =	vmul.f32 v23, v15;
	v2 =	vsub.f32 v2, v7;
	v36 =	vsub.f32 v36, v7  }
0x370: {  	v55 =	vmul.f32 v24, v15;
	[tilespmem:$0x1FB70] =	vst v9;
	v9 =	vsub.f32 v34, v41;
	v37 =	vsub.f32 v30, v41  }
0x371: {  	v13 =	vsub.f32 v34, v7;
	v49 =	vmul.f32 v49, v15;
	v61 =	vmul.f32 v61, v16  }
0x372: {  	v14 =	vsub.f32 v30, v7;
	v62 =	vmul.f32 v62, v16;
	v10 =	vmul.f32 v10, v16  }
0x373: {  	v20 =	vmul.f32 v20, v16;
	v2 =	vmax.f32 v2, $0.0e+00;
	v17 =	vadd.s32 v3, v39;
	v3 =	vld [tilespmem:$0x1FFF0]  }
0x374: {  	v9 =	vmul.f32 v9, v16;
	v37 =	vmul.f32 v37, v16;
	v13 =	vmax.f32 v13, $0.0e+00  }
0x375: {  	v21 =	vld [tilespmem:s19+$0xFFFFFF70];
	v2 =	vmul.f32 v2, v8;
	v14 =	vmax.f32 v14, $0.0e+00;
	v13 =	vmul.f32 v13, v8  }
0x376: {  	v27 =	vld [tilespmem:s19+$0xFFFFFFD0];
	v14 =	vmul.f32 v14, v8;
	v10 =	vmax.f32 v10, $0.0e+00;
	v9 =	vmax.f32 v9, $0.0e+00  }
0x377: {  	v23 =	vld [tilespmem:s19+$0xFFFFFF90];
	v10 =	vmin.f32 v10, $1.023000000e+03;
	v2 =	vmin.f32 v2, $1.023000000e+03;
	v9 =	vmin.f32 v9, $1.023000000e+03  }
0x378: {  	v10 =	vtrunc.f32 v10;
	v2 =	vtrunc.f32 v2;
	v38 =	vadd.s32 v3, v40;
	v3 =	vld [tilespmem:$0x1FFF0]  }
0x379: {  	v24 =	vld [tilespmem:s19+$0xFFFFFFA0];
	v13 =	vmin.f32 v13, $1.023000000e+03;
	v14 =	vmin.f32 v14, $1.023000000e+03;
	v9 =	vtrunc.f32 v9  }
0x37a: {  	v25 =	vld [tilespmem:s19+$0xFFFFFFB0];
	v45 =	vsub.f32 v45, v7;
	v13 =	vtrunc.f32 v13;
	v14 =	vtrunc.f32 v14  }
0x37b: {  	v26 =	vld [tilespmem:s19+$0xFFFFFFC0];
	v34 =	vsub.f32 v34, v48;
	v2 =	vcvt.f32.s32 v2;
	v10 =	vcvt.f32.s32 v10  }
0x37c: {  	v22 =	vld [tilespmem:s19+$0xFFFFFF80];
	v9 =	vcvt.f32.s32 v9;
	v39 =	vsub.f32 v31, v7;
	v40 =	vmul.f32 v29, v15  }
0x37d: {  	v31 =	vld [tilespmem:s19+$0xFFFFFF60];
	v11 =	vadd.s32 v3, v28;
	v3 =	vmul.f32 v51, v15;
	v51 =	vsub.f32 v42, v7  }
0x37e: {  	v29 =	vld [tilespmem:s19+$0xFFFFFFF0];
	v42 =	vmul.f32 v52, v15;
	v52 =	vsub.f32 v43, v7;
	v43 =	vmul.f32 v53, v15  }
0x37f: {  	v36 =	vmax.f32 v36, $0.0e+00;
	v28 =	vld [tilespmem:s19+$0xFFFFFFE0];
	v53 =	vmul.f32 v54, v15;
	v54 =	vmul.f32 v56, v16  }
0x380: {  	v45 =	vmax.f32 v45, $0.0e+00;
	v56 =	vmul.f32 v57, v16;
	v57 =	vmul.f32 v58, v16;
	[tilespmem:v46+s13+$0x0] =	vst.idx.add.f32.msk vm5, v44  }
0x381: {  	v39 =	vmax.f32 v39, $0.0e+00;
	v58 =	vmul.f32 v59, v16;
	v59 =	vsub.f32 v33, v7;
	[tilespmem:v4+s13+$0x0] =	vst.idx.add.f32.msk vm6, v0  }
0x382: {  	v33 =	vsub.f32 v33, v48;
	v4 =	vmul.f32 v39, v8;
	[tilespmem:$0x1FB60] =	vst v3;
	v3 =	vsub.f32 v35, v7  }
0x383: {  	v51 =	vmax.f32 v51, $0.0e+00;
	v52 =	vmax.f32 v52, $0.0e+00;
	v0 =	vmax.f32 v59, $0.0e+00;
	[tilespmem:v6+s13+$0x0] =	vst.idx.add.f32.msk vm3, v1  }
0x384: {  	v1 =	vmul.f32 v36, v8;
	v36 =	vmul.f32 v45, v8;
	v35 =	vsub.f32 v35, v48  }
0x385: {  	v6 =	vmul.f32 v51, v8;
	[tilespmem:v60+s13+$0x0] =	vst.idx.add.f32.msk vm4, v5;
	v5 =	vmul.f32 v52, v8;
	v60 =	vmax.f32 v56, $0.0e+00  }
0x386: {  	v51 =	vmax.f32 v58, $0.0e+00;
	v52 =	vmax.f32 v61, $0.0e+00;
	v56 =	vmax.f32 v37, $0.0e+00  }
0x387: {  	v4 =	vmin.f32 v4, $1.023000000e+03;
	v61 =	vsub.f32 v21, v7;
	v3 =	vmax.f32 v3, $0.0e+00  }
0x388: {  	[tilespmem:v63+s13+$0x0] =	vst.idx.add.f32.msk vm9, v12;
	v12 =	vmul.f32 v0, v8;
	v0 =	vsub.f32 v31, v7;
	v63 =	vmax.f32 v57, $0.0e+00  }
0x389: {  	v59 =	vmin.f32 v52, $1.023000000e+03;
	v1 =	vmin.f32 v1, $1.023000000e+03;
	v36 =	vmin.f32 v36, $1.023000000e+03  }
0x38a: {  	v4 =	vtrunc.f32 v4;
	v52 =	vsub.f32 v29, v41;
	v3 =	vmul.f32 v3, v8  }
0x38b: {  	[tilespmem:v17+s13+$0x0] =	vst.idx.add.f32.msk vm10, v47;
	v17 =	vmax.f32 v54, $0.0e+00;
	v54 =	vmax.f32 v62, $0.0e+00;
	v57 =	vmin.f32 v63, $1.023000000e+03  }
0x38c: {  	v6 =	vmin.f32 v6, $1.023000000e+03;
	v39 =	vtrunc.f32 v59;
	v5 =	vmin.f32 v5, $1.023000000e+03  }
0x38d: {  	v1 =	vtrunc.f32 v1;
	v36 =	vtrunc.f32 v36;
	v62 =	vsub.f32 v22, v7  }
0x38e: {  	v4 =	vcvt.f32.s32 v4;
	v17 =	vmin.f32 v17, $1.023000000e+03;
	v37 =	vtrunc.f32 v57  }
0x38f: {  	[tilespmem:v38+s13+$0x0] =	vst.idx.add.f32.msk vm8, v19;
	v38 =	vmin.f32 v51, $1.023000000e+03;
	v6 =	vtrunc.f32 v6;
	v5 =	vtrunc.f32 v5  }
0x390: {  	v12 =	vmin.f32 v12, $1.023000000e+03;
	v39 =	vcvt.f32.s32 v39;
	v1 =	vcvt.f32.s32 v1  }
0x391: {  	v0 =	vmax.f32 v0, $0.0e+00;
	v51 =	vsub.f32 v28, v41;
	[tilespmem:v11+s13+$0x0] =	vst.idx.add.f32.msk vm7, v18;
	v11 =	vmax.f32 v20, $0.0e+00  }
0x392: {  	v20 =	vmin.f32 v60, $1.023000000e+03;
	v17 =	vtrunc.f32 v17;
	v38 =	vtrunc.f32 v38  }
0x393: {  	v60 =	vmin.f32 v54, $1.023000000e+03;
	v12 =	vtrunc.f32 v12;
	v37 =	vcvt.f32.s32 v37  }
0x394: {  	vm3 =	veq.s32 v50, v4;
	v4 =	vcvt.f32.s32 v6;
	v0 =	vmul.f32 v0, v8  }
0x395: {  	v58 =	vld [tilespmem:$0x1FFF0];
	v3 =	vmin.f32 v3, $1.023000000e+03;
	v20 =	vtrunc.f32 v20;
	v44 =	vtrunc.f32 v60  }
0x396: {  	v18 =	vld [tilespmem:$0x1FBC0];
	v11 =	vmin.f32 v11, $1.023000000e+03;
	v3 =	vtrunc.f32 v3;
	v17 =	vcvt.f32.s32 v17  }
0x397: {  	v38 =	vcvt.f32.s32 v38;
	vm4 =	veq.s32 v50, v1;
	v1 =	vcvt.f32.s32 v5  }
0x398: {  	v63 =	vsub.f32 v23, v7;
	v54 =	vmul.f32 v51, v16;
	v11 =	vtrunc.f32 v11  }
0x399: {  	v47 =	vsub.f32 v26, v41;
	v20 =	vcvt.f32.s32 v20;
	v44 =	vcvt.f32.s32 v44  }
0x39a: {  	v5 =	vadd.s32 v58, v37;
	vm5 =	veq.s32 v50, v4;
	v4 =	vcvt.f32.s32 v36  }
0x39b: {  	v0 =	vmin.f32 v0, $1.023000000e+03;
	vm6 =	veq.s32 v50, v1;
	[tilespmem:v32+s13+$0x0] =	vst.idx.add.f32.msk vm0, v18;
	vm0 =	veq.s32 v50, v2  }
0x39c: {  	v1 =	vcvt.f32.s32 v12;
	v2 =	vcvt.f32.s32 v11;
	v11 =	vadd.s32 v58, v17  }
0x39d: {  	v12 =	vadd.s32 v58, v39;
	v6 =	vadd.s32 v58, v20;
	v20 =	vsub.f32 v25, v41  }
0x39e: {  	v59 =	vtrunc.f32 v0;
	v0 =	vsub.f32 v21, v48;
	vm7 =	veq.s32 v50, v4  }
0x39f: {  	v4 =	vcvt.f32.s32 v13;
	v13 =	vsub.f32 v24, v7;
	v18 =	vmovc v55;
	v20 =	vmul.f32 v20, v16  }
0x3a0: {  	v32 =	vmin.f32 v56, $1.023000000e+03;
	v17 =	vadd.s32 v58, v38;
	[tilespmem:$0x1FBC0] =	vst v18;
	v18 =	vsub.f32 v24, v41  }
0x3a1: {  	v55 =	vmul.f32 v52, v16;
	v32 =	vtrunc.f32 v32;
	v20 =	vmax.f32 v20, $0.0e+00;
	[tilespmem:v11+s13+$0x0] =	vst.idx.add.f32.msk vm0, v40  }
0x3a2: {  	v2 =	vadd.s32 v58, v2;
	v18 =	vmul.f32 v18, v16;
	v20 =	vmin.f32 v20, $1.023000000e+03;
	[tilespmem:v6+s13+$0x0] =	vst.idx.add.f32.msk vm3, v49  }
0x3a3: {  	vm3 =	veq.s32 v50, v4;
	v4 =	vcvt.f32.s32 v14;
	v6 =	vld [tilespmem:$0x1FB60];
	v14 =	vsub.f32 v22, v41  }
0x3a4: {  	v18 =	vmax.f32 v18, $0.0e+00;
	v11 =	vadd.s32 v58, v44;
	vm0 =	veq.s32 v50, v1  }
0x3a5: {  	v1 =	vcvt.f32.s32 v3;
	v3 =	vadd.s32 v58, v10;
	v14 =	vmul.f32 v14, v16  }
0x3a6: {  	v10 =	vmul.f32 v34, v15;
	v34 =	vmax.f32 v55, $0.0e+00;
	v18 =	vmin.f32 v18, $1.023000000e+03  }
0x3a7: {  	v49 =	vsub.f32 v27, v41;
	v34 =	vmin.f32 v34, $1.023000000e+03;
	v14 =	vmax.f32 v14, $0.0e+00  }
0x3a8: {  	[tilespmem:v5+s13+$0x0] =	vst.idx.add.f32.msk vm4, v6;
	v5 =	vadd.s32 v58, v9;
	vm4 =	veq.s32 v50, v1;
	v1 =	vcvt.f32.s32 v32  }
0x3a9: {  	v6 =	vmul.f32 v33, v15;
	v9 =	vmax.f32 v62, $0.0e+00;
	v33 =	vmax.f32 v54, $0.0e+00  }
0x3aa: {  	v14 =	vmin.f32 v14, $1.023000000e+03;
	[tilespmem:v17+s13+$0x0] =	vst.idx.add.f32.msk vm5, v42;
	vm5 =	veq.s32 v50, v4;
	v4 =	vmax.f32 v61, $0.0e+00  }
0x3ab: {  	v17 =	vsub.f32 v23, v41;
	v9 =	vmul.f32 v9, v8;
	v60 =	vmin.f32 v33, $1.023000000e+03  }
0x3ac: {  	v40 =	vtrunc.f32 v14;
	v14 =	vcvt.f32.s32 v59;
	[tilespmem:v12+s13+$0x0] =	vst.idx.add.f32.msk vm6, v43;
	v1 =	vadd.s32 v58, v1  }
0x3ad: {  	v12 =	vmax.f32 v63, $0.0e+00;
	v4 =	vmul.f32 v4, v8;
	v43 =	vtrunc.f32 v18;
	[tilespmem:v11+s13+$0x0] =	vst.idx.add.f32.msk vm7, v53  }
0x3ae: {  	v11 =	vsub.f32 v30, v48;
	v17 =	vmul.f32 v17, v16;
	v53 =	vmul.f32 v49, v16  }
0x3af: {  	v12 =	vmul.f32 v12, v8;
	v9 =	vmin.f32 v9, $1.023000000e+03;
	[tilespmem:v3+s13+$0x0] =	vst.idx.add.f32.msk vm0, v6;
	v3 =	vmul.f32 v35, v15  }
0x3b0: {  	v6 =	vsub.f32 v25, v7;
	vm0 =	vmmov vm2;
	v9 =	vtrunc.f32 v9  }
0x3b1: {  	v4 =	vmin.f32 v4, $1.023000000e+03;
	v35 =	vtrunc.f32 v20;
	[tilespmem:v5+s13+$0x0] =	vst.idx.add.f32.msk vm3, v10;
	v5 =	vmul.f32 v11, v15  }
0x3b2: {  	v10 =	vmax.f32 v13, $0.0e+00;
	v11 =	vsub.f32 v26, v7;
	v13 =	vsub.f32 v27, v7  }
0x3b3: {  	v17 =	vmax.f32 v17, $0.0e+00;
	v32 =	vmax.f32 v53, $0.0e+00;
	v12 =	vmin.f32 v12, $1.023000000e+03  }
0x3b4: {  	v4 =	vtrunc.f32 v4;
	v9 =	vcvt.f32.s32 v9;
	[tilespmem:v2+s13+$0x0] =	vst.idx.add.f32.msk vm4, v3;
	v2 =	vmax.f32 v6, $0.0e+00  }
0x3b5: {  	v3 =	vsub.f32 v28, v7;
	v6 =	vsub.f32 v29, v7;
	v10 =	vmul.f32 v10, v8  }
0x3b6: {  	v17 =	vmin.f32 v17, $1.023000000e+03;
	v32 =	vmin.f32 v32, $1.023000000e+03;
	v61 =	vtrunc.f32 v12  }
0x3b7: {  	v12 =	vsub.f32 v24, v48;
	v24 =	vsub.f32 v29, v48;
	v4 =	vcvt.f32.s32 v4  }
0x3b8: {  	[tilespmem:v1+s13+$0x0] =	vst.idx.add.f32.msk vm5, v5;
	v1 =	vsub.f32 v31, v41;
	v5 =	vsub.f32 v21, v41;
	v11 =	vmax.f32 v11, $0.0e+00  }
0x3b9: {  	v13 =	vmax.f32 v13, $0.0e+00;
	v2 =	vmul.f32 v2, v8;
	v42 =	vtrunc.f32 v17  }
0x3ba: {  	v21 =	vtrunc.f32 v34;
	vm5 =	veq.s32 v50, v14;
	v14 =	vcvt.f32.s32 v61  }
0x3bb: {  	vm3 =	veq.s32 v50, v9;
	v30 =	vmax.f32 v3, $0.0e+00;
	v6 =	vmax.f32 v6, $0.0e+00  }
0x3bc: {  	v3 =	vsub.f32 v31, v48;
	v31 =	vmul.f32 v47, v16;
	v11 =	vmul.f32 v11, v8  }
0x3bd: {  	v13 =	vmul.f32 v13, v8;
	v10 =	vmin.f32 v10, $1.023000000e+03;
	v1 =	vmul.f32 v1, v16  }
0x3be: {  	vm6 =	veq.s32 v50, v4;
	v5 =	vmul.f32 v5, v16;
	v30 =	vmul.f32 v30, v8  }
0x3bf: {  	v6 =	vmul.f32 v6, v8;
	v2 =	vmin.f32 v2, $1.023000000e+03;
	v10 =	vtrunc.f32 v10  }
0x3c0: {  	vm4 =	veq.s32 v50, v14;
	v31 =	vmax.f32 v31, $0.0e+00;
	v11 =	vmin.f32 v11, $1.023000000e+03  }
0x3c1: {  	v17 =	vld [tilespmem:$0x1FB70];
	v13 =	vmin.f32 v13, $1.023000000e+03;
	v2 =	vtrunc.f32 v2;
	v37 =	vcvt.f32.s32 v10  }
0x3c2: {  	v1 =	vmax.f32 v1, $0.0e+00;
	v5 =	vmax.f32 v5, $0.0e+00;
	v30 =	vmin.f32 v30, $1.023000000e+03  }
0x3c3: {  	v6 =	vmin.f32 v6, $1.023000000e+03;
	v31 =	vmin.f32 v31, $1.023000000e+03;
	v11 =	vtrunc.f32 v11  }
0x3c4: {  	v18 =	vld [tilespmem:$0x1FB80];
	v13 =	vtrunc.f32 v13;
	v36 =	vcvt.f32.s32 v2;
	v56 =	vmin.f32 v1, $1.023000000e+03  }
0x3c5: {  	s18 =	sadd.s32 $0x140, s18;
	v57 =	vmin.f32 v5, $1.023000000e+03;
	v1 =	vsub.f32 v22, v48;
	v5 =	vsub.f32 v23, v48  }
0x3c6: {  	p0 =	slt.u32 s18, $0x184C0;
	v2 =	vld [tilespmem:$0x1FB90];
	v62 =	vtrunc.f32 v30;
	v6 =	vtrunc.f32 v6;
	v17 =	vadd.s32 v58, v17  }
.Ltmp5:
0x3c7: {  	v33 =	vtrunc.f32 v31;
	v22 =	vsub.f32 v28, v48;
	v28 =	vtrunc.f32 v32;
	(pc) =	sbr.rel @p0 .LBB2_13-.Ltmp5, $4  }
0x3c8: {  	v23 =	vsub.f32 v27, v48;
	v27 =	vtrunc.f32 v60;
	v34 =	vcvt.f32.s32 v11  }
0x3c9: {  	v32 =	vadd.s32 v58, v18;
	v18 =	vcvt.f32.s32 v13;
	v63 =	vtrunc.f32 v56  }
0x3ca: {  	v30 =	vsub.f32 v25, v48;
	v39 =	vtrunc.f32 v57;
	v19 =	vcvt.f32.s32 v62  }
0x3cb: {  	s19 =	sadd.s32 $0x140, s19;
	v25 =	vsub.f32 v26, v48;
	v26 =	vcvt.f32.s32 v6;
	v29 =	vcvt.f32.s32 v63;
	[tilespmem:v17+s13+$0x0] =	vst.idx.add.f32.msk vm1, v2  }
0x3cc: {  	v2 =	vcvt.f32.s32 v39;
	v4 =	vcvt.f32.s32 v40  }
0x3cd: {  	vm1 =	veq.s32 v50, v37;
	v6 =	vcvt.f32.s32 v42;
	v10 =	vadd.s32 v58, v29  }
0x3ce: {  	v9 =	vcvt.f32.s32 v43;
	vm2 =	veq.s32 v50, v36;
	v2 =	vadd.s32 v58, v2  }
0x3cf: {  	v11 =	vcvt.f32.s32 v35;
	vm7 =	veq.s32 v50, v34;
	v4 =	vadd.s32 v58, v4  }
0x3d0: {  	v13 =	vcvt.f32.s32 v33;
	v3 =	vmul.f32 v3, v15;
	v6 =	vadd.s32 v58, v6  }
0x3d1: {  	vm8 =	veq.s32 v50, v18;
	v0 =	vmul.f32 v0, v15;
	v9 =	vadd.s32 v58, v9  }
0x3d2: {  	v14 =	vcvt.f32.s32 v28;
	v1 =	vmul.f32 v1, v15;
	v11 =	vadd.s32 v58, v11;
	[tilespmem:v10+s13+$0x0] =	vst.idx.add.f32.msk vm5, v3  }
0x3d3: {  	v3 =	vmul.f32 v5, v15;
	v5 =	vadd.s32 v58, v13;
	[tilespmem:v2+s13+$0x0] =	vst.idx.add.f32.msk vm6, v0  }
0x3d4: {  	v10 =	vadd.s32 v58, v14;
	v2 =	vmul.f32 v12, v15;
	[tilespmem:v4+s13+$0x0] =	vst.idx.add.f32.msk vm3, v1  }
0x3d5: {  	v4 =	vmul.f32 v30, v15;
	[tilespmem:v6+s13+$0x0] =	vst.idx.add.f32.msk vm4, v3  }
0x3d6: {  	v0 =	vcvt.f32.s32 v27;
	v3 =	vmul.f32 v25, v15;
	[tilespmem:v9+s13+$0x0] =	vst.idx.add.f32.msk vm1, v2  }
0x3d7: {  	vm9 =	veq.s32 v50, v19;
	v1 =	vcvt.f32.s32 v21;
	v2 =	vmul.f32 v23, v15;
	[tilespmem:v11+s13+$0x0] =	vst.idx.add.f32.msk vm2, v4  }
0x3d8: {  	vm10 =	veq.s32 v50, v26;
	v0 =	vadd.s32 v58, v0;
	[tilespmem:v5+s13+$0x0] =	vst.idx.add.f32.msk vm7, v3  }
0x3d9: {  	v1 =	vadd.s32 v58, v1;
	[tilespmem:v10+s13+$0x0] =	vst.idx.add.f32.msk vm8, v2  }
0x3da: {  	v4 =	vld [tilespmem:$0x1FBC0]  }
0x3db: {  	v3 =	vmul.f32 v22, v15  }
0x3dc: {  	v2 =	vmul.f32 v24, v15  }
0x3dd: {  	[tilespmem:v0+s13+$0x0] =	vst.idx.add.f32.msk vm9, v3  }
0x3de: {  	[tilespmem:v1+s13+$0x0] =	vst.idx.add.f32.msk vm10, v2  }
0x3df: {  	[tilespmem:v32+s13+$0x0] =	vst.idx.add.f32.msk vm0, v4  }
0x3e0: {  	v0 =	vld [tilespmem:$0x18600]  }
0x3e1: {  	v26 =	vld [tilespmem:$0x1FBD0]  }
0x3e2: {  	v1 =	vld [tilespmem:$0x18610]  }
0x3e3: {  	v4 =	vld [tilespmem:$0x18620]  }
0x3e4: {  	v9 =	vld [tilespmem:$0x18630];
	_ =	sdelay $0x1  }
0x3e5: {  	v17 =	vld [tilespmem:$0x18660];
	v2 =	vsub.f32 v0, v7;
	v3 =	vsub.f32 v0, v26  }
0x3e6: {  	v21 =	vld [tilespmem:$0x18680];
	v5 =	vsub.f32 v1, v7;
	v6 =	vsub.f32 v1, v26  }
0x3e7: {  	v22 =	vld [tilespmem:$0x18690];
	v0 =	vsub.f32 v0, v48;
	v10 =	vsub.f32 v4, v26  }
0x3e8: {  	v1 =	vsub.f32 v1, v48;
	v11 =	vsub.f32 v9, v7  }
0x3e9: {  	v12 =	vsub.f32 v9, v26;
	v9 =	vsub.f32 v9, v48  }
0x3ea: {  	vm11 =	vmmov vm10;
	v19 =	vsub.f32 v17, v7;
	v20 =	vsub.f32 v17, v26  }
0x3eb: {  	v17 =	vsub.f32 v17, v48;
	v24 =	vsub.f32 v21, v26;
	v2 =	vmax.f32 v2, $0.0e+00  }
0x3ec: {  	v25 =	vsub.f32 v22, v26;
	v3 =	vmul.f32 v3, v16;
	v2 =	vmul.f32 v2, v8  }
0x3ed: {  	v5 =	vmax.f32 v5, $0.0e+00;
	v0 =	vmul.f32 v0, v15;
	v1 =	vmul.f32 v1, v15  }
0x3ee: {  	v11 =	vmax.f32 v11, $0.0e+00;
	v9 =	vmul.f32 v9, v15;
	v2 =	vmin.f32 v2, $1.023000000e+03  }
0x3ef: {  	v24 =	vmul.f32 v24, v16;
	v3 =	vmax.f32 v3, $0.0e+00;
	v2 =	vtrunc.f32 v2  }
0x3f0: {  	v5 =	vmul.f32 v5, v8;
	v3 =	vmin.f32 v3, $1.023000000e+03;
	v2 =	vcvt.f32.s32 v2  }
0x3f1: {  	v19 =	vmax.f32 v19, $0.0e+00;
	v11 =	vmul.f32 v11, v8;
	v3 =	vtrunc.f32 v3  }
0x3f2: {  	v19 =	vmul.f32 v19, v8;
	vm12 =	veq.s32 v50, v2;
	v2 =	vcvt.f32.s32 v3  }
0x3f3: {  	v3 =	vmin.f32 v5, $1.023000000e+03;
	v5 =	vmul.f32 v6, v16;
	v6 =	vsub.f32 v4, v7  }
0x3f4: {  	v24 =	vmax.f32 v24, $0.0e+00;
	v11 =	vmin.f32 v11, $1.023000000e+03;
	v3 =	vtrunc.f32 v3  }
0x3f5: {  	v19 =	vmin.f32 v19, $1.023000000e+03;
	v3 =	vcvt.f32.s32 v3;
	v6 =	vmax.f32 v6, $0.0e+00  }
0x3f6: {  	v19 =	vtrunc.f32 v19;
	v5 =	vmax.f32 v5, $0.0e+00;
	v6 =	vmul.f32 v6, v8  }
0x3f7: {  	v19 =	vcvt.f32.s32 v19;
	v5 =	vmin.f32 v5, $1.023000000e+03;
	vm1 =	veq.s32 v50, v3  }
0x3f8: {  	v3 =	vtrunc.f32 v5;
	v5 =	vmin.f32 v6, $1.023000000e+03;
	v6 =	vmul.f32 v10, v16;
	v10 =	vld [tilespmem:$0x18640]  }
0x3f9: {  	v11 =	vtrunc.f32 v11;
	vm10 =	veq.s32 v50, v19;
	v5 =	vtrunc.f32 v5  }
0x3fa: {  	v19 =	vsub.f32 v21, v7;
	v5 =	vcvt.f32.s32 v5;
	v6 =	vmax.f32 v6, $0.0e+00  }
0x3fb: {  	v11 =	vcvt.f32.s32 v11;
	v4 =	vsub.f32 v4, v48;
	v6 =	vmin.f32 v6, $1.023000000e+03  }
0x3fc: {  	v19 =	vmax.f32 v19, $0.0e+00;
	v6 =	vtrunc.f32 v6;
	vm13 =	veq.s32 v50, v5  }
0x3fd: {  	v5 =	vcvt.f32.s32 v6;
	v6 =	vmul.f32 v12, v16;
	v12 =	vld [tilespmem:$0x18650];
	v13 =	vsub.f32 v10, v7  }
0x3fe: {  	vm14 =	veq.s32 v50, v11;
	v2 =	vadd.s32 v58, v2;
	v19 =	vmul.f32 v19, v8  }
0x3ff: {  	v4 =	vmul.f32 v4, v15;
	v3 =	vcvt.f32.s32 v3;
	v13 =	vmax.f32 v13, $0.0e+00  }
0x400: {  	v19 =	vmin.f32 v19, $1.023000000e+03;
	v14 =	vsub.f32 v10, v26;
	v13 =	vmul.f32 v13, v8  }
0x401: {  	v19 =	vtrunc.f32 v19;
	v3 =	vadd.s32 v58, v3;
	v10 =	vsub.f32 v10, v48  }
0x402: {  	v11 =	vmin.f32 v13, $1.023000000e+03;
	v13 =	vmul.f32 v14, v16;
	v14 =	vsub.f32 v12, v7  }
0x403: {  	v5 =	vadd.s32 v58, v5;
	v6 =	vmax.f32 v6, $0.0e+00;
	v11 =	vtrunc.f32 v11  }
0x404: {  	v6 =	vmin.f32 v6, $1.023000000e+03;
	v11 =	vcvt.f32.s32 v11;
	v14 =	vmax.f32 v14, $0.0e+00  }
0x405: {  	v18 =	vsub.f32 v12, v26;
	v13 =	vmax.f32 v13, $0.0e+00;
	v14 =	vmul.f32 v14, v8  }
0x406: {  	v6 =	vtrunc.f32 v6;
	v13 =	vmin.f32 v13, $1.023000000e+03;
	vm15 =	veq.s32 v50, v11  }
0x407: {  	v11 =	vtrunc.f32 v13;
	v13 =	vmin.f32 v14, $1.023000000e+03;
	v14 =	vmul.f32 v18, v16;
	v18 =	vld [tilespmem:$0x18670]  }
0x408: {  	v6 =	vcvt.f32.s32 v6;
	v12 =	vsub.f32 v12, v48;
	v13 =	vtrunc.f32 v13  }
0x409: {  	v10 =	vmul.f32 v10, v15;
	v13 =	vcvt.f32.s32 v13;
	v14 =	vmax.f32 v14, $0.0e+00  }
0x40a: {  	v6 =	vadd.s32 v58, v6;
	v12 =	vmul.f32 v12, v15;
	v14 =	vmin.f32 v14, $1.023000000e+03  }
0x40b: {  	v11 =	vcvt.f32.s32 v11;
	v14 =	vtrunc.f32 v14;
	vm9 =	veq.s32 v50, v13  }
0x40c: {  	v13 =	vcvt.f32.s32 v14;
	v14 =	vmul.f32 v20, v16;
	v20 =	vsub.f32 v18, v7  }
0x40d: {  	[tilespmem:v2+s13+$0x0] =	vst.idx.add.f32.msk vm12, v0;
	v2 =	vcvt.f32.s32 v19;
	v23 =	vsub.f32 v18, v26;
	v7 =	vsub.f32 v22, v7  }
0x40e: {  	v11 =	vadd.s32 v58, v11;
	v13 =	vadd.s32 v58, v13;
	v14 =	vmax.f32 v14, $0.0e+00  }
0x40f: {  	v20 =	vmax.f32 v20, $0.0e+00;
	v23 =	vmul.f32 v23, v16;
	v7 =	vmax.f32 v7, $0.0e+00  }
0x410: {  	v14 =	vmin.f32 v14, $1.023000000e+03;
	v20 =	vmul.f32 v20, v8;
	v7 =	vmul.f32 v7, v8  }
0x411: {  	v8 =	vmul.f32 v25, v16;
	v16 =	vmin.f32 v24, $1.023000000e+03;
	v14 =	vtrunc.f32 v14  }
0x412: {  	[tilespmem:v3+s13+$0x0] =	vst.idx.add.f32.msk vm1, v1;
	v23 =	vmax.f32 v23, $0.0e+00;
	v1 =	vtrunc.f32 v16;
	v14 =	vcvt.f32.s32 v14  }
0x413: {  	v20 =	vmin.f32 v20, $1.023000000e+03;
	v23 =	vmin.f32 v23, $1.023000000e+03;
	v1 =	vcvt.f32.s32 v1  }
0x414: {  	v3 =	vmin.f32 v7, $1.023000000e+03;
	v20 =	vtrunc.f32 v20;
	v23 =	vtrunc.f32 v23  }
0x415: {  	v7 =	vmax.f32 v8, $0.0e+00;
	v3 =	vtrunc.f32 v3;
	v20 =	vcvt.f32.s32 v20  }
0x416: {  	[tilespmem:v5+s13+$0x0] =	vst.idx.add.f32.msk vm13, v4;
	v4 =	vmin.f32 v7, $1.023000000e+03;
	v14 =	vadd.s32 v58, v14;
	v0 =	vcvt.f32.s32 v23  }
0x417: {  	[tilespmem:v6+s13+$0x0] =	vst.idx.add.f32.msk vm14, v9;
	v3 =	vcvt.f32.s32 v3;
	v4 =	vtrunc.f32 v4;
	vm11 =	veq.s32 v50, v20  }
0x418: {  	vm12 =	veq.s32 v50, v2;
	[tilespmem:v11+s13+$0x0] =	vst.idx.add.f32.msk vm15, v10;
	v2 =	vcvt.f32.s32 v4;
	v0 =	vadd.s32 v58, v0  }
0x419: {  	v24 =	vld [tilespmem:$0x1FF10];
	v1 =	vadd.s32 v58, v1;
	v4 =	vsub.f32 v18, v48;
	vm13 =	veq.s32 v50, v3  }
0x41a: {  	v5 =	vsub.f32 v21, v48;
	v25 =	vld [tilespmem:$0x1FF20];
	v3 =	vmul.f32 v17, v15;
	v2 =	vadd.s32 v58, v2  }
0x41b: {  	v6 =	vsub.f32 v22, v48;
	[tilespmem:v13+s13+$0x0] =	vst.idx.add.f32.msk vm9, v12;
	v4 =	vmul.f32 v4, v15  }
0x41c: {  	[tilespmem:v14+s13+$0x0] =	vst.idx.add.f32.msk vm10, v3;
	v3 =	vmul.f32 v5, v15  }
0x41d: {  	[tilespmem:v0+s13+$0x0] =	vst.idx.add.f32.msk vm11, v4;
	v0 =	vmul.f32 v6, v15  }
0x41e: {  	[tilespmem:v1+s13+$0x0] =	vst.idx.add.f32.msk vm12, v3  }
0x41f: {  	s18 =	simm.s32 $0x1AA90;
	[tilespmem:v2+s13+$0x0] =	vst.idx.add.f32.msk vm13, v0  }
0x420: {  	v0 =	vld [tilespmem:s18+$0x1800]  }
0x421: {  	v1 =	vld [tilespmem:s18+$0xFFFFE400]  }
0x422: {  	v2 =	vld [tilespmem:s18+$0xFFFFE800]  }
0x423: {  	v3 =	vld [tilespmem:s18+$0xFFFFEC00]  }
0x424: {  	v4 =	vld [tilespmem:s18+$0x0]  }
0x425: {  	v5 =	vld [tilespmem:s18+$0xFFFFF000]  }
0x426: {  	v6 =	vld [tilespmem:s18+$0xFFFFE000]  }
0x427: {  	v7 =	vld [tilespmem:s18+$0xFFFFF400]  }
0x428: {  	v8 =	vld [tilespmem:s18+$0xFFFFF800]  }
0x429: {  	v9 =	vld [tilespmem:s18+$0xFFFFFC00]  }
0x42a: {  	v10 =	vld [tilespmem:s18+$0x400]  }
0x42b: {  	v11 =	vld [tilespmem:s18+$0x800]  }
0x42c: {  	v12 =	vld [tilespmem:s18+$0xC00]  }
0x42d: {  	v13 =	vld [tilespmem:s18+$0x1000]  }
0x42e: {  	v14 =	vld [tilespmem:s18+$0x1400]  }
0x42f: {  	s26 =	simm.s32 $0x1AA80;
	v15 =	vld [tilespmem:s18+$0x1C00]  }
0x430: {  	v16 =	vld [tilespmem:s26+$0x1800]  }
0x431: {  	v17 =	vld [tilespmem:s26+$0xFFFFE400]  }
0x432: {  	s29 =	simm.s32 $0x1AA70;
	v18 =	vld [tilespmem:s26+$0xFFFFE800]  }
0x433: {  	v19 =	vld [tilespmem:s29+$0xFFFFEC00]  }
0x434: {  	v20 =	vld [tilespmem:s29+$0x0]  }
0x435: {  	v21 =	vld [tilespmem:s29+$0xFFFFF000]  }
0x436: {  	v22 =	vld [tilespmem:s29+$0xFFFFE000]  }
0x437: {  	v23 =	vld [tilespmem:s29+$0xFFFFF400]  }
0x438: {  	v8 =	vadd.f32 v9, v8;
	v5 =	vadd.f32 v7, v5;
	v7 =	vld [tilespmem:s26+$0xFFFFEC00]  }
0x439: {  	v2 =	vadd.f32 v3, v2;
	v3 =	vadd.f32 v12, v11;
	v9 =	vld [tilespmem:s26+$0x0]  }
0x43a: {  	v1 =	vadd.f32 v1, v6;
	v4 =	vadd.f32 v10, v4;
	v6 =	vld [tilespmem:s26+$0xFFFFF000]  }
0x43b: {  	v10 =	vadd.f32 v14, v13;
	v0 =	vadd.f32 v15, v0;
	v11 =	vld [tilespmem:s26+$0xFFFFE000]  }
0x43c: {  	v12 =	vld [tilespmem:s26+$0x1400];
	v1 =	vadd.f32 v2, v1;
	v2 =	vadd.f32 v8, v5  }
0x43d: {  	v13 =	vld [tilespmem:s26+$0x1C00];
	v3 =	vadd.f32 v3, v4;
	v0 =	vadd.f32 v0, v10  }
0x43e: {  	v14 =	vld [tilespmem:s29+$0xFFFFE400]  }
0x43f: {  	v5 =	vld [tilespmem:s26+$0xFFFFF400];
	v1 =	vadd.f32 v2, v1;
	v0 =	vadd.f32 v0, v3  }
0x440: {  	v4 =	vld [tilespmem:s26+$0xFFFFF800]  }
0x441: {  	v8 =	vld [tilespmem:s26+$0xFFFFFC00];
	v0 =	vadd.f32 v0, v1  }
0x442: {  	v10 =	vld [tilespmem:s26+$0x1000]  }
0x443: {  	v2 =	vld [tilespmem:s26+$0x400];
	v0 =	vperm.xlane v0, v24  }
0x444: {  	v3 =	vld [tilespmem:s26+$0x800]  }
0x445: {  	v1 =	vld [tilespmem:s26+$0xC00];
	(xrf2) =	vadd.scan.msk.f32 $0xffff, v0  }
0x446: {  	s30 =	simm.s32 $0x1AA60;
	v15 =	vld [tilespmem:s29+$0xFFFFE800]  }
0x447: {  	v7 =	vadd.f32 v7, v18;
	v18 =	vld [tilespmem:s30+$0x1400];
	v4 =	vadd.f32 v8, v4  }
0x448: {  	v5 =	vadd.f32 v5, v6;
	v6 =	vld [tilespmem:s29+$0xFFFFF800];
	v8 =	vadd.f32 v17, v11  }
0x449: {  	v11 =	vld [tilespmem:s29+$0x400];
	v10 =	vadd.f32 v12, v10;
	v12 =	vadd.f32 v13, v16  }
0x44a: {  	v13 =	vld [tilespmem:s29+$0x800];
	v2 =	vadd.f32 v2, v9;
	v1 =	vadd.f32 v1, v3  }
0x44b: {  	v16 =	vld [tilespmem:s30+$0x1800];
	v7 =	vadd.f32 v7, v8;
	v4 =	vadd.f32 v4, v5  }
0x44c: {  	v17 =	vld [tilespmem:s30+$0xFFFFF000];
	v1 =	vadd.f32 v1, v2;
	v2 =	vadd.f32 v12, v10  }
0x44d: {  	v5 =	vld [tilespmem:s29+$0xC00]  }
0x44e: {  	v8 =	vld [tilespmem:s29+$0x1000];
	v4 =	vadd.f32 v4, v7;
	v1 =	vadd.f32 v2, v1  }
0x44f: {  	v0 =	vld [tilespmem:s29+$0x1800];
	v9, _, _ =	vpop (xrf2)  }
0x450: {  	v3 =	vld [tilespmem:s29+$0xFFFFFC00];
	v1 =	vadd.f32 v1, v4;
	v9 =	vperm.xlane v9, v24  }
0x451: {  	v7 =	vadd.f32 v19, v15;
	v15 =	vld [tilespmem:s30+$0xFFFFE800]  }
0x452: {  	v10 =	vld [tilespmem:s29+$0x1400];
	v1 =	vperm.xlane v1, v24;
	(xrf0) =	vmax.scan.msk.f32 $0xffff, v9  }
0x453: {  	v2 =	vld [tilespmem:s29+$0x1C00]  }
0x454: {  	v19 =	vld [tilespmem:s30+$0x1C00];
	v11 =	vadd.f32 v11, v20;
	v5 =	vadd.f32 v5, v13;
	(xrf2) =	vadd.scan.msk.f32 $0xffff, v1  }
0x455: {  	v12 =	vadd.f32 v14, v22;
	v14 =	vld [tilespmem:s30+$0xFFFFEC00];
	v3 =	vadd.f32 v3, v6  }
0x456: {  	v6 =	vadd.f32 v23, v21;
	v5 =	vadd.f32 v5, v11;
	v11 =	vld [tilespmem:s30+$0x1000]  }
0x457: {  	v4 =	vld [tilespmem:s30+$0xFFFFE400];
	v8 =	vadd.f32 v10, v8  }
0x458: {  	v3 =	vadd.f32 v3, v6;
	v6 =	vld [tilespmem:s30+$0xFFFFE000];
	v0 =	vadd.f32 v2, v0;
	v13, _, _ =	vpop (xrf0)  }
0x459: {  	v10 =	vld [tilespmem:s30+$0xFFFFF400];
	v2 =	vadd.f32 v7, v12;
	(v2sf) =	vpush v13, $0xF  }
0x45a: {  	v1 =	vld [tilespmem:s30+$0xFFFFF800]  }
0x45b: {  	v0 =	vadd.f32 v0, v8;
	v2 =	vadd.f32 v3, v2;
	v3 =	vld [tilespmem:s30+$0xFFFFFC00]  }
0x45c: {  	v8 =	vld [tilespmem:s30+$0x400]  }
0x45d: {  	s20 =	simm.f32 $0.0e+00;
	v0 =	vadd.f32 v0, v5;
	v5 =	vld [tilespmem:s30+$0x800]  }
0x45e: {  	s21 =	sadd.f32 s20, s17;
	v14 =	vadd.f32 v14, v15;
	v13 =	vld [tilespmem:s30+$0x0];
	v20, _, _ =	vpop (xrf2)  }
0x45f: {  	v10 =	vadd.f32 v10, v17;
	v0 =	vadd.f32 v0, v2;
	v2 =	vld [tilespmem:s30+$0xC00];
	v17 =	vperm.xlane v20, v24  }
0x460: {  	v9 =	vadd.f32 s21, v9;
	v4 =	vadd.f32 v4, v6  }
0x461: {  	v23 =	vimm.s32 $0x0;
	v3 =	vadd.f32 v3, v1;
	v0 =	vperm.xlane v0, v24;
	(xrf0) =	vmax.scan.msk.f32 $0xffff, v17  }
0x462: {  	v11 =	vadd.f32 v18, v11;
	vm14 =	vle.f32 v9, v25;
	v4 =	vadd.f32 v14, v4  }
0x463: {  	v3 =	vadd.f32 v3, v10;
	(xrf2) =	vadd.scan.msk.f32 $0xffff, v0;
	v6 =	vadd.f32 v8, v13;
	v8 =	vsel vm14, $0x1, v23  }
0x464: {  	s19 =	simm.s32 $0x1AA50;
	v15 =	vadd.f32 v19, v16;
	v2 =	vadd.f32 v2, v5;
	(xrf0) =	vadd.scan.msk.s32 $0xffff, v8  }
0x465: {  	v19 =	vld [tilespmem:s19+$0xC00];
	v9 =	vnsel vm14, $0xFF800000, v9;
	v3 =	vadd.f32 v3, v4  }
0x466: {  	v16 =	vld [tilespmem:s19+$0x1000];
	v8 =	vadd.f32 v15, v11;
	(xrf0) =	vmax.scan.msk.f32 $0xffff, v9;
	v2 =	vadd.f32 v2, v6  }
0x467: {  	v7 =	vld [tilespmem:s19+$0x1800];
	v11, _, _ =	vpop (xrf0)  }
0x468: {  	v12 =	vld [tilespmem:s19+$0xFFFFE400];
	v2 =	vadd.f32 v8, v2;
	s31 =	spop (v2sf);
	(v2sf) =	vpush v11, $0xF  }
0x469: {  	v14 =	vld [tilespmem:s19+$0xFFFFE000]  }
0x46a: {  	v1 =	vld [tilespmem:s19+$0x0];
	v2 =	vadd.f32 v2, v3;
	v3, _, _ =	vpop (xrf0);
	s24 =	sadd.f32 s31, s20  }
0x46b: {  	v10 =	vld [tilespmem:s19+$0xFFFFFC00];
	(v2sf) =	vpush v3, $0xF  }
0x46c: {  	v0 =	vld [tilespmem:s19+$0xFFFFE800];
	v18, _, _ =	vpop (xrf0);
	s18 =	sadd.f32 s24, s17  }
0x46d: {  	v4 =	vld [tilespmem:s19+$0xFFFFF800];
	(v2sf) =	vpush v18, $0xF  }
0x46e: {  	v13 =	vld [tilespmem:s19+$0xFFFFF000];
	v8, _, _ =	vpop (xrf2);
	v9 =	vadd.f32 s18, v17  }
0x46f: {  	v6 =	vld [tilespmem:s19+$0xFFFFF400];
	v8 =	vperm.xlane v8, v24  }
0x470: {  	v5 =	vld [tilespmem:s19+$0xFFFFEC00];
	vm15 =	vle.f32 v9, v25  }
0x471: {  	(xrf0) =	vmax.scan.msk.f32 $0xffff, v8;
	v17 =	vld [tilespmem:s19+$0x800];
	v11 =	vsel vm15, $0x1, v23  }
0x472: {  	s22 =	simm.s32 $0x3F0;
	s23 =	simm.s32 $0x3E0;
	s28 =	simm.s32 $0x1AA40;
	v20 =	vld [tilespmem:s19+$0x1C00];
	v2 =	vperm.xlane v2, v24;
	v3 =	vnsel vm15, $0xFF800000, v9;
	(xrf0) =	vadd.scan.msk.s32 $0xffff, v11  }
0x473: {  	s25 =	simm.s32 $0x400;
	s26 =	simm.s32 $0x3B0;
	s21 =	simm.s32 $0x3C0;
	v15 =	vld [tilespmem:s19+$0x400];
	(xrf0) =	vmax.scan.msk.f32 $0xffff, v3  }
0x474: {  	v21 =	vadd.f32 v10, v4;
	v22 =	vadd.f32 v6, v13;
	(xrf2) =	vadd.scan.msk.f32 $0xffff, v2;
	s20 =	simm.s32 $0x3D0;
	v18 =	vld [tilespmem:s19+$0x1400];
	s18 =	simm.s32 $0x400;
	s19 =	smov.u32 s17  }
.LBB2_15:
0x475: {  	v2 =	vld [tilespmem:s28+$0x1800];
	p0 =	sne.s32 s26, $0x10;
	s29 =	smov.u32 s26;
	s26 =	sadd.s32 $0xFFFFFFF0, s26  }
0x476: {  	v4 =	vadd.f32 v5, v0;
	v3 =	vld [tilespmem:s28+$0xFFFFE400];
	v6 =	vadd.f32 v19, v17  }
0x477: {  	v9 =	vadd.f32 v12, v14;
	v0 =	vld [tilespmem:s28+$0xFFFFE800];
	v10, _, _ =	vpop (xrf0);
	s30 =	spop (v2sf)  }
0x478: {  	v11 =	vadd.f32 v15, v1;
	v5 =	vld [tilespmem:s28+$0xFFFFEC00];
	(v2sf) =	vpush v10, $0xF;
	s24 =	sadd.f32 s30, s24;
	v10, _, _ =	vpop (xrf0)  }
0x479: {  	v4 =	vadd.f32 v4, v9;
	v9 =	vadd.f32 v21, v22;
	v1 =	vld [tilespmem:s28+$0x0];
	v13, _, _ =	vpop (xrf0)  }
0x47a: {  	v15 =	vadd.f32 v18, v16;
	v16 =	vadd.f32 v20, v7;
	v22 =	vld [tilespmem:s28+$0xFFFFF000];
	s30 =	sadd.f32 s24, s17;
	s31 =	spop (v2sf);
	v7 =	vmov v2  }
0x47b: {  	v2 =	vadd.f32 v6, v11;
	v14 =	vld [tilespmem:s28+$0xFFFFE000];
	(v2sf) =	vpush v10, $0xF;
	s0 =	ssub.s32 s25, s31;
	p1 =	sgt.s32 s31, $0x0;
	v12 =	vmov v3;
	s25 =	smov.u32 s22  }
0x47c: {  	v4 =	vadd.f32 v9, v4;
	v15 =	vadd.f32 v16, v15;
	s22 =	smov.u32 s23;
	v3 =	vld [tilespmem:s28+$0xFFFFF400];
	s18 =	smov.u32 @p1 s0;
	s0 =	spop (v2sf)  }
0x47d: {  	s23 =	smov.u32 s20;
	s20 =	smov.u32 s21;
	v10 =	vadd.f32 s30, v8;
	v9 =	vld [tilespmem:s28+$0xFFFFF800];
	(v2sf) =	vpush v13, $0xF;
	s19 =	smov.u32 @p1 s0  }
0x47e: {  	s21 =	smov.u32 s29;
	v2 =	vadd.f32 v15, v2;
	v11 =	vld [tilespmem:s28+$0xFFFFFC00];
	v6, _, _ =	vpop (xrf2)  }
0x47f: {  	vm0 =	vle.f32 v10, v25;
	v15 =	vld [tilespmem:s28+$0x400];
	v8 =	vperm.xlane v6, v24  }
.Ltmp6:
0x480: {  	v2 =	vadd.f32 v2, v4;
	v4 =	vsel vm0, $0x1, v23;
	v6 =	vnsel vm0, $0xFF800000, v10;
	v17 =	vld [tilespmem:s28+$0x800];
	(pc) =	sbr.rel @p0 .LBB2_15-.Ltmp6, $4  }
0x481: {  	v19 =	vld [tilespmem:s28+$0xC00];
	(xrf0) =	vmax.scan.msk.f32 $0xffff, v8  }
0x482: {  	v2 =	vperm.xlane v2, v24;
	v16 =	vld [tilespmem:s28+$0x1000];
	(xrf0) =	vadd.scan.msk.s32 $0xffff, v4  }
0x483: {  	v18 =	vld [tilespmem:s28+$0x1400];
	v21 =	vadd.f32 v11, v9;
	(xrf0) =	vmax.scan.msk.f32 $0xffff, v6  }
0x484: {  	v22 =	vadd.f32 v3, v22;
	v20 =	vld [tilespmem:s28+$0x1C00];
	s28 =	sadd.s32 $0xFFFFFFF0, s28;
	(xrf2) =	vadd.scan.msk.f32 $0xffff, v2  }
0x485: {  	_ =	sdelay $0x8  }
0x486: {  	v2, _, _ =	vpop (xrf2)  }
0x487: {  	v2 =	vperm.xlane v2, v24;
	_ =	sdelay $0x1  }
0x488: {  	v0 =	vadd.f32 v5, v0;
	v4 =	vadd.f32 v12, v14;
	(xrf0) =	vmax.scan.msk.f32 $0xffff, v2  }
0x489: {  	v1 =	vadd.f32 v15, v1  }
0x48a: {  	v3 =	vadd.f32 v19, v17;
	v5, _, _ =	vpop (xrf0);
	v0 =	vadd.f32 v0, v4  }
0x48b: {  	v4 =	vadd.f32 v21, v22;
	(v2sf) =	vpush v5, $0xF  }
0x48c: {  	v5, _, _ =	vpop (xrf0);
	v6 =	vadd.f32 v18, v16;
	v7 =	vadd.f32 v20, v7  }
0x48d: {  	v1 =	vadd.f32 v3, v1;
	v9, _, _ =	vpop (xrf0);
	(v2sf) =	vpush v5, $0xF  }
0x48e: {  	(v2sf) =	vpush v9, $0xF;
	v3 =	vadd.f32 v7, v6;
	v5, _, _ =	vpop (xrf0)  }
0x48f: {  	(v2sf) =	vpush v5, $0xF  }
0x490: {  	v0 =	vadd.f32 v4, v0;
	v1 =	vadd.f32 v3, v1;
	_ =	sdelay $0x1  }
0x491: {  	v0 =	vadd.f32 v1, v0;
	_ =	sdelay $0x1  }
0x492: {  	v0 =	vperm.xlane v0, v24;
	_ =	sdelay $0x1  }
0x493: {  	(xrf2) =	vadd.scan.msk.f32 $0xffff, v0;
	_ =	sdelay $0x1  }
0x494: {  	s0 =	spop (v2sf)  }
0x495: {  	s0 =	sadd.f32 s0, s24;
	s24 =	spop (v2sf)  }
0x496: {  	s26 =	spop (v2sf)  }
0x497: {  	s28 =	sadd.f32 s0, s17;
	s29 =	spop (v2sf)  }
0x498: {  	s0 =	sadd.f32 s29, s0;
	s29 =	spop (v2sf)  }
0x499: {  	v0 =	vadd.f32 s28, v8;
	s28 =	spop (v2sf)  }
0x49a: {  	s30 =	sadd.f32 s0, s17;
	s31 =	spop (v2sf)  }
0x49b: {  	vm0 =	vle.f32 v0, v25;
	s0 =	sadd.f32 s31, s0  }
0x49c: {  	v1 =	vadd.f32 s30, v2;
	v2 =	vsel vm0, $0x1, v23;
	v3, _, _ =	vpop (xrf2)  }
0x49d: {  	v0 =	vnsel vm0, $0xFF800000, v0;
	(xrf0) =	vadd.scan.msk.s32 $0xffff, v2;
	v2 =	vperm.xlane v3, v24;
	s0 =	sadd.f32 s0, s17  }
0x49e: {  	(xrf0) =	vmax.scan.msk.f32 $0xffff, v0  }
0x49f: {  	vm10 =	vle.f32 v1, v25;
	(xrf0) =	vmax.scan.msk.f32 $0xffff, v2;
	v2 =	vadd.f32 s0, v2  }
0x4a0: {  	v0 =	vsel vm10, $0x1, v23  }
0x4a1: {  	(xrf0) =	vadd.scan.msk.s32 $0xffff, v0;
	v0 =	vnsel vm10, $0xFF800000, v1;
	vm11 =	vle.f32 v2, v25  }
0x4a2: {  	(xrf0) =	vmax.scan.msk.f32 $0xffff, v0;
	v0 =	vsel vm11, $0x1, v23;
	_ =	sdelay $0x1  }
0x4a3: {  	v1, _, _ =	vpop (xrf0);
	v2 =	vnsel vm11, $0xFF800000, v2;
	(xrf0) =	vadd.scan.msk.s32 $0xffff, v0  }
0x4a4: {  	v0, _, _ =	vpop (xrf0);
	(xrf0) =	vmax.scan.msk.f32 $0xffff, v2  }
0x4a5: {  	(v2sf) =	vpush v1, $0xF  }
0x4a6: {  	v1, _, _ =	vpop (xrf0);
	(v2sf) =	vpush v0, $0xF  }
0x4a7: {  	v0, _, _ =	vpop (xrf0);
	(v2sf) =	vpush v1, $0xF  }
0x4a8: {  	(v2sf) =	vpush v0, $0xF;
	v0, _, _ =	vpop (xrf0)  }
0x4a9: {  	(v2sf) =	vpush v0, $0xF;
	v0, _, _ =	vpop (xrf0)  }
0x4aa: {  	(v2sf) =	vpush v0, $0xF;
	v1, _, _ =	vpop (xrf0)  }
0x4ab: {  	(v2sf) =	vpush v1, $0xF;
	_ =	sdelay $0x7  }
0x4ac: {  	p0 =	sgt.s32 s24, $0x0  }
0x4ad: {  	s19 =	smov.u32 @p0 s26;
	s31 =	spop (v2sf)  }
0x4ae: {  	s22 =	ssub.s32 s22, s29;
	s17 =	ssub.s32 s25, s24;
	s24 =	spop (v2sf)  }
0x4af: {  	s18 =	smov.u32 @p0 s17;
	p0 =	sgt.s32 s29, $0x0;
	s30 =	spop (v2sf)  }
0x4b0: {  	s18 =	smov.u32 @p0 s22;
	s19 =	smov.u32 @p0 s28;
	s17 =	spop (v2sf)  }
0x4b1: {  	s22 =	ssub.s32 s23, s31;
	p0 =	sgt.s32 s31, $0x0;
	s0 =	spop (v2sf)  }
0x4b2: {  	s19 =	smov.u32 @p0 s24;
	p1 =	sgt.s32 s17, $0x0;
	s31 =	spop (v2sf)  }
0x4b3: {  	s19 =	smov.u32 @p1 s0;
	p2 =	sgt.s32 s31, $0x0;
	s0 =	spop (v2sf)  }
0x4b4: {  	s18 =	smov.u32 @p0 s22;
	s17 =	ssub.s32 s20, s17;
	s19 =	smov.u32 @p2 s0  }
0x4b5: {  	v2 =	vld [tilespmem:$0x1FBB0];
	s18 =	smov.u32 @p1 s17;
	s0 =	ssub.s32 s21, s31;
	p0 =	sle.f32 s19, $0.0e+00  }
0x4b6: {  	v1 =	vld [tilespmem:$0x1FFE0];
	s18 =	smov.u32 @p2 s0  }
0x4b7: {  	s18 =	simm.s32 @p0 $0x3FF  }
0x4b8: {  	v0 =	vmov s18  }
0x4b9: {  	v0 =	vcvt.s32.f32 v0;
	_ =	sdelay $0x1  }
0x4ba: {  	v1 =	vmul.f32 v2, v1;
	v0 =	vbroadcast v0, $0x0;
	_ =	sdelay $0x1  }
0x4bb: {  	v0 =	vmul.f32 v0, v1;
	_ =	sdelay $0x1  }
0x4bc: {  	v0 =	vadd.f32 v0, v26  }
0x4bd: {  	vm12 =	vlt.s32 v50, $0x0  }
0x4be: {  	v0 =	vsel vm12, $0xFF800000, v0  }
0x4bf: {  	(xrf0) =	vmax.scan.msk.f32 $0xffff, v0;
	_ =	sdelay $0x3  }
0x4c0: {  	v4 =	vld [tilespmem:$0x1FFC0]  }
0x4c1: {  	v3 =	vld [tilespmem:$0x1FBA0];
	v1 =	vmov s16;
	s16 =	sadd.s32 $0x1, s16  }
0x4c2: {  	p0 =	sne.s32 s16, $0x4;
	v0, _, _ =	vpop (xrf0)  }
.Ltmp7:
0x4c3: {  	v5 =	vlaneseq.u32;
	v0 =	vbroadcast v0, $0xF;
	(pc) =	sbr.rel @p0 .LBB2_2-.Ltmp7, $4  }
0x4c4: {  	v2 =	vadd.s32 $0xFFFFFFFC, v5;
	vm13 =	veq.s32 v1, v5  }
0x4c5: {  	vm14 =	veq.s32 v1, v2;
	v2 =	vadd.s32 $0xFFFFFFF8, v5;
	v0 =	vsel vm13, v0, v4  }
0x4c6: {  	vm15 =	veq.s32 v1, v2;
	v0 =	vsel vm14, v3, v0  }
0x4c7: {  	v2 =	vimm.f32 $0.0e+00;
	v0 =	vsel vm15, s19, v0  }
0x4c8: {  	s15 =	sadd.s32 $0x1, s15  }
0x4c9: {  	p0 =	sne.s32 s15, s9  }
.Ltmp8:
0x4ca: {  	[tilespmem:$0x1C7A0] =	vst v0;
	(pc) =	sbr.rel @p0 .LBB2_1-.Ltmp8, $4  }
0x4cb: {  	[hbm4b:s8+s3] =	stream.linear.scatter [tilespmem:s14], [sflag:$0x1], $0x10, $0x38;
	[tilespmem:$0x1C7B0] =	vst v63  }
0x4cc: {  	_ =	swait.ge [sflag:s11], $0x10  }
0x4cd: {  	[sflag:s11] =	ssyncset.done $0x0  }
0x4ce: {  	[sflag:s11] =	ssyncadd.s32 $0xFFFFFFF0  }
0x4cf: {  	_ =	sfence.sel $0x180000  }
0x4d0: {  	[bflag:$0x0] =	sbarrier.arrive $0xFFFF  }
0x4d1: {  	_ =	strace $0x90000047  }
0x4d2: {  	[bflag:$0x2] =	sbarrier.arrive $0xFFFF  }
0x4d3: {  	p0 =	sne.s32 s4, $0x0;
	s0 =	rddreg [dreg:$0x3]  }
0x4d4: {  	s0 =	sadd.s32 @!p0 $0x100000, s0  }
0x4d5: {  	[sflag:s0] =	ssyncadd.tile.s32 @!p0 $0x1;
	_ =	shalt  }
.Lfunc_end2:
_tile_overlayer_lowered:
.L_overlay_start_2:
0x4d6: {  	(tag) =	ssettag $0x2  }
0x4d7: {  	s0 =	rddreg [dreg:$0x0];
	s2 =	stileid.u32  }
0x4d8: {  	s1 =	rddreg [dreg:$0x1];
	p0 =	sne.s32 s2, $0x0  }
0x4d9: {  	s3 =	rddreg [dreg:$0x2];
	[bflag:$0x3] =	sbarrier.arrive $0xFFFF;
	s2 =	simm.s32 @!p0 $0x1C01  }
0x4da: {  	[timem:s3], [sflag:s2] =	dma.local @!p0 [hbm:s0], s1  }
0x4db: {  	s0 =	simm.s32 @!p0 $0x1  }
0x4dc: {  	_ =	swait.ge @!p0 [sflag:s0], s1  }
0x4dd: {  	s1 =	ssub.s32 @!p0 $0x0, s1;
	[sflag:s0] =	ssyncset.done @!p0 $0x0  }
0x4de: {  	[sflag:s0] =	ssyncadd.s32 @!p0 s1  }
0x4df: {  	[bflag:$0x3] =	sbarrier.arrive $0xFFFF  }
0x4e0: {  	_ =	shalt  }

// kernel: kernel.7.cloned.1.call-start
scs
__scs_entry_jumppad:
0x0: {  	(pc) =	sbr.rel $0x88, $3  }
0x1: {  	(tag) =	ssettag $0x0;
	lr =	simm.s32 $0x1  }
0x2: {  	[smem:$0x3F9D] =	sst lr;
	_ =	strace $0xD0000000  }
0x3: {  	_ = 	snop  }
0x4: {  	_ = 	snop  }
0x5: {  	_ = 	snop  }
0x6: {  	_ = 	snop  }
0x7: {  	_ = 	snop  }
__scs_overlays_trampoline_lowered:
0x8: {  	[smem:$0x3FAC] =	sst s0  }
0x9: {  	[smem:$0x3FAD] =	sst s1  }
0xa: {  	[smem:$0x3FAE] =	sst s2  }
0xb: {  	[smem:$0x3FAF] =	sst s3  }
0xc: {  	[smem:$0x3FB0] =	sst s4  }
0xd: {  	[smem:$0x3FB1] =	sst s5  }
0xe: {  	[smem:$0x3FB2] =	sst s6  }
0xf: {  	[smem:$0x3FB3] =	sst s7  }
0x10: {  	[smem:$0x3FB4] =	sst s8  }
0x11: {  	[smem:$0x3FB5] =	sst s9;
	s0 =	simm.s32 @!p0 $0x0  }
0x12: {  	s1 =	sld [smem:$0x3F9B];
	s0 =	simm.s32 @p0 $0x1  }
0x13: {  	[smem:$0x3FB6] =	sst s0;
	s0 =	simm.s32 @!p1 $0x0  }
0x14: {  	s2 =	sld [smem:$0x3F9A];
	s0 =	simm.s32 @p1 $0x1  }
0x15: {  	[smem:$0x3FB7] =	sst s0;
	s0 =	simm.s32 @!p2 $0x0  }
0x16: {  	s3 =	sld [smem:$0x3FDB];
	s0 =	simm.s32 @p2 $0x1  }
0x17: {  	s4 =	simm.s32 $0x1BF5;
	[smem:$0x3FB9] =	sst s0  }
0x18: {  	s0 =	sld [smem:$0x3F9C];
	_ =	swait.ge [sflag:s4], $0x0  }
0x19: {  	s7 =	sld [smem:$0x3F9D]  }
0x1a: {  	s8 =	sadd.s32 $0xFFFFE003, lr  }
0x1b: {  	s9 =	sadd.s32 $0xFFFFFEF7, lr;
	s5 =	simm.s32 $0xFFFFFFFF;
	p2 =	slt.u32 s8, $0xFFFFF086  }
0x1c: {  	p1 =	slt.u32 s9, $0xF7A;
	s5 =	simm.s32 @!p2 $0x0  }
0x1d: {  	s5 =	simm.s32 @p1 $0x1;
	p0 =	seq.s32 s7, s2  }
0x1e: {  	s7 =	smul.u32 @!p0 $0xF7A, s2;
	p2 =	seq.s32 @!p0 s5, $0x0  }
0x1f: {  	s9 =	smul.u32 $0xF7A, s1;
	s8 =	simm.s32 @!p0 $0x1BF5;
	p2 =	por !p2, p0  }
0x20: {  	[sflag:s8] =	ssyncset.s32 @!p0 $0xFFFFF086;
	s6 =	sadd.s32 @!p0 s3, s7;
	s7 =	simm.s32 @!p0 $0x108  }
0x21: {  	s3 =	sadd.s32 s3, s9;
	s6 =	sadd.s32 @!p0 $0x88, s6;
	s7 =	simm.s32 @p2 $0x1082  }
0x22: {  	[simem:s7], [sflag:s8] =	dma.local @!p0 [hbm:s6], $0xF7A  }
0x23: {  	s9 =	sor.u32 $0xD0000000, s2;
	s6 =	simm.s32 $0x108;
	_ =	swait.ge @!p0 [sflag:s8], $0x0  }
0x24: {  	s3 =	sadd.s32 $0x88, s3;
	s6 =	simm.s32 @!p1 $0x1082;
	[sflag:s4] =	ssyncset.s32 $0xFFFFF086  }
0x25: {  	[simem:s6], [sflag:s4] =	dma.local [hbm:s3], $0xF7A  }
0x26: {  	[smem:$0x3F9D] =	sst s1;
	(tag) =	ssettag s2;
	_ =	strace s9  }
0x27: {  	s1 =	sld [smem:$0x3FAD]  }
0x28: {  	s2 =	sld [smem:$0x3FAE]  }
0x29: {  	s4 =	sld [smem:$0x3FB0]  }
0x2a: {  	p0 =	seq.s32 s5, $0x0;
	s5 =	sld [smem:$0x3FB1]  }
0x2b: {  	s6 =	sld [smem:$0x3FB2]  }
0x2c: {  	s7 =	sld [smem:$0x3FB3]  }
0x2d: {  	s3 =	simm.s32 $0x108;
	s8 =	sld [smem:$0x3FB4]  }
0x2e: {  	s3 =	simm.s32 @!p0 $0x1082;
	s9 =	sld [smem:$0x3FB5]  }
0x2f: {  	lr =	sadd.s32 s0, s3;
	s0 =	sld [smem:$0x3FAC]  }
0x30: {  	s3 =	sld [smem:$0x3FAF]  }
0x31: {  	[smem:$0x3FB8] =	sst s10  }
0x32: {  	s10 =	sld [smem:$0x3FB6];
	_ =	sdelay $0x3  }
0x33: {  	p0 =	seq.s32 s10, $0x1;
	s10 =	sld [smem:$0x3FB8];
	_ =	sdelay $0x3  }
0x34: {  	[smem:$0x3FB8] =	sst s10  }
0x35: {  	s10 =	sld [smem:$0x3FB7];
	_ =	sdelay $0x3  }
0x36: {  	p1 =	seq.s32 s10, $0x1;
	s10 =	sld [smem:$0x3FB8];
	_ =	sdelay $0x3  }
0x37: {  	[smem:$0x3FB8] =	sst s10  }
0x38: {  	s10 =	sld [smem:$0x3FB9]  }
0x39: {  	_ = 	snop;
	(pc) =	sbr.ind lr, $3  }
0x3a: {  	_ = 	snop  }
0x3b: {  	_ = 	snop  }
0x3c: {  	p2 =	seq.s32 s10, $0x1;
	s10 =	sld [smem:$0x3FB8]  }
0x3d: {  	_ =	shalt  }
0x3e: {  	_ =	shalt  }
0x3f: {  	_ =	shalt  }
0x40: {  	_ =	shalt  }
0x41: {  	_ =	shalt  }
0x42: {  	_ =	shalt  }
0x43: {  	_ =	shalt  }
0x44: {  	_ =	shalt  }
0x45: {  	_ =	shalt  }
0x46: {  	_ =	shalt  }
0x47: {  	_ =	shalt  }
0x48: {  	_ =	shalt  }
0x49: {  	_ =	shalt  }
0x4a: {  	_ =	shalt  }
0x4b: {  	_ =	shalt  }
0x4c: {  	_ =	shalt  }
0x4d: {  	_ =	shalt  }
0x4e: {  	_ =	shalt  }
0x4f: {  	_ =	shalt  }
0x50: {  	_ =	shalt  }
0x51: {  	_ =	shalt  }
0x52: {  	_ =	shalt  }
0x53: {  	_ =	shalt  }
0x54: {  	_ =	shalt  }
0x55: {  	_ =	shalt  }
0x56: {  	_ =	shalt  }
0x57: {  	_ =	shalt  }
0x58: {  	_ =	shalt  }
0x59: {  	_ =	shalt  }
0x5a: {  	_ =	shalt  }
0x5b: {  	_ =	shalt  }
0x5c: {  	_ =	shalt  }
0x5d: {  	_ =	shalt  }
0x5e: {  	_ =	shalt  }
0x5f: {  	_ =	shalt  }
0x60: {  	_ =	shalt  }
0x61: {  	_ =	shalt  }
0x62: {  	_ =	shalt  }
0x63: {  	_ =	shalt  }
0x64: {  	_ =	shalt  }
0x65: {  	_ =	shalt  }
0x66: {  	_ =	shalt  }
0x67: {  	_ =	shalt  }
0x68: {  	_ =	shalt  }
0x69: {  	_ =	shalt  }
0x6a: {  	_ =	shalt  }
0x6b: {  	_ =	shalt  }
0x6c: {  	_ =	shalt  }
0x6d: {  	_ =	shalt  }
0x6e: {  	_ =	shalt  }
0x6f: {  	_ =	shalt  }
0x70: {  	_ =	shalt  }
0x71: {  	_ =	shalt  }
0x72: {  	_ =	shalt  }
0x73: {  	_ =	shalt  }
0x74: {  	_ =	shalt  }
0x75: {  	_ =	shalt  }
0x76: {  	_ =	shalt  }
0x77: {  	_ =	shalt  }
0x78: {  	_ =	shalt  }
0x79: {  	_ =	shalt  }
0x7a: {  	_ =	shalt  }
0x7b: {  	_ =	shalt  }
0x7c: {  	_ =	shalt  }
0x7d: {  	_ =	shalt  }
0x7e: {  	_ =	shalt  }
0x7f: {  	_ =	shalt  }
0x80: {  	_ =	shalt  }
0x81: {  	_ =	shalt  }
0x82: {  	_ =	shalt  }
0x83: {  	_ =	shalt  }
0x84: {  	_ =	shalt  }
0x85: {  	_ =	shalt  }
0x86: {  	_ =	shalt  }
0x87: {  	_ =	shalt  }
.Lfunc_end0:
.L_simem_size_0:
called_computation.1_lowered:
.L_overlay_start_0:
0x88: {  	s2 =	sld [smem:$0x3FD9]  }
0x89: {  	s3 =	sld [smem:$0x3FFE];
	_ =	sdelay $0x1  }
0x8a: {  	s1 =	srdreg.scid  }
0x8b: {  	s0 =	sand.u32 $0x1, s1  }
0x8c: {  	s17 =	sshll.u32 s0, $0xA;
	s2 =	sadd.s32 s3, s2  }
0x8d: {  	s2 =	sadd.s32 s2, s17  }
0x8e: {  	[smem:$0x3FC4] =	sst s2  }
0x8f: {  	_ = 	snop  }
0x90: {  	s2 =	sld [smem:$0x3FC8];
	(tm) =	ssettm $0x1  }
0x91: {  	s18 =	sld [smem:$0x3FFB];
	_ =	sdelay $0x3  }
0x92: {  	_ =	strace s18  }
0x93: {  	s3 =	sld [smem:$0x3FFC];
	_ =	sdelay $0x3  }
0x94: {  	_ =	strace s3  }
0x95: {  	s3 =	sld [smem:$0x3FFD];
	_ =	sdelay $0x3  }
0x96: {  	_ =	strace s3  }
0x97: {  	_ =	strace $0x8FFFFFFF  }
0x98: {  	s19 =	sld [smem:$0x3FDB];
	_ =	sdelay $0x1  }
0x99: {  	s4 =	simm.s32 $_scs_section_size  }
0x9a: {  	s5 =	simm.s32 $_size__tile_overlayer_lowered;
	s6 =	simm.s32 $_tile_overlayer_lowered  }
0x9b: {  	s22 =	simm.s32 $0x1BFF;
	s21 =	sshll.u32 s6, $0x1;
	s3 =	sadd.s32 s4, s19  }
0x9c: {  	s7 =	simm.s32 $0x0;
	s20 =	sshll.u32 s5, $0x1;
	s5 =	sadd.s32 s21, s3  }
0x9d: {  	[timem:s7], [sflag:s22] =	dma.local [hbm:s5], s20  }
0x9e: {  	_ =	swait.ge [sflag:s22], s20  }
0x9f: {  	s4 =	ssub.s32 $0x0, s20;
	[sflag:s22] =	ssyncset.done $0x0  }
0xa0: {  	[sflag:s22] =	ssyncadd.s32 s4;
	_ =	sdelay $0x1  }
0xa1: {  	s23 =	simm.s32 $0x1B8B  }
0xa2: {  	_ =	swait.ge [sflag:s23], $0x1  }
0xa3: {  	[sflag:s23] =	ssyncset.done $0x0  }
0xa4: {  	s25 =	simm.s32 $0x1B8E;
	s24 =	sld [smem:$0x3FFE];
	[sflag:s23] =	ssyncadd.s32 $0xFFFFFFFF  }
0xa5: {  	s26 =	simm.s32 $execute0_lowered;
	[smem:$0x3FD2] =	sst s25  }
0xa6: {  	s5 =	sshll.u32 s26, $0x1;
	_ =	strace $0x80000049;
	[dreg:$0x1] =	wrdreg $0xFFFFFFFF  }
0xa7: {  	s28 =	simm.s32 $_size_execute0_lowered;
	s3 =	sadd.s32 s3, s5;
	[dreg:$0x0] =	wrdreg $0x0  }
0xa8: {  	s5 =	sshll.u32 s28, $0x1;
	[dreg:$0x2] =	wrdreg s3  }
0xa9: {  	[dreg:$0x3] =	wrdreg s5  }
0xaa: {  	[dreg:$0x4] =	wrdreg $0xC0  }
0xab: {  	_ =	task [dreg:s7], $0x5FFFF  }
0xac: {  	[dreg:$0x1] =	wrdreg $0xFFFFFFFF  }
0xad: {  	[dreg:$0x0] =	wrdreg $0x60  }
0xae: {  	[dreg:$0x2] =	wrdreg s24  }
0xaf: {  	[dreg:$0x3] =	wrdreg s2  }
0xb0: {  	[dreg:$0x4] =	wrdreg $0x9  }
0xb1: {  	_ =	task.clear_ibuf [dreg:s7], $0x5FFFF;
	_ =	strace $0x90000049  }
0xb2: {  	s29 =	simm.s32 $0x9;
	_ =	strace $0x8000004B  }
0xb3: {  	_ =	swait.ge [sflag:s29], $0x1  }
0xb4: {  	[sflag:s29] =	ssyncadd.s32 $0xFFFFFFFF  }
0xb5: {  	_ =	strace $0x9000004B  }
0xb6: {  	_ =	sfence  }
0xb7: {  	s30 =	sld [smem:$0x0];
	_ =	sdelay $0x2  }
0xb8: {  	s31 =	sshll.u32 s1, $0xD;
	s1 =	sshrl.u32 s1, $0x2  }
0xb9: {  	s3 =	sand.u32 $0x4000, s31;
	s1 =	sadd.s32 s1, s30  }
0xba: {  	s0 =	sor.u32 s3, s0;
	s1 =	sshll.u32 s1, $0x11  }
0xbb: {  	s0 =	sor.u32 s1, s0  }
0xbc: {  	s0 =	sadd.s32 $0x8F2B, s0  }
0xbd: {  	[sflag:s0] =	ssyncadd.remote.s32 $0x1  }
0xbe: {  	_ =	sfence.sel $0xFFFF  }
0xbf: {  	[dreg:$0x0] =	wrdreg $0xFFFFFFFF;
	(pc) =	sbr.abs _section_cstart, $3  }
0xc0: {  	[dreg:$0x1] =	wrdreg $0xFFFFFFFF  }
0xc1: {  	_ =	task.clear_ibuf [dreg:s7], $0x2FFFF;
	_ =	strace $0x9FFFFFFF  }
0xc2: {  	(tm) =	ssettm $0x7FFFFFFF  }
0xc3: {  	_ =	shalt  }
tec
execute0_lowered:
.L_overlay_start_1:
0x0: {  	(tag) =	ssettag $0x1  }
0x1: {  	s6 =	rddreg [dreg:$0x0]  }
0x2: {  	s2 =	rddreg [dreg:$0x1]  }
0x3: {  	s3 =	simm.s32 $0x0;
	s4 =	srdreg.scid;
	s1 =	stileid.u32  }
0x4: {  	s12 =	simm.s32 $0x3E80;
	s13 =	simm.s32 $0x3;
	s14 =	simm.s32 $0x3EB0  }
0x5: {  	s15 =	simm.s32 $0x1F40;
	s16 =	simm.s32 $0x1;
	s17 =	simm.s32 $0x2  }
0x6: {  	s18 =	simm.s32 $0x3E90;
	s19 =	simm.s32 $0x3EA0;
	s20 =	simm.s32 $0x0  }
0x7: {  	[smem:$0x7FF] =	sst s3;
	s7 =	sand.u32 $0x1, s4;
	s5 =	sshll.u32 s1, $0x1  }
0x8: {  	s4 =	sadd.s32 $0x188200, s6;
	_ =	strace $0x8000004A;
	s8 =	sor.u32 s7, s5  }
0x9: {  	s5 =	sadd.s32 $0x1400, s6;
	s7 =	ssub.s32 $0x2, s7;
	s9 =	sshll.u32 s8, $0x1  }
0xa: {  	s31 =	sshrl.u32 s7, $0x1;
	s10 =	sadd.s32 s9, s6;
	s6 =	sshll.u32 s8, $0x2  }
0xb: {  	s11 =	ssub.s32 s7, s31;
	s7 =	sadd.s32 $0x1200, s10;
	s8 =	sand.u32 $0x70, s6  }
0xc: {  	v0 =	vlaneseq.u32;
	s9 =	sadd.s32 $0x187E00, s10;
	s10 =	sadd.s32 $0x188000, s10;
	s11 =	smax.u32 s11, $0x1  }
.LBB2_1:
0xd: {  	[tilespmem:s12], [sflag:$0x3] =	stream.linear.gather [hbm4b:s7+s3], $0x10, $0x38;
	[tilespmem:$0x3F30] =	vst v63  }
0xe: {  	_ =	swait.ge [sflag:s13], $0x10  }
0xf: {  	[sflag:s13] =	ssyncset.done $0x0  }
0x10: {  	[sflag:s13] =	ssyncadd.s32 $0xFFFFFFF0  }
0x11: {  	[tilespmem:s14], [sflag:$0x3] =	stream.linear.gather [hbm4b:s2+s3], $0x80, $0x38;
	[tilespmem:$0x3F30] =	vst v63  }
0x12: {  	_ =	swait.ge [sflag:s13], $0x80  }
0x13: {  	[sflag:s13] =	ssyncset.done $0x0  }
0x14: {  	[sflag:s13] =	ssyncadd.s32 $0xFFFFFF80  }
0x15: {  	v2 =	vimm.s32 $0x0;
	v1 =	vimm.f32 $0.0e+00;
	s21 =	simm.s32 $0x0;
	v3 =	vld [tilespmem:$0x3E80]  }
.LBB2_2:
0x16: {  	v4 =	vld [tilespmem:s8+$0x3EB0]  }
0x17: {  	s22 =	sor.u32 s6, s21  }
0x18: {  	v5 =	vmov s21;
	s23 =	sand.u32 $0xF, s22  }
0x19: {  	vm0 =	veq.s32 v5, v0;
	v5 =	vmov s23  }
0x1a: {  	vm1 =	veq.s32 v5, v0;
	v6 =	vnsel vm0, $0xFF800000, v3  }
0x1b: {  	(xrf0) =	vmax.scan.msk.f32 $0xffff, v6;
	v4 =	vnsel vm1, $0xFF800000, v4  }
0x1c: {  	(xrf0) =	vmax.scan.msk.f32 $0xffff, v4;
	_ =	sdelay $0x4  }
0x1d: {  	v4, _, _ =	vpop (xrf0)  }
0x1e: {  	v5, _, _ =	vpop (xrf0)  }
0x1f: {  	(v2sf) =	vpush v5, $0xF;
	_ =	sdelay $0xe  }
0x20: {  	s23 =	spop (v2sf)  }
0x21: {  	p0 =	seq.f32 s23, $0.0e+00;
	_ =	sdelay $0x1  }
0x22: {  	s23 =	simm.s32 @p0 $0x3F800000  }
0x23: {  	v5 =	vmov s23  }
0x24: {  	(erf) = vrcp.f32 v5;
	_ =	sdelay $0x1  }
0x25: {  	s22 =	smul.u32 $0x186A0, s22;
	_ =	sdelay $0x1  }
0x26: {  	s24 =	sshrl.u32 s22, $0x3  }
0x27: {  	s25 =	sadd.s32 s4, s24;
	s23 =	simm.s32 $0x0  }
0x28: {  	[tilespmem:s23], [sflag:$0x1] =	stream.linear.gather [hbm4b:s25+s23], $0xFA0, $0x38;
	[tilespmem:$0x3F30] =	vst v63  }
0x29: {  	s24 =	sadd.s32 s5, s24  }
0x2a: {  	v7 =	vimm.s32 $0x0;
	[tilespmem:s15], [sflag:$0x2] =	stream.linear.gather [hbm4b:s24+s23], $0xFA0, $0x38;
	[tilespmem:$0x3F30] =	vst v63  }
0x2b: {  	v8 =	vimm.f32 $-Inf;
	v6 =	vimm.f32 $-Inf;
	v4 =	vbroadcast v4, $0xF;
	s24 =	simm.s32 $0x0;
	v5 =	vpop (erf)  }
.LBB2_4:
0x2c: {  	s25 =	smov.u32 s23;
	_ =	swait.ge [sflag:s16], $0xFA0  }
0x2d: {  	s23 =	sadd.s32 $0x1, s23;
	p0 =	seq.s32 s25, $0x18;
	[sflag:s16] =	ssyncset.done $0x0  }
0x2e: {  	s25 =	sand.u32 $0x1, s25;
	s26 =	sand.u32 @!p0 $0x1, s23;
	s28 =	smul.u32 @!p0 $0xFA0, s23  }
0x2f: {  	[sflag:s16] =	ssyncadd.s32 $0xFFFFF060;
	s30 =	simm.s32 @!p0 $0x0;
	p1 =	seq.s32 @!p0 s26, $0x1  }
0x30: {  	s26 =	simm.s32 @!p0 $0xFA0;
	_ =	swait.ge [sflag:s17], $0xFA0;
	p1 =	por !p1, p0  }
0x31: {  	s26 =	simm.s32 @p1 $0x0;
	p1 =	seq.s32 s25, $0x1;
	s25 =	sadd.s32 @!p0 s22, s28  }
0x32: {  	[sflag:s17] =	ssyncset.done $0x0;
	s28 =	simm.s32 $0xFA0;
	s25 =	sshrl.u32 @!p0 s25, $0x3  }
0x33: {  	[sflag:s17] =	ssyncadd.s32 $0xFFFFF060;
	s28 =	simm.s32 @!p1 $0x0;
	s29 =	sadd.s32 @!p0 s4, s25  }
0x34: {  	[tilespmem:s26], [sflag:$0x1] =	stream.linear.gather @!p0 [hbm4b:s29+s30], $0xFA0, $0x38;
	[tilespmem:$0x3F30] =	vst v63  }
0x35: {  	s25 =	sadd.s32 @!p0 s5, s25;
	s26 =	sadd.s32 @!p0 $0x1F40, s26;
	s29 =	sadd.s32 $0x1F90, s28  }
0x36: {  	[tilespmem:s26], [sflag:$0x2] =	stream.linear.gather @!p0 [hbm4b:s25+s30], $0xFA0, $0x38;
	[tilespmem:$0x3F30] =	vst v63  }
0x37: {  	v21 =	vld [tilespmem:s29+$0x40]  }
0x38: {  	s26 =	sadd.s32 $0x50, s28;
	v24 =	vld [tilespmem:s29+$0xFFFFFFF0]  }
0x39: {  	v9 =	vld [tilespmem:s26+$0x40]  }
0x3a: {  	v10 =	vld [tilespmem:s26+$0xFFFFFFF0]  }
0x3b: {  	v25 =	vld [tilespmem:s29+$0x0]  }
0x3c: {  	v11 =	vld [tilespmem:s26+$0x0]  }
0x3d: {  	v12 =	vld [tilespmem:s26+$0x10]  }
0x3e: {  	v15 =	vld [tilespmem:s26+$0x20]  }
0x3f: {  	v16 =	vld [tilespmem:s26+$0x30]  }
0x40: {  	v19 =	vld [tilespmem:s26+$0xFFFFFFB0]  }
0x41: {  	v20 =	vld [tilespmem:s26+$0xFFFFFFC0]  }
0x42: {  	v22 =	vld [tilespmem:s26+$0xFFFFFFD0]  }
0x43: {  	v23 =	vld [tilespmem:s26+$0xFFFFFFE0];
	v10 =	vmul.f32 v10, v5  }
0x44: {  	s25 =	sadd.s32 $0xFFFFFF60, s24;
	v26 =	vld [tilespmem:s29+$0x10];
	v9 =	vmul.f32 v9, v5;
	v13 =	vmul.f32 v11, v5  }
0x45: {  	s28 =	sadd.s32 $0xF0, s25;
	v27 =	vld [tilespmem:s29+$0x20];
	v14 =	vmul.f32 v12, v5;
	v17 =	vmul.f32 v15, v5  }
0x46: {  	s31 =	sadd.s32 $0xA0, s25;
	v28 =	vld [tilespmem:s29+$0x30];
	v11 =	vmov s28;
	s28 =	sadd.s32 $0x110, s25;
	v18 =	vmul.f32 v16, v5;
	v19 =	vmul.f32 v19, v5  }
0x47: {  	v29 =	vld [tilespmem:s29+$0xFFFFFFB0];
	v20 =	vmul.f32 v20, v5;
	v16 =	vmov s31;
	v12 =	vmov s28;
	s28 =	sadd.s32 $0xC0, s25  }
0x48: {  	v30 =	vld [tilespmem:s29+$0xFFFFFFC0];
	v22 =	vmul.f32 v22, v5;
	v23 =	vmul.f32 v23, v5;
	v15 =	vmov s28  }
0x49: {  	v31 =	vld [tilespmem:s29+$0xFFFFFFD0];
	vm1 =	vge.f32 v10, v4;
	vm2 =	vge.f32 v9, v4;
	v21 =	vadd.f32 v21, v9  }
0x4a: {  	v32 =	vld [tilespmem:s29+$0xFFFFFFE0];
	v24 =	vadd.f32 v24, v10;
	vm3 =	vge.f32 v13, v4;
	vm4 =	vge.f32 v14, v4  }
0x4b: {  	v25 =	vadd.f32 v25, v13;
	v26 =	vadd.f32 v26, v14;
	vm5 =	vge.f32 v17, v4  }
0x4c: {  	v27 =	vadd.f32 v27, v17;
	vm6 =	vge.f32 v18, v4;
	v33 =	vadd.f32 v28, v18  }
0x4d: {  	vm7 =	vge.f32 v19, v4;
	vm8 =	vge.f32 v20, v4;
	vm9 =	vge.f32 v22, v4  }
0x4e: {  	v34 =	vadd.f32 v29, v19;
	v30 =	vadd.f32 v30, v20;
	vm10 =	vge.f32 v23, v4  }
0x4f: {  	v35 =	vadd.f32 v31, v22;
	v32 =	vadd.f32 v32, v23;
	v21 =	vnsel vm2, $0xFF800000, v21  }
0x50: {  	v24 =	vnsel vm1, $0xFF800000, v24;
	v28 =	vnsel vm3, $0xFF800000, v25;
	v29 =	vnsel vm4, $0xFF800000, v26  }
0x51: {  	v26 =	vnsel vm7, $0xFF800000, v34;
	v25 =	vnsel vm5, $0xFF800000, v27;
	v27 =	vnsel vm6, $0xFF800000, v33  }
0x52: {  	v31 =	vnsel vm8, $0xFF800000, v30;
	v30 =	vnsel vm9, $0xFF800000, v35;
	v32 =	vnsel vm10, $0xFF800000, v32  }
0x53: {  	s29 =	sadd.s32 $0xA0, s29;
	s28 =	simm.s32 $0x0;
	vm2 =	vgt.f32 v31, v26;
	vm3 =	vgt.f32 v29, v28;
	vm1 =	vgt.f32 v27, v25  }
.LBB2_5:
0x54: {  	v33 =	vld [tilespmem:s29+$0x40];
	vm4 =	vgt.f32 v32, v30;
	s30 =	sadd.s32 $0x100, s25;
	v13 =	vsel vm3, v14, v13;
	v14 =	vsel vm1, v18, v17  }
0x55: {  	s31 =	sadd.s32 $0xB0, s25;
	v17 =	vsel vm2, v20, v19;
	s0 =	sadd.s32 $0x120, s25;
	s26 =	sadd.s32 $0xA0, s26;
	v34 =	vld [tilespmem:s29+$0xFFFFFFF0];
	v18 =	vsel vm4, v23, v22;
	v11 =	vsel vm3, s30, v11  }
0x56: {  	v20 =	vsel vm3, v29, v28;
	v16 =	vsel vm2, s31, v16;
	v12 =	vsel vm1, s0, v12;
	v19 =	vld [tilespmem:s26+$0x40]  }
0x57: {  	v25 =	vsel vm1, v27, v25;
	s0 =	sadd.s32 $0xD0, s25;
	v23 =	vsel vm2, v31, v26;
	v26 =	vsel vm4, v32, v30;
	v22 =	vld [tilespmem:s26+$0xFFFFFFF0]  }
0x58: {  	vm2 =	vgt.f32 v25, v20;
	v15 =	vsel vm4, s0, v15;
	vm1 =	vgt.f32 v26, v23;
	v27 =	vld [tilespmem:s29+$0x0]  }
0x59: {  	v13 =	vsel vm2, v14, v13;
	v23 =	vsel vm1, v26, v23;
	v17 =	vsel vm1, v18, v17;
	v28 =	vld [tilespmem:s26+$0x0]  }
0x5a: {  	v11 =	vsel vm2, v12, v11;
	v18 =	vsel vm2, v25, v20;
	vm3 =	vgt.f32 v24, v23;
	v14 =	vld [tilespmem:s26+$0x10]  }
0x5b: {  	s0 =	sadd.s32 $0xE0, s25;
	v15 =	vsel vm1, v15, v16;
	vm1 =	vgt.f32 v21, v18;
	v10 =	vsel vm3, v10, v17;
	v12 =	vld [tilespmem:s26+$0x20]  }
0x5c: {  	v17 =	vsel vm3, v24, v23;
	v15 =	vsel vm3, s0, v15;
	s0 =	sadd.s32 $0x130, s25;
	v18 =	vsel vm1, v21, v18;
	v16 =	vld [tilespmem:s26+$0x30]  }
0x5d: {  	v15 =	vor.u32 v0, v15;
	vm2 =	vgt.f32 v17, v8;
	v11 =	vsel vm1, s0, v11;
	v20 =	vld [tilespmem:s26+$0xFFFFFFB0]  }
0x5e: {  	v8 =	vsel vm2, v17, v8;
	v7 =	vsel vm2, v15, v7;
	v6 =	vsel vm2, v10, v6;
	v21 =	vld [tilespmem:s26+$0xFFFFFFC0]  }
0x5f: {  	v9 =	vsel vm1, v9, v13;
	v10 =	vor.u32 v0, v11;
	vm1 =	vgt.f32 v18, v8;
	v15 =	vld [tilespmem:s26+$0xFFFFFFD0]  }
0x60: {  	s25 =	sadd.s32 s28, s24;
	v8 =	vsel vm1, v18, v8;
	v7 =	vsel vm1, v10, v7;
	v6 =	vsel vm1, v9, v6;
	v23 =	vld [tilespmem:s26+$0xFFFFFFE0]  }
0x61: {  	s0 =	sadd.s32 $0xF0, s25;
	v10 =	vmul.f32 v22, v5;
	v9 =	vmul.f32 v19, v5;
	v24 =	vld [tilespmem:s29+$0x10]  }
0x62: {  	v11 =	vmov s0;
	s0 =	sadd.s32 $0x110, s25;
	v13 =	vmul.f32 v28, v5;
	v14 =	vmul.f32 v14, v5;
	v25 =	vld [tilespmem:s29+$0x20]  }
0x63: {  	s30 =	sadd.s32 $0xA0, s25;
	v17 =	vmul.f32 v12, v5;
	v12 =	vmov s0;
	v18 =	vmul.f32 v16, v5;
	v26 =	vld [tilespmem:s29+$0x30]  }
0x64: {  	s0 =	sadd.s32 $0xC0, s25;
	v16 =	vmov s30;
	v19 =	vmul.f32 v20, v5;
	v20 =	vmul.f32 v21, v5;
	v21 =	vld [tilespmem:s29+$0xFFFFFFB0]  }
0x65: {  	v22 =	vmul.f32 v15, v5;
	v15 =	vmov s0;
	v23 =	vmul.f32 v23, v5;
	v28 =	vld [tilespmem:s29+$0xFFFFFFC0]  }
0x66: {  	vm1 =	vge.f32 v10, v4;
	vm2 =	vge.f32 v9, v4;
	v30 =	vadd.f32 v33, v9;
	v29 =	vld [tilespmem:s29+$0xFFFFFFD0]  }
0x67: {  	v32 =	vadd.f32 v34, v10;
	vm3 =	vge.f32 v13, v4;
	vm4 =	vge.f32 v14, v4;
	v31 =	vld [tilespmem:s29+$0xFFFFFFE0]  }
0x68: {  	v27 =	vadd.f32 v27, v13;
	vm5 =	vge.f32 v17, v4;
	v33 =	vadd.f32 v24, v14  }
0x69: {  	vm6 =	vge.f32 v18, v4;
	v25 =	vadd.f32 v25, v17;
	v34 =	vadd.f32 v26, v18  }
0x6a: {  	s28 =	sadd.s32 $0xA0, s28;
	vm7 =	vge.f32 v19, v4;
	vm8 =	vge.f32 v20, v4;
	vm9 =	vge.f32 v22, v4  }
0x6b: {  	p0 =	slt.u32 s28, $0xF00;
	vm10 =	vge.f32 v23, v4;
	v26 =	vadd.f32 v21, v19;
	v35 =	vadd.f32 v28, v20  }
.Ltmp0:
0x6c: {  	v21 =	vnsel vm2, $0xFF800000, v30;
	v36 =	vadd.f32 v29, v22;
	v37 =	vadd.f32 v31, v23;
	(pc) =	sbr.rel @p0 .LBB2_5-.Ltmp0, $4  }
0x6d: {  	v24 =	vnsel vm1, $0xFF800000, v32;
	v28 =	vnsel vm3, $0xFF800000, v27;
	v29 =	vnsel vm4, $0xFF800000, v33  }
0x6e: {  	v25 =	vnsel vm5, $0xFF800000, v25;
	v27 =	vnsel vm6, $0xFF800000, v34;
	v26 =	vnsel vm7, $0xFF800000, v26  }
0x6f: {  	v31 =	vnsel vm8, $0xFF800000, v35;
	v30 =	vnsel vm9, $0xFF800000, v36;
	v32 =	vnsel vm10, $0xFF800000, v37  }
0x70: {  	s29 =	sadd.s32 $0xA0, s29;
	vm1 =	vgt.f32 v27, v25;
	vm3 =	vgt.f32 v29, v28;
	vm2 =	vgt.f32 v31, v26  }
0x71: {  	vm4 =	vgt.f32 v32, v30;
	v13 =	vsel vm3, v14, v13;
	v54 =	vsel vm1, v18, v17  }
0x72: {  	s0 =	sadd.s32 $0x100, s25;
	v55 =	vsel vm2, v20, v19;
	v57 =	vsel vm3, v29, v28;
	v58 =	vsel vm2, v31, v26  }
0x73: {  	s26 =	sadd.s32 $0xB0, s25;
	s28 =	sadd.s32 $0x120, s25;
	v60 =	vsel vm1, v27, v25;
	v56 =	vsel vm4, v23, v22;
	v11 =	vsel vm3, s0, v11  }
0x74: {  	s29 =	sadd.s32 $0xD0, s25;
	v16 =	vsel vm2, s26, v16;
	v12 =	vsel vm1, s28, v12;
	v59 =	vsel vm4, v32, v30  }
0x75: {  	v15 =	vsel vm4, s29, v15;
	vm2 =	vgt.f32 v60, v57;
	vm1 =	vgt.f32 v59, v58  }
0x76: {  	v13 =	vsel vm2, v54, v13;
	v61 =	vsel vm2, v60, v57;
	v20 =	vsel vm1, v59, v58  }
0x77: {  	v17 =	vsel vm1, v56, v55;
	v62 =	vsel vm1, v15, v16;
	vm1 =	vgt.f32 v21, v61  }
0x78: {  	s30 =	sadd.s32 $0xE0, s25;
	s31 =	sadd.s32 $0x130, s25;
	v11 =	vsel vm2, v12, v11;
	vm3 =	vgt.f32 v24, v20;
	v14 =	vsel vm1, v21, v61  }
0x79: {  	v11 =	vsel vm1, s31, v11;
	v63 =	vsel vm3, v24, v20;
	v12 =	vsel vm3, s30, v62  }
0x7a: {  	v9 =	vsel vm1, v9, v13;
	v12 =	vor.u32 v0, v12;
	vm2 =	vgt.f32 v63, v8  }
0x7b: {  	v10 =	vsel vm3, v10, v17;
	v8 =	vsel vm2, v63, v8;
	v7 =	vsel vm2, v12, v7  }
0x7c: {  	v6 =	vsel vm2, v10, v6;
	v10 =	vor.u32 v0, v11;
	vm1 =	vgt.f32 v14, v8  }
0x7d: {  	v8 =	vsel vm1, v14, v8;
	v7 =	vsel vm1, v10, v7;
	v6 =	vsel vm1, v9, v6  }
0x7e: {  	p0 =	seq.s32 s23, $0x19  }
.Ltmp1:
0x7f: {  	_ = 	snop;
	(pc) =	sbr.rel @!p0 .LBB2_4-.Ltmp1, $2  }
0x80: {  	_ =	sdelay $0x2  }
0x81: {  	s24 =	sadd.s32 $0xFA0, s24  }
0x82: {  	(xrf0) =	vmax.scan.msk.f32 $0xffff, v8;
	_ =	sdelay $0x5  }
0x83: {  	v4, _, _ =	vpop (xrf0)  }
0x84: {  	v4 =	vbroadcast v4, $0xF;
	_ =	sdelay $0x1  }
0x85: {  	vm1 =	veq.f32 v8, v4;
	v4 =	vxor.u32 $0x80000000, v7  }
0x86: {  	v4 =	vnsel vm1, $0xFFFFFFFF, v4  }
0x87: {  	(xrf0) =	vmin.scan.msk.u32 $0xffff, v4;
	_ =	sdelay $0x5  }
0x88: {  	v4, _, _ =	vpop (xrf0)  }
0x89: {  	(v2sf) =	vpush v4, $0xF;
	_ =	sdelay $0xe  }
0x8a: {  	s0 =	spop (v2sf)  }
0x8b: {  	s0 =	sxor.u32 $0x80000000, s0  }
0x8c: {  	vm2 =	veq.s32 v7, s0  }
0x8d: {  	vm1 =	vmand vm1, vm2  }
0x8e: {  	v4 =	vnsel vm1, $0xFF800000, v6  }
0x8f: {  	(xrf0) =	vmax.scan.msk.f32 $0xffff, v4;
	_ =	sdelay $0x2  }
0x90: {  	s21 =	sadd.s32 $0x1, s21  }
0x91: {  	p0 =	sne.s32 s21, $0x4  }
.Ltmp2:
0x92: {  	_ = 	snop;
	(pc) =	sbr.rel @p0 .LBB2_2-.Ltmp2, $3  }
0x93: {  	v4, _, _ =	vpop (xrf0)  }
0x94: {  	v4 =	vbroadcast v4, $0xF;
	_ =	sdelay $0x1  }
0x95: {  	v2 =	vsel vm0, s0, v2;
	v1 =	vsel vm0, v4, v1  }
0x96: {  	[tilespmem:$0x3E90] =	vst v2  }
0x97: {  	[tilespmem:$0x3EA0] =	vst v1  }
0x98: {  	[hbm4b:s9+s3] =	stream.linear.scatter [tilespmem:s18], [sflag:$0x3], $0x10, $0x38;
	[tilespmem:$0x3F30] =	vst v63  }
0x99: {  	s20 =	sadd.s32 $0x1, s20;
	_ =	swait.ge [sflag:s13], $0x10  }
0x9a: {  	p0 =	sne.s32 s20, s11;
	[sflag:s13] =	ssyncset.done $0x0  }
.Ltmp3:
0x9b: {  	[sflag:s13] =	ssyncadd.s32 $0xFFFFFFF0;
	(pc) =	sbr.rel @p0 .LBB2_1-.Ltmp3, $4  }
0x9c: {  	[hbm4b:s10+s3] =	stream.linear.scatter [tilespmem:s19], [sflag:$0x3], $0x10, $0x38;
	[tilespmem:$0x3F30] =	vst v63  }
0x9d: {  	_ =	swait.ge [sflag:s13], $0x10  }
0x9e: {  	[sflag:s13] =	ssyncset.done $0x0  }
0x9f: {  	[sflag:s13] =	ssyncadd.s32 $0xFFFFFFF0  }
0xa0: {  	_ =	sfence.sel $0x180000  }
0xa1: {  	[bflag:$0x0] =	sbarrier.arrive $0xFFFF  }
0xa2: {  	_ =	strace $0x9000004A  }
0xa3: {  	[bflag:$0x2] =	sbarrier.arrive $0xFFFF  }
0xa4: {  	p0 =	sne.s32 s1, $0x0;
	s0 =	rddreg [dreg:$0x2]  }
0xa5: {  	s0 =	sadd.s32 @!p0 $0x100000, s0  }
0xa6: {  	[sflag:s0] =	ssyncadd.tile.s32 @!p0 $0x1;
	_ =	shalt  }
.Lfunc_end2:
_tile_overlayer_lowered:
.L_overlay_start_2:
0xa7: {  	(tag) =	ssettag $0x2  }
0xa8: {  	s0 =	rddreg [dreg:$0x0];
	s2 =	stileid.u32  }
0xa9: {  	s1 =	rddreg [dreg:$0x1];
	p0 =	sne.s32 s2, $0x0  }
0xaa: {  	s3 =	rddreg [dreg:$0x2];
	[bflag:$0x3] =	sbarrier.arrive $0xFFFF;
	s2 =	simm.s32 @!p0 $0x1C03  }
0xab: {  	[timem:s3], [sflag:s2] =	dma.local @!p0 [hbm:s0], s1  }
0xac: {  	s0 =	simm.s32 @!p0 $0x3  }
0xad: {  	_ =	swait.ge @!p0 [sflag:s0], s1  }
0xae: {  	s1 =	ssub.s32 @!p0 $0x0, s1;
	[sflag:s0] =	ssyncset.done @!p0 $0x0  }
0xaf: {  	[sflag:s0] =	ssyncadd.s32 @!p0 s1  }
0xb0: {  	[bflag:$0x3] =	sbarrier.arrive $0xFFFF  }
0xb1: {  	_ =	shalt  }

</sc_bundles>
